<compile_context>
chip_gen: v7x
topology: tpu7x:2x2x1
jax: 0.10.2.dev20260603
libtpu: 0.0.44.dev20260713+nightly
codegen_flags: <defaults>
</compile_context>

<pallas_src>
import functools

import jax
import jax.numpy as jnp
from jax import lax
from jax.experimental import pallas as pl
from jax.experimental.pallas import tpu as pltpu
from jax.experimental.pallas import tpu_sc as plsc

_B, _C, _S = 4, 2048, 3
_V, _H = 1000, 128
_VP = 1024
_NC, _NS = 2, 16
_NW = _NC * _NS
_NCL = _B * _C
_CPW = _NCL // _NW
_DUMMY = _V
_CW = _H

_SC_MESH = plsc.VectorSubcoreMesh(core_axis_name="c", subcore_axis_name="s")


def _dedup_dests(iv, dv):
    for hh in range(2):
        for k in range(8):
            sl = pl.ds(k * 16, 16)
            i0 = iv[0 + hh, sl]
            i1 = iv[2 + hh, sl]
            i2 = iv[4 + hh, sl]
            dv[hh, sl] = jnp.where(i1 == i0, _DUMMY, i1)
            dv[2 + hh, sl] = jnp.where((i2 == i0) | (i2 == i1), _DUMMY, i2)


def _slot_sum(b0, b1, b2):
    def body(r, carry):
        for k in range(8):
            sl = pl.ds(k * 16, 16)
            b0[r, sl] = b0[r, sl] + b1[r, sl] + b2[r, sl]
        return carry
    lax.fori_loop(0, 128, body, 0)


def _sc_fused_c_body(u_hbm, fidx_hbm, sidx_hbm, z2d_hbm, e0_hbm,
                     msum_hbm, cnt_hbm,
                     idx_v, siv, dv, b0, b1, b2, b3, e0_v,
                     shared_m, shared_c, semi, semg0, semg1):
    cid = lax.axis_index("c")
    sid = lax.axis_index("s")
    chunk = cid * _NS + sid
    li0 = pltpu.async_copy(fidx_hbm.at[pl.ds(chunk * 8, 8)], idx_v, semg0)
    li1 = pltpu.async_copy(sidx_hbm.at[pl.ds(chunk * 8, 8)], siv, semg1)
    zi0 = pltpu.async_copy(z2d_hbm, shared_m.at[pl.ds(sid * 64, 64)], semi)
    zi1 = pltpu.async_copy(z2d_hbm, shared_c.at[pl.ds(sid * 64, 64)], semi)
    zi2 = pltpu.async_copy(e0_hbm, e0_v, semi)
    li0.wait()
    g0 = [pltpu.async_copy(u_hbm.at[idx_v.at[s * 2]], b, semg0)
          for s, b in ((0, b0), (1, b1), (2, b2))]
    li1.wait()
    _dedup_dests(siv, dv)
    for g in g0:
        g.wait()
    _slot_sum(b0, b1, b2)
    g1 = [pltpu.async_copy(u_hbm.at[idx_v.at[s * 2 + 1]], b, semg1)
          for s, b in ((0, b3), (1, b1), (2, b2))]
    zi0.wait()
    zi1.wait()
    zi2.wait()
    plsc.subcore_barrier()
    adds = [
        pltpu.async_copy(b0, shared_m.at[siv.at[0]], semi, add=True),
        pltpu.async_copy(b0, shared_m.at[dv.at[0]], semi, add=True),
        pltpu.async_copy(b0, shared_m.at[dv.at[2]], semi, add=True),
        pltpu.async_copy(e0_v, shared_c.at[siv.at[0]], semi, add=True),
        pltpu.async_copy(e0_v, shared_c.at[dv.at[0]], semi, add=True),
        pltpu.async_copy(e0_v, shared_c.at[dv.at[2]], semi, add=True),
        pltpu.async_copy(e0_v, shared_c.at[siv.at[1]], semi, add=True),
        pltpu.async_copy(e0_v, shared_c.at[dv.at[1]], semi, add=True),
        pltpu.async_copy(e0_v, shared_c.at[dv.at[3]], semi, add=True),
    ]
    for g in g1:
        g.wait()
    _slot_sum(b3, b1, b2)
    adds += [
        pltpu.async_copy(b3, shared_m.at[siv.at[1]], semi, add=True),
        pltpu.async_copy(b3, shared_m.at[dv.at[1]], semi, add=True),
        pltpu.async_copy(b3, shared_m.at[dv.at[3]], semi, add=True),
    ]
    for a in adds:
        a.wait()
    plsc.subcore_barrier()
    co0 = pltpu.async_copy(shared_m.at[pl.ds(sid * 64, 64)],
                           msum_hbm.at[pl.ds(cid * _VP + sid * 64, 64)], semg0)
    co1 = pltpu.async_copy(shared_c.at[pl.ds(sid * 64, 64)],
                           cnt_hbm.at[pl.ds(cid * _VP + sid * 64, 64)], semg1)
    co0.wait()
    co1.wait()


_sc_fused_c = functools.partial(
    pl.kernel,
    mesh=_SC_MESH,
    out_type=[
        jax.ShapeDtypeStruct((_NC * _VP, _H), jnp.float32),
        jax.ShapeDtypeStruct((_NC * _VP, _H), jnp.float32),
    ],
    scratch_types=[
        pltpu.VMEM((8, 128), jnp.int32),
        pltpu.VMEM((8, 128), jnp.int32),
        pltpu.VMEM((4, 128), jnp.int32),
        pltpu.VMEM((128, _H), jnp.float32),
        pltpu.VMEM((128, _H), jnp.float32),
        pltpu.VMEM((128, _H), jnp.float32),
        pltpu.VMEM((128, _H), jnp.float32),
        pltpu.VMEM((128, _H), jnp.float32),
        pltpu.VMEM_SHARED((_VP, _H), jnp.float32),
        pltpu.VMEM_SHARED((_VP, _H), jnp.float32),
        pltpu.SemaphoreType.DMA,
        pltpu.SemaphoreType.DMA,
        pltpu.SemaphoreType.DMA,
    ],
)(_sc_fused_c_body)


def _sc_fused_nc_body(u_hbm, fidx_hbm, sidx_hbm, z2d_hbm, msum_hbm,
                      idx_v, siv, dv, b0, b1, b2, b3, b4, b5,
                      shared_m, semi, semg0, semg1):
    cid = lax.axis_index("c")
    sid = lax.axis_index("s")
    chunk = cid * _NS + sid
    li0 = pltpu.async_copy(fidx_hbm.at[pl.ds(chunk * 8, 8)], idx_v, semg0)
    li1 = pltpu.async_copy(sidx_hbm.at[pl.ds(chunk * 8, 8)], siv, semg1)
    zi0 = pltpu.async_copy(z2d_hbm, shared_m.at[pl.ds(sid * 64, 64)], semi)
    li0.wait()
    g0 = [pltpu.async_copy(u_hbm.at[idx_v.at[s * 2]], b, semg0)
          for s, b in ((0, b0), (1, b1), (2, b2))]
    li1.wait()
    g1 = [pltpu.async_copy(u_hbm.at[idx_v.at[s * 2 + 1]], b, semg1)
          for s, b in ((0, b3), (1, b4), (2, b5))]
    _dedup_dests(siv, dv)
    for g in g0:
        g.wait()
    _slot_sum(b0, b1, b2)
    zi0.wait()
    plsc.subcore_barrier()
    adds = [
        pltpu.async_copy(b0, shared_m.at[siv.at[0]], semi, add=True),
        pltpu.async_copy(b0, shared_m.at[dv.at[0]], semi, add=True),
        pltpu.async_copy(b0, shared_m.at[dv.at[2]], semi, add=True),
    ]
    for g in g1:
        g.wait()
    _slot_sum(b3, b4, b5)
    adds += [
        pltpu.async_copy(b3, shared_m.at[siv.at[1]], semi, add=True),
        pltpu.async_copy(b3, shared_m.at[dv.at[1]], semi, add=True),
        pltpu.async_copy(b3, shared_m.at[dv.at[3]], semi, add=True),
    ]
    for a in adds:
        a.wait()
    plsc.subcore_barrier()
    pltpu.sync_copy(shared_m.at[pl.ds(sid * 64, 64)],
                    msum_hbm.at[pl.ds(cid * _VP + sid * 64, 64)])


_sc_fused_nc = functools.partial(
    pl.kernel,
    mesh=_SC_MESH,
    out_type=jax.ShapeDtypeStruct((_NC * _VP, _H), jnp.float32),
    scratch_types=[
        pltpu.VMEM((8, 128), jnp.int32),
        pltpu.VMEM((8, 128), jnp.int32),
        pltpu.VMEM((4, 128), jnp.int32),
        pltpu.VMEM((128, _H), jnp.float32),
        pltpu.VMEM((128, _H), jnp.float32),
        pltpu.VMEM((128, _H), jnp.float32),
        pltpu.VMEM((128, _H), jnp.float32),
        pltpu.VMEM((128, _H), jnp.float32),
        pltpu.VMEM((128, _H), jnp.float32),
        pltpu.VMEM_SHARED((_VP, _H), jnp.float32),
        pltpu.SemaphoreType.DMA,
        pltpu.SemaphoreType.DMA,
        pltpu.SemaphoreType.DMA,
    ],
)(_sc_fused_nc_body)


def _fold_x(wvc_ref, wce_ref, wcv_ref):
    x = jnp.dot(wcv_ref[...], wce_ref[...], preferred_element_type=jnp.float32)
    return jnp.dot(x, wvc_ref[...], preferred_element_type=jnp.float32)


def _fold_d(bvc_ref, bce_ref, bcv_ref, wce_ref, wcv_ref):
    t = lax.dot_general(bvc_ref[...], wce_ref[...], (((1,), (1,)), ((), ())),
                        preferred_element_type=jnp.float32) + bce_ref[...]
    return lax.dot_general(t, wcv_ref[...], (((1,), (1,)), ((), ())),
                           preferred_element_type=jnp.float32) + bcv_ref[...]


def _u0_body(vs_ref, wvc_ref, wce_ref, wcv_ref, out_ref, z2d_ref, e0_ref):
    x = _fold_x(wvc_ref, wce_ref, wcv_ref)
    u = lax.dot_general(vs_ref[0], x, (((1,), (1,)), ((), ())),
                        preferred_element_type=jnp.float32) * (1.0 / _S)
    out_ref[0, pl.ds(0, _V), :] = u
    out_ref[0, pl.ds(_V, _VP - _V), :] = jnp.zeros((_VP - _V, _H), jnp.float32)

    @pl.when(pl.program_id(0) == 0)
    def _consts():
        z2d_ref[...] = jnp.zeros((64, _H), jnp.float32)
        lane = jax.lax.broadcasted_iota(jnp.int32, (128, _H), 1)
        e0_ref[...] = (lane == 0).astype(jnp.float32)


def _u0_call(vs, wvc, wce, wcv):
    wspec = pl.BlockSpec((_H, _H), lambda b: (0, 0))
    return pl.pallas_call(
        _u0_body,
        grid=(_B,),
        in_specs=[pl.BlockSpec((1, _V, _H), lambda b: (b, 0, 0)),
                  wspec, wspec, wspec],
        out_specs=[
            pl.BlockSpec((1, _VP, _H), lambda b: (b, 0, 0)),
            pl.BlockSpec((64, _H), lambda b: (0, 0)),
            pl.BlockSpec((128, _H), lambda b: (0, 0)),
        ],
        out_shape=[
            jax.ShapeDtypeStruct((_B, _VP, _H), jnp.float32),
            jax.ShapeDtypeStruct((64, _H), jnp.float32),
            jax.ShapeDtypeStruct((128, _H), jnp.float32),
        ],
    )(vs, wvc, wce, wcv)


def _msgu_body(u0_ref, msum_ref, cntp_ref, wvc_ref, wce_ref, wcv_ref,
               bvc_ref, bce_ref, bcv_ref, out_ref):
    cs = cntp_ref[0][:, 0:1] + cntp_ref[1][:, 0:1]
    has = (cs > 0).astype(jnp.float32)
    scale = has / jnp.maximum(cs, 1.0)
    d = _fold_d(bvc_ref, bce_ref, bcv_ref, wce_ref, wcv_ref)
    msg = (msum_ref[0] + msum_ref[1]) * scale + has * d
    x = _fold_x(wvc_ref, wce_ref, wcv_ref)
    msga = lax.dot_general(msg, x, (((1,), (1,)), ((), ())),
                           preferred_element_type=jnp.float32) * (1.0 / _S)
    out_ref[...] = u0_ref[...] + msga[None, :, :]


def _msgu_call(u0, msum, cntp, wvc, wce, wcv, bvc2, bce2, bcv2):
    return pl.pallas_call(
        _msgu_body,
        out_shape=jax.ShapeDtypeStruct((_B, _VP, _H), jnp.float32),
    )(u0, msum, cntp, wvc, wce, wcv, bvc2, bce2, bcv2)


def _head_body(vs_ref, m1_ref, m2_ref, cntp_ref, wce_ref, wcv_ref,
               bvc_ref, bce_ref, bcv_ref, w1_ref, b1_ref, w2_ref, b2_ref,
               out_ref):
    cs = cntp_ref[0, 0:_V, 0:1] + cntp_ref[1, 0:_V, 0:1]
    has = (cs > 0).astype(jnp.float32)
    scale = has / jnp.maximum(cs, 1.0)
    d = _fold_d(bvc_ref, bce_ref, bcv_ref, wce_ref, wcv_ref)
    m = (m1_ref[0, 0:_V, :] + m1_ref[1, 0:_V, :]
         + m2_ref[0, 0:_V, :] + m2_ref[1, 0:_V, :])
    upd = m * scale + has * (2.0 * d)
    vsn = vs_ref[...] + upd[None, :, :]
    hh = jnp.maximum(
        lax.dot_general(vsn, w1_ref[...], (((2,), (1,)), ((), ())),
                        preferred_element_type=jnp.float32) + b1_ref[...],
        0.0)
    rows = [lax.dot_general(w2_ref[...], hh[b], (((1,), (1,)), ((), ())),
                            preferred_element_type=jnp.float32)
            for b in range(_B)]
    logit = jnp.concatenate(rows, axis=0) + b2_ref[...]
    out_ref[...] = jax.nn.sigmoid(logit)


def _head_call(vs, m1, m2, cntp, wce, wcv, bvc2, bce2, bcv2, w1, b12, w22,
               b22):
    return pl.pallas_call(
        _head_body,
        out_shape=jax.ShapeDtypeStruct((_B, _V), jnp.float32),
    )(vs, m1, m2, cntp, wce, wcv, bvc2, bce2, bcv2, w1, b12, w22, b22)


def _slot_major(ix):
    a = ix.reshape(_NW, 2, 128, _S).transpose(0, 3, 1, 2).reshape(_NW, 6, 128)
    a = jnp.pad(a, ((0, 0), (0, 2), (0, 0)))
    return a.reshape(_NW * 8, 128)


def kernel(clause_indices, variable_states, Wvc, bvc, Wce, bce, Wcv, bcv,
           W1, b1, W2, b2):
    idx = clause_indices
    sidx = _slot_major(idx)
    boff = (jnp.arange(_B, dtype=jnp.int32) * _VP)[:, None, None]
    fidx = _slot_major(idx + boff)

    bvc2, bce2, bcv2, b12 = (x.reshape(1, _H) for x in (bvc, bce, bcv, b1))
    w22 = W2.reshape(1, _H)
    b22 = b2.reshape(1, 1)

    u0, z2d, e0 = _u0_call(variable_states, Wvc, Wce, Wcv)
    u0f = u0.reshape(_B * _VP, _H)
    msum1, cntp = _sc_fused_c(u0f, fidx, sidx, z2d, e0)
    msum1 = msum1.reshape(_NC, _VP, _H)
    cntp = cntp.reshape(_NC, _VP, _CW)

    u1 = _msgu_call(u0, msum1, cntp, Wvc, Wce, Wcv, bvc2, bce2, bcv2)
    msum2 = _sc_fused_nc(u1.reshape(_B * _VP, _H), fidx, sidx, z2d)
    msum2 = msum2.reshape(_NC, _VP, _H)

    return _head_call(variable_states, msum1, msum2, cntp, Wce, Wcv,
                      bvc2, bce2, bcv2, W1, b12, w22, b22)

# --- scband reference (transcript-rebuilt; emitter-appended) ---
"""Pipeline reference for scband-neural-satsolver-37864431681664 (READ-ONLY COPY).

The authoritative reference and input builder live on the scoring server;
editing this copy changes nothing except your own understanding.
"""

import jax, jax.numpy as jnp
import numpy as np

B, C, S = 4, 2048, 3
V, H = 1000, 128
ITERS = 2


def setup_inputs(seed: int = 0) -> dict:
    key = jax.random.key(seed)
    ks = jax.random.split(key, 12)
    def lin(k, o, i):
        return jax.random.normal(k, (o, i), dtype=jnp.float32) / np.sqrt(i)
    inp = {}
    # int32 used on CPU jax (x64 disabled); values in [0, V)
    inp["clause_indices"] = jax.random.randint(ks[0], (B, C, S), 0, V, dtype=jnp.int32)
    inp["variable_states"] = jax.random.normal(ks[1], (B, V, H), dtype=jnp.float32)
    inp["Wvc"] = lin(ks[2], H, H); inp["bvc"] = jnp.zeros((H,), jnp.float32)
    inp["Wce"] = lin(ks[3], H, H); inp["bce"] = jnp.zeros((H,), jnp.float32)
    inp["Wcv"] = lin(ks[4], H, H); inp["bcv"] = jnp.zeros((H,), jnp.float32)
    inp["W1"] = lin(ks[5], H, H); inp["b1"] = jnp.zeros((H,), jnp.float32)
    inp["W2"] = lin(ks[6], 1, H); inp["b2"] = jnp.zeros((1,), jnp.float32)
    return inp


def reference(clause_indices, variable_states, Wvc, bvc, Wce, bce, Wcv, bcv, W1, b1, W2, b2):
    b, c, s = clause_indices.shape
    v = variable_states.shape[1]
    vs = variable_states
    for _ in range(ITERS):
        # --- variable -> clause messages (gather) ---
        idx = clause_indices.reshape(b, c * s)
        gathered = jnp.take_along_axis(vs, idx[:, :, None], axis=1)  # [B, C*S, H]
        gathered = gathered.reshape(b, c, s, -1)
        h = gathered @ Wvc.T + bvc                 # var_to_clause
        clause_states = h.mean(axis=2) @ Wce.T + bce  # clause_embedding, [B, C, H]
        # --- clause -> variable messages ---
        # occurs[b,c,v] = any(clause_indices[b,c,:] == v)  (torch: (clause_indices==v).any(-1))
        onehot = jax.nn.one_hot(clause_indices, v, dtype=jnp.float32)  # [B,C,S,V]
        occurs = (onehot.sum(axis=2) > 0).astype(jnp.float32)           # [B,C,V]
        transformed = clause_states @ Wcv.T + bcv                       # clause_to_var, [B,C,H]
        sum_msgs = jnp.einsum('bcv,bch->vh', occurs, transformed)       # scatter-add over (b,c)
        counts = occurs.sum(axis=(0, 1))                                # [V]
        messages = sum_msgs / jnp.maximum(counts, 1.0)[:, None]         # mean over relevant clauses
        has = (counts > 0).astype(jnp.float32)[:, None]                 # skip vars with no clauses
        vs = vs + (messages * has)[None, :, :]
    # solution head
    hh = jax.nn.relu(vs @ W1.T + b1)
    probs = jax.nn.sigmoid(hh @ W2.T + b2)
    return probs.squeeze(-1)  # [B, V]

if __name__ == "__main__":
    import jax
    _d = setup_inputs()
    print(jax.jit(kernel)(*tuple(_d.values())))

</pallas_src>

<mosaic_0001>
#map = affine_map<(d0, d1) -> (0, 0)>
module attributes {stable_mosaic.version = 14 : i64} {
  func.func @_sc_fused_c_body(%arg0: i32, %arg1: i32, %arg2: memref<4096x128xf32, #tpu.memory_space<hbm>>, %arg3: memref<256x128xi32, #tpu.memory_space<hbm>>, %arg4: memref<256x128xi32, #tpu.memory_space<hbm>>, %arg5: memref<64x128xf32, #tpu.memory_space<hbm>>, %arg6: memref<128x128xf32, #tpu.memory_space<hbm>>, %arg7: memref<2048x128xf32, #tpu.memory_space<hbm>>, %arg8: memref<2048x128xf32, #tpu.memory_space<hbm>>, %arg9: memref<8x128xi32, #tpu.memory_space<vmem>>, %arg10: memref<8x128xi32, #tpu.memory_space<vmem>>, %arg11: memref<4x128xi32, #tpu.memory_space<vmem>>, %arg12: memref<128x128xf32, #tpu.memory_space<vmem>>, %arg13: memref<128x128xf32, #tpu.memory_space<vmem>>, %arg14: memref<128x128xf32, #tpu.memory_space<vmem>>, %arg15: memref<128x128xf32, #tpu.memory_space<vmem>>, %arg16: memref<128x128xf32, #tpu.memory_space<vmem>>, %arg17: memref<1024x128xf32, #tpu.memory_space<vmem_shared>>, %arg18: memref<1024x128xf32, #tpu.memory_space<vmem_shared>>, %arg19: memref<!tpu.dma_semaphore, #tpu.memory_space<semaphore_mem>>, %arg20: memref<!tpu.dma_semaphore, #tpu.memory_space<semaphore_mem>>, %arg21: memref<!tpu.dma_semaphore, #tpu.memory_space<semaphore_mem>>) attributes {dimension_semantics = [#tpu.dimension_semantics<core_parallel>, #tpu.dimension_semantics<subcore_parallel>], iteration_bounds = array<i64: 2, 16>, scalar_prefetch = 0 : i64, scratch_operands = 13 : i64, tpu.core_type = #tpu.core_type<sc_vector_subcore>, window_params = [{transform_indices = #map}, {transform_indices = #map}, {transform_indices = #map}, {transform_indices = #map}, {transform_indices = #map}, {transform_indices = #map}, {transform_indices = #map}]} {
    %mul3A = arith.constant 16 : i32
    %mul3A_0 = arith.muli %arg0, %mul3A : i32
    %add3A = arith.addi %mul3A_0, %arg1 : i32
    %mul3A_1 = arith.constant 8 : i32
    %mul3A_2 = arith.muli %add3A, %mul3A_1 : i32
    %dma_start3A = arith.constant 0 : i32
    %dma_start3A_3 = tpu.memref_slice %arg3[%mul3A_2, %dma_start3A] : memref<256x128xi32, #tpu.memory_space<hbm>> -> memref<8x128xi32, #tpu.memory_space<hbm>>
    %dma_start3A_4 = arith.constant 0 : i32
    %dma_start3A_5 = tpu.memref_slice %arg3[%mul3A_2, %dma_start3A_4] : memref<256x128xi32, #tpu.memory_space<hbm>> -> memref<8x128xi32, #tpu.memory_space<hbm>>
    tpu.enqueue_dma source(%dma_start3A_5 : memref<8x128xi32, #tpu.memory_space<hbm>>) target(%arg9 : memref<8x128xi32, #tpu.memory_space<vmem>>) target_semaphore(%arg20 : memref<!tpu.dma_semaphore, #tpu.memory_space<semaphore_mem>>)
    %mul3A_6 = arith.constant 8 : i32
    %mul3A_7 = arith.muli %add3A, %mul3A_6 : i32
    %dma_start3A_8 = arith.constant 0 : i32
    %dma_start3A_9 = tpu.memref_slice %arg4[%mul3A_7, %dma_start3A_8] : memref<256x128xi32, #tpu.memory_space<hbm>> -> memref<8x128xi32, #tpu.memory_space<hbm>>
    %dma_start3A_10 = arith.constant 0 : i32
    %dma_start3A_11 = tpu.memref_slice %arg4[%mul3A_7, %dma_start3A_10] : memref<256x128xi32, #tpu.memory_space<hbm>> -> memref<8x128xi32, #tpu.memory_space<hbm>>
    tpu.enqueue_dma source(%dma_start3A_11 : memref<8x128xi32, #tpu.memory_space<hbm>>) target(%arg10 : memref<8x128xi32, #tpu.memory_space<vmem>>) target_semaphore(%arg21 : memref<!tpu.dma_semaphore, #tpu.memory_space<semaphore_mem>>)
    %mul3A_12 = arith.constant 64 : i32
    %mul3A_13 = arith.muli %arg1, %mul3A_12 : i32
    %dma_start3A_14 = arith.constant 0 : i32
    %dma_start3A_15 = tpu.memref_slice %arg17[%mul3A_13, %dma_start3A_14] : memref<1024x128xf32, #tpu.memory_space<vmem_shared>> -> memref<64x128xf32, #tpu.memory_space<vmem_shared>>
    tpu.enqueue_dma source(%arg5 : memref<64x128xf32, #tpu.memory_space<hbm>>) target(%dma_start3A_15 : memref<64x128xf32, #tpu.memory_space<vmem_shared>>) target_semaphore(%arg19 : memref<!tpu.dma_semaphore, #tpu.memory_space<semaphore_mem>>)
    %mul3A_16 = arith.constant 64 : i32
    %mul3A_17 = arith.muli %arg1, %mul3A_16 : i32
    %dma_start3A_18 = arith.constant 0 : i32
    %dma_start3A_19 = tpu.memref_slice %arg18[%mul3A_17, %dma_start3A_18] : memref<1024x128xf32, #tpu.memory_space<vmem_shared>> -> memref<64x128xf32, #tpu.memory_space<vmem_shared>>
    tpu.enqueue_dma source(%arg5 : memref<64x128xf32, #tpu.memory_space<hbm>>) target(%dma_start3A_19 : memref<64x128xf32, #tpu.memory_space<vmem_shared>>) target_semaphore(%arg19 : memref<!tpu.dma_semaphore, #tpu.memory_space<semaphore_mem>>)
    tpu.enqueue_dma source(%arg6 : memref<128x128xf32, #tpu.memory_space<hbm>>) target(%arg16 : memref<128x128xf32, #tpu.memory_space<vmem>>) target_semaphore(%arg19 : memref<!tpu.dma_semaphore, #tpu.memory_space<semaphore_mem>>)
    %dma_wait3A = arith.constant 0 : i32
    %dma_wait3A_20 = tpu.memref_slice %arg3[%mul3A_2, %dma_wait3A] : memref<256x128xi32, #tpu.memory_space<hbm>> -> memref<8x128xi32, #tpu.memory_space<hbm>>
    %dma_wait3A_21 = arith.constant 0 : i32
    %dma_wait3A_22 = tpu.memref_slice %arg3[%mul3A_2, %dma_wait3A_21] : memref<256x128xi32, #tpu.memory_space<hbm>> -> memref<8x128xi32, #tpu.memory_space<hbm>>
    tpu.wait_dma2 semaphore(%arg20 : memref<!tpu.dma_semaphore, #tpu.memory_space<semaphore_mem>>) src(%dma_wait3A_22 : memref<8x128xi32, #tpu.memory_space<hbm>>) dst(%arg9 : memref<8x128xi32, #tpu.memory_space<vmem>>)
    %dma_start3A_23 = arith.constant 0 : i32
    %dma_start3A_24 = arith.constant 0 : i32
    %dma_start3A_25 = tpu.memref_slice %arg9[%dma_start3A_23, %dma_start3A_24] : memref<8x128xi32, #tpu.memory_space<vmem>> -> memref<1x128xi32, #tpu.memory_space<vmem>>
    %dma_start3A_26 = tpu.memref_squeeze %dma_start3A_25 : memref<1x128xi32, #tpu.memory_space<vmem>> -> memref<128xi32, #tpu.memory_space<vmem>>
    %dma_start3A_27 = arith.constant 0 : i32
    %dma_start3A_28 = arith.constant 0 : i32
    %dma_start3A_29 = tpu.memref_slice %arg2[%dma_start3A_27, %dma_start3A_28] : memref<4096x128xf32, #tpu.memory_space<hbm>> -> memref<4096x128xf32, #tpu.memory_space<hbm>>
    tpu.enqueue_indirect_dma source(%dma_start3A_29 : memref<4096x128xf32, #tpu.memory_space<hbm>>) target(%arg12 : memref<128x128xf32, #tpu.memory_space<vmem>>) offsets(%dma_start3A_26 : memref<128xi32, #tpu.memory_space<vmem>>) semaphore(%arg20 : memref<!tpu.dma_semaphore, #tpu.memory_space<semaphore_mem>>)
    %dma_start3A_30 = arith.constant 2 : i32
    %dma_start3A_31 = arith.constant 0 : i32
    %dma_start3A_32 = tpu.memref_slice %arg9[%dma_start3A_30, %dma_start3A_31] : memref<8x128xi32, #tpu.memory_space<vmem>> -> memref<1x128xi32, #tpu.memory_space<vmem>>
    %dma_start3A_33 = tpu.memref_squeeze %dma_start3A_32 : memref<1x128xi32, #tpu.memory_space<vmem>> -> memref<128xi32, #tpu.memory_space<vmem>>
    %dma_start3A_34 = arith.constant 0 : i32
    %dma_start3A_35 = arith.constant 0 : i32
    %dma_start3A_36 = tpu.memref_slice %arg2[%dma_start3A_34, %dma_start3A_35] : memref<4096x128xf32, #tpu.memory_space<hbm>> -> memref<4096x128xf32, #tpu.memory_space<hbm>>
    tpu.enqueue_indirect_dma source(%dma_start3A_36 : memref<4096x128xf32, #tpu.memory_space<hbm>>) target(%arg13 : memref<128x128xf32, #tpu.memory_space<vmem>>) offsets(%dma_start3A_33 : memref<128xi32, #tpu.memory_space<vmem>>) semaphore(%arg20 : memref<!tpu.dma_semaphore, #tpu.memory_space<semaphore_mem>>)
    %dma_start3A_37 = arith.constant 4 : i32
    %dma_start3A_38 = arith.constant 0 : i32
    %dma_start3A_39 = tpu.memref_slice %arg9[%dma_start3A_37, %dma_start3A_38] : memref<8x128xi32, #tpu.memory_space<vmem>> -> memref<1x128xi32, #tpu.memory_space<vmem>>
    %dma_start3A_40 = tpu.memref_squeeze %dma_start3A_39 : memref<1x128xi32, #tpu.memory_space<vmem>> -> memref<128xi32, #tpu.memory_space<vmem>>
    %dma_start3A_41 = arith.constant 0 : i32
    %dma_start3A_42 = arith.constant 0 : i32
    %dma_start3A_43 = tpu.memref_slice %arg2[%dma_start3A_41, %dma_start3A_42] : memref<4096x128xf32, #tpu.memory_space<hbm>> -> memref<4096x128xf32, #tpu.memory_space<hbm>>
    tpu.enqueue_indirect_dma source(%dma_start3A_43 : memref<4096x128xf32, #tpu.memory_space<hbm>>) target(%arg14 : memref<128x128xf32, #tpu.memory_space<vmem>>) offsets(%dma_start3A_40 : memref<128xi32, #tpu.memory_space<vmem>>) semaphore(%arg20 : memref<!tpu.dma_semaphore, #tpu.memory_space<semaphore_mem>>)
    %dma_wait3A_44 = arith.constant 0 : i32
    %dma_wait3A_45 = tpu.memref_slice %arg4[%mul3A_7, %dma_wait3A_44] : memref<256x128xi32, #tpu.memory_space<hbm>> -> memref<8x128xi32, #tpu.memory_space<hbm>>
    %dma_wait3A_46 = arith.constant 0 : i32
    %dma_wait3A_47 = tpu.memref_slice %arg4[%mul3A_7, %dma_wait3A_46] : memref<256x128xi32, #tpu.memory_space<hbm>> -> memref<8x128xi32, #tpu.memory_space<hbm>>
    tpu.wait_dma2 semaphore(%arg21 : memref<!tpu.dma_semaphore, #tpu.memory_space<semaphore_mem>>) src(%dma_wait3A_47 : memref<8x128xi32, #tpu.memory_space<hbm>>) dst(%arg10 : memref<8x128xi32, #tpu.memory_space<vmem>>)
    %get3A = arith.constant 0 : i32
    %get3A_48 = arith.index_cast %get3A : i32 to index
    %get3A_49 = arith.constant 0 : index
    %get3A_50 = tpu.vector_load %arg10[%get3A_48, %get3A_49] {strides = array<i32>} : memref<8x128xi32, #tpu.memory_space<vmem>>, vector<1x16xi32>,
    %get3A_51 = vector.shape_cast %get3A_50 : vector<1x16xi32> to vector<16xi32>
    %get3A_52 = arith.constant 2 : i32
    %get3A_53 = arith.index_cast %get3A_52 : i32 to index
    %get3A_54 = arith.constant 0 : index
    %get3A_55 = tpu.vector_load %arg10[%get3A_53, %get3A_54] {strides = array<i32>} : memref<8x128xi32, #tpu.memory_space<vmem>>, vector<1x16xi32>,
    %get3A_56 = vector.shape_cast %get3A_55 : vector<1x16xi32> to vector<16xi32>
    %get3A_57 = arith.constant 4 : i32
    %get3A_58 = arith.index_cast %get3A_57 : i32 to index
    %get3A_59 = arith.constant 0 : index
    %get3A_60 = tpu.vector_load %arg10[%get3A_58, %get3A_59] {strides = array<i32>} : memref<8x128xi32, #tpu.memory_space<vmem>>, vector<1x16xi32>,
    %get3A_61 = vector.shape_cast %get3A_60 : vector<1x16xi32> to vector<16xi32>
    %eq3A = arith.cmpi eq, %get3A_56, %get3A_51 : vector<16xi32>
    %jit3A = arith.constant 1000 : i32
    %broadcast_in_dim3A = vector.broadcast %jit3A : i32 to vector<16xi32>
    %select_n3A = arith.select %eq3A, %broadcast_in_dim3A, %get3A_56 : vector<16xi1>, vector<16xi32>
    %swap3A = arith.constant 0 : i32
    %swap3A_62 = arith.index_cast %swap3A : i32 to index
    %swap3A_63 = arith.constant 0 : index
    %swap3A_64 = tpu.vector_load %arg11[%swap3A_62, %swap3A_63] {strides = array<i32>} : memref<4x128xi32, #tpu.memory_space<vmem>>, vector<1x16xi32>,
    %swap3A_65 = vector.shape_cast %swap3A_64 : vector<1x16xi32> to vector<16xi32>
    %swap3A_66 = vector.shape_cast %select_n3A : vector<16xi32> to vector<1x16xi32>
    tpu.vector_store %arg11[%swap3A_62, %swap3A_63], %swap3A_66 {strides = array<i32>} : memref<4x128xi32, #tpu.memory_space<vmem>>, vector<1x16xi32>,
    %eq3A_67 = arith.cmpi eq, %get3A_61, %get3A_51 : vector<16xi32>
    %eq3A_68 = arith.cmpi eq, %get3A_61, %get3A_56 : vector<16xi32>
    %or3A = arith.ori %eq3A_67, %eq3A_68 : vector<16xi1>
    %jit3A_69 = arith.constant 1000 : i32
    %broadcast_in_dim3A_70 = vector.broadcast %jit3A_69 : i32 to vector<16xi32>
    %select_n3A_71 = arith.select %or3A, %broadcast_in_dim3A_70, %get3A_61 : vector<16xi1>, vector<16xi32>
    %swap3A_72 = arith.constant 2 : i32
    %swap3A_73 = arith.index_cast %swap3A_72 : i32 to index
    %swap3A_74 = arith.constant 0 : index
    %swap3A_75 = tpu.vector_load %arg11[%swap3A_73, %swap3A_74] {strides = array<i32>} : memref<4x128xi32, #tpu.memory_space<vmem>>, vector<1x16xi32>,
    %swap3A_76 = vector.shape_cast %swap3A_75 : vector<1x16xi32> to vector<16xi32>
    %swap3A_77 = vector.shape_cast %select_n3A_71 : vector<16xi32> to vector<1x16xi32>
    tpu.vector_store %arg11[%swap3A_73, %swap3A_74], %swap3A_77 {strides = array<i32>} : memref<4x128xi32, #tpu.memory_space<vmem>>, vector<1x16xi32>,
    %get3A_78 = arith.constant 0 : i32
    %get3A_79 = arith.index_cast %get3A_78 : i32 to index
    %get3A_80 = arith.constant 16 : index
    %get3A_81 = tpu.vector_load %arg10[%get3A_79, %get3A_80] {strides = array<i32>} : memref<8x128xi32, #tpu.memory_space<vmem>>, vector<1x16xi32>,
    %get3A_82 = vector.shape_cast %get3A_81 : vector<1x16xi32> to vector<16xi32>
    %get3A_83 = arith.constant 2 : i32
    %get3A_84 = arith.index_cast %get3A_83 : i32 to index
    %get3A_85 = arith.constant 16 : index
    %get3A_86 = tpu.vector_load %arg10[%get3A_84, %get3A_85] {strides = array<i32>} : memref<8x128xi32, #tpu.memory_space<vmem>>, vector<1x16xi32>,
    %get3A_87 = vector.shape_cast %get3A_86 : vector<1x16xi32> to vector<16xi32>
    %get3A_88 = arith.constant 4 : i32
    %get3A_89 = arith.index_cast %get3A_88 : i32 to index
    %get3A_90 = arith.constant 16 : index
    %get3A_91 = tpu.vector_load %arg10[%get3A_89, %get3A_90] {strides = array<i32>} : memref<8x128xi32, #tpu.memory_space<vmem>>, vector<1x16xi32>,
    %get3A_92 = vector.shape_cast %get3A_91 : vector<1x16xi32> to vector<16xi32>
    %eq3A_93 = arith.cmpi eq, %get3A_87, %get3A_82 : vector<16xi32>
    %jit3A_94 = arith.constant 1000 : i32
    %broadcast_in_dim3A_95 = vector.broadcast %jit3A_94 : i32 to vector<16xi32>
    %select_n3A_96 = arith.select %eq3A_93, %broadcast_in_dim3A_95, %get3A_87 : vector<16xi1>, vector<16xi32>
    %swap3A_97 = arith.constant 0 : i32
    %swap3A_98 = arith.index_cast %swap3A_97 : i32 to index
    %swap3A_99 = arith.constant 16 : index
    %swap3A_100 = tpu.vector_load %arg11[%swap3A_98, %swap3A_99] {strides = array<i32>} : memref<4x128xi32, #tpu.memory_space<vmem>>, vector<1x16xi32>,
    %swap3A_101 = vector.shape_cast %swap3A_100 : vector<1x16xi32> to vector<16xi32>
    %swap3A_102 = vector.shape_cast %select_n3A_96 : vector<16xi32> to vector<1x16xi32>
    tpu.vector_store %arg11[%swap3A_98, %swap3A_99], %swap3A_102 {strides = array<i32>} : memref<4x128xi32, #tpu.memory_space<vmem>>, vector<1x16xi32>,
    %eq3A_103 = arith.cmpi eq, %get3A_92, %get3A_82 : vector<16xi32>
    %eq3A_104 = arith.cmpi eq, %get3A_92, %get3A_87 : vector<16xi32>
    %or3A_105 = arith.ori %eq3A_103, %eq3A_104 : vector<16xi1>
    %jit3A_106 = arith.constant 1000 : i32
    %broadcast_in_dim3A_107 = vector.broadcast %jit3A_106 : i32 to vector<16xi32>
    %select_n3A_108 = arith.select %or3A_105, %broadcast_in_dim3A_107, %get3A_92 : vector<16xi1>, vector<16xi32>
    %swap3A_109 = arith.constant 2 : i32
    %swap3A_110 = arith.index_cast %swap3A_109 : i32 to index
    %swap3A_111 = arith.constant 16 : index
    %swap3A_112 = tpu.vector_load %arg11[%swap3A_110, %swap3A_111] {strides = array<i32>} : memref<4x128xi32, #tpu.memory_space<vmem>>, vector<1x16xi32>,
    %swap3A_113 = vector.shape_cast %swap3A_112 : vector<1x16xi32> to vector<16xi32>
    %swap3A_114 = vector.shape_cast %select_n3A_108 : vector<16xi32> to vector<1x16xi32>
    tpu.vector_store %arg11[%swap3A_110, %swap3A_111], %swap3A_114 {strides = array<i32>} : memref<4x128xi32, #tpu.memory_space<vmem>>, vector<1x16xi32>,
    %get3A_115 = arith.constant 0 : i32
    %get3A_116 = arith.index_cast %get3A_115 : i32 to index
    %get3A_117 = arith.constant 32 : index
    %get3A_118 = tpu.vector_load %arg10[%get3A_116, %get3A_117] {strides = array<i32>} : memref<8x128xi32, #tpu.memory_space<vmem>>, vector<1x16xi32>,
    %get3A_119 = vector.shape_cast %get3A_118 : vector<1x16xi32> to vector<16xi32>
    %get3A_120 = arith.constant 2 : i32
    %get3A_121 = arith.index_cast %get3A_120 : i32 to index
    %get3A_122 = arith.constant 32 : index
    %get3A_123 = tpu.vector_load %arg10[%get3A_121, %get3A_122] {strides = array<i32>} : memref<8x128xi32, #tpu.memory_space<vmem>>, vector<1x16xi32>,
    %get3A_124 = vector.shape_cast %get3A_123 : vector<1x16xi32> to vector<16xi32>
    %get3A_125 = arith.constant 4 : i32
    %get3A_126 = arith.index_cast %get3A_125 : i32 to index
    %get3A_127 = arith.constant 32 : index
    %get3A_128 = tpu.vector_load %arg10[%get3A_126, %get3A_127] {strides = array<i32>} : memref<8x128xi32, #tpu.memory_space<vmem>>, vector<1x16xi32>,
    %get3A_129 = vector.shape_cast %get3A_128 : vector<1x16xi32> to vector<16xi32>
    %eq3A_130 = arith.cmpi eq, %get3A_124, %get3A_119 : vector<16xi32>
    %jit3A_131 = arith.constant 1000 : i32
    %broadcast_in_dim3A_132 = vector.broadcast %jit3A_131 : i32 to vector<16xi32>
    %select_n3A_133 = arith.select %eq3A_130, %broadcast_in_dim3A_132, %get3A_124 : vector<16xi1>, vector<16xi32>
    %swap3A_134 = arith.constant 0 : i32
    %swap3A_135 = arith.index_cast %swap3A_134 : i32 to index
    %swap3A_136 = arith.constant 32 : index
    %swap3A_137 = tpu.vector_load %arg11[%swap3A_135, %swap3A_136] {strides = array<i32>} : memref<4x128xi32, #tpu.memory_space<vmem>>, vector<1x16xi32>,
    %swap3A_138 = vector.shape_cast %swap3A_137 : vector<1x16xi32> to vector<16xi32>
    %swap3A_139 = vector.shape_cast %select_n3A_133 : vector<16xi32> to vector<1x16xi32>
    tpu.vector_store %arg11[%swap3A_135, %swap3A_136], %swap3A_139 {strides = array<i32>} : memref<4x128xi32, #tpu.memory_space<vmem>>, vector<1x16xi32>,
    %eq3A_140 = arith.cmpi eq, %get3A_129, %get3A_119 : vector<16xi32>
    %eq3A_141 = arith.cmpi eq, %get3A_129, %get3A_124 : vector<16xi32>
    %or3A_142 = arith.ori %eq3A_140, %eq3A_141 : vector<16xi1>
    %jit3A_143 = arith.constant 1000 : i32
    %broadcast_in_dim3A_144 = vector.broadcast %jit3A_143 : i32 to vector<16xi32>
    %select_n3A_145 = arith.select %or3A_142, %broadcast_in_dim3A_144, %get3A_129 : vector<16xi1>, vector<16xi32>
    %swap3A_146 = arith.constant 2 : i32
    %swap3A_147 = arith.index_cast %swap3A_146 : i32 to index
    %swap3A_148 = arith.constant 32 : index
    %swap3A_149 = tpu.vector_load %arg11[%swap3A_147, %swap3A_148] {strides = array<i32>} : memref<4x128xi32, #tpu.memory_space<vmem>>, vector<1x16xi32>,
    %swap3A_150 = vector.shape_cast %swap3A_149 : vector<1x16xi32> to vector<16xi32>
    %swap3A_151 = vector.shape_cast %select_n3A_145 : vector<16xi32> to vector<1x16xi32>
    tpu.vector_store %arg11[%swap3A_147, %swap3A_148], %swap3A_151 {strides = array<i32>} : memref<4x128xi32, #tpu.memory_space<vmem>>, vector<1x16xi32>,
    %get3A_152 = arith.constant 0 : i32
    %get3A_153 = arith.index_cast %get3A_152 : i32 to index
    %get3A_154 = arith.constant 48 : index
    %get3A_155 = tpu.vector_load %arg10[%get3A_153, %get3A_154] {strides = array<i32>} : memref<8x128xi32, #tpu.memory_space<vmem>>, vector<1x16xi32>,
    %get3A_156 = vector.shape_cast %get3A_155 : vector<1x16xi32> to vector<16xi32>
    %get3A_157 = arith.constant 2 : i32
    %get3A_158 = arith.index_cast %get3A_157 : i32 to index
    %get3A_159 = arith.constant 48 : index
    %get3A_160 = tpu.vector_load %arg10[%get3A_158, %get3A_159] {strides = array<i32>} : memref<8x128xi32, #tpu.memory_space<vmem>>, vector<1x16xi32>,
    %get3A_161 = vector.shape_cast %get3A_160 : vector<1x16xi32> to vector<16xi32>
    %get3A_162 = arith.constant 4 : i32
    %get3A_163 = arith.index_cast %get3A_162 : i32 to index
    %get3A_164 = arith.constant 48 : index
    %get3A_165 = tpu.vector_load %arg10[%get3A_163, %get3A_164] {strides = array<i32>} : memref<8x128xi32, #tpu.memory_space<vmem>>, vector<1x16xi32>,
    %get3A_166 = vector.shape_cast %get3A_165 : vector<1x16xi32> to vector<16xi32>
    %eq3A_167 = arith.cmpi eq, %get3A_161, %get3A_156 : vector<16xi32>
    %jit3A_168 = arith.constant 1000 : i32
    %broadcast_in_dim3A_169 = vector.broadcast %jit3A_168 : i32 to vector<16xi32>
    %select_n3A_170 = arith.select %eq3A_167, %broadcast_in_dim3A_169, %get3A_161 : vector<16xi1>, vector<16xi32>
    %swap3A_171 = arith.constant 0 : i32
    %swap3A_172 = arith.index_cast %swap3A_171 : i32 to index
    %swap3A_173 = arith.constant 48 : index
    %swap3A_174 = tpu.vector_load %arg11[%swap3A_172, %swap3A_173] {strides = array<i32>} : memref<4x128xi32, #tpu.memory_space<vmem>>, vector<1x16xi32>,
    %swap3A_175 = vector.shape_cast %swap3A_174 : vector<1x16xi32> to vector<16xi32>
    %swap3A_176 = vector.shape_cast %select_n3A_170 : vector<16xi32> to vector<1x16xi32>
    tpu.vector_store %arg11[%swap3A_172, %swap3A_173], %swap3A_176 {strides = array<i32>} : memref<4x128xi32, #tpu.memory_space<vmem>>, vector<1x16xi32>,
    %eq3A_177 = arith.cmpi eq, %get3A_166, %get3A_156 : vector<16xi32>
    %eq3A_178 = arith.cmpi eq, %get3A_166, %get3A_161 : vector<16xi32>
    %or3A_179 = arith.ori %eq3A_177, %eq3A_178 : vector<16xi1>
    %jit3A_180 = arith.constant 1000 : i32
    %broadcast_in_dim3A_181 = vector.broadcast %jit3A_180 : i32 to vector<16xi32>
    %select_n3A_182 = arith.select %or3A_179, %broadcast_in_dim3A_181, %get3A_166 : vector<16xi1>, vector<16xi32>
    %swap3A_183 = arith.constant 2 : i32
    %swap3A_184 = arith.index_cast %swap3A_183 : i32 to index
    %swap3A_185 = arith.constant 48 : index
    %swap3A_186 = tpu.vector_load %arg11[%swap3A_184, %swap3A_185] {strides = array<i32>} : memref<4x128xi32, #tpu.memory_space<vmem>>, vector<1x16xi32>,
    %swap3A_187 = vector.shape_cast %swap3A_186 : vector<1x16xi32> to vector<16xi32>
    %swap3A_188 = vector.shape_cast %select_n3A_182 : vector<16xi32> to vector<1x16xi32>
    tpu.vector_store %arg11[%swap3A_184, %swap3A_185], %swap3A_188 {strides = array<i32>} : memref<4x128xi32, #tpu.memory_space<vmem>>, vector<1x16xi32>,
    %get3A_189 = arith.constant 0 : i32
    %get3A_190 = arith.index_cast %get3A_189 : i32 to index
    %get3A_191 = arith.constant 64 : index
    %get3A_192 = tpu.vector_load %arg10[%get3A_190, %get3A_191] {strides = array<i32>} : memref<8x128xi32, #tpu.memory_space<vmem>>, vector<1x16xi32>,
    %get3A_193 = vector.shape_cast %get3A_192 : vector<1x16xi32> to vector<16xi32>
    %get3A_194 = arith.constant 2 : i32
    %get3A_195 = arith.index_cast %get3A_194 : i32 to index
    %get3A_196 = arith.constant 64 : index
    %get3A_197 = tpu.vector_load %arg10[%get3A_195, %get3A_196] {strides = array<i32>} : memref<8x128xi32, #tpu.memory_space<vmem>>, vector<1x16xi32>,
    %get3A_198 = vector.shape_cast %get3A_197 : vector<1x16xi32> to vector<16xi32>
    %get3A_199 = arith.constant 4 : i32
    %get3A_200 = arith.index_cast %get3A_199 : i32 to index
    %get3A_201 = arith.constant 64 : index
    %get3A_202 = tpu.vector_load %arg10[%get3A_200, %get3A_201] {strides = array<i32>} : memref<8x128xi32, #tpu.memory_space<vmem>>, vector<1x16xi32>,
    %get3A_203 = vector.shape_cast %get3A_202 : vector<1x16xi32> to vector<16xi32>
    %eq3A_204 = arith.cmpi eq, %get3A_198, %get3A_193 : vector<16xi32>
    %jit3A_205 = arith.constant 1000 : i32
    %broadcast_in_dim3A_206 = vector.broadcast %jit3A_205 : i32 to vector<16xi32>
    %select_n3A_207 = arith.select %eq3A_204, %broadcast_in_dim3A_206, %get3A_198 : vector<16xi1>, vector<16xi32>
    %swap3A_208 = arith.constant 0 : i32
    %swap3A_209 = arith.index_cast %swap3A_208 : i32 to index
    %swap3A_210 = arith.constant 64 : index
    %swap3A_211 = tpu.vector_load %arg11[%swap3A_209, %swap3A_210] {strides = array<i32>} : memref<4x128xi32, #tpu.memory_space<vmem>>, vector<1x16xi32>,
    %swap3A_212 = vector.shape_cast %swap3A_211 : vector<1x16xi32> to vector<16xi32>
    %swap3A_213 = vector.shape_cast %select_n3A_207 : vector<16xi32> to vector<1x16xi32>
    tpu.vector_store %arg11[%swap3A_209, %swap3A_210], %swap3A_213 {strides = array<i32>} : memref<4x128xi32, #tpu.memory_space<vmem>>, vector<1x16xi32>,
    %eq3A_214 = arith.cmpi eq, %get3A_203, %get3A_193 : vector<16xi32>
    %eq3A_215 = arith.cmpi eq, %get3A_203, %get3A_198 : vector<16xi32>
    %or3A_216 = arith.ori %eq3A_214, %eq3A_215 : vector<16xi1>
    %jit3A_217 = arith.constant 1000 : i32
    %broadcast_in_dim3A_218 = vector.broadcast %jit3A_217 : i32 to vector<16xi32>
    %select_n3A_219 = arith.select %or3A_216, %broadcast_in_dim3A_218, %get3A_203 : vector<16xi1>, vector<16xi32>
    %swap3A_220 = arith.constant 2 : i32
    %swap3A_221 = arith.index_cast %swap3A_220 : i32 to index
    %swap3A_222 = arith.constant 64 : index
    %swap3A_223 = tpu.vector_load %arg11[%swap3A_221, %swap3A_222] {strides = array<i32>} : memref<4x128xi32, #tpu.memory_space<vmem>>, vector<1x16xi32>,
    %swap3A_224 = vector.shape_cast %swap3A_223 : vector<1x16xi32> to vector<16xi32>
    %swap3A_225 = vector.shape_cast %select_n3A_219 : vector<16xi32> to vector<1x16xi32>
    tpu.vector_store %arg11[%swap3A_221, %swap3A_222], %swap3A_225 {strides = array<i32>} : memref<4x128xi32, #tpu.memory_space<vmem>>, vector<1x16xi32>,
    %get3A_226 = arith.constant 0 : i32
    %get3A_227 = arith.index_cast %get3A_226 : i32 to index
    %get3A_228 = arith.constant 80 : index
    %get3A_229 = tpu.vector_load %arg10[%get3A_227, %get3A_228] {strides = array<i32>} : memref<8x128xi32, #tpu.memory_space<vmem>>, vector<1x16xi32>,
    %get3A_230 = vector.shape_cast %get3A_229 : vector<1x16xi32> to vector<16xi32>
    %get3A_231 = arith.constant 2 : i32
    %get3A_232 = arith.index_cast %get3A_231 : i32 to index
    %get3A_233 = arith.constant 80 : index
    %get3A_234 = tpu.vector_load %arg10[%get3A_232, %get3A_233] {strides = array<i32>} : memref<8x128xi32, #tpu.memory_space<vmem>>, vector<1x16xi32>,
    %get3A_235 = vector.shape_cast %get3A_234 : vector<1x16xi32> to vector<16xi32>
    %get3A_236 = arith.constant 4 : i32
    %get3A_237 = arith.index_cast %get3A_236 : i32 to index
    %get3A_238 = arith.constant 80 : index
    %get3A_239 = tpu.vector_load %arg10[%get3A_237, %get3A_238] {strides = array<i32>} : memref<8x128xi32, #tpu.memory_space<vmem>>, vector<1x16xi32>,
    %get3A_240 = vector.shape_cast %get3A_239 : vector<1x16xi32> to vector<16xi32>
    %eq3A_241 = arith.cmpi eq, %get3A_235, %get3A_230 : vector<16xi32>
    %jit3A_242 = arith.constant 1000 : i32
    %broadcast_in_dim3A_243 = vector.broadcast %jit3A_242 : i32 to vector<16xi32>
    %select_n3A_244 = arith.select %eq3A_241, %broadcast_in_dim3A_243, %get3A_235 : vector<16xi1>, vector<16xi32>
    %swap3A_245 = arith.constant 0 : i32
    %swap3A_246 = arith.index_cast %swap3A_245 : i32 to index
    %swap3A_247 = arith.constant 80 : index
    %swap3A_248 = tpu.vector_load %arg11[%swap3A_246, %swap3A_247] {strides = array<i32>} : memref<4x128xi32, #tpu.memory_space<vmem>>, vector<1x16xi32>,
    %swap3A_249 = vector.shape_cast %swap3A_248 : vector<1x16xi32> to vector<16xi32>
    %swap3A_250 = vector.shape_cast %select_n3A_244 : vector<16xi32> to vector<1x16xi32>
    tpu.vector_store %arg11[%swap3A_246, %swap3A_247], %swap3A_250 {strides = array<i32>} : memref<4x128xi32, #tpu.memory_space<vmem>>, vector<1x16xi32>,
    %eq3A_251 = arith.cmpi eq, %get3A_240, %get3A_230 : vector<16xi32>
    %eq3A_252 = arith.cmpi eq, %get3A_240, %get3A_235 : vector<16xi32>
    %or3A_253 = arith.ori %eq3A_251, %eq3A_252 : vector<16xi1>
    %jit3A_254 = arith.constant 1000 : i32
    %broadcast_in_dim3A_255 = vector.broadcast %jit3A_254 : i32 to vector<16xi32>
    %select_n3A_256 = arith.select %or3A_253, %broadcast_in_dim3A_255, %get3A_240 : vector<16xi1>, vector<16xi32>
    %swap3A_257 = arith.constant 2 : i32
    %swap3A_258 = arith.index_cast %swap3A_257 : i32 to index
    %swap3A_259 = arith.constant 80 : index
    %swap3A_260 = tpu.vector_load %arg11[%swap3A_258, %swap3A_259] {strides = array<i32>} : memref<4x128xi32, #tpu.memory_space<vmem>>, vector<1x16xi32>,
    %swap3A_261 = vector.shape_cast %swap3A_260 : vector<1x16xi32> to vector<16xi32>
    %swap3A_262 = vector.shape_cast %select_n3A_256 : vector<16xi32> to vector<1x16xi32>
    tpu.vector_store %arg11[%swap3A_258, %swap3A_259], %swap3A_262 {strides = array<i32>} : memref<4x128xi32, #tpu.memory_space<vmem>>, vector<1x16xi32>,
    %get3A_263 = arith.constant 0 : i32
    %get3A_264 = arith.index_cast %get3A_263 : i32 to index
    %get3A_265 = arith.constant 96 : index
    %get3A_266 = tpu.vector_load %arg10[%get3A_264, %get3A_265] {strides = array<i32>} : memref<8x128xi32, #tpu.memory_space<vmem>>, vector<1x16xi32>,
    %get3A_267 = vector.shape_cast %get3A_266 : vector<1x16xi32> to vector<16xi32>
    %get3A_268 = arith.constant 2 : i32
    %get3A_269 = arith.index_cast %get3A_268 : i32 to index
    %get3A_270 = arith.constant 96 : index
    %get3A_271 = tpu.vector_load %arg10[%get3A_269, %get3A_270] {strides = array<i32>} : memref<8x128xi32, #tpu.memory_space<vmem>>, vector<1x16xi32>,
    %get3A_272 = vector.shape_cast %get3A_271 : vector<1x16xi32> to vector<16xi32>
    %get3A_273 = arith.constant 4 : i32
    %get3A_274 = arith.index_cast %get3A_273 : i32 to index
    %get3A_275 = arith.constant 96 : index
    %get3A_276 = tpu.vector_load %arg10[%get3A_274, %get3A_275] {strides = array<i32>} : memref<8x128xi32, #tpu.memory_space<vmem>>, vector<1x16xi32>,
    %get3A_277 = vector.shape_cast %get3A_276 : vector<1x16xi32> to vector<16xi32>
    %eq3A_278 = arith.cmpi eq, %get3A_272, %get3A_267 : vector<16xi32>
    %jit3A_279 = arith.constant 1000 : i32
    %broadcast_in_dim3A_280 = vector.broadcast %jit3A_279 : i32 to vector<16xi32>
    %select_n3A_281 = arith.select %eq3A_278, %broadcast_in_dim3A_280, %get3A_272 : vector<16xi1>, vector<16xi32>
    %swap3A_282 = arith.constant 0 : i32
    %swap3A_283 = arith.index_cast %swap3A_282 : i32 to index
    %swap3A_284 = arith.constant 96 : index
    %swap3A_285 = tpu.vector_load %arg11[%swap3A_283, %swap3A_284] {strides = array<i32>} : memref<4x128xi32, #tpu.memory_space<vmem>>, vector<1x16xi32>,
    %swap3A_286 = vector.shape_cast %swap3A_285 : vector<1x16xi32> to vector<16xi32>
    %swap3A_287 = vector.shape_cast %select_n3A_281 : vector<16xi32> to vector<1x16xi32>
    tpu.vector_store %arg11[%swap3A_283, %swap3A_284], %swap3A_287 {strides = array<i32>} : memref<4x128xi32, #tpu.memory_space<vmem>>, vector<1x16xi32>,
    %eq3A_288 = arith.cmpi eq, %get3A_277, %get3A_267 : vector<16xi32>
    %eq3A_289 = arith.cmpi eq, %get3A_277, %get3A_272 : vector<16xi32>
    %or3A_290 = arith.ori %eq3A_288, %eq3A_289 : vector<16xi1>
    %jit3A_291 = arith.constant 1000 : i32
    %broadcast_in_dim3A_292 = vector.broadcast %jit3A_291 : i32 to vector<16xi32>
    %select_n3A_293 = arith.select %or3A_290, %broadcast_in_dim3A_292, %get3A_277 : vector<16xi1>, vector<16xi32>
    %swap3A_294 = arith.constant 2 : i32
    %swap3A_295 = arith.index_cast %swap3A_294 : i32 to index
    %swap3A_296 = arith.constant 96 : index
    %swap3A_297 = tpu.vector_load %arg11[%swap3A_295, %swap3A_296] {strides = array<i32>} : memref<4x128xi32, #tpu.memory_space<vmem>>, vector<1x16xi32>,
    %swap3A_298 = vector.shape_cast %swap3A_297 : vector<1x16xi32> to vector<16xi32>
    %swap3A_299 = vector.shape_cast %select_n3A_293 : vector<16xi32> to vector<1x16xi32>
    tpu.vector_store %arg11[%swap3A_295, %swap3A_296], %swap3A_299 {strides = array<i32>} : memref<4x128xi32, #tpu.memory_space<vmem>>, vector<1x16xi32>,
    %get3A_300 = arith.constant 0 : i32
    %get3A_301 = arith.index_cast %get3A_300 : i32 to index
    %get3A_302 = arith.constant 112 : index
    %get3A_303 = tpu.vector_load %arg10[%get3A_301, %get3A_302] {strides = array<i32>} : memref<8x128xi32, #tpu.memory_space<vmem>>, vector<1x16xi32>,
    %get3A_304 = vector.shape_cast %get3A_303 : vector<1x16xi32> to vector<16xi32>
    %get3A_305 = arith.constant 2 : i32
    %get3A_306 = arith.index_cast %get3A_305 : i32 to index
    %get3A_307 = arith.constant 112 : index
    %get3A_308 = tpu.vector_load %arg10[%get3A_306, %get3A_307] {strides = array<i32>} : memref<8x128xi32, #tpu.memory_space<vmem>>, vector<1x16xi32>,
    %get3A_309 = vector.shape_cast %get3A_308 : vector<1x16xi32> to vector<16xi32>
    %get3A_310 = arith.constant 4 : i32
    %get3A_311 = arith.index_cast %get3A_310 : i32 to index
    %get3A_312 = arith.constant 112 : index
    %get3A_313 = tpu.vector_load %arg10[%get3A_311, %get3A_312] {strides = array<i32>} : memref<8x128xi32, #tpu.memory_space<vmem>>, vector<1x16xi32>,
    %get3A_314 = vector.shape_cast %get3A_313 : vector<1x16xi32> to vector<16xi32>
    %eq3A_315 = arith.cmpi eq, %get3A_309, %get3A_304 : vector<16xi32>
    %jit3A_316 = arith.constant 1000 : i32
    %broadcast_in_dim3A_317 = vector.broadcast %jit3A_316 : i32 to vector<16xi32>
    %select_n3A_318 = arith.select %eq3A_315, %broadcast_in_dim3A_317, %get3A_309 : vector<16xi1>, vector<16xi32>
    %swap3A_319 = arith.constant 0 : i32
    %swap3A_320 = arith.index_cast %swap3A_319 : i32 to index
    %swap3A_321 = arith.constant 112 : index
    %swap3A_322 = tpu.vector_load %arg11[%swap3A_320, %swap3A_321] {strides = array<i32>} : memref<4x128xi32, #tpu.memory_space<vmem>>, vector<1x16xi32>,
    %swap3A_323 = vector.shape_cast %swap3A_322 : vector<1x16xi32> to vector<16xi32>
    %swap3A_324 = vector.shape_cast %select_n3A_318 : vector<16xi32> to vector<1x16xi32>
    tpu.vector_store %arg11[%swap3A_320, %swap3A_321], %swap3A_324 {strides = array<i32>} : memref<4x128xi32, #tpu.memory_space<vmem>>, vector<1x16xi32>,
    %eq3A_325 = arith.cmpi eq, %get3A_314, %get3A_304 : vector<16xi32>
    %eq3A_326 = arith.cmpi eq, %get3A_314, %get3A_309 : vector<16xi32>
    %or3A_327 = arith.ori %eq3A_325, %eq3A_326 : vector<16xi1>
    %jit3A_328 = arith.constant 1000 : i32
    %broadcast_in_dim3A_329 = vector.broadcast %jit3A_328 : i32 to vector<16xi32>
    %select_n3A_330 = arith.select %or3A_327, %broadcast_in_dim3A_329, %get3A_314 : vector<16xi1>, vector<16xi32>
    %swap3A_331 = arith.constant 2 : i32
    %swap3A_332 = arith.index_cast %swap3A_331 : i32 to index
    %swap3A_333 = arith.constant 112 : index
    %swap3A_334 = tpu.vector_load %arg11[%swap3A_332, %swap3A_333] {strides = array<i32>} : memref<4x128xi32, #tpu.memory_space<vmem>>, vector<1x16xi32>,
    %swap3A_335 = vector.shape_cast %swap3A_334 : vector<1x16xi32> to vector<16xi32>
    %swap3A_336 = vector.shape_cast %select_n3A_330 : vector<16xi32> to vector<1x16xi32>
    tpu.vector_store %arg11[%swap3A_332, %swap3A_333], %swap3A_336 {strides = array<i32>} : memref<4x128xi32, #tpu.memory_space<vmem>>, vector<1x16xi32>,
    %get3A_337 = arith.constant 1 : i32
    %get3A_338 = arith.index_cast %get3A_337 : i32 to index
    %get3A_339 = arith.constant 0 : index
    %get3A_340 = tpu.vector_load %arg10[%get3A_338, %get3A_339] {strides = array<i32>} : memref<8x128xi32, #tpu.memory_space<vmem>>, vector<1x16xi32>,
    %get3A_341 = vector.shape_cast %get3A_340 : vector<1x16xi32> to vector<16xi32>
    %get3A_342 = arith.constant 3 : i32
    %get3A_343 = arith.index_cast %get3A_342 : i32 to index
    %get3A_344 = arith.constant 0 : index
    %get3A_345 = tpu.vector_load %arg10[%get3A_343, %get3A_344] {strides = array<i32>} : memref<8x128xi32, #tpu.memory_space<vmem>>, vector<1x16xi32>,
    %get3A_346 = vector.shape_cast %get3A_345 : vector<1x16xi32> to vector<16xi32>
    %get3A_347 = arith.constant 5 : i32
    %get3A_348 = arith.index_cast %get3A_347 : i32 to index
    %get3A_349 = arith.constant 0 : index
    %get3A_350 = tpu.vector_load %arg10[%get3A_348, %get3A_349] {strides = array<i32>} : memref<8x128xi32, #tpu.memory_space<vmem>>, vector<1x16xi32>,
    %get3A_351 = vector.shape_cast %get3A_350 : vector<1x16xi32> to vector<16xi32>
    %eq3A_352 = arith.cmpi eq, %get3A_346, %get3A_341 : vector<16xi32>
    %jit3A_353 = arith.constant 1000 : i32
    %broadcast_in_dim3A_354 = vector.broadcast %jit3A_353 : i32 to vector<16xi32>
    %select_n3A_355 = arith.select %eq3A_352, %broadcast_in_dim3A_354, %get3A_346 : vector<16xi1>, vector<16xi32>
    %swap3A_356 = arith.constant 1 : i32
    %swap3A_357 = arith.index_cast %swap3A_356 : i32 to index
    %swap3A_358 = arith.constant 0 : index
    %swap3A_359 = tpu.vector_load %arg11[%swap3A_357, %swap3A_358] {strides = array<i32>} : memref<4x128xi32, #tpu.memory_space<vmem>>, vector<1x16xi32>,
    %swap3A_360 = vector.shape_cast %swap3A_359 : vector<1x16xi32> to vector<16xi32>
    %swap3A_361 = vector.shape_cast %select_n3A_355 : vector<16xi32> to vector<1x16xi32>
    tpu.vector_store %arg11[%swap3A_357, %swap3A_358], %swap3A_361 {strides = array<i32>} : memref<4x128xi32, #tpu.memory_space<vmem>>, vector<1x16xi32>,
    %eq3A_362 = arith.cmpi eq, %get3A_351, %get3A_341 : vector<16xi32>
    %eq3A_363 = arith.cmpi eq, %get3A_351, %get3A_346 : vector<16xi32>
    %or3A_364 = arith.ori %eq3A_362, %eq3A_363 : vector<16xi1>
    %jit3A_365 = arith.constant 1000 : i32
    %broadcast_in_dim3A_366 = vector.broadcast %jit3A_365 : i32 to vector<16xi32>
    %select_n3A_367 = arith.select %or3A_364, %broadcast_in_dim3A_366, %get3A_351 : vector<16xi1>, vector<16xi32>
    %swap3A_368 = arith.constant 3 : i32
    %swap3A_369 = arith.index_cast %swap3A_368 : i32 to index
    %swap3A_370 = arith.constant 0 : index
    %swap3A_371 = tpu.vector_load %arg11[%swap3A_369, %swap3A_370] {strides = array<i32>} : memref<4x128xi32, #tpu.memory_space<vmem>>, vector<1x16xi32>,
    %swap3A_372 = vector.shape_cast %swap3A_371 : vector<1x16xi32> to vector<16xi32>
    %swap3A_373 = vector.shape_cast %select_n3A_367 : vector<16xi32> to vector<1x16xi32>
    tpu.vector_store %arg11[%swap3A_369, %swap3A_370], %swap3A_373 {strides = array<i32>} : memref<4x128xi32, #tpu.memory_space<vmem>>, vector<1x16xi32>,
    %get3A_374 = arith.constant 1 : i32
    %get3A_375 = arith.index_cast %get3A_374 : i32 to index
    %get3A_376 = arith.constant 16 : index
    %get3A_377 = tpu.vector_load %arg10[%get3A_375, %get3A_376] {strides = array<i32>} : memref<8x128xi32, #tpu.memory_space<vmem>>, vector<1x16xi32>,
    %get3A_378 = vector.shape_cast %get3A_377 : vector<1x16xi32> to vector<16xi32>
    %get3A_379 = arith.constant 3 : i32
    %get3A_380 = arith.index_cast %get3A_379 : i32 to index
    %get3A_381 = arith.constant 16 : index
    %get3A_382 = tpu.vector_load %arg10[%get3A_380, %get3A_381] {strides = array<i32>} : memref<8x128xi32, #tpu.memory_space<vmem>>, vector<1x16xi32>,
    %get3A_383 = vector.shape_cast %get3A_382 : vector<1x16xi32> to vector<16xi32>
    %get3A_384 = arith.constant 5 : i32
    %get3A_385 = arith.index_cast %get3A_384 : i32 to index
    %get3A_386 = arith.constant 16 : index
    %get3A_387 = tpu.vector_load %arg10[%get3A_385, %get3A_386] {strides = array<i32>} : memref<8x128xi32, #tpu.memory_space<vmem>>, vector<1x16xi32>,
    %get3A_388 = vector.shape_cast %get3A_387 : vector<1x16xi32> to vector<16xi32>
    %eq3A_389 = arith.cmpi eq, %get3A_383, %get3A_378 : vector<16xi32>
    %jit3A_390 = arith.constant 1000 : i32
    %broadcast_in_dim3A_391 = vector.broadcast %jit3A_390 : i32 to vector<16xi32>
    %select_n3A_392 = arith.select %eq3A_389, %broadcast_in_dim3A_391, %get3A_383 : vector<16xi1>, vector<16xi32>
    %swap3A_393 = arith.constant 1 : i32
    %swap3A_394 = arith.index_cast %swap3A_393 : i32 to index
    %swap3A_395 = arith.constant 16 : index
    %swap3A_396 = tpu.vector_load %arg11[%swap3A_394, %swap3A_395] {strides = array<i32>} : memref<4x128xi32, #tpu.memory_space<vmem>>, vector<1x16xi32>,
    %swap3A_397 = vector.shape_cast %swap3A_396 : vector<1x16xi32> to vector<16xi32>
    %swap3A_398 = vector.shape_cast %select_n3A_392 : vector<16xi32> to vector<1x16xi32>
    tpu.vector_store %arg11[%swap3A_394, %swap3A_395], %swap3A_398 {strides = array<i32>} : memref<4x128xi32, #tpu.memory_space<vmem>>, vector<1x16xi32>,
    %eq3A_399 = arith.cmpi eq, %get3A_388, %get3A_378 : vector<16xi32>
    %eq3A_400 = arith.cmpi eq, %get3A_388, %get3A_383 : vector<16xi32>
    %or3A_401 = arith.ori %eq3A_399, %eq3A_400 : vector<16xi1>
    %jit3A_402 = arith.constant 1000 : i32
    %broadcast_in_dim3A_403 = vector.broadcast %jit3A_402 : i32 to vector<16xi32>
    %select_n3A_404 = arith.select %or3A_401, %broadcast_in_dim3A_403, %get3A_388 : vector<16xi1>, vector<16xi32>
    %swap3A_405 = arith.constant 3 : i32
    %swap3A_406 = arith.index_cast %swap3A_405 : i32 to index
    %swap3A_407 = arith.constant 16 : index
    %swap3A_408 = tpu.vector_load %arg11[%swap3A_406, %swap3A_407] {strides = array<i32>} : memref<4x128xi32, #tpu.memory_space<vmem>>, vector<1x16xi32>,
    %swap3A_409 = vector.shape_cast %swap3A_408 : vector<1x16xi32> to vector<16xi32>
    %swap3A_410 = vector.shape_cast %select_n3A_404 : vector<16xi32> to vector<1x16xi32>
    tpu.vector_store %arg11[%swap3A_406, %swap3A_407], %swap3A_410 {strides = array<i32>} : memref<4x128xi32, #tpu.memory_space<vmem>>, vector<1x16xi32>,
    %get3A_411 = arith.constant 1 : i32
    %get3A_412 = arith.index_cast %get3A_411 : i32 to index
    %get3A_413 = arith.constant 32 : index
    %get3A_414 = tpu.vector_load %arg10[%get3A_412, %get3A_413] {strides = array<i32>} : memref<8x128xi32, #tpu.memory_space<vmem>>, vector<1x16xi32>,
    %get3A_415 = vector.shape_cast %get3A_414 : vector<1x16xi32> to vector<16xi32>
    %get3A_416 = arith.constant 3 : i32
    %get3A_417 = arith.index_cast %get3A_416 : i32 to index
    %get3A_418 = arith.constant 32 : index
    %get3A_419 = tpu.vector_load %arg10[%get3A_417, %get3A_418] {strides = array<i32>} : memref<8x128xi32, #tpu.memory_space<vmem>>, vector<1x16xi32>,
    %get3A_420 = vector.shape_cast %get3A_419 : vector<1x16xi32> to vector<16xi32>
    %get3A_421 = arith.constant 5 : i32
    %get3A_422 = arith.index_cast %get3A_421 : i32 to index
    %get3A_423 = arith.constant 32 : index
    %get3A_424 = tpu.vector_load %arg10[%get3A_422, %get3A_423] {strides = array<i32>} : memref<8x128xi32, #tpu.memory_space<vmem>>, vector<1x16xi32>,
    %get3A_425 = vector.shape_cast %get3A_424 : vector<1x16xi32> to vector<16xi32>
    %eq3A_426 = arith.cmpi eq, %get3A_420, %get3A_415 : vector<16xi32>
    %jit3A_427 = arith.constant 1000 : i32
    %broadcast_in_dim3A_428 = vector.broadcast %jit3A_427 : i32 to vector<16xi32>
    %select_n3A_429 = arith.select %eq3A_426, %broadcast_in_dim3A_428, %get3A_420 : vector<16xi1>, vector<16xi32>
    %swap3A_430 = arith.constant 1 : i32
    %swap3A_431 = arith.index_cast %swap3A_430 : i32 to index
    %swap3A_432 = arith.constant 32 : index
    %swap3A_433 = tpu.vector_load %arg11[%swap3A_431, %swap3A_432] {strides = array<i32>} : memref<4x128xi32, #tpu.memory_space<vmem>>, vector<1x16xi32>,
    %swap3A_434 = vector.shape_cast %swap3A_433 : vector<1x16xi32> to vector<16xi32>
    %swap3A_435 = vector.shape_cast %select_n3A_429 : vector<16xi32> to vector<1x16xi32>
    tpu.vector_store %arg11[%swap3A_431, %swap3A_432], %swap3A_435 {strides = array<i32>} : memref<4x128xi32, #tpu.memory_space<vmem>>, vector<1x16xi32>,
    %eq3A_436 = arith.cmpi eq, %get3A_425, %get3A_415 : vector<16xi32>
    %eq3A_437 = arith.cmpi eq, %get3A_425, %get3A_420 : vector<16xi32>
    %or3A_438 = arith.ori %eq3A_436, %eq3A_437 : vector<16xi1>
    %jit3A_439 = arith.constant 1000 : i32
    %broadcast_in_dim3A_440 = vector.broadcast %jit3A_439 : i32 to vector<16xi32>
    %select_n3A_441 = arith.select %or3A_438, %broadcast_in_dim3A_440, %get3A_425 : vector<16xi1>, vector<16xi32>
    %swap3A_442 = arith.constant 3 : i32
    %swap3A_443 = arith.index_cast %swap3A_442 : i32 to index
    %swap3A_444 = arith.constant 32 : index
    %swap3A_445 = tpu.vector_load %arg11[%swap3A_443, %swap3A_444] {strides = array<i32>} : memref<4x128xi32, #tpu.memory_space<vmem>>, vector<1x16xi32>,
    %swap3A_446 = vector.shape_cast %swap3A_445 : vector<1x16xi32> to vector<16xi32>
    %swap3A_447 = vector.shape_cast %select_n3A_441 : vector<16xi32> to vector<1x16xi32>
    tpu.vector_store %arg11[%swap3A_443, %swap3A_444], %swap3A_447 {strides = array<i32>} : memref<4x128xi32, #tpu.memory_space<vmem>>, vector<1x16xi32>,
    %get3A_448 = arith.constant 1 : i32
    %get3A_449 = arith.index_cast %get3A_448 : i32 to index
    %get3A_450 = arith.constant 48 : index
    %get3A_451 = tpu.vector_load %arg10[%get3A_449, %get3A_450] {strides = array<i32>} : memref<8x128xi32, #tpu.memory_space<vmem>>, vector<1x16xi32>,
    %get3A_452 = vector.shape_cast %get3A_451 : vector<1x16xi32> to vector<16xi32>
    %get3A_453 = arith.constant 3 : i32
    %get3A_454 = arith.index_cast %get3A_453 : i32 to index
    %get3A_455 = arith.constant 48 : index
    %get3A_456 = tpu.vector_load %arg10[%get3A_454, %get3A_455] {strides = array<i32>} : memref<8x128xi32, #tpu.memory_space<vmem>>, vector<1x16xi32>,
    %get3A_457 = vector.shape_cast %get3A_456 : vector<1x16xi32> to vector<16xi32>
    %get3A_458 = arith.constant 5 : i32
    %get3A_459 = arith.index_cast %get3A_458 : i32 to index
    %get3A_460 = arith.constant 48 : index
    %get3A_461 = tpu.vector_load %arg10[%get3A_459, %get3A_460] {strides = array<i32>} : memref<8x128xi32, #tpu.memory_space<vmem>>, vector<1x16xi32>,
    %get3A_462 = vector.shape_cast %get3A_461 : vector<1x16xi32> to vector<16xi32>
    %eq3A_463 = arith.cmpi eq, %get3A_457, %get3A_452 : vector<16xi32>
    %jit3A_464 = arith.constant 1000 : i32
    %broadcast_in_dim3A_465 = vector.broadcast %jit3A_464 : i32 to vector<16xi32>
    %select_n3A_466 = arith.select %eq3A_463, %broadcast_in_dim3A_465, %get3A_457 : vector<16xi1>, vector<16xi32>
    %swap3A_467 = arith.constant 1 : i32
    %swap3A_468 = arith.index_cast %swap3A_467 : i32 to index
    %swap3A_469 = arith.constant 48 : index
    %swap3A_470 = tpu.vector_load %arg11[%swap3A_468, %swap3A_469] {strides = array<i32>} : memref<4x128xi32, #tpu.memory_space<vmem>>, vector<1x16xi32>,
    %swap3A_471 = vector.shape_cast %swap3A_470 : vector<1x16xi32> to vector<16xi32>
    %swap3A_472 = vector.shape_cast %select_n3A_466 : vector<16xi32> to vector<1x16xi32>
    tpu.vector_store %arg11[%swap3A_468, %swap3A_469], %swap3A_472 {strides = array<i32>} : memref<4x128xi32, #tpu.memory_space<vmem>>, vector<1x16xi32>,
    %eq3A_473 = arith.cmpi eq, %get3A_462, %get3A_452 : vector<16xi32>
    %eq3A_474 = arith.cmpi eq, %get3A_462, %get3A_457 : vector<16xi32>
    %or3A_475 = arith.ori %eq3A_473, %eq3A_474 : vector<16xi1>
    %jit3A_476 = arith.constant 1000 : i32
    %broadcast_in_dim3A_477 = vector.broadcast %jit3A_476 : i32 to vector<16xi32>
    %select_n3A_478 = arith.select %or3A_475, %broadcast_in_dim3A_477, %get3A_462 : vector<16xi1>, vector<16xi32>
    %swap3A_479 = arith.constant 3 : i32
    %swap3A_480 = arith.index_cast %swap3A_479 : i32 to index
    %swap3A_481 = arith.constant 48 : index
    %swap3A_482 = tpu.vector_load %arg11[%swap3A_480, %swap3A_481] {strides = array<i32>} : memref<4x128xi32, #tpu.memory_space<vmem>>, vector<1x16xi32>,
    %swap3A_483 = vector.shape_cast %swap3A_482 : vector<1x16xi32> to vector<16xi32>
    %swap3A_484 = vector.shape_cast %select_n3A_478 : vector<16xi32> to vector<1x16xi32>
    tpu.vector_store %arg11[%swap3A_480, %swap3A_481], %swap3A_484 {strides = array<i32>} : memref<4x128xi32, #tpu.memory_space<vmem>>, vector<1x16xi32>,
    %get3A_485 = arith.constant 1 : i32
    %get3A_486 = arith.index_cast %get3A_485 : i32 to index
    %get3A_487 = arith.constant 64 : index
    %get3A_488 = tpu.vector_load %arg10[%get3A_486, %get3A_487] {strides = array<i32>} : memref<8x128xi32, #tpu.memory_space<vmem>>, vector<1x16xi32>,
    %get3A_489 = vector.shape_cast %get3A_488 : vector<1x16xi32> to vector<16xi32>
    %get3A_490 = arith.constant 3 : i32
    %get3A_491 = arith.index_cast %get3A_490 : i32 to index
    %get3A_492 = arith.constant 64 : index
    %get3A_493 = tpu.vector_load %arg10[%get3A_491, %get3A_492] {strides = array<i32>} : memref<8x128xi32, #tpu.memory_space<vmem>>, vector<1x16xi32>,
    %get3A_494 = vector.shape_cast %get3A_493 : vector<1x16xi32> to vector<16xi32>
    %get3A_495 = arith.constant 5 : i32
    %get3A_496 = arith.index_cast %get3A_495 : i32 to index
    %get3A_497 = arith.constant 64 : index
    %get3A_498 = tpu.vector_load %arg10[%get3A_496, %get3A_497] {strides = array<i32>} : memref<8x128xi32, #tpu.memory_space<vmem>>, vector<1x16xi32>,
    %get3A_499 = vector.shape_cast %get3A_498 : vector<1x16xi32> to vector<16xi32>
    %eq3A_500 = arith.cmpi eq, %get3A_494, %get3A_489 : vector<16xi32>
    %jit3A_501 = arith.constant 1000 : i32
    %broadcast_in_dim3A_502 = vector.broadcast %jit3A_501 : i32 to vector<16xi32>
    %select_n3A_503 = arith.select %eq3A_500, %broadcast_in_dim3A_502, %get3A_494 : vector<16xi1>, vector<16xi32>
    %swap3A_504 = arith.constant 1 : i32
    %swap3A_505 = arith.index_cast %swap3A_504 : i32 to index
    %swap3A_506 = arith.constant 64 : index
    %swap3A_507 = tpu.vector_load %arg11[%swap3A_505, %swap3A_506] {strides = array<i32>} : memref<4x128xi32, #tpu.memory_space<vmem>>, vector<1x16xi32>,
    %swap3A_508 = vector.shape_cast %swap3A_507 : vector<1x16xi32> to vector<16xi32>
    %swap3A_509 = vector.shape_cast %select_n3A_503 : vector<16xi32> to vector<1x16xi32>
    tpu.vector_store %arg11[%swap3A_505, %swap3A_506], %swap3A_509 {strides = array<i32>} : memref<4x128xi32, #tpu.memory_space<vmem>>, vector<1x16xi32>,
    %eq3A_510 = arith.cmpi eq, %get3A_499, %get3A_489 : vector<16xi32>
    %eq3A_511 = arith.cmpi eq, %get3A_499, %get3A_494 : vector<16xi32>
    %or3A_512 = arith.ori %eq3A_510, %eq3A_511 : vector<16xi1>
    %jit3A_513 = arith.constant 1000 : i32
    %broadcast_in_dim3A_514 = vector.broadcast %jit3A_513 : i32 to vector<16xi32>
    %select_n3A_515 = arith.select %or3A_512, %broadcast_in_dim3A_514, %get3A_499 : vector<16xi1>, vector<16xi32>
    %swap3A_516 = arith.constant 3 : i32
    %swap3A_517 = arith.index_cast %swap3A_516 : i32 to index
    %swap3A_518 = arith.constant 64 : index
    %swap3A_519 = tpu.vector_load %arg11[%swap3A_517, %swap3A_518] {strides = array<i32>} : memref<4x128xi32, #tpu.memory_space<vmem>>, vector<1x16xi32>,
    %swap3A_520 = vector.shape_cast %swap3A_519 : vector<1x16xi32> to vector<16xi32>
    %swap3A_521 = vector.shape_cast %select_n3A_515 : vector<16xi32> to vector<1x16xi32>
    tpu.vector_store %arg11[%swap3A_517, %swap3A_518], %swap3A_521 {strides = array<i32>} : memref<4x128xi32, #tpu.memory_space<vmem>>, vector<1x16xi32>,
    %get3A_522 = arith.constant 1 : i32
    %get3A_523 = arith.index_cast %get3A_522 : i32 to index
    %get3A_524 = arith.constant 80 : index
    %get3A_525 = tpu.vector_load %arg10[%get3A_523, %get3A_524] {strides = array<i32>} : memref<8x128xi32, #tpu.memory_space<vmem>>, vector<1x16xi32>,
    %get3A_526 = vector.shape_cast %get3A_525 : vector<1x16xi32> to vector<16xi32>
    %get3A_527 = arith.constant 3 : i32
    %get3A_528 = arith.index_cast %get3A_527 : i32 to index
    %get3A_529 = arith.constant 80 : index
    %get3A_530 = tpu.vector_load %arg10[%get3A_528, %get3A_529] {strides = array<i32>} : memref<8x128xi32, #tpu.memory_space<vmem>>, vector<1x16xi32>,
    %get3A_531 = vector.shape_cast %get3A_530 : vector<1x16xi32> to vector<16xi32>
    %get3A_532 = arith.constant 5 : i32
    %get3A_533 = arith.index_cast %get3A_532 : i32 to index
    %get3A_534 = arith.constant 80 : index
    %get3A_535 = tpu.vector_load %arg10[%get3A_533, %get3A_534] {strides = array<i32>} : memref<8x128xi32, #tpu.memory_space<vmem>>, vector<1x16xi32>,
    %get3A_536 = vector.shape_cast %get3A_535 : vector<1x16xi32> to vector<16xi32>
    %eq3A_537 = arith.cmpi eq, %get3A_531, %get3A_526 : vector<16xi32>
    %jit3A_538 = arith.constant 1000 : i32
    %broadcast_in_dim3A_539 = vector.broadcast %jit3A_538 : i32 to vector<16xi32>
    %select_n3A_540 = arith.select %eq3A_537, %broadcast_in_dim3A_539, %get3A_531 : vector<16xi1>, vector<16xi32>
    %swap3A_541 = arith.constant 1 : i32
    %swap3A_542 = arith.index_cast %swap3A_541 : i32 to index
    %swap3A_543 = arith.constant 80 : index
    %swap3A_544 = tpu.vector_load %arg11[%swap3A_542, %swap3A_543] {strides = array<i32>} : memref<4x128xi32, #tpu.memory_space<vmem>>, vector<1x16xi32>,
    %swap3A_545 = vector.shape_cast %swap3A_544 : vector<1x16xi32> to vector<16xi32>
    %swap3A_546 = vector.shape_cast %select_n3A_540 : vector<16xi32> to vector<1x16xi32>
    tpu.vector_store %arg11[%swap3A_542, %swap3A_543], %swap3A_546 {strides = array<i32>} : memref<4x128xi32, #tpu.memory_space<vmem>>, vector<1x16xi32>,
    %eq3A_547 = arith.cmpi eq, %get3A_536, %get3A_526 : vector<16xi32>
    %eq3A_548 = arith.cmpi eq, %get3A_536, %get3A_531 : vector<16xi32>
    %or3A_549 = arith.ori %eq3A_547, %eq3A_548 : vector<16xi1>
    %jit3A_550 = arith.constant 1000 : i32
    %broadcast_in_dim3A_551 = vector.broadcast %jit3A_550 : i32 to vector<16xi32>
    %select_n3A_552 = arith.select %or3A_549, %broadcast_in_dim3A_551, %get3A_536 : vector<16xi1>, vector<16xi32>
    %swap3A_553 = arith.constant 3 : i32
    %swap3A_554 = arith.index_cast %swap3A_553 : i32 to index
    %swap3A_555 = arith.constant 80 : index
    %swap3A_556 = tpu.vector_load %arg11[%swap3A_554, %swap3A_555] {strides = array<i32>} : memref<4x128xi32, #tpu.memory_space<vmem>>, vector<1x16xi32>,
    %swap3A_557 = vector.shape_cast %swap3A_556 : vector<1x16xi32> to vector<16xi32>
    %swap3A_558 = vector.shape_cast %select_n3A_552 : vector<16xi32> to vector<1x16xi32>
    tpu.vector_store %arg11[%swap3A_554, %swap3A_555], %swap3A_558 {strides = array<i32>} : memref<4x128xi32, #tpu.memory_space<vmem>>, vector<1x16xi32>,
    %get3A_559 = arith.constant 1 : i32
    %get3A_560 = arith.index_cast %get3A_559 : i32 to index
    %get3A_561 = arith.constant 96 : index
    %get3A_562 = tpu.vector_load %arg10[%get3A_560, %get3A_561] {strides = array<i32>} : memref<8x128xi32, #tpu.memory_space<vmem>>, vector<1x16xi32>,
    %get3A_563 = vector.shape_cast %get3A_562 : vector<1x16xi32> to vector<16xi32>
    %get3A_564 = arith.constant 3 : i32
    %get3A_565 = arith.index_cast %get3A_564 : i32 to index
    %get3A_566 = arith.constant 96 : index
    %get3A_567 = tpu.vector_load %arg10[%get3A_565, %get3A_566] {strides = array<i32>} : memref<8x128xi32, #tpu.memory_space<vmem>>, vector<1x16xi32>,
    %get3A_568 = vector.shape_cast %get3A_567 : vector<1x16xi32> to vector<16xi32>
    %get3A_569 = arith.constant 5 : i32
    %get3A_570 = arith.index_cast %get3A_569 : i32 to index
    %get3A_571 = arith.constant 96 : index
    %get3A_572 = tpu.vector_load %arg10[%get3A_570, %get3A_571] {strides = array<i32>} : memref<8x128xi32, #tpu.memory_space<vmem>>, vector<1x16xi32>,
    %get3A_573 = vector.shape_cast %get3A_572 : vector<1x16xi32> to vector<16xi32>
    %eq3A_574 = arith.cmpi eq, %get3A_568, %get3A_563 : vector<16xi32>
    %jit3A_575 = arith.constant 1000 : i32
    %broadcast_in_dim3A_576 = vector.broadcast %jit3A_575 : i32 to vector<16xi32>
    %select_n3A_577 = arith.select %eq3A_574, %broadcast_in_dim3A_576, %get3A_568 : vector<16xi1>, vector<16xi32>
    %swap3A_578 = arith.constant 1 : i32
    %swap3A_579 = arith.index_cast %swap3A_578 : i32 to index
    %swap3A_580 = arith.constant 96 : index
    %swap3A_581 = tpu.vector_load %arg11[%swap3A_579, %swap3A_580] {strides = array<i32>} : memref<4x128xi32, #tpu.memory_space<vmem>>, vector<1x16xi32>,
    %swap3A_582 = vector.shape_cast %swap3A_581 : vector<1x16xi32> to vector<16xi32>
    %swap3A_583 = vector.shape_cast %select_n3A_577 : vector<16xi32> to vector<1x16xi32>
    tpu.vector_store %arg11[%swap3A_579, %swap3A_580], %swap3A_583 {strides = array<i32>} : memref<4x128xi32, #tpu.memory_space<vmem>>, vector<1x16xi32>,
    %eq3A_584 = arith.cmpi eq, %get3A_573, %get3A_563 : vector<16xi32>
    %eq3A_585 = arith.cmpi eq, %get3A_573, %get3A_568 : vector<16xi32>
    %or3A_586 = arith.ori %eq3A_584, %eq3A_585 : vector<16xi1>
    %jit3A_587 = arith.constant 1000 : i32
    %broadcast_in_dim3A_588 = vector.broadcast %jit3A_587 : i32 to vector<16xi32>
    %select_n3A_589 = arith.select %or3A_586, %broadcast_in_dim3A_588, %get3A_573 : vector<16xi1>, vector<16xi32>
    %swap3A_590 = arith.constant 3 : i32
    %swap3A_591 = arith.index_cast %swap3A_590 : i32 to index
    %swap3A_592 = arith.constant 96 : index
    %swap3A_593 = tpu.vector_load %arg11[%swap3A_591, %swap3A_592] {strides = array<i32>} : memref<4x128xi32, #tpu.memory_space<vmem>>, vector<1x16xi32>,
    %swap3A_594 = vector.shape_cast %swap3A_593 : vector<1x16xi32> to vector<16xi32>
    %swap3A_595 = vector.shape_cast %select_n3A_589 : vector<16xi32> to vector<1x16xi32>
    tpu.vector_store %arg11[%swap3A_591, %swap3A_592], %swap3A_595 {strides = array<i32>} : memref<4x128xi32, #tpu.memory_space<vmem>>, vector<1x16xi32>,
    %get3A_596 = arith.constant 1 : i32
    %get3A_597 = arith.index_cast %get3A_596 : i32 to index
    %get3A_598 = arith.constant 112 : index
    %get3A_599 = tpu.vector_load %arg10[%get3A_597, %get3A_598] {strides = array<i32>} : memref<8x128xi32, #tpu.memory_space<vmem>>, vector<1x16xi32>,
    %get3A_600 = vector.shape_cast %get3A_599 : vector<1x16xi32> to vector<16xi32>
    %get3A_601 = arith.constant 3 : i32
    %get3A_602 = arith.index_cast %get3A_601 : i32 to index
    %get3A_603 = arith.constant 112 : index
    %get3A_604 = tpu.vector_load %arg10[%get3A_602, %get3A_603] {strides = array<i32>} : memref<8x128xi32, #tpu.memory_space<vmem>>, vector<1x16xi32>,
    %get3A_605 = vector.shape_cast %get3A_604 : vector<1x16xi32> to vector<16xi32>
    %get3A_606 = arith.constant 5 : i32
    %get3A_607 = arith.index_cast %get3A_606 : i32 to index
    %get3A_608 = arith.constant 112 : index
    %get3A_609 = tpu.vector_load %arg10[%get3A_607, %get3A_608] {strides = array<i32>} : memref<8x128xi32, #tpu.memory_space<vmem>>, vector<1x16xi32>,
    %get3A_610 = vector.shape_cast %get3A_609 : vector<1x16xi32> to vector<16xi32>
    %eq3A_611 = arith.cmpi eq, %get3A_605, %get3A_600 : vector<16xi32>
    %jit3A_612 = arith.constant 1000 : i32
    %broadcast_in_dim3A_613 = vector.broadcast %jit3A_612 : i32 to vector<16xi32>
    %select_n3A_614 = arith.select %eq3A_611, %broadcast_in_dim3A_613, %get3A_605 : vector<16xi1>, vector<16xi32>
    %swap3A_615 = arith.constant 1 : i32
    %swap3A_616 = arith.index_cast %swap3A_615 : i32 to index
    %swap3A_617 = arith.constant 112 : index
    %swap3A_618 = tpu.vector_load %arg11[%swap3A_616, %swap3A_617] {strides = array<i32>} : memref<4x128xi32, #tpu.memory_space<vmem>>, vector<1x16xi32>,
    %swap3A_619 = vector.shape_cast %swap3A_618 : vector<1x16xi32> to vector<16xi32>
    %swap3A_620 = vector.shape_cast %select_n3A_614 : vector<16xi32> to vector<1x16xi32>
    tpu.vector_store %arg11[%swap3A_616, %swap3A_617], %swap3A_620 {strides = array<i32>} : memref<4x128xi32, #tpu.memory_space<vmem>>, vector<1x16xi32>,
    %eq3A_621 = arith.cmpi eq, %get3A_610, %get3A_600 : vector<16xi32>
    %eq3A_622 = arith.cmpi eq, %get3A_610, %get3A_605 : vector<16xi32>
    %or3A_623 = arith.ori %eq3A_621, %eq3A_622 : vector<16xi1>
    %jit3A_624 = arith.constant 1000 : i32
    %broadcast_in_dim3A_625 = vector.broadcast %jit3A_624 : i32 to vector<16xi32>
    %select_n3A_626 = arith.select %or3A_623, %broadcast_in_dim3A_625, %get3A_610 : vector<16xi1>, vector<16xi32>
    %swap3A_627 = arith.constant 3 : i32
    %swap3A_628 = arith.index_cast %swap3A_627 : i32 to index
    %swap3A_629 = arith.constant 112 : index
    %swap3A_630 = tpu.vector_load %arg11[%swap3A_628, %swap3A_629] {strides = array<i32>} : memref<4x128xi32, #tpu.memory_space<vmem>>, vector<1x16xi32>,
    %swap3A_631 = vector.shape_cast %swap3A_630 : vector<1x16xi32> to vector<16xi32>
    %swap3A_632 = vector.shape_cast %select_n3A_626 : vector<16xi32> to vector<1x16xi32>
    tpu.vector_store %arg11[%swap3A_628, %swap3A_629], %swap3A_632 {strides = array<i32>} : memref<4x128xi32, #tpu.memory_space<vmem>>, vector<1x16xi32>,
    %dma_wait3A_633 = arith.constant 0 : i32
    %dma_wait3A_634 = arith.constant 0 : i32
    %dma_wait3A_635 = tpu.memref_slice %arg9[%dma_wait3A_633, %dma_wait3A_634] : memref<8x128xi32, #tpu.memory_space<vmem>> -> memref<1x128xi32, #tpu.memory_space<vmem>>
    %dma_wait3A_636 = tpu.memref_squeeze %dma_wait3A_635 : memref<1x128xi32, #tpu.memory_space<vmem>> -> memref<128xi32, #tpu.memory_space<vmem>>
    %dma_wait3A_637 = arith.constant 0 : i32
    %dma_wait3A_638 = arith.constant 0 : i32
    %dma_wait3A_639 = tpu.memref_slice %arg2[%dma_wait3A_637, %dma_wait3A_638] : memref<4096x128xf32, #tpu.memory_space<hbm>> -> memref<4096x128xf32, #tpu.memory_space<hbm>>
    tpu.wait_indirect_dma semaphore(%arg20 : memref<!tpu.dma_semaphore, #tpu.memory_space<semaphore_mem>>) src(%dma_wait3A_639 : memref<4096x128xf32, #tpu.memory_space<hbm>>) dst(%arg12 : memref<128x128xf32, #tpu.memory_space<vmem>>)
    %dma_wait3A_640 = arith.constant 2 : i32
    %dma_wait3A_641 = arith.constant 0 : i32
    %dma_wait3A_642 = tpu.memref_slice %arg9[%dma_wait3A_640, %dma_wait3A_641] : memref<8x128xi32, #tpu.memory_space<vmem>> -> memref<1x128xi32, #tpu.memory_space<vmem>>
    %dma_wait3A_643 = tpu.memref_squeeze %dma_wait3A_642 : memref<1x128xi32, #tpu.memory_space<vmem>> -> memref<128xi32, #tpu.memory_space<vmem>>
    %dma_wait3A_644 = arith.constant 0 : i32
    %dma_wait3A_645 = arith.constant 0 : i32
    %dma_wait3A_646 = tpu.memref_slice %arg2[%dma_wait3A_644, %dma_wait3A_645] : memref<4096x128xf32, #tpu.memory_space<hbm>> -> memref<4096x128xf32, #tpu.memory_space<hbm>>
    tpu.wait_indirect_dma semaphore(%arg20 : memref<!tpu.dma_semaphore, #tpu.memory_space<semaphore_mem>>) src(%dma_wait3A_646 : memref<4096x128xf32, #tpu.memory_space<hbm>>) dst(%arg13 : memref<128x128xf32, #tpu.memory_space<vmem>>)
    %dma_wait3A_647 = arith.constant 4 : i32
    %dma_wait3A_648 = arith.constant 0 : i32
    %dma_wait3A_649 = tpu.memref_slice %arg9[%dma_wait3A_647, %dma_wait3A_648] : memref<8x128xi32, #tpu.memory_space<vmem>> -> memref<1x128xi32, #tpu.memory_space<vmem>>
    %dma_wait3A_650 = tpu.memref_squeeze %dma_wait3A_649 : memref<1x128xi32, #tpu.memory_space<vmem>> -> memref<128xi32, #tpu.memory_space<vmem>>
    %dma_wait3A_651 = arith.constant 0 : i32
    %dma_wait3A_652 = arith.constant 0 : i32
    %dma_wait3A_653 = tpu.memref_slice %arg2[%dma_wait3A_651, %dma_wait3A_652] : memref<4096x128xf32, #tpu.memory_space<hbm>> -> memref<4096x128xf32, #tpu.memory_space<hbm>>
    tpu.wait_indirect_dma semaphore(%arg20 : memref<!tpu.dma_semaphore, #tpu.memory_space<semaphore_mem>>) src(%dma_wait3A_653 : memref<4096x128xf32, #tpu.memory_space<hbm>>) dst(%arg14 : memref<128x128xf32, #tpu.memory_space<vmem>>)
    %scan3A = arith.constant 0 : i32
    %scan3A_654 = arith.constant 0 : i32
    %scan3A_655 = arith.constant 128 : i32
    %scan3A_656 = arith.addi %scan3A_654, %scan3A_655 : i32
    %scan3A_657 = arith.constant 1 : i32
    scf.for %scan3A_910 = %scan3A_654 to %scan3A_656 step %scan3A_657  : i32 {
      %get3A_911 = arith.index_cast %scan3A_910 : i32 to index
      %get3A_912 = arith.constant 0 : index
      %get3A_913 = tpu.vector_load %arg12[%get3A_911, %get3A_912] {strides = array<i32>} : memref<128x128xf32, #tpu.memory_space<vmem>>, vector<1x16xf32>,
      %get3A_914 = vector.shape_cast %get3A_913 : vector<1x16xf32> to vector<16xf32>
      %get3A_915 = arith.index_cast %scan3A_910 : i32 to index
      %get3A_916 = arith.constant 0 : index
      %get3A_917 = tpu.vector_load %arg13[%get3A_915, %get3A_916] {strides = array<i32>} : memref<128x128xf32, #tpu.memory_space<vmem>>, vector<1x16xf32>,
      %get3A_918 = vector.shape_cast %get3A_917 : vector<1x16xf32> to vector<16xf32>
      %add3A_919 = arith.addf %get3A_914, %get3A_918 : vector<16xf32>
      %get3A_920 = arith.index_cast %scan3A_910 : i32 to index
      %get3A_921 = arith.constant 0 : index
      %get3A_922 = tpu.vector_load %arg14[%get3A_920, %get3A_921] {strides = array<i32>} : memref<128x128xf32, #tpu.memory_space<vmem>>, vector<1x16xf32>,
      %get3A_923 = vector.shape_cast %get3A_922 : vector<1x16xf32> to vector<16xf32>
      %add3A_924 = arith.addf %add3A_919, %get3A_923 : vector<16xf32>
      %swap3A_925 = arith.index_cast %scan3A_910 : i32 to index
      %swap3A_926 = arith.constant 0 : index
      %swap3A_927 = tpu.vector_load %arg12[%swap3A_925, %swap3A_926] {strides = array<i32>} : memref<128x128xf32, #tpu.memory_space<vmem>>, vector<1x16xf32>,
      %swap3A_928 = vector.shape_cast %swap3A_927 : vector<1x16xf32> to vector<16xf32>
      %swap3A_929 = vector.shape_cast %add3A_924 : vector<16xf32> to vector<1x16xf32>
      tpu.vector_store %arg12[%swap3A_925, %swap3A_926], %swap3A_929 {strides = array<i32>} : memref<128x128xf32, #tpu.memory_space<vmem>>, vector<1x16xf32>,
      %get3A_930 = arith.index_cast %scan3A_910 : i32 to index
      %get3A_931 = arith.constant 16 : index
      %get3A_932 = tpu.vector_load %arg12[%get3A_930, %get3A_931] {strides = array<i32>} : memref<128x128xf32, #tpu.memory_space<vmem>>, vector<1x16xf32>,
      %get3A_933 = vector.shape_cast %get3A_932 : vector<1x16xf32> to vector<16xf32>
      %get3A_934 = arith.index_cast %scan3A_910 : i32 to index
      %get3A_935 = arith.constant 16 : index
      %get3A_936 = tpu.vector_load %arg13[%get3A_934, %get3A_935] {strides = array<i32>} : memref<128x128xf32, #tpu.memory_space<vmem>>, vector<1x16xf32>,
      %get3A_937 = vector.shape_cast %get3A_936 : vector<1x16xf32> to vector<16xf32>
      %add3A_938 = arith.addf %get3A_933, %get3A_937 : vector<16xf32>
      %get3A_939 = arith.index_cast %scan3A_910 : i32 to index
      %get3A_940 = arith.constant 16 : index
      %get3A_941 = tpu.vector_load %arg14[%get3A_939, %get3A_940] {strides = array<i32>} : memref<128x128xf32, #tpu.memory_space<vmem>>, vector<1x16xf32>,
      %get3A_942 = vector.shape_cast %get3A_941 : vector<1x16xf32> to vector<16xf32>
      %add3A_943 = arith.addf %add3A_938, %get3A_942 : vector<16xf32>
      %swap3A_944 = arith.index_cast %scan3A_910 : i32 to index
      %swap3A_945 = arith.constant 16 : index
      %swap3A_946 = tpu.vector_load %arg12[%swap3A_944, %swap3A_945] {strides = array<i32>} : memref<128x128xf32, #tpu.memory_space<vmem>>, vector<1x16xf32>,
      %swap3A_947 = vector.shape_cast %swap3A_946 : vector<1x16xf32> to vector<16xf32>
      %swap3A_948 = vector.shape_cast %add3A_943 : vector<16xf32> to vector<1x16xf32>
      tpu.vector_store %arg12[%swap3A_944, %swap3A_945], %swap3A_948 {strides = array<i32>} : memref<128x128xf32, #tpu.memory_space<vmem>>, vector<1x16xf32>,
      %get3A_949 = arith.index_cast %scan3A_910 : i32 to index
      %get3A_950 = arith.constant 32 : index
      %get3A_951 = tpu.vector_load %arg12[%get3A_949, %get3A_950] {strides = array<i32>} : memref<128x128xf32, #tpu.memory_space<vmem>>, vector<1x16xf32>,
      %get3A_952 = vector.shape_cast %get3A_951 : vector<1x16xf32> to vector<16xf32>
      %get3A_953 = arith.index_cast %scan3A_910 : i32 to index
      %get3A_954 = arith.constant 32 : index
      %get3A_955 = tpu.vector_load %arg13[%get3A_953, %get3A_954] {strides = array<i32>} : memref<128x128xf32, #tpu.memory_space<vmem>>, vector<1x16xf32>,
      %get3A_956 = vector.shape_cast %get3A_955 : vector<1x16xf32> to vector<16xf32>
      %add3A_957 = arith.addf %get3A_952, %get3A_956 : vector<16xf32>
      %get3A_958 = arith.index_cast %scan3A_910 : i32 to index
      %get3A_959 = arith.constant 32 : index
      %get3A_960 = tpu.vector_load %arg14[%get3A_958, %get3A_959] {strides = array<i32>} : memref<128x128xf32, #tpu.memory_space<vmem>>, vector<1x16xf32>,
      %get3A_961 = vector.shape_cast %get3A_960 : vector<1x16xf32> to vector<16xf32>
      %add3A_962 = arith.addf %add3A_957, %get3A_961 : vector<16xf32>
      %swap3A_963 = arith.index_cast %scan3A_910 : i32 to index
      %swap3A_964 = arith.constant 32 : index
      %swap3A_965 = tpu.vector_load %arg12[%swap3A_963, %swap3A_964] {strides = array<i32>} : memref<128x128xf32, #tpu.memory_space<vmem>>, vector<1x16xf32>,
      %swap3A_966 = vector.shape_cast %swap3A_965 : vector<1x16xf32> to vector<16xf32>
      %swap3A_967 = vector.shape_cast %add3A_962 : vector<16xf32> to vector<1x16xf32>
      tpu.vector_store %arg12[%swap3A_963, %swap3A_964], %swap3A_967 {strides = array<i32>} : memref<128x128xf32, #tpu.memory_space<vmem>>, vector<1x16xf32>,
      %get3A_968 = arith.index_cast %scan3A_910 : i32 to index
      %get3A_969 = arith.constant 48 : index
      %get3A_970 = tpu.vector_load %arg12[%get3A_968, %get3A_969] {strides = array<i32>} : memref<128x128xf32, #tpu.memory_space<vmem>>, vector<1x16xf32>,
      %get3A_971 = vector.shape_cast %get3A_970 : vector<1x16xf32> to vector<16xf32>
      %get3A_972 = arith.index_cast %scan3A_910 : i32 to index
      %get3A_973 = arith.constant 48 : index
      %get3A_974 = tpu.vector_load %arg13[%get3A_972, %get3A_973] {strides = array<i32>} : memref<128x128xf32, #tpu.memory_space<vmem>>, vector<1x16xf32>,
      %get3A_975 = vector.shape_cast %get3A_974 : vector<1x16xf32> to vector<16xf32>
      %add3A_976 = arith.addf %get3A_971, %get3A_975 : vector<16xf32>
      %get3A_977 = arith.index_cast %scan3A_910 : i32 to index
      %get3A_978 = arith.constant 48 : index
      %get3A_979 = tpu.vector_load %arg14[%get3A_977, %get3A_978] {strides = array<i32>} : memref<128x128xf32, #tpu.memory_space<vmem>>, vector<1x16xf32>,
      %get3A_980 = vector.shape_cast %get3A_979 : vector<1x16xf32> to vector<16xf32>
      %add3A_981 = arith.addf %add3A_976, %get3A_980 : vector<16xf32>
      %swap3A_982 = arith.index_cast %scan3A_910 : i32 to index
      %swap3A_983 = arith.constant 48 : index
      %swap3A_984 = tpu.vector_load %arg12[%swap3A_982, %swap3A_983] {strides = array<i32>} : memref<128x128xf32, #tpu.memory_space<vmem>>, vector<1x16xf32>,
      %swap3A_985 = vector.shape_cast %swap3A_984 : vector<1x16xf32> to vector<16xf32>
      %swap3A_986 = vector.shape_cast %add3A_981 : vector<16xf32> to vector<1x16xf32>
      tpu.vector_store %arg12[%swap3A_982, %swap3A_983], %swap3A_986 {strides = array<i32>} : memref<128x128xf32, #tpu.memory_space<vmem>>, vector<1x16xf32>,
      %get3A_987 = arith.index_cast %scan3A_910 : i32 to index
      %get3A_988 = arith.constant 64 : index
      %get3A_989 = tpu.vector_load %arg12[%get3A_987, %get3A_988] {strides = array<i32>} : memref<128x128xf32, #tpu.memory_space<vmem>>, vector<1x16xf32>,
      %get3A_990 = vector.shape_cast %get3A_989 : vector<1x16xf32> to vector<16xf32>
      %get3A_991 = arith.index_cast %scan3A_910 : i32 to index
      %get3A_992 = arith.constant 64 : index
      %get3A_993 = tpu.vector_load %arg13[%get3A_991, %get3A_992] {strides = array<i32>} : memref<128x128xf32, #tpu.memory_space<vmem>>, vector<1x16xf32>,
      %get3A_994 = vector.shape_cast %get3A_993 : vector<1x16xf32> to vector<16xf32>
      %add3A_995 = arith.addf %get3A_990, %get3A_994 : vector<16xf32>
      %get3A_996 = arith.index_cast %scan3A_910 : i32 to index
      %get3A_997 = arith.constant 64 : index
      %get3A_998 = tpu.vector_load %arg14[%get3A_996, %get3A_997] {strides = array<i32>} : memref<128x128xf32, #tpu.memory_space<vmem>>, vector<1x16xf32>,
      %get3A_999 = vector.shape_cast %get3A_998 : vector<1x16xf32> to vector<16xf32>
      %add3A_1000 = arith.addf %add3A_995, %get3A_999 : vector<16xf32>
      %swap3A_1001 = arith.index_cast %scan3A_910 : i32 to index
      %swap3A_1002 = arith.constant 64 : index
      %swap3A_1003 = tpu.vector_load %arg12[%swap3A_1001, %swap3A_1002] {strides = array<i32>} : memref<128x128xf32, #tpu.memory_space<vmem>>, vector<1x16xf32>,
      %swap3A_1004 = vector.shape_cast %swap3A_1003 : vector<1x16xf32> to vector<16xf32>
      %swap3A_1005 = vector.shape_cast %add3A_1000 : vector<16xf32> to vector<1x16xf32>
      tpu.vector_store %arg12[%swap3A_1001, %swap3A_1002], %swap3A_1005 {strides = array<i32>} : memref<128x128xf32, #tpu.memory_space<vmem>>, vector<1x16xf32>,
      %get3A_1006 = arith.index_cast %scan3A_910 : i32 to index
      %get3A_1007 = arith.constant 80 : index
      %get3A_1008 = tpu.vector_load %arg12[%get3A_1006, %get3A_1007] {strides = array<i32>} : memref<128x128xf32, #tpu.memory_space<vmem>>, vector<1x16xf32>,
      %get3A_1009 = vector.shape_cast %get3A_1008 : vector<1x16xf32> to vector<16xf32>
      %get3A_1010 = arith.index_cast %scan3A_910 : i32 to index
      %get3A_1011 = arith.constant 80 : index
      %get3A_1012 = tpu.vector_load %arg13[%get3A_1010, %get3A_1011] {strides = array<i32>} : memref<128x128xf32, #tpu.memory_space<vmem>>, vector<1x16xf32>,
      %get3A_1013 = vector.shape_cast %get3A_1012 : vector<1x16xf32> to vector<16xf32>
      %add3A_1014 = arith.addf %get3A_1009, %get3A_1013 : vector<16xf32>
      %get3A_1015 = arith.index_cast %scan3A_910 : i32 to index
      %get3A_1016 = arith.constant 80 : index
      %get3A_1017 = tpu.vector_load %arg14[%get3A_1015, %get3A_1016] {strides = array<i32>} : memref<128x128xf32, #tpu.memory_space<vmem>>, vector<1x16xf32>,
      %get3A_1018 = vector.shape_cast %get3A_1017 : vector<1x16xf32> to vector<16xf32>
      %add3A_1019 = arith.addf %add3A_1014, %get3A_1018 : vector<16xf32>
      %swap3A_1020 = arith.index_cast %scan3A_910 : i32 to index
      %swap3A_1021 = arith.constant 80 : index
      %swap3A_1022 = tpu.vector_load %arg12[%swap3A_1020, %swap3A_1021] {strides = array<i32>} : memref<128x128xf32, #tpu.memory_space<vmem>>, vector<1x16xf32>,
      %swap3A_1023 = vector.shape_cast %swap3A_1022 : vector<1x16xf32> to vector<16xf32>
      %swap3A_1024 = vector.shape_cast %add3A_1019 : vector<16xf32> to vector<1x16xf32>
      tpu.vector_store %arg12[%swap3A_1020, %swap3A_1021], %swap3A_1024 {strides = array<i32>} : memref<128x128xf32, #tpu.memory_space<vmem>>, vector<1x16xf32>,
      %get3A_1025 = arith.index_cast %scan3A_910 : i32 to index
      %get3A_1026 = arith.constant 96 : index
      %get3A_1027 = tpu.vector_load %arg12[%get3A_1025, %get3A_1026] {strides = array<i32>} : memref<128x128xf32, #tpu.memory_space<vmem>>, vector<1x16xf32>,
      %get3A_1028 = vector.shape_cast %get3A_1027 : vector<1x16xf32> to vector<16xf32>
      %get3A_1029 = arith.index_cast %scan3A_910 : i32 to index
      %get3A_1030 = arith.constant 96 : index
      %get3A_1031 = tpu.vector_load %arg13[%get3A_1029, %get3A_1030] {strides = array<i32>} : memref<128x128xf32, #tpu.memory_space<vmem>>, vector<1x16xf32>,
      %get3A_1032 = vector.shape_cast %get3A_1031 : vector<1x16xf32> to vector<16xf32>
      %add3A_1033 = arith.addf %get3A_1028, %get3A_1032 : vector<16xf32>
      %get3A_1034 = arith.index_cast %scan3A_910 : i32 to index
      %get3A_1035 = arith.constant 96 : index
      %get3A_1036 = tpu.vector_load %arg14[%get3A_1034, %get3A_1035] {strides = array<i32>} : memref<128x128xf32, #tpu.memory_space<vmem>>, vector<1x16xf32>,
      %get3A_1037 = vector.shape_cast %get3A_1036 : vector<1x16xf32> to vector<16xf32>
      %add3A_1038 = arith.addf %add3A_1033, %get3A_1037 : vector<16xf32>
      %swap3A_1039 = arith.index_cast %scan3A_910 : i32 to index
      %swap3A_1040 = arith.constant 96 : index
      %swap3A_1041 = tpu.vector_load %arg12[%swap3A_1039, %swap3A_1040] {strides = array<i32>} : memref<128x128xf32, #tpu.memory_space<vmem>>, vector<1x16xf32>,
      %swap3A_1042 = vector.shape_cast %swap3A_1041 : vector<1x16xf32> to vector<16xf32>
      %swap3A_1043 = vector.shape_cast %add3A_1038 : vector<16xf32> to vector<1x16xf32>
      tpu.vector_store %arg12[%swap3A_1039, %swap3A_1040], %swap3A_1043 {strides = array<i32>} : memref<128x128xf32, #tpu.memory_space<vmem>>, vector<1x16xf32>,
      %get3A_1044 = arith.index_cast %scan3A_910 : i32 to index
      %get3A_1045 = arith.constant 112 : index
      %get3A_1046 = tpu.vector_load %arg12[%get3A_1044, %get3A_1045] {strides = array<i32>} : memref<128x128xf32, #tpu.memory_space<vmem>>, vector<1x16xf32>,
      %get3A_1047 = vector.shape_cast %get3A_1046 : vector<1x16xf32> to vector<16xf32>
      %get3A_1048 = arith.index_cast %scan3A_910 : i32 to index
      %get3A_1049 = arith.constant 112 : index
      %get3A_1050 = tpu.vector_load %arg13[%get3A_1048, %get3A_1049] {strides = array<i32>} : memref<128x128xf32, #tpu.memory_space<vmem>>, vector<1x16xf32>,
      %get3A_1051 = vector.shape_cast %get3A_1050 : vector<1x16xf32> to vector<16xf32>
      %add3A_1052 = arith.addf %get3A_1047, %get3A_1051 : vector<16xf32>
      %get3A_1053 = arith.index_cast %scan3A_910 : i32 to index
      %get3A_1054 = arith.constant 112 : index
      %get3A_1055 = tpu.vector_load %arg14[%get3A_1053, %get3A_1054] {strides = array<i32>} : memref<128x128xf32, #tpu.memory_space<vmem>>, vector<1x16xf32>,
      %get3A_1056 = vector.shape_cast %get3A_1055 : vector<1x16xf32> to vector<16xf32>
      %add3A_1057 = arith.addf %add3A_1052, %get3A_1056 : vector<16xf32>
      %swap3A_1058 = arith.index_cast %scan3A_910 : i32 to index
      %swap3A_1059 = arith.constant 112 : index
      %swap3A_1060 = tpu.vector_load %arg12[%swap3A_1058, %swap3A_1059] {strides = array<i32>} : memref<128x128xf32, #tpu.memory_space<vmem>>, vector<1x16xf32>,
      %swap3A_1061 = vector.shape_cast %swap3A_1060 : vector<1x16xf32> to vector<16xf32>
      %swap3A_1062 = vector.shape_cast %add3A_1057 : vector<16xf32> to vector<1x16xf32>
      tpu.vector_store %arg12[%swap3A_1058, %swap3A_1059], %swap3A_1062 {strides = array<i32>} : memref<128x128xf32, #tpu.memory_space<vmem>>, vector<1x16xf32>,
    }
    %scan3A_658 = arith.constant 128 : i32
    %dma_start3A_659 = arith.constant 1 : i32
    %dma_start3A_660 = arith.constant 0 : i32
    %dma_start3A_661 = tpu.memref_slice %arg9[%dma_start3A_659, %dma_start3A_660] : memref<8x128xi32, #tpu.memory_space<vmem>> -> memref<1x128xi32, #tpu.memory_space<vmem>>
    %dma_start3A_662 = tpu.memref_squeeze %dma_start3A_661 : memref<1x128xi32, #tpu.memory_space<vmem>> -> memref<128xi32, #tpu.memory_space<vmem>>
    %dma_start3A_663 = arith.constant 0 : i32
    %dma_start3A_664 = arith.constant 0 : i32
    %dma_start3A_665 = tpu.memref_slice %arg2[%dma_start3A_663, %dma_start3A_664] : memref<4096x128xf32, #tpu.memory_space<hbm>> -> memref<4096x128xf32, #tpu.memory_space<hbm>>
    tpu.enqueue_indirect_dma source(%dma_start3A_665 : memref<4096x128xf32, #tpu.memory_space<hbm>>) target(%arg15 : memref<128x128xf32, #tpu.memory_space<vmem>>) offsets(%dma_start3A_662 : memref<128xi32, #tpu.memory_space<vmem>>) semaphore(%arg21 : memref<!tpu.dma_semaphore, #tpu.memory_space<semaphore_mem>>)
    %dma_start3A_666 = arith.constant 3 : i32
    %dma_start3A_667 = arith.constant 0 : i32
    %dma_start3A_668 = tpu.memref_slice %arg9[%dma_start3A_666, %dma_start3A_667] : memref<8x128xi32, #tpu.memory_space<vmem>> -> memref<1x128xi32, #tpu.memory_space<vmem>>
    %dma_start3A_669 = tpu.memref_squeeze %dma_start3A_668 : memref<1x128xi32, #tpu.memory_space<vmem>> -> memref<128xi32, #tpu.memory_space<vmem>>
    %dma_start3A_670 = arith.constant 0 : i32
    %dma_start3A_671 = arith.constant 0 : i32
    %dma_start3A_672 = tpu.memref_slice %arg2[%dma_start3A_670, %dma_start3A_671] : memref<4096x128xf32, #tpu.memory_space<hbm>> -> memref<4096x128xf32, #tpu.memory_space<hbm>>
    tpu.enqueue_indirect_dma source(%dma_start3A_672 : memref<4096x128xf32, #tpu.memory_space<hbm>>) target(%arg13 : memref<128x128xf32, #tpu.memory_space<vmem>>) offsets(%dma_start3A_669 : memref<128xi32, #tpu.memory_space<vmem>>) semaphore(%arg21 : memref<!tpu.dma_semaphore, #tpu.memory_space<semaphore_mem>>)
    %dma_start3A_673 = arith.constant 5 : i32
    %dma_start3A_674 = arith.constant 0 : i32
    %dma_start3A_675 = tpu.memref_slice %arg9[%dma_start3A_673, %dma_start3A_674] : memref<8x128xi32, #tpu.memory_space<vmem>> -> memref<1x128xi32, #tpu.memory_space<vmem>>
    %dma_start3A_676 = tpu.memref_squeeze %dma_start3A_675 : memref<1x128xi32, #tpu.memory_space<vmem>> -> memref<128xi32, #tpu.memory_space<vmem>>
    %dma_start3A_677 = arith.constant 0 : i32
    %dma_start3A_678 = arith.constant 0 : i32
    %dma_start3A_679 = tpu.memref_slice %arg2[%dma_start3A_677, %dma_start3A_678] : memref<4096x128xf32, #tpu.memory_space<hbm>> -> memref<4096x128xf32, #tpu.memory_space<hbm>>
    tpu.enqueue_indirect_dma source(%dma_start3A_679 : memref<4096x128xf32, #tpu.memory_space<hbm>>) target(%arg14 : memref<128x128xf32, #tpu.memory_space<vmem>>) offsets(%dma_start3A_676 : memref<128xi32, #tpu.memory_space<vmem>>) semaphore(%arg21 : memref<!tpu.dma_semaphore, #tpu.memory_space<semaphore_mem>>)
    %dma_wait3A_680 = arith.constant 0 : i32
    %dma_wait3A_681 = tpu.memref_slice %arg17[%mul3A_13, %dma_wait3A_680] : memref<1024x128xf32, #tpu.memory_space<vmem_shared>> -> memref<64x128xf32, #tpu.memory_space<vmem_shared>>
    tpu.wait_dma2 semaphore(%arg19 : memref<!tpu.dma_semaphore, #tpu.memory_space<semaphore_mem>>) src(%arg5 : memref<64x128xf32, #tpu.memory_space<hbm>>) dst(%dma_wait3A_681 : memref<64x128xf32, #tpu.memory_space<vmem_shared>>)
    %dma_wait3A_682 = arith.constant 0 : i32
    %dma_wait3A_683 = tpu.memref_slice %arg18[%mul3A_17, %dma_wait3A_682] : memref<1024x128xf32, #tpu.memory_space<vmem_shared>> -> memref<64x128xf32, #tpu.memory_space<vmem_shared>>
    tpu.wait_dma2 semaphore(%arg19 : memref<!tpu.dma_semaphore, #tpu.memory_space<semaphore_mem>>) src(%arg5 : memref<64x128xf32, #tpu.memory_space<hbm>>) dst(%dma_wait3A_683 : memref<64x128xf32, #tpu.memory_space<vmem_shared>>)
    tpu.wait_dma2 semaphore(%arg19 : memref<!tpu.dma_semaphore, #tpu.memory_space<semaphore_mem>>) src(%arg6 : memref<128x128xf32, #tpu.memory_space<hbm>>) dst(%arg16 : memref<128x128xf32, #tpu.memory_space<vmem>>)
    %barrier3A = arith.constant 0 : index
    tpu.barrier barrier_id(%barrier3A)
    %dma_start3A_684 = arith.constant 0 : i32
    %dma_start3A_685 = arith.constant 0 : i32
    %dma_start3A_686 = tpu.memref_slice %arg10[%dma_start3A_684, %dma_start3A_685] : memref<8x128xi32, #tpu.memory_space<vmem>> -> memref<1x128xi32, #tpu.memory_space<vmem>>
    %dma_start3A_687 = tpu.memref_squeeze %dma_start3A_686 : memref<1x128xi32, #tpu.memory_space<vmem>> -> memref<128xi32, #tpu.memory_space<vmem>>
    %dma_start3A_688 = arith.constant 0 : i32
    %dma_start3A_689 = arith.constant 0 : i32
    %dma_start3A_690 = tpu.memref_slice %arg17[%dma_start3A_688, %dma_start3A_689] : memref<1024x128xf32, #tpu.memory_space<vmem_shared>> -> memref<1024x128xf32, #tpu.memory_space<vmem_shared>>
    tpu.enqueue_indirect_dma source(%arg12 : memref<128x128xf32, #tpu.memory_space<vmem>>) target(%dma_start3A_690 : memref<1024x128xf32, #tpu.memory_space<vmem_shared>>) offsets(%dma_start3A_687 : memref<128xi32, #tpu.memory_space<vmem>>) semaphore(%arg19 : memref<!tpu.dma_semaphore, #tpu.memory_space<semaphore_mem>>) {add = true}
    %dma_start3A_691 = arith.constant 0 : i32
    %dma_start3A_692 = arith.constant 0 : i32
    %dma_start3A_693 = tpu.memref_slice %arg11[%dma_start3A_691, %dma_start3A_692] : memref<4x128xi32, #tpu.memory_space<vmem>> -> memref<1x128xi32, #tpu.memory_space<vmem>>
    %dma_start3A_694 = tpu.memref_squeeze %dma_start3A_693 : memref<1x128xi32, #tpu.memory_space<vmem>> -> memref<128xi32, #tpu.memory_space<vmem>>
    %dma_start3A_695 = arith.constant 0 : i32
    %dma_start3A_696 = arith.constant 0 : i32
    %dma_start3A_697 = tpu.memref_slice %arg17[%dma_start3A_695, %dma_start3A_696] : memref<1024x128xf32, #tpu.memory_space<vmem_shared>> -> memref<1024x128xf32, #tpu.memory_space<vmem_shared>>
    tpu.enqueue_indirect_dma source(%arg12 : memref<128x128xf32, #tpu.memory_space<vmem>>) target(%dma_start3A_697 : memref<1024x128xf32, #tpu.memory_space<vmem_shared>>) offsets(%dma_start3A_694 : memref<128xi32, #tpu.memory_space<vmem>>) semaphore(%arg19 : memref<!tpu.dma_semaphore, #tpu.memory_space<semaphore_mem>>) {add = true}
    %dma_start3A_698 = arith.constant 2 : i32
    %dma_start3A_699 = arith.constant 0 : i32
    %dma_start3A_700 = tpu.memref_slice %arg11[%dma_start3A_698, %dma_start3A_699] : memref<4x128xi32, #tpu.memory_space<vmem>> -> memref<1x128xi32, #tpu.memory_space<vmem>>
    %dma_start3A_701 = tpu.memref_squeeze %dma_start3A_700 : memref<1x128xi32, #tpu.memory_space<vmem>> -> memref<128xi32, #tpu.memory_space<vmem>>
    %dma_start3A_702 = arith.constant 0 : i32
    %dma_start3A_703 = arith.constant 0 : i32
    %dma_start3A_704 = tpu.memref_slice %arg17[%dma_start3A_702, %dma_start3A_703] : memref<1024x128xf32, #tpu.memory_space<vmem_shared>> -> memref<1024x128xf32, #tpu.memory_space<vmem_shared>>
    tpu.enqueue_indirect_dma source(%arg12 : memref<128x128xf32, #tpu.memory_space<vmem>>) target(%dma_start3A_704 : memref<1024x128xf32, #tpu.memory_space<vmem_shared>>) offsets(%dma_start3A_701 : memref<128xi32, #tpu.memory_space<vmem>>) semaphore(%arg19 : memref<!tpu.dma_semaphore, #tpu.memory_space<semaphore_mem>>) {add = true}
    %dma_start3A_705 = arith.constant 0 : i32
    %dma_start3A_706 = arith.constant 0 : i32
    %dma_start3A_707 = tpu.memref_slice %arg10[%dma_start3A_705, %dma_start3A_706] : memref<8x128xi32, #tpu.memory_space<vmem>> -> memref<1x128xi32, #tpu.memory_space<vmem>>
    %dma_start3A_708 = tpu.memref_squeeze %dma_start3A_707 : memref<1x128xi32, #tpu.memory_space<vmem>> -> memref<128xi32, #tpu.memory_space<vmem>>
    %dma_start3A_709 = arith.constant 0 : i32
    %dma_start3A_710 = arith.constant 0 : i32
    %dma_start3A_711 = tpu.memref_slice %arg18[%dma_start3A_709, %dma_start3A_710] : memref<1024x128xf32, #tpu.memory_space<vmem_shared>> -> memref<1024x128xf32, #tpu.memory_space<vmem_shared>>
    tpu.enqueue_indirect_dma source(%arg16 : memref<128x128xf32, #tpu.memory_space<vmem>>) target(%dma_start3A_711 : memref<1024x128xf32, #tpu.memory_space<vmem_shared>>) offsets(%dma_start3A_708 : memref<128xi32, #tpu.memory_space<vmem>>) semaphore(%arg19 : memref<!tpu.dma_semaphore, #tpu.memory_space<semaphore_mem>>) {add = true}
    %dma_start3A_712 = arith.constant 0 : i32
    %dma_start3A_713 = arith.constant 0 : i32
    %dma_start3A_714 = tpu.memref_slice %arg11[%dma_start3A_712, %dma_start3A_713] : memref<4x128xi32, #tpu.memory_space<vmem>> -> memref<1x128xi32, #tpu.memory_space<vmem>>
    %dma_start3A_715 = tpu.memref_squeeze %dma_start3A_714 : memref<1x128xi32, #tpu.memory_space<vmem>> -> memref<128xi32, #tpu.memory_space<vmem>>
    %dma_start3A_716 = arith.constant 0 : i32
    %dma_start3A_717 = arith.constant 0 : i32
    %dma_start3A_718 = tpu.memref_slice %arg18[%dma_start3A_716, %dma_start3A_717] : memref<1024x128xf32, #tpu.memory_space<vmem_shared>> -> memref<1024x128xf32, #tpu.memory_space<vmem_shared>>
    tpu.enqueue_indirect_dma source(%arg16 : memref<128x128xf32, #tpu.memory_space<vmem>>) target(%dma_start3A_718 : memref<1024x128xf32, #tpu.memory_space<vmem_shared>>) offsets(%dma_start3A_715 : memref<128xi32, #tpu.memory_space<vmem>>) semaphore(%arg19 : memref<!tpu.dma_semaphore, #tpu.memory_space<semaphore_mem>>) {add = true}
    %dma_start3A_719 = arith.constant 2 : i32
    %dma_start3A_720 = arith.constant 0 : i32
    %dma_start3A_721 = tpu.memref_slice %arg11[%dma_start3A_719, %dma_start3A_720] : memref<4x128xi32, #tpu.memory_space<vmem>> -> memref<1x128xi32, #tpu.memory_space<vmem>>
    %dma_start3A_722 = tpu.memref_squeeze %dma_start3A_721 : memref<1x128xi32, #tpu.memory_space<vmem>> -> memref<128xi32, #tpu.memory_space<vmem>>
    %dma_start3A_723 = arith.constant 0 : i32
    %dma_start3A_724 = arith.constant 0 : i32
    %dma_start3A_725 = tpu.memref_slice %arg18[%dma_start3A_723, %dma_start3A_724] : memref<1024x128xf32, #tpu.memory_space<vmem_shared>> -> memref<1024x128xf32, #tpu.memory_space<vmem_shared>>
    tpu.enqueue_indirect_dma source(%arg16 : memref<128x128xf32, #tpu.memory_space<vmem>>) target(%dma_start3A_725 : memref<1024x128xf32, #tpu.memory_space<vmem_shared>>) offsets(%dma_start3A_722 : memref<128xi32, #tpu.memory_space<vmem>>) semaphore(%arg19 : memref<!tpu.dma_semaphore, #tpu.memory_space<semaphore_mem>>) {add = true}
    %dma_start3A_726 = arith.constant 1 : i32
    %dma_start3A_727 = arith.constant 0 : i32
    %dma_start3A_728 = tpu.memref_slice %arg10[%dma_start3A_726, %dma_start3A_727] : memref<8x128xi32, #tpu.memory_space<vmem>> -> memref<1x128xi32, #tpu.memory_space<vmem>>
    %dma_start3A_729 = tpu.memref_squeeze %dma_start3A_728 : memref<1x128xi32, #tpu.memory_space<vmem>> -> memref<128xi32, #tpu.memory_space<vmem>>
    %dma_start3A_730 = arith.constant 0 : i32
    %dma_start3A_731 = arith.constant 0 : i32
    %dma_start3A_732 = tpu.memref_slice %arg18[%dma_start3A_730, %dma_start3A_731] : memref<1024x128xf32, #tpu.memory_space<vmem_shared>> -> memref<1024x128xf32, #tpu.memory_space<vmem_shared>>
    tpu.enqueue_indirect_dma source(%arg16 : memref<128x128xf32, #tpu.memory_space<vmem>>) target(%dma_start3A_732 : memref<1024x128xf32, #tpu.memory_space<vmem_shared>>) offsets(%dma_start3A_729 : memref<128xi32, #tpu.memory_space<vmem>>) semaphore(%arg19 : memref<!tpu.dma_semaphore, #tpu.memory_space<semaphore_mem>>) {add = true}
    %dma_start3A_733 = arith.constant 1 : i32
    %dma_start3A_734 = arith.constant 0 : i32
    %dma_start3A_735 = tpu.memref_slice %arg11[%dma_start3A_733, %dma_start3A_734] : memref<4x128xi32, #tpu.memory_space<vmem>> -> memref<1x128xi32, #tpu.memory_space<vmem>>
    %dma_start3A_736 = tpu.memref_squeeze %dma_start3A_735 : memref<1x128xi32, #tpu.memory_space<vmem>> -> memref<128xi32, #tpu.memory_space<vmem>>
    %dma_start3A_737 = arith.constant 0 : i32
    %dma_start3A_738 = arith.constant 0 : i32
    %dma_start3A_739 = tpu.memref_slice %arg18[%dma_start3A_737, %dma_start3A_738] : memref<1024x128xf32, #tpu.memory_space<vmem_shared>> -> memref<1024x128xf32, #tpu.memory_space<vmem_shared>>
    tpu.enqueue_indirect_dma source(%arg16 : memref<128x128xf32, #tpu.memory_space<vmem>>) target(%dma_start3A_739 : memref<1024x128xf32, #tpu.memory_space<vmem_shared>>) offsets(%dma_start3A_736 : memref<128xi32, #tpu.memory_space<vmem>>) semaphore(%arg19 : memref<!tpu.dma_semaphore, #tpu.memory_space<semaphore_mem>>) {add = true}
    %dma_start3A_740 = arith.constant 3 : i32
    %dma_start3A_741 = arith.constant 0 : i32
    %dma_start3A_742 = tpu.memref_slice %arg11[%dma_start3A_740, %dma_start3A_741] : memref<4x128xi32, #tpu.memory_space<vmem>> -> memref<1x128xi32, #tpu.memory_space<vmem>>
    %dma_start3A_743 = tpu.memref_squeeze %dma_start3A_742 : memref<1x128xi32, #tpu.memory_space<vmem>> -> memref<128xi32, #tpu.memory_space<vmem>>
    %dma_start3A_744 = arith.constant 0 : i32
    %dma_start3A_745 = arith.constant 0 : i32
    %dma_start3A_746 = tpu.memref_slice %arg18[%dma_start3A_744, %dma_start3A_745] : memref<1024x128xf32, #tpu.memory_space<vmem_shared>> -> memref<1024x128xf32, #tpu.memory_space<vmem_shared>>
    tpu.enqueue_indirect_dma source(%arg16 : memref<128x128xf32, #tpu.memory_space<vmem>>) target(%dma_start3A_746 : memref<1024x128xf32, #tpu.memory_space<vmem_shared>>) offsets(%dma_start3A_743 : memref<128xi32, #tpu.memory_space<vmem>>) semaphore(%arg19 : memref<!tpu.dma_semaphore, #tpu.memory_space<semaphore_mem>>) {add = true}
    %dma_wait3A_747 = arith.constant 1 : i32
    %dma_wait3A_748 = arith.constant 0 : i32
    %dma_wait3A_749 = tpu.memref_slice %arg9[%dma_wait3A_747, %dma_wait3A_748] : memref<8x128xi32, #tpu.memory_space<vmem>> -> memref<1x128xi32, #tpu.memory_space<vmem>>
    %dma_wait3A_750 = tpu.memref_squeeze %dma_wait3A_749 : memref<1x128xi32, #tpu.memory_space<vmem>> -> memref<128xi32, #tpu.memory_space<vmem>>
    %dma_wait3A_751 = arith.constant 0 : i32
    %dma_wait3A_752 = arith.constant 0 : i32
    %dma_wait3A_753 = tpu.memref_slice %arg2[%dma_wait3A_751, %dma_wait3A_752] : memref<4096x128xf32, #tpu.memory_space<hbm>> -> memref<4096x128xf32, #tpu.memory_space<hbm>>
    tpu.wait_indirect_dma semaphore(%arg21 : memref<!tpu.dma_semaphore, #tpu.memory_space<semaphore_mem>>) src(%dma_wait3A_753 : memref<4096x128xf32, #tpu.memory_space<hbm>>) dst(%arg15 : memref<128x128xf32, #tpu.memory_space<vmem>>)
    %dma_wait3A_754 = arith.constant 3 : i32
    %dma_wait3A_755 = arith.constant 0 : i32
    %dma_wait3A_756 = tpu.memref_slice %arg9[%dma_wait3A_754, %dma_wait3A_755] : memref<8x128xi32, #tpu.memory_space<vmem>> -> memref<1x128xi32, #tpu.memory_space<vmem>>
    %dma_wait3A_757 = tpu.memref_squeeze %dma_wait3A_756 : memref<1x128xi32, #tpu.memory_space<vmem>> -> memref<128xi32, #tpu.memory_space<vmem>>
    %dma_wait3A_758 = arith.constant 0 : i32
    %dma_wait3A_759 = arith.constant 0 : i32
    %dma_wait3A_760 = tpu.memref_slice %arg2[%dma_wait3A_758, %dma_wait3A_759] : memref<4096x128xf32, #tpu.memory_space<hbm>> -> memref<4096x128xf32, #tpu.memory_space<hbm>>
    tpu.wait_indirect_dma semaphore(%arg21 : memref<!tpu.dma_semaphore, #tpu.memory_space<semaphore_mem>>) src(%dma_wait3A_760 : memref<4096x128xf32, #tpu.memory_space<hbm>>) dst(%arg13 : memref<128x128xf32, #tpu.memory_space<vmem>>)
    %dma_wait3A_761 = arith.constant 5 : i32
    %dma_wait3A_762 = arith.constant 0 : i32
    %dma_wait3A_763 = tpu.memref_slice %arg9[%dma_wait3A_761, %dma_wait3A_762] : memref<8x128xi32, #tpu.memory_space<vmem>> -> memref<1x128xi32, #tpu.memory_space<vmem>>
    %dma_wait3A_764 = tpu.memref_squeeze %dma_wait3A_763 : memref<1x128xi32, #tpu.memory_space<vmem>> -> memref<128xi32, #tpu.memory_space<vmem>>
    %dma_wait3A_765 = arith.constant 0 : i32
    %dma_wait3A_766 = arith.constant 0 : i32
    %dma_wait3A_767 = tpu.memref_slice %arg2[%dma_wait3A_765, %dma_wait3A_766] : memref<4096x128xf32, #tpu.memory_space<hbm>> -> memref<4096x128xf32, #tpu.memory_space<hbm>>
    tpu.wait_indirect_dma semaphore(%arg21 : memref<!tpu.dma_semaphore, #tpu.memory_space<semaphore_mem>>) src(%dma_wait3A_767 : memref<4096x128xf32, #tpu.memory_space<hbm>>) dst(%arg14 : memref<128x128xf32, #tpu.memory_space<vmem>>)
    %scan3A_768 = arith.constant 0 : i32
    %scan3A_769 = arith.constant 0 : i32
    %scan3A_770 = arith.constant 128 : i32
    %scan3A_771 = arith.addi %scan3A_769, %scan3A_770 : i32
    %scan3A_772 = arith.constant 1 : i32
    scf.for %scan3A_910 = %scan3A_769 to %scan3A_771 step %scan3A_772  : i32 {
      %get3A_911 = arith.index_cast %scan3A_910 : i32 to index
      %get3A_912 = arith.constant 0 : index
      %get3A_913 = tpu.vector_load %arg15[%get3A_911, %get3A_912] {strides = array<i32>} : memref<128x128xf32, #tpu.memory_space<vmem>>, vector<1x16xf32>,
      %get3A_914 = vector.shape_cast %get3A_913 : vector<1x16xf32> to vector<16xf32>
      %get3A_915 = arith.index_cast %scan3A_910 : i32 to index
      %get3A_916 = arith.constant 0 : index
      %get3A_917 = tpu.vector_load %arg13[%get3A_915, %get3A_916] {strides = array<i32>} : memref<128x128xf32, #tpu.memory_space<vmem>>, vector<1x16xf32>,
      %get3A_918 = vector.shape_cast %get3A_917 : vector<1x16xf32> to vector<16xf32>
      %add3A_919 = arith.addf %get3A_914, %get3A_918 : vector<16xf32>
      %get3A_920 = arith.index_cast %scan3A_910 : i32 to index
      %get3A_921 = arith.constant 0 : index
      %get3A_922 = tpu.vector_load %arg14[%get3A_920, %get3A_921] {strides = array<i32>} : memref<128x128xf32, #tpu.memory_space<vmem>>, vector<1x16xf32>,
      %get3A_923 = vector.shape_cast %get3A_922 : vector<1x16xf32> to vector<16xf32>
      %add3A_924 = arith.addf %add3A_919, %get3A_923 : vector<16xf32>
      %swap3A_925 = arith.index_cast %scan3A_910 : i32 to index
      %swap3A_926 = arith.constant 0 : index
      %swap3A_927 = tpu.vector_load %arg15[%swap3A_925, %swap3A_926] {strides = array<i32>} : memref<128x128xf32, #tpu.memory_space<vmem>>, vector<1x16xf32>,
      %swap3A_928 = vector.shape_cast %swap3A_927 : vector<1x16xf32> to vector<16xf32>
      %swap3A_929 = vector.shape_cast %add3A_924 : vector<16xf32> to vector<1x16xf32>
      tpu.vector_store %arg15[%swap3A_925, %swap3A_926], %swap3A_929 {strides = array<i32>} : memref<128x128xf32, #tpu.memory_space<vmem>>, vector<1x16xf32>,
      %get3A_930 = arith.index_cast %scan3A_910 : i32 to index
      %get3A_931 = arith.constant 16 : index
      %get3A_932 = tpu.vector_load %arg15[%get3A_930, %get3A_931] {strides = array<i32>} : memref<128x128xf32, #tpu.memory_space<vmem>>, vector<1x16xf32>,
      %get3A_933 = vector.shape_cast %get3A_932 : vector<1x16xf32> to vector<16xf32>
      %get3A_934 = arith.index_cast %scan3A_910 : i32 to index
      %get3A_935 = arith.constant 16 : index
      %get3A_936 = tpu.vector_load %arg13[%get3A_934, %get3A_935] {strides = array<i32>} : memref<128x128xf32, #tpu.memory_space<vmem>>, vector<1x16xf32>,
      %get3A_937 = vector.shape_cast %get3A_936 : vector<1x16xf32> to vector<16xf32>
      %add3A_938 = arith.addf %get3A_933, %get3A_937 : vector<16xf32>
      %get3A_939 = arith.index_cast %scan3A_910 : i32 to index
      %get3A_940 = arith.constant 16 : index
      %get3A_941 = tpu.vector_load %arg14[%get3A_939, %get3A_940] {strides = array<i32>} : memref<128x128xf32, #tpu.memory_space<vmem>>, vector<1x16xf32>,
      %get3A_942 = vector.shape_cast %get3A_941 : vector<1x16xf32> to vector<16xf32>
      %add3A_943 = arith.addf %add3A_938, %get3A_942 : vector<16xf32>
      %swap3A_944 = arith.index_cast %scan3A_910 : i32 to index
      %swap3A_945 = arith.constant 16 : index
      %swap3A_946 = tpu.vector_load %arg15[%swap3A_944, %swap3A_945] {strides = array<i32>} : memref<128x128xf32, #tpu.memory_space<vmem>>, vector<1x16xf32>,
      %swap3A_947 = vector.shape_cast %swap3A_946 : vector<1x16xf32> to vector<16xf32>
      %swap3A_948 = vector.shape_cast %add3A_943 : vector<16xf32> to vector<1x16xf32>
      tpu.vector_store %arg15[%swap3A_944, %swap3A_945], %swap3A_948 {strides = array<i32>} : memref<128x128xf32, #tpu.memory_space<vmem>>, vector<1x16xf32>,
      %get3A_949 = arith.index_cast %scan3A_910 : i32 to index
      %get3A_950 = arith.constant 32 : index
      %get3A_951 = tpu.vector_load %arg15[%get3A_949, %get3A_950] {strides = array<i32>} : memref<128x128xf32, #tpu.memory_space<vmem>>, vector<1x16xf32>,
      %get3A_952 = vector.shape_cast %get3A_951 : vector<1x16xf32> to vector<16xf32>
      %get3A_953 = arith.index_cast %scan3A_910 : i32 to index
      %get3A_954 = arith.constant 32 : index
      %get3A_955 = tpu.vector_load %arg13[%get3A_953, %get3A_954] {strides = array<i32>} : memref<128x128xf32, #tpu.memory_space<vmem>>, vector<1x16xf32>,
      %get3A_956 = vector.shape_cast %get3A_955 : vector<1x16xf32> to vector<16xf32>
      %add3A_957 = arith.addf %get3A_952, %get3A_956 : vector<16xf32>
      %get3A_958 = arith.index_cast %scan3A_910 : i32 to index
      %get3A_959 = arith.constant 32 : index
      %get3A_960 = tpu.vector_load %arg14[%get3A_958, %get3A_959] {strides = array<i32>} : memref<128x128xf32, #tpu.memory_space<vmem>>, vector<1x16xf32>,
      %get3A_961 = vector.shape_cast %get3A_960 : vector<1x16xf32> to vector<16xf32>
      %add3A_962 = arith.addf %add3A_957, %get3A_961 : vector<16xf32>
      %swap3A_963 = arith.index_cast %scan3A_910 : i32 to index
      %swap3A_964 = arith.constant 32 : index
      %swap3A_965 = tpu.vector_load %arg15[%swap3A_963, %swap3A_964] {strides = array<i32>} : memref<128x128xf32, #tpu.memory_space<vmem>>, vector<1x16xf32>,
      %swap3A_966 = vector.shape_cast %swap3A_965 : vector<1x16xf32> to vector<16xf32>
      %swap3A_967 = vector.shape_cast %add3A_962 : vector<16xf32> to vector<1x16xf32>
      tpu.vector_store %arg15[%swap3A_963, %swap3A_964], %swap3A_967 {strides = array<i32>} : memref<128x128xf32, #tpu.memory_space<vmem>>, vector<1x16xf32>,
      %get3A_968 = arith.index_cast %scan3A_910 : i32 to index
      %get3A_969 = arith.constant 48 : index
      %get3A_970 = tpu.vector_load %arg15[%get3A_968, %get3A_969] {strides = array<i32>} : memref<128x128xf32, #tpu.memory_space<vmem>>, vector<1x16xf32>,
      %get3A_971 = vector.shape_cast %get3A_970 : vector<1x16xf32> to vector<16xf32>
      %get3A_972 = arith.index_cast %scan3A_910 : i32 to index
      %get3A_973 = arith.constant 48 : index
      %get3A_974 = tpu.vector_load %arg13[%get3A_972, %get3A_973] {strides = array<i32>} : memref<128x128xf32, #tpu.memory_space<vmem>>, vector<1x16xf32>,
      %get3A_975 = vector.shape_cast %get3A_974 : vector<1x16xf32> to vector<16xf32>
      %add3A_976 = arith.addf %get3A_971, %get3A_975 : vector<16xf32>
      %get3A_977 = arith.index_cast %scan3A_910 : i32 to index
      %get3A_978 = arith.constant 48 : index
      %get3A_979 = tpu.vector_load %arg14[%get3A_977, %get3A_978] {strides = array<i32>} : memref<128x128xf32, #tpu.memory_space<vmem>>, vector<1x16xf32>,
      %get3A_980 = vector.shape_cast %get3A_979 : vector<1x16xf32> to vector<16xf32>
      %add3A_981 = arith.addf %add3A_976, %get3A_980 : vector<16xf32>
      %swap3A_982 = arith.index_cast %scan3A_910 : i32 to index
      %swap3A_983 = arith.constant 48 : index
      %swap3A_984 = tpu.vector_load %arg15[%swap3A_982, %swap3A_983] {strides = array<i32>} : memref<128x128xf32, #tpu.memory_space<vmem>>, vector<1x16xf32>,
      %swap3A_985 = vector.shape_cast %swap3A_984 : vector<1x16xf32> to vector<16xf32>
      %swap3A_986 = vector.shape_cast %add3A_981 : vector<16xf32> to vector<1x16xf32>
      tpu.vector_store %arg15[%swap3A_982, %swap3A_983], %swap3A_986 {strides = array<i32>} : memref<128x128xf32, #tpu.memory_space<vmem>>, vector<1x16xf32>,
      %get3A_987 = arith.index_cast %scan3A_910 : i32 to index
      %get3A_988 = arith.constant 64 : index
      %get3A_989 = tpu.vector_load %arg15[%get3A_987, %get3A_988] {strides = array<i32>} : memref<128x128xf32, #tpu.memory_space<vmem>>, vector<1x16xf32>,
      %get3A_990 = vector.shape_cast %get3A_989 : vector<1x16xf32> to vector<16xf32>
      %get3A_991 = arith.index_cast %scan3A_910 : i32 to index
      %get3A_992 = arith.constant 64 : index
      %get3A_993 = tpu.vector_load %arg13[%get3A_991, %get3A_992] {strides = array<i32>} : memref<128x128xf32, #tpu.memory_space<vmem>>, vector<1x16xf32>,
      %get3A_994 = vector.shape_cast %get3A_993 : vector<1x16xf32> to vector<16xf32>
      %add3A_995 = arith.addf %get3A_990, %get3A_994 : vector<16xf32>
      %get3A_996 = arith.index_cast %scan3A_910 : i32 to index
      %get3A_997 = arith.constant 64 : index
      %get3A_998 = tpu.vector_load %arg14[%get3A_996, %get3A_997] {strides = array<i32>} : memref<128x128xf32, #tpu.memory_space<vmem>>, vector<1x16xf32>,
      %get3A_999 = vector.shape_cast %get3A_998 : vector<1x16xf32> to vector<16xf32>
      %add3A_1000 = arith.addf %add3A_995, %get3A_999 : vector<16xf32>
      %swap3A_1001 = arith.index_cast %scan3A_910 : i32 to index
      %swap3A_1002 = arith.constant 64 : index
      %swap3A_1003 = tpu.vector_load %arg15[%swap3A_1001, %swap3A_1002] {strides = array<i32>} : memref<128x128xf32, #tpu.memory_space<vmem>>, vector<1x16xf32>,
      %swap3A_1004 = vector.shape_cast %swap3A_1003 : vector<1x16xf32> to vector<16xf32>
      %swap3A_1005 = vector.shape_cast %add3A_1000 : vector<16xf32> to vector<1x16xf32>
      tpu.vector_store %arg15[%swap3A_1001, %swap3A_1002], %swap3A_1005 {strides = array<i32>} : memref<128x128xf32, #tpu.memory_space<vmem>>, vector<1x16xf32>,
      %get3A_1006 = arith.index_cast %scan3A_910 : i32 to index
      %get3A_1007 = arith.constant 80 : index
      %get3A_1008 = tpu.vector_load %arg15[%get3A_1006, %get3A_1007] {strides = array<i32>} : memref<128x128xf32, #tpu.memory_space<vmem>>, vector<1x16xf32>,
      %get3A_1009 = vector.shape_cast %get3A_1008 : vector<1x16xf32> to vector<16xf32>
      %get3A_1010 = arith.index_cast %scan3A_910 : i32 to index
      %get3A_1011 = arith.constant 80 : index
      %get3A_1012 = tpu.vector_load %arg13[%get3A_1010, %get3A_1011] {strides = array<i32>} : memref<128x128xf32, #tpu.memory_space<vmem>>, vector<1x16xf32>,
      %get3A_1013 = vector.shape_cast %get3A_1012 : vector<1x16xf32> to vector<16xf32>
      %add3A_1014 = arith.addf %get3A_1009, %get3A_1013 : vector<16xf32>
      %get3A_1015 = arith.index_cast %scan3A_910 : i32 to index
      %get3A_1016 = arith.constant 80 : index
      %get3A_1017 = tpu.vector_load %arg14[%get3A_1015, %get3A_1016] {strides = array<i32>} : memref<128x128xf32, #tpu.memory_space<vmem>>, vector<1x16xf32>,
      %get3A_1018 = vector.shape_cast %get3A_1017 : vector<1x16xf32> to vector<16xf32>
      %add3A_1019 = arith.addf %add3A_1014, %get3A_1018 : vector<16xf32>
      %swap3A_1020 = arith.index_cast %scan3A_910 : i32 to index
      %swap3A_1021 = arith.constant 80 : index
      %swap3A_1022 = tpu.vector_load %arg15[%swap3A_1020, %swap3A_1021] {strides = array<i32>} : memref<128x128xf32, #tpu.memory_space<vmem>>, vector<1x16xf32>,
      %swap3A_1023 = vector.shape_cast %swap3A_1022 : vector<1x16xf32> to vector<16xf32>
      %swap3A_1024 = vector.shape_cast %add3A_1019 : vector<16xf32> to vector<1x16xf32>
      tpu.vector_store %arg15[%swap3A_1020, %swap3A_1021], %swap3A_1024 {strides = array<i32>} : memref<128x128xf32, #tpu.memory_space<vmem>>, vector<1x16xf32>,
      %get3A_1025 = arith.index_cast %scan3A_910 : i32 to index
      %get3A_1026 = arith.constant 96 : index
      %get3A_1027 = tpu.vector_load %arg15[%get3A_1025, %get3A_1026] {strides = array<i32>} : memref<128x128xf32, #tpu.memory_space<vmem>>, vector<1x16xf32>,
      %get3A_1028 = vector.shape_cast %get3A_1027 : vector<1x16xf32> to vector<16xf32>
      %get3A_1029 = arith.index_cast %scan3A_910 : i32 to index
      %get3A_1030 = arith.constant 96 : index
      %get3A_1031 = tpu.vector_load %arg13[%get3A_1029, %get3A_1030] {strides = array<i32>} : memref<128x128xf32, #tpu.memory_space<vmem>>, vector<1x16xf32>,
      %get3A_1032 = vector.shape_cast %get3A_1031 : vector<1x16xf32> to vector<16xf32>
      %add3A_1033 = arith.addf %get3A_1028, %get3A_1032 : vector<16xf32>
      %get3A_1034 = arith.index_cast %scan3A_910 : i32 to index
      %get3A_1035 = arith.constant 96 : index
      %get3A_1036 = tpu.vector_load %arg14[%get3A_1034, %get3A_1035] {strides = array<i32>} : memref<128x128xf32, #tpu.memory_space<vmem>>, vector<1x16xf32>,
      %get3A_1037 = vector.shape_cast %get3A_1036 : vector<1x16xf32> to vector<16xf32>
      %add3A_1038 = arith.addf %add3A_1033, %get3A_1037 : vector<16xf32>
      %swap3A_1039 = arith.index_cast %scan3A_910 : i32 to index
      %swap3A_1040 = arith.constant 96 : index
      %swap3A_1041 = tpu.vector_load %arg15[%swap3A_1039, %swap3A_1040] {strides = array<i32>} : memref<128x128xf32, #tpu.memory_space<vmem>>, vector<1x16xf32>,
      %swap3A_1042 = vector.shape_cast %swap3A_1041 : vector<1x16xf32> to vector<16xf32>
      %swap3A_1043 = vector.shape_cast %add3A_1038 : vector<16xf32> to vector<1x16xf32>
      tpu.vector_store %arg15[%swap3A_1039, %swap3A_1040], %swap3A_1043 {strides = array<i32>} : memref<128x128xf32, #tpu.memory_space<vmem>>, vector<1x16xf32>,
      %get3A_1044 = arith.index_cast %scan3A_910 : i32 to index
      %get3A_1045 = arith.constant 112 : index
      %get3A_1046 = tpu.vector_load %arg15[%get3A_1044, %get3A_1045] {strides = array<i32>} : memref<128x128xf32, #tpu.memory_space<vmem>>, vector<1x16xf32>,
      %get3A_1047 = vector.shape_cast %get3A_1046 : vector<1x16xf32> to vector<16xf32>
      %get3A_1048 = arith.index_cast %scan3A_910 : i32 to index
      %get3A_1049 = arith.constant 112 : index
      %get3A_1050 = tpu.vector_load %arg13[%get3A_1048, %get3A_1049] {strides = array<i32>} : memref<128x128xf32, #tpu.memory_space<vmem>>, vector<1x16xf32>,
      %get3A_1051 = vector.shape_cast %get3A_1050 : vector<1x16xf32> to vector<16xf32>
      %add3A_1052 = arith.addf %get3A_1047, %get3A_1051 : vector<16xf32>
      %get3A_1053 = arith.index_cast %scan3A_910 : i32 to index
      %get3A_1054 = arith.constant 112 : index
      %get3A_1055 = tpu.vector_load %arg14[%get3A_1053, %get3A_1054] {strides = array<i32>} : memref<128x128xf32, #tpu.memory_space<vmem>>, vector<1x16xf32>,
      %get3A_1056 = vector.shape_cast %get3A_1055 : vector<1x16xf32> to vector<16xf32>
      %add3A_1057 = arith.addf %add3A_1052, %get3A_1056 : vector<16xf32>
      %swap3A_1058 = arith.index_cast %scan3A_910 : i32 to index
      %swap3A_1059 = arith.constant 112 : index
      %swap3A_1060 = tpu.vector_load %arg15[%swap3A_1058, %swap3A_1059] {strides = array<i32>} : memref<128x128xf32, #tpu.memory_space<vmem>>, vector<1x16xf32>,
      %swap3A_1061 = vector.shape_cast %swap3A_1060 : vector<1x16xf32> to vector<16xf32>
      %swap3A_1062 = vector.shape_cast %add3A_1057 : vector<16xf32> to vector<1x16xf32>
      tpu.vector_store %arg15[%swap3A_1058, %swap3A_1059], %swap3A_1062 {strides = array<i32>} : memref<128x128xf32, #tpu.memory_space<vmem>>, vector<1x16xf32>,
    }
    %scan3A_773 = arith.constant 128 : i32
    %dma_start3A_774 = arith.constant 1 : i32
    %dma_start3A_775 = arith.constant 0 : i32
    %dma_start3A_776 = tpu.memref_slice %arg10[%dma_start3A_774, %dma_start3A_775] : memref<8x128xi32, #tpu.memory_space<vmem>> -> memref<1x128xi32, #tpu.memory_space<vmem>>
    %dma_start3A_777 = tpu.memref_squeeze %dma_start3A_776 : memref<1x128xi32, #tpu.memory_space<vmem>> -> memref<128xi32, #tpu.memory_space<vmem>>
    %dma_start3A_778 = arith.constant 0 : i32
    %dma_start3A_779 = arith.constant 0 : i32
    %dma_start3A_780 = tpu.memref_slice %arg17[%dma_start3A_778, %dma_start3A_779] : memref<1024x128xf32, #tpu.memory_space<vmem_shared>> -> memref<1024x128xf32, #tpu.memory_space<vmem_shared>>
    tpu.enqueue_indirect_dma source(%arg15 : memref<128x128xf32, #tpu.memory_space<vmem>>) target(%dma_start3A_780 : memref<1024x128xf32, #tpu.memory_space<vmem_shared>>) offsets(%dma_start3A_777 : memref<128xi32, #tpu.memory_space<vmem>>) semaphore(%arg19 : memref<!tpu.dma_semaphore, #tpu.memory_space<semaphore_mem>>) {add = true}
    %dma_start3A_781 = arith.constant 1 : i32
    %dma_start3A_782 = arith.constant 0 : i32
    %dma_start3A_783 = tpu.memref_slice %arg11[%dma_start3A_781, %dma_start3A_782] : memref<4x128xi32, #tpu.memory_space<vmem>> -> memref<1x128xi32, #tpu.memory_space<vmem>>
    %dma_start3A_784 = tpu.memref_squeeze %dma_start3A_783 : memref<1x128xi32, #tpu.memory_space<vmem>> -> memref<128xi32, #tpu.memory_space<vmem>>
    %dma_start3A_785 = arith.constant 0 : i32
    %dma_start3A_786 = arith.constant 0 : i32
    %dma_start3A_787 = tpu.memref_slice %arg17[%dma_start3A_785, %dma_start3A_786] : memref<1024x128xf32, #tpu.memory_space<vmem_shared>> -> memref<1024x128xf32, #tpu.memory_space<vmem_shared>>
    tpu.enqueue_indirect_dma source(%arg15 : memref<128x128xf32, #tpu.memory_space<vmem>>) target(%dma_start3A_787 : memref<1024x128xf32, #tpu.memory_space<vmem_shared>>) offsets(%dma_start3A_784 : memref<128xi32, #tpu.memory_space<vmem>>) semaphore(%arg19 : memref<!tpu.dma_semaphore, #tpu.memory_space<semaphore_mem>>) {add = true}
    %dma_start3A_788 = arith.constant 3 : i32
    %dma_start3A_789 = arith.constant 0 : i32
    %dma_start3A_790 = tpu.memref_slice %arg11[%dma_start3A_788, %dma_start3A_789] : memref<4x128xi32, #tpu.memory_space<vmem>> -> memref<1x128xi32, #tpu.memory_space<vmem>>
    %dma_start3A_791 = tpu.memref_squeeze %dma_start3A_790 : memref<1x128xi32, #tpu.memory_space<vmem>> -> memref<128xi32, #tpu.memory_space<vmem>>
    %dma_start3A_792 = arith.constant 0 : i32
    %dma_start3A_793 = arith.constant 0 : i32
    %dma_start3A_794 = tpu.memref_slice %arg17[%dma_start3A_792, %dma_start3A_793] : memref<1024x128xf32, #tpu.memory_space<vmem_shared>> -> memref<1024x128xf32, #tpu.memory_space<vmem_shared>>
    tpu.enqueue_indirect_dma source(%arg15 : memref<128x128xf32, #tpu.memory_space<vmem>>) target(%dma_start3A_794 : memref<1024x128xf32, #tpu.memory_space<vmem_shared>>) offsets(%dma_start3A_791 : memref<128xi32, #tpu.memory_space<vmem>>) semaphore(%arg19 : memref<!tpu.dma_semaphore, #tpu.memory_space<semaphore_mem>>) {add = true}
    %dma_wait3A_795 = arith.constant 0 : i32
    %dma_wait3A_796 = arith.constant 0 : i32
    %dma_wait3A_797 = tpu.memref_slice %arg10[%dma_wait3A_795, %dma_wait3A_796] : memref<8x128xi32, #tpu.memory_space<vmem>> -> memref<1x128xi32, #tpu.memory_space<vmem>>
    %dma_wait3A_798 = tpu.memref_squeeze %dma_wait3A_797 : memref<1x128xi32, #tpu.memory_space<vmem>> -> memref<128xi32, #tpu.memory_space<vmem>>
    %dma_wait3A_799 = arith.constant 0 : i32
    %dma_wait3A_800 = arith.constant 0 : i32
    %dma_wait3A_801 = tpu.memref_slice %arg17[%dma_wait3A_799, %dma_wait3A_800] : memref<1024x128xf32, #tpu.memory_space<vmem_shared>> -> memref<1024x128xf32, #tpu.memory_space<vmem_shared>>
    tpu.wait_indirect_dma semaphore(%arg19 : memref<!tpu.dma_semaphore, #tpu.memory_space<semaphore_mem>>) src(%arg12 : memref<128x128xf32, #tpu.memory_space<vmem>>) dst(%dma_wait3A_801 : memref<1024x128xf32, #tpu.memory_space<vmem_shared>>)
    %dma_wait3A_802 = arith.constant 0 : i32
    %dma_wait3A_803 = arith.constant 0 : i32
    %dma_wait3A_804 = tpu.memref_slice %arg11[%dma_wait3A_802, %dma_wait3A_803] : memref<4x128xi32, #tpu.memory_space<vmem>> -> memref<1x128xi32, #tpu.memory_space<vmem>>
    %dma_wait3A_805 = tpu.memref_squeeze %dma_wait3A_804 : memref<1x128xi32, #tpu.memory_space<vmem>> -> memref<128xi32, #tpu.memory_space<vmem>>
    %dma_wait3A_806 = arith.constant 0 : i32
    %dma_wait3A_807 = arith.constant 0 : i32
    %dma_wait3A_808 = tpu.memref_slice %arg17[%dma_wait3A_806, %dma_wait3A_807] : memref<1024x128xf32, #tpu.memory_space<vmem_shared>> -> memref<1024x128xf32, #tpu.memory_space<vmem_shared>>
    tpu.wait_indirect_dma semaphore(%arg19 : memref<!tpu.dma_semaphore, #tpu.memory_space<semaphore_mem>>) src(%arg12 : memref<128x128xf32, #tpu.memory_space<vmem>>) dst(%dma_wait3A_808 : memref<1024x128xf32, #tpu.memory_space<vmem_shared>>)
    %dma_wait3A_809 = arith.constant 2 : i32
    %dma_wait3A_810 = arith.constant 0 : i32
    %dma_wait3A_811 = tpu.memref_slice %arg11[%dma_wait3A_809, %dma_wait3A_810] : memref<4x128xi32, #tpu.memory_space<vmem>> -> memref<1x128xi32, #tpu.memory_space<vmem>>
    %dma_wait3A_812 = tpu.memref_squeeze %dma_wait3A_811 : memref<1x128xi32, #tpu.memory_space<vmem>> -> memref<128xi32, #tpu.memory_space<vmem>>
    %dma_wait3A_813 = arith.constant 0 : i32
    %dma_wait3A_814 = arith.constant 0 : i32
    %dma_wait3A_815 = tpu.memref_slice %arg17[%dma_wait3A_813, %dma_wait3A_814] : memref<1024x128xf32, #tpu.memory_space<vmem_shared>> -> memref<1024x128xf32, #tpu.memory_space<vmem_shared>>
    tpu.wait_indirect_dma semaphore(%arg19 : memref<!tpu.dma_semaphore, #tpu.memory_space<semaphore_mem>>) src(%arg12 : memref<128x128xf32, #tpu.memory_space<vmem>>) dst(%dma_wait3A_815 : memref<1024x128xf32, #tpu.memory_space<vmem_shared>>)
    %dma_wait3A_816 = arith.constant 0 : i32
    %dma_wait3A_817 = arith.constant 0 : i32
    %dma_wait3A_818 = tpu.memref_slice %arg10[%dma_wait3A_816, %dma_wait3A_817] : memref<8x128xi32, #tpu.memory_space<vmem>> -> memref<1x128xi32, #tpu.memory_space<vmem>>
    %dma_wait3A_819 = tpu.memref_squeeze %dma_wait3A_818 : memref<1x128xi32, #tpu.memory_space<vmem>> -> memref<128xi32, #tpu.memory_space<vmem>>
    %dma_wait3A_820 = arith.constant 0 : i32
    %dma_wait3A_821 = arith.constant 0 : i32
    %dma_wait3A_822 = tpu.memref_slice %arg18[%dma_wait3A_820, %dma_wait3A_821] : memref<1024x128xf32, #tpu.memory_space<vmem_shared>> -> memref<1024x128xf32, #tpu.memory_space<vmem_shared>>
    tpu.wait_indirect_dma semaphore(%arg19 : memref<!tpu.dma_semaphore, #tpu.memory_space<semaphore_mem>>) src(%arg16 : memref<128x128xf32, #tpu.memory_space<vmem>>) dst(%dma_wait3A_822 : memref<1024x128xf32, #tpu.memory_space<vmem_shared>>)
    %dma_wait3A_823 = arith.constant 0 : i32
    %dma_wait3A_824 = arith.constant 0 : i32
    %dma_wait3A_825 = tpu.memref_slice %arg11[%dma_wait3A_823, %dma_wait3A_824] : memref<4x128xi32, #tpu.memory_space<vmem>> -> memref<1x128xi32, #tpu.memory_space<vmem>>
    %dma_wait3A_826 = tpu.memref_squeeze %dma_wait3A_825 : memref<1x128xi32, #tpu.memory_space<vmem>> -> memref<128xi32, #tpu.memory_space<vmem>>
    %dma_wait3A_827 = arith.constant 0 : i32
    %dma_wait3A_828 = arith.constant 0 : i32
    %dma_wait3A_829 = tpu.memref_slice %arg18[%dma_wait3A_827, %dma_wait3A_828] : memref<1024x128xf32, #tpu.memory_space<vmem_shared>> -> memref<1024x128xf32, #tpu.memory_space<vmem_shared>>
    tpu.wait_indirect_dma semaphore(%arg19 : memref<!tpu.dma_semaphore, #tpu.memory_space<semaphore_mem>>) src(%arg16 : memref<128x128xf32, #tpu.memory_space<vmem>>) dst(%dma_wait3A_829 : memref<1024x128xf32, #tpu.memory_space<vmem_shared>>)
    %dma_wait3A_830 = arith.constant 2 : i32
    %dma_wait3A_831 = arith.constant 0 : i32
    %dma_wait3A_832 = tpu.memref_slice %arg11[%dma_wait3A_830, %dma_wait3A_831] : memref<4x128xi32, #tpu.memory_space<vmem>> -> memref<1x128xi32, #tpu.memory_space<vmem>>
    %dma_wait3A_833 = tpu.memref_squeeze %dma_wait3A_832 : memref<1x128xi32, #tpu.memory_space<vmem>> -> memref<128xi32, #tpu.memory_space<vmem>>
    %dma_wait3A_834 = arith.constant 0 : i32
    %dma_wait3A_835 = arith.constant 0 : i32
    %dma_wait3A_836 = tpu.memref_slice %arg18[%dma_wait3A_834, %dma_wait3A_835] : memref<1024x128xf32, #tpu.memory_space<vmem_shared>> -> memref<1024x128xf32, #tpu.memory_space<vmem_shared>>
    tpu.wait_indirect_dma semaphore(%arg19 : memref<!tpu.dma_semaphore, #tpu.memory_space<semaphore_mem>>) src(%arg16 : memref<128x128xf32, #tpu.memory_space<vmem>>) dst(%dma_wait3A_836 : memref<1024x128xf32, #tpu.memory_space<vmem_shared>>)
    %dma_wait3A_837 = arith.constant 1 : i32
    %dma_wait3A_838 = arith.constant 0 : i32
    %dma_wait3A_839 = tpu.memref_slice %arg10[%dma_wait3A_837, %dma_wait3A_838] : memref<8x128xi32, #tpu.memory_space<vmem>> -> memref<1x128xi32, #tpu.memory_space<vmem>>
    %dma_wait3A_840 = tpu.memref_squeeze %dma_wait3A_839 : memref<1x128xi32, #tpu.memory_space<vmem>> -> memref<128xi32, #tpu.memory_space<vmem>>
    %dma_wait3A_841 = arith.constant 0 : i32
    %dma_wait3A_842 = arith.constant 0 : i32
    %dma_wait3A_843 = tpu.memref_slice %arg18[%dma_wait3A_841, %dma_wait3A_842] : memref<1024x128xf32, #tpu.memory_space<vmem_shared>> -> memref<1024x128xf32, #tpu.memory_space<vmem_shared>>
    tpu.wait_indirect_dma semaphore(%arg19 : memref<!tpu.dma_semaphore, #tpu.memory_space<semaphore_mem>>) src(%arg16 : memref<128x128xf32, #tpu.memory_space<vmem>>) dst(%dma_wait3A_843 : memref<1024x128xf32, #tpu.memory_space<vmem_shared>>)
    %dma_wait3A_844 = arith.constant 1 : i32
    %dma_wait3A_845 = arith.constant 0 : i32
    %dma_wait3A_846 = tpu.memref_slice %arg11[%dma_wait3A_844, %dma_wait3A_845] : memref<4x128xi32, #tpu.memory_space<vmem>> -> memref<1x128xi32, #tpu.memory_space<vmem>>
    %dma_wait3A_847 = tpu.memref_squeeze %dma_wait3A_846 : memref<1x128xi32, #tpu.memory_space<vmem>> -> memref<128xi32, #tpu.memory_space<vmem>>
    %dma_wait3A_848 = arith.constant 0 : i32
    %dma_wait3A_849 = arith.constant 0 : i32
    %dma_wait3A_850 = tpu.memref_slice %arg18[%dma_wait3A_848, %dma_wait3A_849] : memref<1024x128xf32, #tpu.memory_space<vmem_shared>> -> memref<1024x128xf32, #tpu.memory_space<vmem_shared>>
    tpu.wait_indirect_dma semaphore(%arg19 : memref<!tpu.dma_semaphore, #tpu.memory_space<semaphore_mem>>) src(%arg16 : memref<128x128xf32, #tpu.memory_space<vmem>>) dst(%dma_wait3A_850 : memref<1024x128xf32, #tpu.memory_space<vmem_shared>>)
    %dma_wait3A_851 = arith.constant 3 : i32
    %dma_wait3A_852 = arith.constant 0 : i32
    %dma_wait3A_853 = tpu.memref_slice %arg11[%dma_wait3A_851, %dma_wait3A_852] : memref<4x128xi32, #tpu.memory_space<vmem>> -> memref<1x128xi32, #tpu.memory_space<vmem>>
    %dma_wait3A_854 = tpu.memref_squeeze %dma_wait3A_853 : memref<1x128xi32, #tpu.memory_space<vmem>> -> memref<128xi32, #tpu.memory_space<vmem>>
    %dma_wait3A_855 = arith.constant 0 : i32
    %dma_wait3A_856 = arith.constant 0 : i32
    %dma_wait3A_857 = tpu.memref_slice %arg18[%dma_wait3A_855, %dma_wait3A_856] : memref<1024x128xf32, #tpu.memory_space<vmem_shared>> -> memref<1024x128xf32, #tpu.memory_space<vmem_shared>>
    tpu.wait_indirect_dma semaphore(%arg19 : memref<!tpu.dma_semaphore, #tpu.memory_space<semaphore_mem>>) src(%arg16 : memref<128x128xf32, #tpu.memory_space<vmem>>) dst(%dma_wait3A_857 : memref<1024x128xf32, #tpu.memory_space<vmem_shared>>)
    %dma_wait3A_858 = arith.constant 1 : i32
    %dma_wait3A_859 = arith.constant 0 : i32
    %dma_wait3A_860 = tpu.memref_slice %arg10[%dma_wait3A_858, %dma_wait3A_859] : memref<8x128xi32, #tpu.memory_space<vmem>> -> memref<1x128xi32, #tpu.memory_space<vmem>>
    %dma_wait3A_861 = tpu.memref_squeeze %dma_wait3A_860 : memref<1x128xi32, #tpu.memory_space<vmem>> -> memref<128xi32, #tpu.memory_space<vmem>>
    %dma_wait3A_862 = arith.constant 0 : i32
    %dma_wait3A_863 = arith.constant 0 : i32
    %dma_wait3A_864 = tpu.memref_slice %arg17[%dma_wait3A_862, %dma_wait3A_863] : memref<1024x128xf32, #tpu.memory_space<vmem_shared>> -> memref<1024x128xf32, #tpu.memory_space<vmem_shared>>
    tpu.wait_indirect_dma semaphore(%arg19 : memref<!tpu.dma_semaphore, #tpu.memory_space<semaphore_mem>>) src(%arg15 : memref<128x128xf32, #tpu.memory_space<vmem>>) dst(%dma_wait3A_864 : memref<1024x128xf32, #tpu.memory_space<vmem_shared>>)
    %dma_wait3A_865 = arith.constant 1 : i32
    %dma_wait3A_866 = arith.constant 0 : i32
    %dma_wait3A_867 = tpu.memref_slice %arg11[%dma_wait3A_865, %dma_wait3A_866] : memref<4x128xi32, #tpu.memory_space<vmem>> -> memref<1x128xi32, #tpu.memory_space<vmem>>
    %dma_wait3A_868 = tpu.memref_squeeze %dma_wait3A_867 : memref<1x128xi32, #tpu.memory_space<vmem>> -> memref<128xi32, #tpu.memory_space<vmem>>
    %dma_wait3A_869 = arith.constant 0 : i32
    %dma_wait3A_870 = arith.constant 0 : i32
    %dma_wait3A_871 = tpu.memref_slice %arg17[%dma_wait3A_869, %dma_wait3A_870] : memref<1024x128xf32, #tpu.memory_space<vmem_shared>> -> memref<1024x128xf32, #tpu.memory_space<vmem_shared>>
    tpu.wait_indirect_dma semaphore(%arg19 : memref<!tpu.dma_semaphore, #tpu.memory_space<semaphore_mem>>) src(%arg15 : memref<128x128xf32, #tpu.memory_space<vmem>>) dst(%dma_wait3A_871 : memref<1024x128xf32, #tpu.memory_space<vmem_shared>>)
    %dma_wait3A_872 = arith.constant 3 : i32
    %dma_wait3A_873 = arith.constant 0 : i32
    %dma_wait3A_874 = tpu.memref_slice %arg11[%dma_wait3A_872, %dma_wait3A_873] : memref<4x128xi32, #tpu.memory_space<vmem>> -> memref<1x128xi32, #tpu.memory_space<vmem>>
    %dma_wait3A_875 = tpu.memref_squeeze %dma_wait3A_874 : memref<1x128xi32, #tpu.memory_space<vmem>> -> memref<128xi32, #tpu.memory_space<vmem>>
    %dma_wait3A_876 = arith.constant 0 : i32
    %dma_wait3A_877 = arith.constant 0 : i32
    %dma_wait3A_878 = tpu.memref_slice %arg17[%dma_wait3A_876, %dma_wait3A_877] : memref<1024x128xf32, #tpu.memory_space<vmem_shared>> -> memref<1024x128xf32, #tpu.memory_space<vmem_shared>>
    tpu.wait_indirect_dma semaphore(%arg19 : memref<!tpu.dma_semaphore, #tpu.memory_space<semaphore_mem>>) src(%arg15 : memref<128x128xf32, #tpu.memory_space<vmem>>) dst(%dma_wait3A_878 : memref<1024x128xf32, #tpu.memory_space<vmem_shared>>)
    %barrier3A_879 = arith.constant 0 : index
    tpu.barrier barrier_id(%barrier3A_879)
    %mul3A_880 = arith.constant 64 : i32
    %mul3A_881 = arith.muli %arg1, %mul3A_880 : i32
    %mul3A_882 = arith.constant 1024 : i32
    %mul3A_883 = arith.muli %arg0, %mul3A_882 : i32
    %mul3A_884 = arith.constant 64 : i32
    %mul3A_885 = arith.muli %arg1, %mul3A_884 : i32
    %add3A_886 = arith.addi %mul3A_883, %mul3A_885 : i32
    %dma_start3A_887 = arith.constant 0 : i32
    %dma_start3A_888 = tpu.memref_slice %arg7[%add3A_886, %dma_start3A_887] : memref<2048x128xf32, #tpu.memory_space<hbm>> -> memref<64x128xf32, #tpu.memory_space<hbm>>
    %dma_start3A_889 = arith.constant 0 : i32
    %dma_start3A_890 = tpu.memref_slice %arg17[%mul3A_881, %dma_start3A_889] : memref<1024x128xf32, #tpu.memory_space<vmem_shared>> -> memref<64x128xf32, #tpu.memory_space<vmem_shared>>
    tpu.enqueue_dma source(%dma_start3A_890 : memref<64x128xf32, #tpu.memory_space<vmem_shared>>) target(%dma_start3A_888 : memref<64x128xf32, #tpu.memory_space<hbm>>) target_semaphore(%arg20 : memref<!tpu.dma_semaphore, #tpu.memory_space<semaphore_mem>>)
    %mul3A_891 = arith.constant 64 : i32
    %mul3A_892 = arith.muli %arg1, %mul3A_891 : i32
    %mul3A_893 = arith.constant 1024 : i32
    %mul3A_894 = arith.muli %arg0, %mul3A_893 : i32
    %mul3A_895 = arith.constant 64 : i32
    %mul3A_896 = arith.muli %arg1, %mul3A_895 : i32
    %add3A_897 = arith.addi %mul3A_894, %mul3A_896 : i32
    %dma_start3A_898 = arith.constant 0 : i32
    %dma_start3A_899 = tpu.memref_slice %arg8[%add3A_897, %dma_start3A_898] : memref<2048x128xf32, #tpu.memory_space<hbm>> -> memref<64x128xf32, #tpu.memory_space<hbm>>
    %dma_start3A_900 = arith.constant 0 : i32
    %dma_start3A_901 = tpu.memref_slice %arg18[%mul3A_892, %dma_start3A_900] : memref<1024x128xf32, #tpu.memory_space<vmem_shared>> -> memref<64x128xf32, #tpu.memory_space<vmem_shared>>
    tpu.enqueue_dma source(%dma_start3A_901 : memref<64x128xf32, #tpu.memory_space<vmem_shared>>) target(%dma_start3A_899 : memref<64x128xf32, #tpu.memory_space<hbm>>) target_semaphore(%arg21 : memref<!tpu.dma_semaphore, #tpu.memory_space<semaphore_mem>>)
    %dma_wait3A_902 = arith.constant 0 : i32
    %dma_wait3A_903 = tpu.memref_slice %arg7[%add3A_886, %dma_wait3A_902] : memref<2048x128xf32, #tpu.memory_space<hbm>> -> memref<64x128xf32, #tpu.memory_space<hbm>>
    %dma_wait3A_904 = arith.constant 0 : i32
    %dma_wait3A_905 = tpu.memref_slice %arg17[%mul3A_881, %dma_wait3A_904] : memref<1024x128xf32, #tpu.memory_space<vmem_shared>> -> memref<64x128xf32, #tpu.memory_space<vmem_shared>>
    tpu.wait_dma2 semaphore(%arg20 : memref<!tpu.dma_semaphore, #tpu.memory_space<semaphore_mem>>) src(%dma_wait3A_905 : memref<64x128xf32, #tpu.memory_space<vmem_shared>>) dst(%dma_wait3A_903 : memref<64x128xf32, #tpu.memory_space<hbm>>)
    %dma_wait3A_906 = arith.constant 0 : i32
    %dma_wait3A_907 = tpu.memref_slice %arg8[%add3A_897, %dma_wait3A_906] : memref<2048x128xf32, #tpu.memory_space<hbm>> -> memref<64x128xf32, #tpu.memory_space<hbm>>
    %dma_wait3A_908 = arith.constant 0 : i32
    %dma_wait3A_909 = tpu.memref_slice %arg18[%mul3A_892, %dma_wait3A_908] : memref<1024x128xf32, #tpu.memory_space<vmem_shared>> -> memref<64x128xf32, #tpu.memory_space<vmem_shared>>
    tpu.wait_dma2 semaphore(%arg21 : memref<!tpu.dma_semaphore, #tpu.memory_space<semaphore_mem>>) src(%dma_wait3A_909 : memref<64x128xf32, #tpu.memory_space<vmem_shared>>) dst(%dma_wait3A_907 : memref<64x128xf32, #tpu.memory_space<hbm>>)
    return
  }
}

#map = affine_map<(d0, d1) -> (0, 0)>
module attributes {stable_mosaic.version = 14 : i64} {
  func.func @_sc_fused_nc_body(%arg0: i32, %arg1: i32, %arg2: memref<4096x128xf32, #tpu.memory_space<hbm>>, %arg3: memref<256x128xi32, #tpu.memory_space<hbm>>, %arg4: memref<256x128xi32, #tpu.memory_space<hbm>>, %arg5: memref<64x128xf32, #tpu.memory_space<hbm>>, %arg6: memref<2048x128xf32, #tpu.memory_space<hbm>>, %arg7: memref<8x128xi32, #tpu.memory_space<vmem>>, %arg8: memref<8x128xi32, #tpu.memory_space<vmem>>, %arg9: memref<4x128xi32, #tpu.memory_space<vmem>>, %arg10: memref<128x128xf32, #tpu.memory_space<vmem>>, %arg11: memref<128x128xf32, #tpu.memory_space<vmem>>, %arg12: memref<128x128xf32, #tpu.memory_space<vmem>>, %arg13: memref<128x128xf32, #tpu.memory_space<vmem>>, %arg14: memref<128x128xf32, #tpu.memory_space<vmem>>, %arg15: memref<128x128xf32, #tpu.memory_space<vmem>>, %arg16: memref<1024x128xf32, #tpu.memory_space<vmem_shared>>, %arg17: memref<!tpu.dma_semaphore, #tpu.memory_space<semaphore_mem>>, %arg18: memref<!tpu.dma_semaphore, #tpu.memory_space<semaphore_mem>>, %arg19: memref<!tpu.dma_semaphore, #tpu.memory_space<semaphore_mem>>) attributes {dimension_semantics = [#tpu.dimension_semantics<core_parallel>, #tpu.dimension_semantics<subcore_parallel>], iteration_bounds = array<i64: 2, 16>, scalar_prefetch = 0 : i64, scratch_operands = 13 : i64, tpu.core_type = #tpu.core_type<sc_vector_subcore>, window_params = [{transform_indices = #map}, {transform_indices = #map}, {transform_indices = #map}, {transform_indices = #map}, {transform_indices = #map}]} {
    %mul3A = arith.constant 16 : i32
    %mul3A_0 = arith.muli %arg0, %mul3A : i32
    %add3A = arith.addi %mul3A_0, %arg1 : i32
    %mul3A_1 = arith.constant 8 : i32
    %mul3A_2 = arith.muli %add3A, %mul3A_1 : i32
    %dma_start3A = arith.constant 0 : i32
    %dma_start3A_3 = tpu.memref_slice %arg3[%mul3A_2, %dma_start3A] : memref<256x128xi32, #tpu.memory_space<hbm>> -> memref<8x128xi32, #tpu.memory_space<hbm>>
    %dma_start3A_4 = arith.constant 0 : i32
    %dma_start3A_5 = tpu.memref_slice %arg3[%mul3A_2, %dma_start3A_4] : memref<256x128xi32, #tpu.memory_space<hbm>> -> memref<8x128xi32, #tpu.memory_space<hbm>>
    tpu.enqueue_dma source(%dma_start3A_5 : memref<8x128xi32, #tpu.memory_space<hbm>>) target(%arg7 : memref<8x128xi32, #tpu.memory_space<vmem>>) target_semaphore(%arg18 : memref<!tpu.dma_semaphore, #tpu.memory_space<semaphore_mem>>)
    %mul3A_6 = arith.constant 8 : i32
    %mul3A_7 = arith.muli %add3A, %mul3A_6 : i32
    %dma_start3A_8 = arith.constant 0 : i32
    %dma_start3A_9 = tpu.memref_slice %arg4[%mul3A_7, %dma_start3A_8] : memref<256x128xi32, #tpu.memory_space<hbm>> -> memref<8x128xi32, #tpu.memory_space<hbm>>
    %dma_start3A_10 = arith.constant 0 : i32
    %dma_start3A_11 = tpu.memref_slice %arg4[%mul3A_7, %dma_start3A_10] : memref<256x128xi32, #tpu.memory_space<hbm>> -> memref<8x128xi32, #tpu.memory_space<hbm>>
    tpu.enqueue_dma source(%dma_start3A_11 : memref<8x128xi32, #tpu.memory_space<hbm>>) target(%arg8 : memref<8x128xi32, #tpu.memory_space<vmem>>) target_semaphore(%arg19 : memref<!tpu.dma_semaphore, #tpu.memory_space<semaphore_mem>>)
    %mul3A_12 = arith.constant 64 : i32
    %mul3A_13 = arith.muli %arg1, %mul3A_12 : i32
    %dma_start3A_14 = arith.constant 0 : i32
    %dma_start3A_15 = tpu.memref_slice %arg16[%mul3A_13, %dma_start3A_14] : memref<1024x128xf32, #tpu.memory_space<vmem_shared>> -> memref<64x128xf32, #tpu.memory_space<vmem_shared>>
    tpu.enqueue_dma source(%arg5 : memref<64x128xf32, #tpu.memory_space<hbm>>) target(%dma_start3A_15 : memref<64x128xf32, #tpu.memory_space<vmem_shared>>) target_semaphore(%arg17 : memref<!tpu.dma_semaphore, #tpu.memory_space<semaphore_mem>>)
    %dma_wait3A = arith.constant 0 : i32
    %dma_wait3A_16 = tpu.memref_slice %arg3[%mul3A_2, %dma_wait3A] : memref<256x128xi32, #tpu.memory_space<hbm>> -> memref<8x128xi32, #tpu.memory_space<hbm>>
    %dma_wait3A_17 = arith.constant 0 : i32
    %dma_wait3A_18 = tpu.memref_slice %arg3[%mul3A_2, %dma_wait3A_17] : memref<256x128xi32, #tpu.memory_space<hbm>> -> memref<8x128xi32, #tpu.memory_space<hbm>>
    tpu.wait_dma2 semaphore(%arg18 : memref<!tpu.dma_semaphore, #tpu.memory_space<semaphore_mem>>) src(%dma_wait3A_18 : memref<8x128xi32, #tpu.memory_space<hbm>>) dst(%arg7 : memref<8x128xi32, #tpu.memory_space<vmem>>)
    %dma_start3A_19 = arith.constant 0 : i32
    %dma_start3A_20 = arith.constant 0 : i32
    %dma_start3A_21 = tpu.memref_slice %arg7[%dma_start3A_19, %dma_start3A_20] : memref<8x128xi32, #tpu.memory_space<vmem>> -> memref<1x128xi32, #tpu.memory_space<vmem>>
    %dma_start3A_22 = tpu.memref_squeeze %dma_start3A_21 : memref<1x128xi32, #tpu.memory_space<vmem>> -> memref<128xi32, #tpu.memory_space<vmem>>
    %dma_start3A_23 = arith.constant 0 : i32
    %dma_start3A_24 = arith.constant 0 : i32
    %dma_start3A_25 = tpu.memref_slice %arg2[%dma_start3A_23, %dma_start3A_24] : memref<4096x128xf32, #tpu.memory_space<hbm>> -> memref<4096x128xf32, #tpu.memory_space<hbm>>
    tpu.enqueue_indirect_dma source(%dma_start3A_25 : memref<4096x128xf32, #tpu.memory_space<hbm>>) target(%arg10 : memref<128x128xf32, #tpu.memory_space<vmem>>) offsets(%dma_start3A_22 : memref<128xi32, #tpu.memory_space<vmem>>) semaphore(%arg18 : memref<!tpu.dma_semaphore, #tpu.memory_space<semaphore_mem>>)
    %dma_start3A_26 = arith.constant 2 : i32
    %dma_start3A_27 = arith.constant 0 : i32
    %dma_start3A_28 = tpu.memref_slice %arg7[%dma_start3A_26, %dma_start3A_27] : memref<8x128xi32, #tpu.memory_space<vmem>> -> memref<1x128xi32, #tpu.memory_space<vmem>>
    %dma_start3A_29 = tpu.memref_squeeze %dma_start3A_28 : memref<1x128xi32, #tpu.memory_space<vmem>> -> memref<128xi32, #tpu.memory_space<vmem>>
    %dma_start3A_30 = arith.constant 0 : i32
    %dma_start3A_31 = arith.constant 0 : i32
    %dma_start3A_32 = tpu.memref_slice %arg2[%dma_start3A_30, %dma_start3A_31] : memref<4096x128xf32, #tpu.memory_space<hbm>> -> memref<4096x128xf32, #tpu.memory_space<hbm>>
    tpu.enqueue_indirect_dma source(%dma_start3A_32 : memref<4096x128xf32, #tpu.memory_space<hbm>>) target(%arg11 : memref<128x128xf32, #tpu.memory_space<vmem>>) offsets(%dma_start3A_29 : memref<128xi32, #tpu.memory_space<vmem>>) semaphore(%arg18 : memref<!tpu.dma_semaphore, #tpu.memory_space<semaphore_mem>>)
    %dma_start3A_33 = arith.constant 4 : i32
    %dma_start3A_34 = arith.constant 0 : i32
    %dma_start3A_35 = tpu.memref_slice %arg7[%dma_start3A_33, %dma_start3A_34] : memref<8x128xi32, #tpu.memory_space<vmem>> -> memref<1x128xi32, #tpu.memory_space<vmem>>
    %dma_start3A_36 = tpu.memref_squeeze %dma_start3A_35 : memref<1x128xi32, #tpu.memory_space<vmem>> -> memref<128xi32, #tpu.memory_space<vmem>>
    %dma_start3A_37 = arith.constant 0 : i32
    %dma_start3A_38 = arith.constant 0 : i32
    %dma_start3A_39 = tpu.memref_slice %arg2[%dma_start3A_37, %dma_start3A_38] : memref<4096x128xf32, #tpu.memory_space<hbm>> -> memref<4096x128xf32, #tpu.memory_space<hbm>>
    tpu.enqueue_indirect_dma source(%dma_start3A_39 : memref<4096x128xf32, #tpu.memory_space<hbm>>) target(%arg12 : memref<128x128xf32, #tpu.memory_space<vmem>>) offsets(%dma_start3A_36 : memref<128xi32, #tpu.memory_space<vmem>>) semaphore(%arg18 : memref<!tpu.dma_semaphore, #tpu.memory_space<semaphore_mem>>)
    %dma_wait3A_40 = arith.constant 0 : i32
    %dma_wait3A_41 = tpu.memref_slice %arg4[%mul3A_7, %dma_wait3A_40] : memref<256x128xi32, #tpu.memory_space<hbm>> -> memref<8x128xi32, #tpu.memory_space<hbm>>
    %dma_wait3A_42 = arith.constant 0 : i32
    %dma_wait3A_43 = tpu.memref_slice %arg4[%mul3A_7, %dma_wait3A_42] : memref<256x128xi32, #tpu.memory_space<hbm>> -> memref<8x128xi32, #tpu.memory_space<hbm>>
    tpu.wait_dma2 semaphore(%arg19 : memref<!tpu.dma_semaphore, #tpu.memory_space<semaphore_mem>>) src(%dma_wait3A_43 : memref<8x128xi32, #tpu.memory_space<hbm>>) dst(%arg8 : memref<8x128xi32, #tpu.memory_space<vmem>>)
    %dma_start3A_44 = arith.constant 1 : i32
    %dma_start3A_45 = arith.constant 0 : i32
    %dma_start3A_46 = tpu.memref_slice %arg7[%dma_start3A_44, %dma_start3A_45] : memref<8x128xi32, #tpu.memory_space<vmem>> -> memref<1x128xi32, #tpu.memory_space<vmem>>
    %dma_start3A_47 = tpu.memref_squeeze %dma_start3A_46 : memref<1x128xi32, #tpu.memory_space<vmem>> -> memref<128xi32, #tpu.memory_space<vmem>>
    %dma_start3A_48 = arith.constant 0 : i32
    %dma_start3A_49 = arith.constant 0 : i32
    %dma_start3A_50 = tpu.memref_slice %arg2[%dma_start3A_48, %dma_start3A_49] : memref<4096x128xf32, #tpu.memory_space<hbm>> -> memref<4096x128xf32, #tpu.memory_space<hbm>>
    tpu.enqueue_indirect_dma source(%dma_start3A_50 : memref<4096x128xf32, #tpu.memory_space<hbm>>) target(%arg13 : memref<128x128xf32, #tpu.memory_space<vmem>>) offsets(%dma_start3A_47 : memref<128xi32, #tpu.memory_space<vmem>>) semaphore(%arg19 : memref<!tpu.dma_semaphore, #tpu.memory_space<semaphore_mem>>)
    %dma_start3A_51 = arith.constant 3 : i32
    %dma_start3A_52 = arith.constant 0 : i32
    %dma_start3A_53 = tpu.memref_slice %arg7[%dma_start3A_51, %dma_start3A_52] : memref<8x128xi32, #tpu.memory_space<vmem>> -> memref<1x128xi32, #tpu.memory_space<vmem>>
    %dma_start3A_54 = tpu.memref_squeeze %dma_start3A_53 : memref<1x128xi32, #tpu.memory_space<vmem>> -> memref<128xi32, #tpu.memory_space<vmem>>
    %dma_start3A_55 = arith.constant 0 : i32
    %dma_start3A_56 = arith.constant 0 : i32
    %dma_start3A_57 = tpu.memref_slice %arg2[%dma_start3A_55, %dma_start3A_56] : memref<4096x128xf32, #tpu.memory_space<hbm>> -> memref<4096x128xf32, #tpu.memory_space<hbm>>
    tpu.enqueue_indirect_dma source(%dma_start3A_57 : memref<4096x128xf32, #tpu.memory_space<hbm>>) target(%arg14 : memref<128x128xf32, #tpu.memory_space<vmem>>) offsets(%dma_start3A_54 : memref<128xi32, #tpu.memory_space<vmem>>) semaphore(%arg19 : memref<!tpu.dma_semaphore, #tpu.memory_space<semaphore_mem>>)
    %dma_start3A_58 = arith.constant 5 : i32
    %dma_start3A_59 = arith.constant 0 : i32
    %dma_start3A_60 = tpu.memref_slice %arg7[%dma_start3A_58, %dma_start3A_59] : memref<8x128xi32, #tpu.memory_space<vmem>> -> memref<1x128xi32, #tpu.memory_space<vmem>>
    %dma_start3A_61 = tpu.memref_squeeze %dma_start3A_60 : memref<1x128xi32, #tpu.memory_space<vmem>> -> memref<128xi32, #tpu.memory_space<vmem>>
    %dma_start3A_62 = arith.constant 0 : i32
    %dma_start3A_63 = arith.constant 0 : i32
    %dma_start3A_64 = tpu.memref_slice %arg2[%dma_start3A_62, %dma_start3A_63] : memref<4096x128xf32, #tpu.memory_space<hbm>> -> memref<4096x128xf32, #tpu.memory_space<hbm>>
    tpu.enqueue_indirect_dma source(%dma_start3A_64 : memref<4096x128xf32, #tpu.memory_space<hbm>>) target(%arg15 : memref<128x128xf32, #tpu.memory_space<vmem>>) offsets(%dma_start3A_61 : memref<128xi32, #tpu.memory_space<vmem>>) semaphore(%arg19 : memref<!tpu.dma_semaphore, #tpu.memory_space<semaphore_mem>>)
    %get3A = arith.constant 0 : i32
    %get3A_65 = arith.index_cast %get3A : i32 to index
    %get3A_66 = arith.constant 0 : index
    %get3A_67 = tpu.vector_load %arg8[%get3A_65, %get3A_66] {strides = array<i32>} : memref<8x128xi32, #tpu.memory_space<vmem>>, vector<1x16xi32>,
    %get3A_68 = vector.shape_cast %get3A_67 : vector<1x16xi32> to vector<16xi32>
    %get3A_69 = arith.constant 2 : i32
    %get3A_70 = arith.index_cast %get3A_69 : i32 to index
    %get3A_71 = arith.constant 0 : index
    %get3A_72 = tpu.vector_load %arg8[%get3A_70, %get3A_71] {strides = array<i32>} : memref<8x128xi32, #tpu.memory_space<vmem>>, vector<1x16xi32>,
    %get3A_73 = vector.shape_cast %get3A_72 : vector<1x16xi32> to vector<16xi32>
    %get3A_74 = arith.constant 4 : i32
    %get3A_75 = arith.index_cast %get3A_74 : i32 to index
    %get3A_76 = arith.constant 0 : index
    %get3A_77 = tpu.vector_load %arg8[%get3A_75, %get3A_76] {strides = array<i32>} : memref<8x128xi32, #tpu.memory_space<vmem>>, vector<1x16xi32>,
    %get3A_78 = vector.shape_cast %get3A_77 : vector<1x16xi32> to vector<16xi32>
    %eq3A = arith.cmpi eq, %get3A_73, %get3A_68 : vector<16xi32>
    %jit3A = arith.constant 1000 : i32
    %broadcast_in_dim3A = vector.broadcast %jit3A : i32 to vector<16xi32>
    %select_n3A = arith.select %eq3A, %broadcast_in_dim3A, %get3A_73 : vector<16xi1>, vector<16xi32>
    %swap3A = arith.constant 0 : i32
    %swap3A_79 = arith.index_cast %swap3A : i32 to index
    %swap3A_80 = arith.constant 0 : index
    %swap3A_81 = tpu.vector_load %arg9[%swap3A_79, %swap3A_80] {strides = array<i32>} : memref<4x128xi32, #tpu.memory_space<vmem>>, vector<1x16xi32>,
    %swap3A_82 = vector.shape_cast %swap3A_81 : vector<1x16xi32> to vector<16xi32>
    %swap3A_83 = vector.shape_cast %select_n3A : vector<16xi32> to vector<1x16xi32>
    tpu.vector_store %arg9[%swap3A_79, %swap3A_80], %swap3A_83 {strides = array<i32>} : memref<4x128xi32, #tpu.memory_space<vmem>>, vector<1x16xi32>,
    %eq3A_84 = arith.cmpi eq, %get3A_78, %get3A_68 : vector<16xi32>
    %eq3A_85 = arith.cmpi eq, %get3A_78, %get3A_73 : vector<16xi32>
    %or3A = arith.ori %eq3A_84, %eq3A_85 : vector<16xi1>
    %jit3A_86 = arith.constant 1000 : i32
    %broadcast_in_dim3A_87 = vector.broadcast %jit3A_86 : i32 to vector<16xi32>
    %select_n3A_88 = arith.select %or3A, %broadcast_in_dim3A_87, %get3A_78 : vector<16xi1>, vector<16xi32>
    %swap3A_89 = arith.constant 2 : i32
    %swap3A_90 = arith.index_cast %swap3A_89 : i32 to index
    %swap3A_91 = arith.constant 0 : index
    %swap3A_92 = tpu.vector_load %arg9[%swap3A_90, %swap3A_91] {strides = array<i32>} : memref<4x128xi32, #tpu.memory_space<vmem>>, vector<1x16xi32>,
    %swap3A_93 = vector.shape_cast %swap3A_92 : vector<1x16xi32> to vector<16xi32>
    %swap3A_94 = vector.shape_cast %select_n3A_88 : vector<16xi32> to vector<1x16xi32>
    tpu.vector_store %arg9[%swap3A_90, %swap3A_91], %swap3A_94 {strides = array<i32>} : memref<4x128xi32, #tpu.memory_space<vmem>>, vector<1x16xi32>,
    %get3A_95 = arith.constant 0 : i32
    %get3A_96 = arith.index_cast %get3A_95 : i32 to index
    %get3A_97 = arith.constant 16 : index
    %get3A_98 = tpu.vector_load %arg8[%get3A_96, %get3A_97] {strides = array<i32>} : memref<8x128xi32, #tpu.memory_space<vmem>>, vector<1x16xi32>,
    %get3A_99 = vector.shape_cast %get3A_98 : vector<1x16xi32> to vector<16xi32>
    %get3A_100 = arith.constant 2 : i32
    %get3A_101 = arith.index_cast %get3A_100 : i32 to index
    %get3A_102 = arith.constant 16 : index
    %get3A_103 = tpu.vector_load %arg8[%get3A_101, %get3A_102] {strides = array<i32>} : memref<8x128xi32, #tpu.memory_space<vmem>>, vector<1x16xi32>,
    %get3A_104 = vector.shape_cast %get3A_103 : vector<1x16xi32> to vector<16xi32>
    %get3A_105 = arith.constant 4 : i32
    %get3A_106 = arith.index_cast %get3A_105 : i32 to index
    %get3A_107 = arith.constant 16 : index
    %get3A_108 = tpu.vector_load %arg8[%get3A_106, %get3A_107] {strides = array<i32>} : memref<8x128xi32, #tpu.memory_space<vmem>>, vector<1x16xi32>,
    %get3A_109 = vector.shape_cast %get3A_108 : vector<1x16xi32> to vector<16xi32>
    %eq3A_110 = arith.cmpi eq, %get3A_104, %get3A_99 : vector<16xi32>
    %jit3A_111 = arith.constant 1000 : i32
    %broadcast_in_dim3A_112 = vector.broadcast %jit3A_111 : i32 to vector<16xi32>
    %select_n3A_113 = arith.select %eq3A_110, %broadcast_in_dim3A_112, %get3A_104 : vector<16xi1>, vector<16xi32>
    %swap3A_114 = arith.constant 0 : i32
    %swap3A_115 = arith.index_cast %swap3A_114 : i32 to index
    %swap3A_116 = arith.constant 16 : index
    %swap3A_117 = tpu.vector_load %arg9[%swap3A_115, %swap3A_116] {strides = array<i32>} : memref<4x128xi32, #tpu.memory_space<vmem>>, vector<1x16xi32>,
    %swap3A_118 = vector.shape_cast %swap3A_117 : vector<1x16xi32> to vector<16xi32>
    %swap3A_119 = vector.shape_cast %select_n3A_113 : vector<16xi32> to vector<1x16xi32>
    tpu.vector_store %arg9[%swap3A_115, %swap3A_116], %swap3A_119 {strides = array<i32>} : memref<4x128xi32, #tpu.memory_space<vmem>>, vector<1x16xi32>,
    %eq3A_120 = arith.cmpi eq, %get3A_109, %get3A_99 : vector<16xi32>
    %eq3A_121 = arith.cmpi eq, %get3A_109, %get3A_104 : vector<16xi32>
    %or3A_122 = arith.ori %eq3A_120, %eq3A_121 : vector<16xi1>
    %jit3A_123 = arith.constant 1000 : i32
    %broadcast_in_dim3A_124 = vector.broadcast %jit3A_123 : i32 to vector<16xi32>
    %select_n3A_125 = arith.select %or3A_122, %broadcast_in_dim3A_124, %get3A_109 : vector<16xi1>, vector<16xi32>
    %swap3A_126 = arith.constant 2 : i32
    %swap3A_127 = arith.index_cast %swap3A_126 : i32 to index
    %swap3A_128 = arith.constant 16 : index
    %swap3A_129 = tpu.vector_load %arg9[%swap3A_127, %swap3A_128] {strides = array<i32>} : memref<4x128xi32, #tpu.memory_space<vmem>>, vector<1x16xi32>,
    %swap3A_130 = vector.shape_cast %swap3A_129 : vector<1x16xi32> to vector<16xi32>
    %swap3A_131 = vector.shape_cast %select_n3A_125 : vector<16xi32> to vector<1x16xi32>
    tpu.vector_store %arg9[%swap3A_127, %swap3A_128], %swap3A_131 {strides = array<i32>} : memref<4x128xi32, #tpu.memory_space<vmem>>, vector<1x16xi32>,
    %get3A_132 = arith.constant 0 : i32
    %get3A_133 = arith.index_cast %get3A_132 : i32 to index
    %get3A_134 = arith.constant 32 : index
    %get3A_135 = tpu.vector_load %arg8[%get3A_133, %get3A_134] {strides = array<i32>} : memref<8x128xi32, #tpu.memory_space<vmem>>, vector<1x16xi32>,
    %get3A_136 = vector.shape_cast %get3A_135 : vector<1x16xi32> to vector<16xi32>
    %get3A_137 = arith.constant 2 : i32
    %get3A_138 = arith.index_cast %get3A_137 : i32 to index
    %get3A_139 = arith.constant 32 : index
    %get3A_140 = tpu.vector_load %arg8[%get3A_138, %get3A_139] {strides = array<i32>} : memref<8x128xi32, #tpu.memory_space<vmem>>, vector<1x16xi32>,
    %get3A_141 = vector.shape_cast %get3A_140 : vector<1x16xi32> to vector<16xi32>
    %get3A_142 = arith.constant 4 : i32
    %get3A_143 = arith.index_cast %get3A_142 : i32 to index
    %get3A_144 = arith.constant 32 : index
    %get3A_145 = tpu.vector_load %arg8[%get3A_143, %get3A_144] {strides = array<i32>} : memref<8x128xi32, #tpu.memory_space<vmem>>, vector<1x16xi32>,
    %get3A_146 = vector.shape_cast %get3A_145 : vector<1x16xi32> to vector<16xi32>
    %eq3A_147 = arith.cmpi eq, %get3A_141, %get3A_136 : vector<16xi32>
    %jit3A_148 = arith.constant 1000 : i32
    %broadcast_in_dim3A_149 = vector.broadcast %jit3A_148 : i32 to vector<16xi32>
    %select_n3A_150 = arith.select %eq3A_147, %broadcast_in_dim3A_149, %get3A_141 : vector<16xi1>, vector<16xi32>
    %swap3A_151 = arith.constant 0 : i32
    %swap3A_152 = arith.index_cast %swap3A_151 : i32 to index
    %swap3A_153 = arith.constant 32 : index
    %swap3A_154 = tpu.vector_load %arg9[%swap3A_152, %swap3A_153] {strides = array<i32>} : memref<4x128xi32, #tpu.memory_space<vmem>>, vector<1x16xi32>,
    %swap3A_155 = vector.shape_cast %swap3A_154 : vector<1x16xi32> to vector<16xi32>
    %swap3A_156 = vector.shape_cast %select_n3A_150 : vector<16xi32> to vector<1x16xi32>
    tpu.vector_store %arg9[%swap3A_152, %swap3A_153], %swap3A_156 {strides = array<i32>} : memref<4x128xi32, #tpu.memory_space<vmem>>, vector<1x16xi32>,
    %eq3A_157 = arith.cmpi eq, %get3A_146, %get3A_136 : vector<16xi32>
    %eq3A_158 = arith.cmpi eq, %get3A_146, %get3A_141 : vector<16xi32>
    %or3A_159 = arith.ori %eq3A_157, %eq3A_158 : vector<16xi1>
    %jit3A_160 = arith.constant 1000 : i32
    %broadcast_in_dim3A_161 = vector.broadcast %jit3A_160 : i32 to vector<16xi32>
    %select_n3A_162 = arith.select %or3A_159, %broadcast_in_dim3A_161, %get3A_146 : vector<16xi1>, vector<16xi32>
    %swap3A_163 = arith.constant 2 : i32
    %swap3A_164 = arith.index_cast %swap3A_163 : i32 to index
    %swap3A_165 = arith.constant 32 : index
    %swap3A_166 = tpu.vector_load %arg9[%swap3A_164, %swap3A_165] {strides = array<i32>} : memref<4x128xi32, #tpu.memory_space<vmem>>, vector<1x16xi32>,
    %swap3A_167 = vector.shape_cast %swap3A_166 : vector<1x16xi32> to vector<16xi32>
    %swap3A_168 = vector.shape_cast %select_n3A_162 : vector<16xi32> to vector<1x16xi32>
    tpu.vector_store %arg9[%swap3A_164, %swap3A_165], %swap3A_168 {strides = array<i32>} : memref<4x128xi32, #tpu.memory_space<vmem>>, vector<1x16xi32>,
    %get3A_169 = arith.constant 0 : i32
    %get3A_170 = arith.index_cast %get3A_169 : i32 to index
    %get3A_171 = arith.constant 48 : index
    %get3A_172 = tpu.vector_load %arg8[%get3A_170, %get3A_171] {strides = array<i32>} : memref<8x128xi32, #tpu.memory_space<vmem>>, vector<1x16xi32>,
    %get3A_173 = vector.shape_cast %get3A_172 : vector<1x16xi32> to vector<16xi32>
    %get3A_174 = arith.constant 2 : i32
    %get3A_175 = arith.index_cast %get3A_174 : i32 to index
    %get3A_176 = arith.constant 48 : index
    %get3A_177 = tpu.vector_load %arg8[%get3A_175, %get3A_176] {strides = array<i32>} : memref<8x128xi32, #tpu.memory_space<vmem>>, vector<1x16xi32>,
    %get3A_178 = vector.shape_cast %get3A_177 : vector<1x16xi32> to vector<16xi32>
    %get3A_179 = arith.constant 4 : i32
    %get3A_180 = arith.index_cast %get3A_179 : i32 to index
    %get3A_181 = arith.constant 48 : index
    %get3A_182 = tpu.vector_load %arg8[%get3A_180, %get3A_181] {strides = array<i32>} : memref<8x128xi32, #tpu.memory_space<vmem>>, vector<1x16xi32>,
    %get3A_183 = vector.shape_cast %get3A_182 : vector<1x16xi32> to vector<16xi32>
    %eq3A_184 = arith.cmpi eq, %get3A_178, %get3A_173 : vector<16xi32>
    %jit3A_185 = arith.constant 1000 : i32
    %broadcast_in_dim3A_186 = vector.broadcast %jit3A_185 : i32 to vector<16xi32>
    %select_n3A_187 = arith.select %eq3A_184, %broadcast_in_dim3A_186, %get3A_178 : vector<16xi1>, vector<16xi32>
    %swap3A_188 = arith.constant 0 : i32
    %swap3A_189 = arith.index_cast %swap3A_188 : i32 to index
    %swap3A_190 = arith.constant 48 : index
    %swap3A_191 = tpu.vector_load %arg9[%swap3A_189, %swap3A_190] {strides = array<i32>} : memref<4x128xi32, #tpu.memory_space<vmem>>, vector<1x16xi32>,
    %swap3A_192 = vector.shape_cast %swap3A_191 : vector<1x16xi32> to vector<16xi32>
    %swap3A_193 = vector.shape_cast %select_n3A_187 : vector<16xi32> to vector<1x16xi32>
    tpu.vector_store %arg9[%swap3A_189, %swap3A_190], %swap3A_193 {strides = array<i32>} : memref<4x128xi32, #tpu.memory_space<vmem>>, vector<1x16xi32>,
    %eq3A_194 = arith.cmpi eq, %get3A_183, %get3A_173 : vector<16xi32>
    %eq3A_195 = arith.cmpi eq, %get3A_183, %get3A_178 : vector<16xi32>
    %or3A_196 = arith.ori %eq3A_194, %eq3A_195 : vector<16xi1>
    %jit3A_197 = arith.constant 1000 : i32
    %broadcast_in_dim3A_198 = vector.broadcast %jit3A_197 : i32 to vector<16xi32>
    %select_n3A_199 = arith.select %or3A_196, %broadcast_in_dim3A_198, %get3A_183 : vector<16xi1>, vector<16xi32>
    %swap3A_200 = arith.constant 2 : i32
    %swap3A_201 = arith.index_cast %swap3A_200 : i32 to index
    %swap3A_202 = arith.constant 48 : index
    %swap3A_203 = tpu.vector_load %arg9[%swap3A_201, %swap3A_202] {strides = array<i32>} : memref<4x128xi32, #tpu.memory_space<vmem>>, vector<1x16xi32>,
    %swap3A_204 = vector.shape_cast %swap3A_203 : vector<1x16xi32> to vector<16xi32>
    %swap3A_205 = vector.shape_cast %select_n3A_199 : vector<16xi32> to vector<1x16xi32>
    tpu.vector_store %arg9[%swap3A_201, %swap3A_202], %swap3A_205 {strides = array<i32>} : memref<4x128xi32, #tpu.memory_space<vmem>>, vector<1x16xi32>,
    %get3A_206 = arith.constant 0 : i32
    %get3A_207 = arith.index_cast %get3A_206 : i32 to index
    %get3A_208 = arith.constant 64 : index
    %get3A_209 = tpu.vector_load %arg8[%get3A_207, %get3A_208] {strides = array<i32>} : memref<8x128xi32, #tpu.memory_space<vmem>>, vector<1x16xi32>,
    %get3A_210 = vector.shape_cast %get3A_209 : vector<1x16xi32> to vector<16xi32>
    %get3A_211 = arith.constant 2 : i32
    %get3A_212 = arith.index_cast %get3A_211 : i32 to index
    %get3A_213 = arith.constant 64 : index
    %get3A_214 = tpu.vector_load %arg8[%get3A_212, %get3A_213] {strides = array<i32>} : memref<8x128xi32, #tpu.memory_space<vmem>>, vector<1x16xi32>,
    %get3A_215 = vector.shape_cast %get3A_214 : vector<1x16xi32> to vector<16xi32>
    %get3A_216 = arith.constant 4 : i32
    %get3A_217 = arith.index_cast %get3A_216 : i32 to index
    %get3A_218 = arith.constant 64 : index
    %get3A_219 = tpu.vector_load %arg8[%get3A_217, %get3A_218] {strides = array<i32>} : memref<8x128xi32, #tpu.memory_space<vmem>>, vector<1x16xi32>,
    %get3A_220 = vector.shape_cast %get3A_219 : vector<1x16xi32> to vector<16xi32>
    %eq3A_221 = arith.cmpi eq, %get3A_215, %get3A_210 : vector<16xi32>
    %jit3A_222 = arith.constant 1000 : i32
    %broadcast_in_dim3A_223 = vector.broadcast %jit3A_222 : i32 to vector<16xi32>
    %select_n3A_224 = arith.select %eq3A_221, %broadcast_in_dim3A_223, %get3A_215 : vector<16xi1>, vector<16xi32>
    %swap3A_225 = arith.constant 0 : i32
    %swap3A_226 = arith.index_cast %swap3A_225 : i32 to index
    %swap3A_227 = arith.constant 64 : index
    %swap3A_228 = tpu.vector_load %arg9[%swap3A_226, %swap3A_227] {strides = array<i32>} : memref<4x128xi32, #tpu.memory_space<vmem>>, vector<1x16xi32>,
    %swap3A_229 = vector.shape_cast %swap3A_228 : vector<1x16xi32> to vector<16xi32>
    %swap3A_230 = vector.shape_cast %select_n3A_224 : vector<16xi32> to vector<1x16xi32>
    tpu.vector_store %arg9[%swap3A_226, %swap3A_227], %swap3A_230 {strides = array<i32>} : memref<4x128xi32, #tpu.memory_space<vmem>>, vector<1x16xi32>,
    %eq3A_231 = arith.cmpi eq, %get3A_220, %get3A_210 : vector<16xi32>
    %eq3A_232 = arith.cmpi eq, %get3A_220, %get3A_215 : vector<16xi32>
    %or3A_233 = arith.ori %eq3A_231, %eq3A_232 : vector<16xi1>
    %jit3A_234 = arith.constant 1000 : i32
    %broadcast_in_dim3A_235 = vector.broadcast %jit3A_234 : i32 to vector<16xi32>
    %select_n3A_236 = arith.select %or3A_233, %broadcast_in_dim3A_235, %get3A_220 : vector<16xi1>, vector<16xi32>
    %swap3A_237 = arith.constant 2 : i32
    %swap3A_238 = arith.index_cast %swap3A_237 : i32 to index
    %swap3A_239 = arith.constant 64 : index
    %swap3A_240 = tpu.vector_load %arg9[%swap3A_238, %swap3A_239] {strides = array<i32>} : memref<4x128xi32, #tpu.memory_space<vmem>>, vector<1x16xi32>,
    %swap3A_241 = vector.shape_cast %swap3A_240 : vector<1x16xi32> to vector<16xi32>
    %swap3A_242 = vector.shape_cast %select_n3A_236 : vector<16xi32> to vector<1x16xi32>
    tpu.vector_store %arg9[%swap3A_238, %swap3A_239], %swap3A_242 {strides = array<i32>} : memref<4x128xi32, #tpu.memory_space<vmem>>, vector<1x16xi32>,
    %get3A_243 = arith.constant 0 : i32
    %get3A_244 = arith.index_cast %get3A_243 : i32 to index
    %get3A_245 = arith.constant 80 : index
    %get3A_246 = tpu.vector_load %arg8[%get3A_244, %get3A_245] {strides = array<i32>} : memref<8x128xi32, #tpu.memory_space<vmem>>, vector<1x16xi32>,
    %get3A_247 = vector.shape_cast %get3A_246 : vector<1x16xi32> to vector<16xi32>
    %get3A_248 = arith.constant 2 : i32
    %get3A_249 = arith.index_cast %get3A_248 : i32 to index
    %get3A_250 = arith.constant 80 : index
    %get3A_251 = tpu.vector_load %arg8[%get3A_249, %get3A_250] {strides = array<i32>} : memref<8x128xi32, #tpu.memory_space<vmem>>, vector<1x16xi32>,
    %get3A_252 = vector.shape_cast %get3A_251 : vector<1x16xi32> to vector<16xi32>
    %get3A_253 = arith.constant 4 : i32
    %get3A_254 = arith.index_cast %get3A_253 : i32 to index
    %get3A_255 = arith.constant 80 : index
    %get3A_256 = tpu.vector_load %arg8[%get3A_254, %get3A_255] {strides = array<i32>} : memref<8x128xi32, #tpu.memory_space<vmem>>, vector<1x16xi32>,
    %get3A_257 = vector.shape_cast %get3A_256 : vector<1x16xi32> to vector<16xi32>
    %eq3A_258 = arith.cmpi eq, %get3A_252, %get3A_247 : vector<16xi32>
    %jit3A_259 = arith.constant 1000 : i32
    %broadcast_in_dim3A_260 = vector.broadcast %jit3A_259 : i32 to vector<16xi32>
    %select_n3A_261 = arith.select %eq3A_258, %broadcast_in_dim3A_260, %get3A_252 : vector<16xi1>, vector<16xi32>
    %swap3A_262 = arith.constant 0 : i32
    %swap3A_263 = arith.index_cast %swap3A_262 : i32 to index
    %swap3A_264 = arith.constant 80 : index
    %swap3A_265 = tpu.vector_load %arg9[%swap3A_263, %swap3A_264] {strides = array<i32>} : memref<4x128xi32, #tpu.memory_space<vmem>>, vector<1x16xi32>,
    %swap3A_266 = vector.shape_cast %swap3A_265 : vector<1x16xi32> to vector<16xi32>
    %swap3A_267 = vector.shape_cast %select_n3A_261 : vector<16xi32> to vector<1x16xi32>
    tpu.vector_store %arg9[%swap3A_263, %swap3A_264], %swap3A_267 {strides = array<i32>} : memref<4x128xi32, #tpu.memory_space<vmem>>, vector<1x16xi32>,
    %eq3A_268 = arith.cmpi eq, %get3A_257, %get3A_247 : vector<16xi32>
    %eq3A_269 = arith.cmpi eq, %get3A_257, %get3A_252 : vector<16xi32>
    %or3A_270 = arith.ori %eq3A_268, %eq3A_269 : vector<16xi1>
    %jit3A_271 = arith.constant 1000 : i32
    %broadcast_in_dim3A_272 = vector.broadcast %jit3A_271 : i32 to vector<16xi32>
    %select_n3A_273 = arith.select %or3A_270, %broadcast_in_dim3A_272, %get3A_257 : vector<16xi1>, vector<16xi32>
    %swap3A_274 = arith.constant 2 : i32
    %swap3A_275 = arith.index_cast %swap3A_274 : i32 to index
    %swap3A_276 = arith.constant 80 : index
    %swap3A_277 = tpu.vector_load %arg9[%swap3A_275, %swap3A_276] {strides = array<i32>} : memref<4x128xi32, #tpu.memory_space<vmem>>, vector<1x16xi32>,
    %swap3A_278 = vector.shape_cast %swap3A_277 : vector<1x16xi32> to vector<16xi32>
    %swap3A_279 = vector.shape_cast %select_n3A_273 : vector<16xi32> to vector<1x16xi32>
    tpu.vector_store %arg9[%swap3A_275, %swap3A_276], %swap3A_279 {strides = array<i32>} : memref<4x128xi32, #tpu.memory_space<vmem>>, vector<1x16xi32>,
    %get3A_280 = arith.constant 0 : i32
    %get3A_281 = arith.index_cast %get3A_280 : i32 to index
    %get3A_282 = arith.constant 96 : index
    %get3A_283 = tpu.vector_load %arg8[%get3A_281, %get3A_282] {strides = array<i32>} : memref<8x128xi32, #tpu.memory_space<vmem>>, vector<1x16xi32>,
    %get3A_284 = vector.shape_cast %get3A_283 : vector<1x16xi32> to vector<16xi32>
    %get3A_285 = arith.constant 2 : i32
    %get3A_286 = arith.index_cast %get3A_285 : i32 to index
    %get3A_287 = arith.constant 96 : index
    %get3A_288 = tpu.vector_load %arg8[%get3A_286, %get3A_287] {strides = array<i32>} : memref<8x128xi32, #tpu.memory_space<vmem>>, vector<1x16xi32>,
    %get3A_289 = vector.shape_cast %get3A_288 : vector<1x16xi32> to vector<16xi32>
    %get3A_290 = arith.constant 4 : i32
    %get3A_291 = arith.index_cast %get3A_290 : i32 to index
    %get3A_292 = arith.constant 96 : index
    %get3A_293 = tpu.vector_load %arg8[%get3A_291, %get3A_292] {strides = array<i32>} : memref<8x128xi32, #tpu.memory_space<vmem>>, vector<1x16xi32>,
    %get3A_294 = vector.shape_cast %get3A_293 : vector<1x16xi32> to vector<16xi32>
    %eq3A_295 = arith.cmpi eq, %get3A_289, %get3A_284 : vector<16xi32>
    %jit3A_296 = arith.constant 1000 : i32
    %broadcast_in_dim3A_297 = vector.broadcast %jit3A_296 : i32 to vector<16xi32>
    %select_n3A_298 = arith.select %eq3A_295, %broadcast_in_dim3A_297, %get3A_289 : vector<16xi1>, vector<16xi32>
    %swap3A_299 = arith.constant 0 : i32
    %swap3A_300 = arith.index_cast %swap3A_299 : i32 to index
    %swap3A_301 = arith.constant 96 : index
    %swap3A_302 = tpu.vector_load %arg9[%swap3A_300, %swap3A_301] {strides = array<i32>} : memref<4x128xi32, #tpu.memory_space<vmem>>, vector<1x16xi32>,
    %swap3A_303 = vector.shape_cast %swap3A_302 : vector<1x16xi32> to vector<16xi32>
    %swap3A_304 = vector.shape_cast %select_n3A_298 : vector<16xi32> to vector<1x16xi32>
    tpu.vector_store %arg9[%swap3A_300, %swap3A_301], %swap3A_304 {strides = array<i32>} : memref<4x128xi32, #tpu.memory_space<vmem>>, vector<1x16xi32>,
    %eq3A_305 = arith.cmpi eq, %get3A_294, %get3A_284 : vector<16xi32>
    %eq3A_306 = arith.cmpi eq, %get3A_294, %get3A_289 : vector<16xi32>
    %or3A_307 = arith.ori %eq3A_305, %eq3A_306 : vector<16xi1>
    %jit3A_308 = arith.constant 1000 : i32
    %broadcast_in_dim3A_309 = vector.broadcast %jit3A_308 : i32 to vector<16xi32>
    %select_n3A_310 = arith.select %or3A_307, %broadcast_in_dim3A_309, %get3A_294 : vector<16xi1>, vector<16xi32>
    %swap3A_311 = arith.constant 2 : i32
    %swap3A_312 = arith.index_cast %swap3A_311 : i32 to index
    %swap3A_313 = arith.constant 96 : index
    %swap3A_314 = tpu.vector_load %arg9[%swap3A_312, %swap3A_313] {strides = array<i32>} : memref<4x128xi32, #tpu.memory_space<vmem>>, vector<1x16xi32>,
    %swap3A_315 = vector.shape_cast %swap3A_314 : vector<1x16xi32> to vector<16xi32>
    %swap3A_316 = vector.shape_cast %select_n3A_310 : vector<16xi32> to vector<1x16xi32>
    tpu.vector_store %arg9[%swap3A_312, %swap3A_313], %swap3A_316 {strides = array<i32>} : memref<4x128xi32, #tpu.memory_space<vmem>>, vector<1x16xi32>,
    %get3A_317 = arith.constant 0 : i32
    %get3A_318 = arith.index_cast %get3A_317 : i32 to index
    %get3A_319 = arith.constant 112 : index
    %get3A_320 = tpu.vector_load %arg8[%get3A_318, %get3A_319] {strides = array<i32>} : memref<8x128xi32, #tpu.memory_space<vmem>>, vector<1x16xi32>,
    %get3A_321 = vector.shape_cast %get3A_320 : vector<1x16xi32> to vector<16xi32>
    %get3A_322 = arith.constant 2 : i32
    %get3A_323 = arith.index_cast %get3A_322 : i32 to index
    %get3A_324 = arith.constant 112 : index
    %get3A_325 = tpu.vector_load %arg8[%get3A_323, %get3A_324] {strides = array<i32>} : memref<8x128xi32, #tpu.memory_space<vmem>>, vector<1x16xi32>,
    %get3A_326 = vector.shape_cast %get3A_325 : vector<1x16xi32> to vector<16xi32>
    %get3A_327 = arith.constant 4 : i32
    %get3A_328 = arith.index_cast %get3A_327 : i32 to index
    %get3A_329 = arith.constant 112 : index
    %get3A_330 = tpu.vector_load %arg8[%get3A_328, %get3A_329] {strides = array<i32>} : memref<8x128xi32, #tpu.memory_space<vmem>>, vector<1x16xi32>,
    %get3A_331 = vector.shape_cast %get3A_330 : vector<1x16xi32> to vector<16xi32>
    %eq3A_332 = arith.cmpi eq, %get3A_326, %get3A_321 : vector<16xi32>
    %jit3A_333 = arith.constant 1000 : i32
    %broadcast_in_dim3A_334 = vector.broadcast %jit3A_333 : i32 to vector<16xi32>
    %select_n3A_335 = arith.select %eq3A_332, %broadcast_in_dim3A_334, %get3A_326 : vector<16xi1>, vector<16xi32>
    %swap3A_336 = arith.constant 0 : i32
    %swap3A_337 = arith.index_cast %swap3A_336 : i32 to index
    %swap3A_338 = arith.constant 112 : index
    %swap3A_339 = tpu.vector_load %arg9[%swap3A_337, %swap3A_338] {strides = array<i32>} : memref<4x128xi32, #tpu.memory_space<vmem>>, vector<1x16xi32>,
    %swap3A_340 = vector.shape_cast %swap3A_339 : vector<1x16xi32> to vector<16xi32>
    %swap3A_341 = vector.shape_cast %select_n3A_335 : vector<16xi32> to vector<1x16xi32>
    tpu.vector_store %arg9[%swap3A_337, %swap3A_338], %swap3A_341 {strides = array<i32>} : memref<4x128xi32, #tpu.memory_space<vmem>>, vector<1x16xi32>,
    %eq3A_342 = arith.cmpi eq, %get3A_331, %get3A_321 : vector<16xi32>
    %eq3A_343 = arith.cmpi eq, %get3A_331, %get3A_326 : vector<16xi32>
    %or3A_344 = arith.ori %eq3A_342, %eq3A_343 : vector<16xi1>
    %jit3A_345 = arith.constant 1000 : i32
    %broadcast_in_dim3A_346 = vector.broadcast %jit3A_345 : i32 to vector<16xi32>
    %select_n3A_347 = arith.select %or3A_344, %broadcast_in_dim3A_346, %get3A_331 : vector<16xi1>, vector<16xi32>
    %swap3A_348 = arith.constant 2 : i32
    %swap3A_349 = arith.index_cast %swap3A_348 : i32 to index
    %swap3A_350 = arith.constant 112 : index
    %swap3A_351 = tpu.vector_load %arg9[%swap3A_349, %swap3A_350] {strides = array<i32>} : memref<4x128xi32, #tpu.memory_space<vmem>>, vector<1x16xi32>,
    %swap3A_352 = vector.shape_cast %swap3A_351 : vector<1x16xi32> to vector<16xi32>
    %swap3A_353 = vector.shape_cast %select_n3A_347 : vector<16xi32> to vector<1x16xi32>
    tpu.vector_store %arg9[%swap3A_349, %swap3A_350], %swap3A_353 {strides = array<i32>} : memref<4x128xi32, #tpu.memory_space<vmem>>, vector<1x16xi32>,
    %get3A_354 = arith.constant 1 : i32
    %get3A_355 = arith.index_cast %get3A_354 : i32 to index
    %get3A_356 = arith.constant 0 : index
    %get3A_357 = tpu.vector_load %arg8[%get3A_355, %get3A_356] {strides = array<i32>} : memref<8x128xi32, #tpu.memory_space<vmem>>, vector<1x16xi32>,
    %get3A_358 = vector.shape_cast %get3A_357 : vector<1x16xi32> to vector<16xi32>
    %get3A_359 = arith.constant 3 : i32
    %get3A_360 = arith.index_cast %get3A_359 : i32 to index
    %get3A_361 = arith.constant 0 : index
    %get3A_362 = tpu.vector_load %arg8[%get3A_360, %get3A_361] {strides = array<i32>} : memref<8x128xi32, #tpu.memory_space<vmem>>, vector<1x16xi32>,
    %get3A_363 = vector.shape_cast %get3A_362 : vector<1x16xi32> to vector<16xi32>
    %get3A_364 = arith.constant 5 : i32
    %get3A_365 = arith.index_cast %get3A_364 : i32 to index
    %get3A_366 = arith.constant 0 : index
    %get3A_367 = tpu.vector_load %arg8[%get3A_365, %get3A_366] {strides = array<i32>} : memref<8x128xi32, #tpu.memory_space<vmem>>, vector<1x16xi32>,
    %get3A_368 = vector.shape_cast %get3A_367 : vector<1x16xi32> to vector<16xi32>
    %eq3A_369 = arith.cmpi eq, %get3A_363, %get3A_358 : vector<16xi32>
    %jit3A_370 = arith.constant 1000 : i32
    %broadcast_in_dim3A_371 = vector.broadcast %jit3A_370 : i32 to vector<16xi32>
    %select_n3A_372 = arith.select %eq3A_369, %broadcast_in_dim3A_371, %get3A_363 : vector<16xi1>, vector<16xi32>
    %swap3A_373 = arith.constant 1 : i32
    %swap3A_374 = arith.index_cast %swap3A_373 : i32 to index
    %swap3A_375 = arith.constant 0 : index
    %swap3A_376 = tpu.vector_load %arg9[%swap3A_374, %swap3A_375] {strides = array<i32>} : memref<4x128xi32, #tpu.memory_space<vmem>>, vector<1x16xi32>,
    %swap3A_377 = vector.shape_cast %swap3A_376 : vector<1x16xi32> to vector<16xi32>
    %swap3A_378 = vector.shape_cast %select_n3A_372 : vector<16xi32> to vector<1x16xi32>
    tpu.vector_store %arg9[%swap3A_374, %swap3A_375], %swap3A_378 {strides = array<i32>} : memref<4x128xi32, #tpu.memory_space<vmem>>, vector<1x16xi32>,
    %eq3A_379 = arith.cmpi eq, %get3A_368, %get3A_358 : vector<16xi32>
    %eq3A_380 = arith.cmpi eq, %get3A_368, %get3A_363 : vector<16xi32>
    %or3A_381 = arith.ori %eq3A_379, %eq3A_380 : vector<16xi1>
    %jit3A_382 = arith.constant 1000 : i32
    %broadcast_in_dim3A_383 = vector.broadcast %jit3A_382 : i32 to vector<16xi32>
    %select_n3A_384 = arith.select %or3A_381, %broadcast_in_dim3A_383, %get3A_368 : vector<16xi1>, vector<16xi32>
    %swap3A_385 = arith.constant 3 : i32
    %swap3A_386 = arith.index_cast %swap3A_385 : i32 to index
    %swap3A_387 = arith.constant 0 : index
    %swap3A_388 = tpu.vector_load %arg9[%swap3A_386, %swap3A_387] {strides = array<i32>} : memref<4x128xi32, #tpu.memory_space<vmem>>, vector<1x16xi32>,
    %swap3A_389 = vector.shape_cast %swap3A_388 : vector<1x16xi32> to vector<16xi32>
    %swap3A_390 = vector.shape_cast %select_n3A_384 : vector<16xi32> to vector<1x16xi32>
    tpu.vector_store %arg9[%swap3A_386, %swap3A_387], %swap3A_390 {strides = array<i32>} : memref<4x128xi32, #tpu.memory_space<vmem>>, vector<1x16xi32>,
    %get3A_391 = arith.constant 1 : i32
    %get3A_392 = arith.index_cast %get3A_391 : i32 to index
    %get3A_393 = arith.constant 16 : index
    %get3A_394 = tpu.vector_load %arg8[%get3A_392, %get3A_393] {strides = array<i32>} : memref<8x128xi32, #tpu.memory_space<vmem>>, vector<1x16xi32>,
    %get3A_395 = vector.shape_cast %get3A_394 : vector<1x16xi32> to vector<16xi32>
    %get3A_396 = arith.constant 3 : i32
    %get3A_397 = arith.index_cast %get3A_396 : i32 to index
    %get3A_398 = arith.constant 16 : index
    %get3A_399 = tpu.vector_load %arg8[%get3A_397, %get3A_398] {strides = array<i32>} : memref<8x128xi32, #tpu.memory_space<vmem>>, vector<1x16xi32>,
    %get3A_400 = vector.shape_cast %get3A_399 : vector<1x16xi32> to vector<16xi32>
    %get3A_401 = arith.constant 5 : i32
    %get3A_402 = arith.index_cast %get3A_401 : i32 to index
    %get3A_403 = arith.constant 16 : index
    %get3A_404 = tpu.vector_load %arg8[%get3A_402, %get3A_403] {strides = array<i32>} : memref<8x128xi32, #tpu.memory_space<vmem>>, vector<1x16xi32>,
    %get3A_405 = vector.shape_cast %get3A_404 : vector<1x16xi32> to vector<16xi32>
    %eq3A_406 = arith.cmpi eq, %get3A_400, %get3A_395 : vector<16xi32>
    %jit3A_407 = arith.constant 1000 : i32
    %broadcast_in_dim3A_408 = vector.broadcast %jit3A_407 : i32 to vector<16xi32>
    %select_n3A_409 = arith.select %eq3A_406, %broadcast_in_dim3A_408, %get3A_400 : vector<16xi1>, vector<16xi32>
    %swap3A_410 = arith.constant 1 : i32
    %swap3A_411 = arith.index_cast %swap3A_410 : i32 to index
    %swap3A_412 = arith.constant 16 : index
    %swap3A_413 = tpu.vector_load %arg9[%swap3A_411, %swap3A_412] {strides = array<i32>} : memref<4x128xi32, #tpu.memory_space<vmem>>, vector<1x16xi32>,
    %swap3A_414 = vector.shape_cast %swap3A_413 : vector<1x16xi32> to vector<16xi32>
    %swap3A_415 = vector.shape_cast %select_n3A_409 : vector<16xi32> to vector<1x16xi32>
    tpu.vector_store %arg9[%swap3A_411, %swap3A_412], %swap3A_415 {strides = array<i32>} : memref<4x128xi32, #tpu.memory_space<vmem>>, vector<1x16xi32>,
    %eq3A_416 = arith.cmpi eq, %get3A_405, %get3A_395 : vector<16xi32>
    %eq3A_417 = arith.cmpi eq, %get3A_405, %get3A_400 : vector<16xi32>
    %or3A_418 = arith.ori %eq3A_416, %eq3A_417 : vector<16xi1>
    %jit3A_419 = arith.constant 1000 : i32
    %broadcast_in_dim3A_420 = vector.broadcast %jit3A_419 : i32 to vector<16xi32>
    %select_n3A_421 = arith.select %or3A_418, %broadcast_in_dim3A_420, %get3A_405 : vector<16xi1>, vector<16xi32>
    %swap3A_422 = arith.constant 3 : i32
    %swap3A_423 = arith.index_cast %swap3A_422 : i32 to index
    %swap3A_424 = arith.constant 16 : index
    %swap3A_425 = tpu.vector_load %arg9[%swap3A_423, %swap3A_424] {strides = array<i32>} : memref<4x128xi32, #tpu.memory_space<vmem>>, vector<1x16xi32>,
    %swap3A_426 = vector.shape_cast %swap3A_425 : vector<1x16xi32> to vector<16xi32>
    %swap3A_427 = vector.shape_cast %select_n3A_421 : vector<16xi32> to vector<1x16xi32>
    tpu.vector_store %arg9[%swap3A_423, %swap3A_424], %swap3A_427 {strides = array<i32>} : memref<4x128xi32, #tpu.memory_space<vmem>>, vector<1x16xi32>,
    %get3A_428 = arith.constant 1 : i32
    %get3A_429 = arith.index_cast %get3A_428 : i32 to index
    %get3A_430 = arith.constant 32 : index
    %get3A_431 = tpu.vector_load %arg8[%get3A_429, %get3A_430] {strides = array<i32>} : memref<8x128xi32, #tpu.memory_space<vmem>>, vector<1x16xi32>,
    %get3A_432 = vector.shape_cast %get3A_431 : vector<1x16xi32> to vector<16xi32>
    %get3A_433 = arith.constant 3 : i32
    %get3A_434 = arith.index_cast %get3A_433 : i32 to index
    %get3A_435 = arith.constant 32 : index
    %get3A_436 = tpu.vector_load %arg8[%get3A_434, %get3A_435] {strides = array<i32>} : memref<8x128xi32, #tpu.memory_space<vmem>>, vector<1x16xi32>,
    %get3A_437 = vector.shape_cast %get3A_436 : vector<1x16xi32> to vector<16xi32>
    %get3A_438 = arith.constant 5 : i32
    %get3A_439 = arith.index_cast %get3A_438 : i32 to index
    %get3A_440 = arith.constant 32 : index
    %get3A_441 = tpu.vector_load %arg8[%get3A_439, %get3A_440] {strides = array<i32>} : memref<8x128xi32, #tpu.memory_space<vmem>>, vector<1x16xi32>,
    %get3A_442 = vector.shape_cast %get3A_441 : vector<1x16xi32> to vector<16xi32>
    %eq3A_443 = arith.cmpi eq, %get3A_437, %get3A_432 : vector<16xi32>
    %jit3A_444 = arith.constant 1000 : i32
    %broadcast_in_dim3A_445 = vector.broadcast %jit3A_444 : i32 to vector<16xi32>
    %select_n3A_446 = arith.select %eq3A_443, %broadcast_in_dim3A_445, %get3A_437 : vector<16xi1>, vector<16xi32>
    %swap3A_447 = arith.constant 1 : i32
    %swap3A_448 = arith.index_cast %swap3A_447 : i32 to index
    %swap3A_449 = arith.constant 32 : index
    %swap3A_450 = tpu.vector_load %arg9[%swap3A_448, %swap3A_449] {strides = array<i32>} : memref<4x128xi32, #tpu.memory_space<vmem>>, vector<1x16xi32>,
    %swap3A_451 = vector.shape_cast %swap3A_450 : vector<1x16xi32> to vector<16xi32>
    %swap3A_452 = vector.shape_cast %select_n3A_446 : vector<16xi32> to vector<1x16xi32>
    tpu.vector_store %arg9[%swap3A_448, %swap3A_449], %swap3A_452 {strides = array<i32>} : memref<4x128xi32, #tpu.memory_space<vmem>>, vector<1x16xi32>,
    %eq3A_453 = arith.cmpi eq, %get3A_442, %get3A_432 : vector<16xi32>
    %eq3A_454 = arith.cmpi eq, %get3A_442, %get3A_437 : vector<16xi32>
    %or3A_455 = arith.ori %eq3A_453, %eq3A_454 : vector<16xi1>
    %jit3A_456 = arith.constant 1000 : i32
    %broadcast_in_dim3A_457 = vector.broadcast %jit3A_456 : i32 to vector<16xi32>
    %select_n3A_458 = arith.select %or3A_455, %broadcast_in_dim3A_457, %get3A_442 : vector<16xi1>, vector<16xi32>
    %swap3A_459 = arith.constant 3 : i32
    %swap3A_460 = arith.index_cast %swap3A_459 : i32 to index
    %swap3A_461 = arith.constant 32 : index
    %swap3A_462 = tpu.vector_load %arg9[%swap3A_460, %swap3A_461] {strides = array<i32>} : memref<4x128xi32, #tpu.memory_space<vmem>>, vector<1x16xi32>,
    %swap3A_463 = vector.shape_cast %swap3A_462 : vector<1x16xi32> to vector<16xi32>
    %swap3A_464 = vector.shape_cast %select_n3A_458 : vector<16xi32> to vector<1x16xi32>
    tpu.vector_store %arg9[%swap3A_460, %swap3A_461], %swap3A_464 {strides = array<i32>} : memref<4x128xi32, #tpu.memory_space<vmem>>, vector<1x16xi32>,
    %get3A_465 = arith.constant 1 : i32
    %get3A_466 = arith.index_cast %get3A_465 : i32 to index
    %get3A_467 = arith.constant 48 : index
    %get3A_468 = tpu.vector_load %arg8[%get3A_466, %get3A_467] {strides = array<i32>} : memref<8x128xi32, #tpu.memory_space<vmem>>, vector<1x16xi32>,
    %get3A_469 = vector.shape_cast %get3A_468 : vector<1x16xi32> to vector<16xi32>
    %get3A_470 = arith.constant 3 : i32
    %get3A_471 = arith.index_cast %get3A_470 : i32 to index
    %get3A_472 = arith.constant 48 : index
    %get3A_473 = tpu.vector_load %arg8[%get3A_471, %get3A_472] {strides = array<i32>} : memref<8x128xi32, #tpu.memory_space<vmem>>, vector<1x16xi32>,
    %get3A_474 = vector.shape_cast %get3A_473 : vector<1x16xi32> to vector<16xi32>
    %get3A_475 = arith.constant 5 : i32
    %get3A_476 = arith.index_cast %get3A_475 : i32 to index
    %get3A_477 = arith.constant 48 : index
    %get3A_478 = tpu.vector_load %arg8[%get3A_476, %get3A_477] {strides = array<i32>} : memref<8x128xi32, #tpu.memory_space<vmem>>, vector<1x16xi32>,
    %get3A_479 = vector.shape_cast %get3A_478 : vector<1x16xi32> to vector<16xi32>
    %eq3A_480 = arith.cmpi eq, %get3A_474, %get3A_469 : vector<16xi32>
    %jit3A_481 = arith.constant 1000 : i32
    %broadcast_in_dim3A_482 = vector.broadcast %jit3A_481 : i32 to vector<16xi32>
    %select_n3A_483 = arith.select %eq3A_480, %broadcast_in_dim3A_482, %get3A_474 : vector<16xi1>, vector<16xi32>
    %swap3A_484 = arith.constant 1 : i32
    %swap3A_485 = arith.index_cast %swap3A_484 : i32 to index
    %swap3A_486 = arith.constant 48 : index
    %swap3A_487 = tpu.vector_load %arg9[%swap3A_485, %swap3A_486] {strides = array<i32>} : memref<4x128xi32, #tpu.memory_space<vmem>>, vector<1x16xi32>,
    %swap3A_488 = vector.shape_cast %swap3A_487 : vector<1x16xi32> to vector<16xi32>
    %swap3A_489 = vector.shape_cast %select_n3A_483 : vector<16xi32> to vector<1x16xi32>
    tpu.vector_store %arg9[%swap3A_485, %swap3A_486], %swap3A_489 {strides = array<i32>} : memref<4x128xi32, #tpu.memory_space<vmem>>, vector<1x16xi32>,
    %eq3A_490 = arith.cmpi eq, %get3A_479, %get3A_469 : vector<16xi32>
    %eq3A_491 = arith.cmpi eq, %get3A_479, %get3A_474 : vector<16xi32>
    %or3A_492 = arith.ori %eq3A_490, %eq3A_491 : vector<16xi1>
    %jit3A_493 = arith.constant 1000 : i32
    %broadcast_in_dim3A_494 = vector.broadcast %jit3A_493 : i32 to vector<16xi32>
    %select_n3A_495 = arith.select %or3A_492, %broadcast_in_dim3A_494, %get3A_479 : vector<16xi1>, vector<16xi32>
    %swap3A_496 = arith.constant 3 : i32
    %swap3A_497 = arith.index_cast %swap3A_496 : i32 to index
    %swap3A_498 = arith.constant 48 : index
    %swap3A_499 = tpu.vector_load %arg9[%swap3A_497, %swap3A_498] {strides = array<i32>} : memref<4x128xi32, #tpu.memory_space<vmem>>, vector<1x16xi32>,
    %swap3A_500 = vector.shape_cast %swap3A_499 : vector<1x16xi32> to vector<16xi32>
    %swap3A_501 = vector.shape_cast %select_n3A_495 : vector<16xi32> to vector<1x16xi32>
    tpu.vector_store %arg9[%swap3A_497, %swap3A_498], %swap3A_501 {strides = array<i32>} : memref<4x128xi32, #tpu.memory_space<vmem>>, vector<1x16xi32>,
    %get3A_502 = arith.constant 1 : i32
    %get3A_503 = arith.index_cast %get3A_502 : i32 to index
    %get3A_504 = arith.constant 64 : index
    %get3A_505 = tpu.vector_load %arg8[%get3A_503, %get3A_504] {strides = array<i32>} : memref<8x128xi32, #tpu.memory_space<vmem>>, vector<1x16xi32>,
    %get3A_506 = vector.shape_cast %get3A_505 : vector<1x16xi32> to vector<16xi32>
    %get3A_507 = arith.constant 3 : i32
    %get3A_508 = arith.index_cast %get3A_507 : i32 to index
    %get3A_509 = arith.constant 64 : index
    %get3A_510 = tpu.vector_load %arg8[%get3A_508, %get3A_509] {strides = array<i32>} : memref<8x128xi32, #tpu.memory_space<vmem>>, vector<1x16xi32>,
    %get3A_511 = vector.shape_cast %get3A_510 : vector<1x16xi32> to vector<16xi32>
    %get3A_512 = arith.constant 5 : i32
    %get3A_513 = arith.index_cast %get3A_512 : i32 to index
    %get3A_514 = arith.constant 64 : index
    %get3A_515 = tpu.vector_load %arg8[%get3A_513, %get3A_514] {strides = array<i32>} : memref<8x128xi32, #tpu.memory_space<vmem>>, vector<1x16xi32>,
    %get3A_516 = vector.shape_cast %get3A_515 : vector<1x16xi32> to vector<16xi32>
    %eq3A_517 = arith.cmpi eq, %get3A_511, %get3A_506 : vector<16xi32>
    %jit3A_518 = arith.constant 1000 : i32
    %broadcast_in_dim3A_519 = vector.broadcast %jit3A_518 : i32 to vector<16xi32>
    %select_n3A_520 = arith.select %eq3A_517, %broadcast_in_dim3A_519, %get3A_511 : vector<16xi1>, vector<16xi32>
    %swap3A_521 = arith.constant 1 : i32
    %swap3A_522 = arith.index_cast %swap3A_521 : i32 to index
    %swap3A_523 = arith.constant 64 : index
    %swap3A_524 = tpu.vector_load %arg9[%swap3A_522, %swap3A_523] {strides = array<i32>} : memref<4x128xi32, #tpu.memory_space<vmem>>, vector<1x16xi32>,
    %swap3A_525 = vector.shape_cast %swap3A_524 : vector<1x16xi32> to vector<16xi32>
    %swap3A_526 = vector.shape_cast %select_n3A_520 : vector<16xi32> to vector<1x16xi32>
    tpu.vector_store %arg9[%swap3A_522, %swap3A_523], %swap3A_526 {strides = array<i32>} : memref<4x128xi32, #tpu.memory_space<vmem>>, vector<1x16xi32>,
    %eq3A_527 = arith.cmpi eq, %get3A_516, %get3A_506 : vector<16xi32>
    %eq3A_528 = arith.cmpi eq, %get3A_516, %get3A_511 : vector<16xi32>
    %or3A_529 = arith.ori %eq3A_527, %eq3A_528 : vector<16xi1>
    %jit3A_530 = arith.constant 1000 : i32
    %broadcast_in_dim3A_531 = vector.broadcast %jit3A_530 : i32 to vector<16xi32>
    %select_n3A_532 = arith.select %or3A_529, %broadcast_in_dim3A_531, %get3A_516 : vector<16xi1>, vector<16xi32>
    %swap3A_533 = arith.constant 3 : i32
    %swap3A_534 = arith.index_cast %swap3A_533 : i32 to index
    %swap3A_535 = arith.constant 64 : index
    %swap3A_536 = tpu.vector_load %arg9[%swap3A_534, %swap3A_535] {strides = array<i32>} : memref<4x128xi32, #tpu.memory_space<vmem>>, vector<1x16xi32>,
    %swap3A_537 = vector.shape_cast %swap3A_536 : vector<1x16xi32> to vector<16xi32>
    %swap3A_538 = vector.shape_cast %select_n3A_532 : vector<16xi32> to vector<1x16xi32>
    tpu.vector_store %arg9[%swap3A_534, %swap3A_535], %swap3A_538 {strides = array<i32>} : memref<4x128xi32, #tpu.memory_space<vmem>>, vector<1x16xi32>,
    %get3A_539 = arith.constant 1 : i32
    %get3A_540 = arith.index_cast %get3A_539 : i32 to index
    %get3A_541 = arith.constant 80 : index
    %get3A_542 = tpu.vector_load %arg8[%get3A_540, %get3A_541] {strides = array<i32>} : memref<8x128xi32, #tpu.memory_space<vmem>>, vector<1x16xi32>,
    %get3A_543 = vector.shape_cast %get3A_542 : vector<1x16xi32> to vector<16xi32>
    %get3A_544 = arith.constant 3 : i32
    %get3A_545 = arith.index_cast %get3A_544 : i32 to index
    %get3A_546 = arith.constant 80 : index
    %get3A_547 = tpu.vector_load %arg8[%get3A_545, %get3A_546] {strides = array<i32>} : memref<8x128xi32, #tpu.memory_space<vmem>>, vector<1x16xi32>,
    %get3A_548 = vector.shape_cast %get3A_547 : vector<1x16xi32> to vector<16xi32>
    %get3A_549 = arith.constant 5 : i32
    %get3A_550 = arith.index_cast %get3A_549 : i32 to index
    %get3A_551 = arith.constant 80 : index
    %get3A_552 = tpu.vector_load %arg8[%get3A_550, %get3A_551] {strides = array<i32>} : memref<8x128xi32, #tpu.memory_space<vmem>>, vector<1x16xi32>,
    %get3A_553 = vector.shape_cast %get3A_552 : vector<1x16xi32> to vector<16xi32>
    %eq3A_554 = arith.cmpi eq, %get3A_548, %get3A_543 : vector<16xi32>
    %jit3A_555 = arith.constant 1000 : i32
    %broadcast_in_dim3A_556 = vector.broadcast %jit3A_555 : i32 to vector<16xi32>
    %select_n3A_557 = arith.select %eq3A_554, %broadcast_in_dim3A_556, %get3A_548 : vector<16xi1>, vector<16xi32>
    %swap3A_558 = arith.constant 1 : i32
    %swap3A_559 = arith.index_cast %swap3A_558 : i32 to index
    %swap3A_560 = arith.constant 80 : index
    %swap3A_561 = tpu.vector_load %arg9[%swap3A_559, %swap3A_560] {strides = array<i32>} : memref<4x128xi32, #tpu.memory_space<vmem>>, vector<1x16xi32>,
    %swap3A_562 = vector.shape_cast %swap3A_561 : vector<1x16xi32> to vector<16xi32>
    %swap3A_563 = vector.shape_cast %select_n3A_557 : vector<16xi32> to vector<1x16xi32>
    tpu.vector_store %arg9[%swap3A_559, %swap3A_560], %swap3A_563 {strides = array<i32>} : memref<4x128xi32, #tpu.memory_space<vmem>>, vector<1x16xi32>,
    %eq3A_564 = arith.cmpi eq, %get3A_553, %get3A_543 : vector<16xi32>
    %eq3A_565 = arith.cmpi eq, %get3A_553, %get3A_548 : vector<16xi32>
    %or3A_566 = arith.ori %eq3A_564, %eq3A_565 : vector<16xi1>
    %jit3A_567 = arith.constant 1000 : i32
    %broadcast_in_dim3A_568 = vector.broadcast %jit3A_567 : i32 to vector<16xi32>
    %select_n3A_569 = arith.select %or3A_566, %broadcast_in_dim3A_568, %get3A_553 : vector<16xi1>, vector<16xi32>
    %swap3A_570 = arith.constant 3 : i32
    %swap3A_571 = arith.index_cast %swap3A_570 : i32 to index
    %swap3A_572 = arith.constant 80 : index
    %swap3A_573 = tpu.vector_load %arg9[%swap3A_571, %swap3A_572] {strides = array<i32>} : memref<4x128xi32, #tpu.memory_space<vmem>>, vector<1x16xi32>,
    %swap3A_574 = vector.shape_cast %swap3A_573 : vector<1x16xi32> to vector<16xi32>
    %swap3A_575 = vector.shape_cast %select_n3A_569 : vector<16xi32> to vector<1x16xi32>
    tpu.vector_store %arg9[%swap3A_571, %swap3A_572], %swap3A_575 {strides = array<i32>} : memref<4x128xi32, #tpu.memory_space<vmem>>, vector<1x16xi32>,
    %get3A_576 = arith.constant 1 : i32
    %get3A_577 = arith.index_cast %get3A_576 : i32 to index
    %get3A_578 = arith.constant 96 : index
    %get3A_579 = tpu.vector_load %arg8[%get3A_577, %get3A_578] {strides = array<i32>} : memref<8x128xi32, #tpu.memory_space<vmem>>, vector<1x16xi32>,
    %get3A_580 = vector.shape_cast %get3A_579 : vector<1x16xi32> to vector<16xi32>
    %get3A_581 = arith.constant 3 : i32
    %get3A_582 = arith.index_cast %get3A_581 : i32 to index
    %get3A_583 = arith.constant 96 : index
    %get3A_584 = tpu.vector_load %arg8[%get3A_582, %get3A_583] {strides = array<i32>} : memref<8x128xi32, #tpu.memory_space<vmem>>, vector<1x16xi32>,
    %get3A_585 = vector.shape_cast %get3A_584 : vector<1x16xi32> to vector<16xi32>
    %get3A_586 = arith.constant 5 : i32
    %get3A_587 = arith.index_cast %get3A_586 : i32 to index
    %get3A_588 = arith.constant 96 : index
    %get3A_589 = tpu.vector_load %arg8[%get3A_587, %get3A_588] {strides = array<i32>} : memref<8x128xi32, #tpu.memory_space<vmem>>, vector<1x16xi32>,
    %get3A_590 = vector.shape_cast %get3A_589 : vector<1x16xi32> to vector<16xi32>
    %eq3A_591 = arith.cmpi eq, %get3A_585, %get3A_580 : vector<16xi32>
    %jit3A_592 = arith.constant 1000 : i32
    %broadcast_in_dim3A_593 = vector.broadcast %jit3A_592 : i32 to vector<16xi32>
    %select_n3A_594 = arith.select %eq3A_591, %broadcast_in_dim3A_593, %get3A_585 : vector<16xi1>, vector<16xi32>
    %swap3A_595 = arith.constant 1 : i32
    %swap3A_596 = arith.index_cast %swap3A_595 : i32 to index
    %swap3A_597 = arith.constant 96 : index
    %swap3A_598 = tpu.vector_load %arg9[%swap3A_596, %swap3A_597] {strides = array<i32>} : memref<4x128xi32, #tpu.memory_space<vmem>>, vector<1x16xi32>,
    %swap3A_599 = vector.shape_cast %swap3A_598 : vector<1x16xi32> to vector<16xi32>
    %swap3A_600 = vector.shape_cast %select_n3A_594 : vector<16xi32> to vector<1x16xi32>
    tpu.vector_store %arg9[%swap3A_596, %swap3A_597], %swap3A_600 {strides = array<i32>} : memref<4x128xi32, #tpu.memory_space<vmem>>, vector<1x16xi32>,
    %eq3A_601 = arith.cmpi eq, %get3A_590, %get3A_580 : vector<16xi32>
    %eq3A_602 = arith.cmpi eq, %get3A_590, %get3A_585 : vector<16xi32>
    %or3A_603 = arith.ori %eq3A_601, %eq3A_602 : vector<16xi1>
    %jit3A_604 = arith.constant 1000 : i32
    %broadcast_in_dim3A_605 = vector.broadcast %jit3A_604 : i32 to vector<16xi32>
    %select_n3A_606 = arith.select %or3A_603, %broadcast_in_dim3A_605, %get3A_590 : vector<16xi1>, vector<16xi32>
    %swap3A_607 = arith.constant 3 : i32
    %swap3A_608 = arith.index_cast %swap3A_607 : i32 to index
    %swap3A_609 = arith.constant 96 : index
    %swap3A_610 = tpu.vector_load %arg9[%swap3A_608, %swap3A_609] {strides = array<i32>} : memref<4x128xi32, #tpu.memory_space<vmem>>, vector<1x16xi32>,
    %swap3A_611 = vector.shape_cast %swap3A_610 : vector<1x16xi32> to vector<16xi32>
    %swap3A_612 = vector.shape_cast %select_n3A_606 : vector<16xi32> to vector<1x16xi32>
    tpu.vector_store %arg9[%swap3A_608, %swap3A_609], %swap3A_612 {strides = array<i32>} : memref<4x128xi32, #tpu.memory_space<vmem>>, vector<1x16xi32>,
    %get3A_613 = arith.constant 1 : i32
    %get3A_614 = arith.index_cast %get3A_613 : i32 to index
    %get3A_615 = arith.constant 112 : index
    %get3A_616 = tpu.vector_load %arg8[%get3A_614, %get3A_615] {strides = array<i32>} : memref<8x128xi32, #tpu.memory_space<vmem>>, vector<1x16xi32>,
    %get3A_617 = vector.shape_cast %get3A_616 : vector<1x16xi32> to vector<16xi32>
    %get3A_618 = arith.constant 3 : i32
    %get3A_619 = arith.index_cast %get3A_618 : i32 to index
    %get3A_620 = arith.constant 112 : index
    %get3A_621 = tpu.vector_load %arg8[%get3A_619, %get3A_620] {strides = array<i32>} : memref<8x128xi32, #tpu.memory_space<vmem>>, vector<1x16xi32>,
    %get3A_622 = vector.shape_cast %get3A_621 : vector<1x16xi32> to vector<16xi32>
    %get3A_623 = arith.constant 5 : i32
    %get3A_624 = arith.index_cast %get3A_623 : i32 to index
    %get3A_625 = arith.constant 112 : index
    %get3A_626 = tpu.vector_load %arg8[%get3A_624, %get3A_625] {strides = array<i32>} : memref<8x128xi32, #tpu.memory_space<vmem>>, vector<1x16xi32>,
    %get3A_627 = vector.shape_cast %get3A_626 : vector<1x16xi32> to vector<16xi32>
    %eq3A_628 = arith.cmpi eq, %get3A_622, %get3A_617 : vector<16xi32>
    %jit3A_629 = arith.constant 1000 : i32
    %broadcast_in_dim3A_630 = vector.broadcast %jit3A_629 : i32 to vector<16xi32>
    %select_n3A_631 = arith.select %eq3A_628, %broadcast_in_dim3A_630, %get3A_622 : vector<16xi1>, vector<16xi32>
    %swap3A_632 = arith.constant 1 : i32
    %swap3A_633 = arith.index_cast %swap3A_632 : i32 to index
    %swap3A_634 = arith.constant 112 : index
    %swap3A_635 = tpu.vector_load %arg9[%swap3A_633, %swap3A_634] {strides = array<i32>} : memref<4x128xi32, #tpu.memory_space<vmem>>, vector<1x16xi32>,
    %swap3A_636 = vector.shape_cast %swap3A_635 : vector<1x16xi32> to vector<16xi32>
    %swap3A_637 = vector.shape_cast %select_n3A_631 : vector<16xi32> to vector<1x16xi32>
    tpu.vector_store %arg9[%swap3A_633, %swap3A_634], %swap3A_637 {strides = array<i32>} : memref<4x128xi32, #tpu.memory_space<vmem>>, vector<1x16xi32>,
    %eq3A_638 = arith.cmpi eq, %get3A_627, %get3A_617 : vector<16xi32>
    %eq3A_639 = arith.cmpi eq, %get3A_627, %get3A_622 : vector<16xi32>
    %or3A_640 = arith.ori %eq3A_638, %eq3A_639 : vector<16xi1>
    %jit3A_641 = arith.constant 1000 : i32
    %broadcast_in_dim3A_642 = vector.broadcast %jit3A_641 : i32 to vector<16xi32>
    %select_n3A_643 = arith.select %or3A_640, %broadcast_in_dim3A_642, %get3A_627 : vector<16xi1>, vector<16xi32>
    %swap3A_644 = arith.constant 3 : i32
    %swap3A_645 = arith.index_cast %swap3A_644 : i32 to index
    %swap3A_646 = arith.constant 112 : index
    %swap3A_647 = tpu.vector_load %arg9[%swap3A_645, %swap3A_646] {strides = array<i32>} : memref<4x128xi32, #tpu.memory_space<vmem>>, vector<1x16xi32>,
    %swap3A_648 = vector.shape_cast %swap3A_647 : vector<1x16xi32> to vector<16xi32>
    %swap3A_649 = vector.shape_cast %select_n3A_643 : vector<16xi32> to vector<1x16xi32>
    tpu.vector_store %arg9[%swap3A_645, %swap3A_646], %swap3A_649 {strides = array<i32>} : memref<4x128xi32, #tpu.memory_space<vmem>>, vector<1x16xi32>,
    %dma_wait3A_650 = arith.constant 0 : i32
    %dma_wait3A_651 = arith.constant 0 : i32
    %dma_wait3A_652 = tpu.memref_slice %arg7[%dma_wait3A_650, %dma_wait3A_651] : memref<8x128xi32, #tpu.memory_space<vmem>> -> memref<1x128xi32, #tpu.memory_space<vmem>>
    %dma_wait3A_653 = tpu.memref_squeeze %dma_wait3A_652 : memref<1x128xi32, #tpu.memory_space<vmem>> -> memref<128xi32, #tpu.memory_space<vmem>>
    %dma_wait3A_654 = arith.constant 0 : i32
    %dma_wait3A_655 = arith.constant 0 : i32
    %dma_wait3A_656 = tpu.memref_slice %arg2[%dma_wait3A_654, %dma_wait3A_655] : memref<4096x128xf32, #tpu.memory_space<hbm>> -> memref<4096x128xf32, #tpu.memory_space<hbm>>
    tpu.wait_indirect_dma semaphore(%arg18 : memref<!tpu.dma_semaphore, #tpu.memory_space<semaphore_mem>>) src(%dma_wait3A_656 : memref<4096x128xf32, #tpu.memory_space<hbm>>) dst(%arg10 : memref<128x128xf32, #tpu.memory_space<vmem>>)
    %dma_wait3A_657 = arith.constant 2 : i32
    %dma_wait3A_658 = arith.constant 0 : i32
    %dma_wait3A_659 = tpu.memref_slice %arg7[%dma_wait3A_657, %dma_wait3A_658] : memref<8x128xi32, #tpu.memory_space<vmem>> -> memref<1x128xi32, #tpu.memory_space<vmem>>
    %dma_wait3A_660 = tpu.memref_squeeze %dma_wait3A_659 : memref<1x128xi32, #tpu.memory_space<vmem>> -> memref<128xi32, #tpu.memory_space<vmem>>
    %dma_wait3A_661 = arith.constant 0 : i32
    %dma_wait3A_662 = arith.constant 0 : i32
    %dma_wait3A_663 = tpu.memref_slice %arg2[%dma_wait3A_661, %dma_wait3A_662] : memref<4096x128xf32, #tpu.memory_space<hbm>> -> memref<4096x128xf32, #tpu.memory_space<hbm>>
    tpu.wait_indirect_dma semaphore(%arg18 : memref<!tpu.dma_semaphore, #tpu.memory_space<semaphore_mem>>) src(%dma_wait3A_663 : memref<4096x128xf32, #tpu.memory_space<hbm>>) dst(%arg11 : memref<128x128xf32, #tpu.memory_space<vmem>>)
    %dma_wait3A_664 = arith.constant 4 : i32
    %dma_wait3A_665 = arith.constant 0 : i32
    %dma_wait3A_666 = tpu.memref_slice %arg7[%dma_wait3A_664, %dma_wait3A_665] : memref<8x128xi32, #tpu.memory_space<vmem>> -> memref<1x128xi32, #tpu.memory_space<vmem>>
    %dma_wait3A_667 = tpu.memref_squeeze %dma_wait3A_666 : memref<1x128xi32, #tpu.memory_space<vmem>> -> memref<128xi32, #tpu.memory_space<vmem>>
    %dma_wait3A_668 = arith.constant 0 : i32
    %dma_wait3A_669 = arith.constant 0 : i32
    %dma_wait3A_670 = tpu.memref_slice %arg2[%dma_wait3A_668, %dma_wait3A_669] : memref<4096x128xf32, #tpu.memory_space<hbm>> -> memref<4096x128xf32, #tpu.memory_space<hbm>>
    tpu.wait_indirect_dma semaphore(%arg18 : memref<!tpu.dma_semaphore, #tpu.memory_space<semaphore_mem>>) src(%dma_wait3A_670 : memref<4096x128xf32, #tpu.memory_space<hbm>>) dst(%arg12 : memref<128x128xf32, #tpu.memory_space<vmem>>)
    %scan3A = arith.constant 0 : i32
    %scan3A_671 = arith.constant 0 : i32
    %scan3A_672 = arith.constant 128 : i32
    %scan3A_673 = arith.addi %scan3A_671, %scan3A_672 : i32
    %scan3A_674 = arith.constant 1 : i32
    scf.for %scan3A_797 = %scan3A_671 to %scan3A_673 step %scan3A_674  : i32 {
      %get3A_798 = arith.index_cast %scan3A_797 : i32 to index
      %get3A_799 = arith.constant 0 : index
      %get3A_800 = tpu.vector_load %arg10[%get3A_798, %get3A_799] {strides = array<i32>} : memref<128x128xf32, #tpu.memory_space<vmem>>, vector<1x16xf32>,
      %get3A_801 = vector.shape_cast %get3A_800 : vector<1x16xf32> to vector<16xf32>
      %get3A_802 = arith.index_cast %scan3A_797 : i32 to index
      %get3A_803 = arith.constant 0 : index
      %get3A_804 = tpu.vector_load %arg11[%get3A_802, %get3A_803] {strides = array<i32>} : memref<128x128xf32, #tpu.memory_space<vmem>>, vector<1x16xf32>,
      %get3A_805 = vector.shape_cast %get3A_804 : vector<1x16xf32> to vector<16xf32>
      %add3A_806 = arith.addf %get3A_801, %get3A_805 : vector<16xf32>
      %get3A_807 = arith.index_cast %scan3A_797 : i32 to index
      %get3A_808 = arith.constant 0 : index
      %get3A_809 = tpu.vector_load %arg12[%get3A_807, %get3A_808] {strides = array<i32>} : memref<128x128xf32, #tpu.memory_space<vmem>>, vector<1x16xf32>,
      %get3A_810 = vector.shape_cast %get3A_809 : vector<1x16xf32> to vector<16xf32>
      %add3A_811 = arith.addf %add3A_806, %get3A_810 : vector<16xf32>
      %swap3A_812 = arith.index_cast %scan3A_797 : i32 to index
      %swap3A_813 = arith.constant 0 : index
      %swap3A_814 = tpu.vector_load %arg10[%swap3A_812, %swap3A_813] {strides = array<i32>} : memref<128x128xf32, #tpu.memory_space<vmem>>, vector<1x16xf32>,
      %swap3A_815 = vector.shape_cast %swap3A_814 : vector<1x16xf32> to vector<16xf32>
      %swap3A_816 = vector.shape_cast %add3A_811 : vector<16xf32> to vector<1x16xf32>
      tpu.vector_store %arg10[%swap3A_812, %swap3A_813], %swap3A_816 {strides = array<i32>} : memref<128x128xf32, #tpu.memory_space<vmem>>, vector<1x16xf32>,
      %get3A_817 = arith.index_cast %scan3A_797 : i32 to index
      %get3A_818 = arith.constant 16 : index
      %get3A_819 = tpu.vector_load %arg10[%get3A_817, %get3A_818] {strides = array<i32>} : memref<128x128xf32, #tpu.memory_space<vmem>>, vector<1x16xf32>,
      %get3A_820 = vector.shape_cast %get3A_819 : vector<1x16xf32> to vector<16xf32>
      %get3A_821 = arith.index_cast %scan3A_797 : i32 to index
      %get3A_822 = arith.constant 16 : index
      %get3A_823 = tpu.vector_load %arg11[%get3A_821, %get3A_822] {strides = array<i32>} : memref<128x128xf32, #tpu.memory_space<vmem>>, vector<1x16xf32>,
      %get3A_824 = vector.shape_cast %get3A_823 : vector<1x16xf32> to vector<16xf32>
      %add3A_825 = arith.addf %get3A_820, %get3A_824 : vector<16xf32>
      %get3A_826 = arith.index_cast %scan3A_797 : i32 to index
      %get3A_827 = arith.constant 16 : index
      %get3A_828 = tpu.vector_load %arg12[%get3A_826, %get3A_827] {strides = array<i32>} : memref<128x128xf32, #tpu.memory_space<vmem>>, vector<1x16xf32>,
      %get3A_829 = vector.shape_cast %get3A_828 : vector<1x16xf32> to vector<16xf32>
      %add3A_830 = arith.addf %add3A_825, %get3A_829 : vector<16xf32>
      %swap3A_831 = arith.index_cast %scan3A_797 : i32 to index
      %swap3A_832 = arith.constant 16 : index
      %swap3A_833 = tpu.vector_load %arg10[%swap3A_831, %swap3A_832] {strides = array<i32>} : memref<128x128xf32, #tpu.memory_space<vmem>>, vector<1x16xf32>,
      %swap3A_834 = vector.shape_cast %swap3A_833 : vector<1x16xf32> to vector<16xf32>
      %swap3A_835 = vector.shape_cast %add3A_830 : vector<16xf32> to vector<1x16xf32>
      tpu.vector_store %arg10[%swap3A_831, %swap3A_832], %swap3A_835 {strides = array<i32>} : memref<128x128xf32, #tpu.memory_space<vmem>>, vector<1x16xf32>,
      %get3A_836 = arith.index_cast %scan3A_797 : i32 to index
      %get3A_837 = arith.constant 32 : index
      %get3A_838 = tpu.vector_load %arg10[%get3A_836, %get3A_837] {strides = array<i32>} : memref<128x128xf32, #tpu.memory_space<vmem>>, vector<1x16xf32>,
      %get3A_839 = vector.shape_cast %get3A_838 : vector<1x16xf32> to vector<16xf32>
      %get3A_840 = arith.index_cast %scan3A_797 : i32 to index
      %get3A_841 = arith.constant 32 : index
      %get3A_842 = tpu.vector_load %arg11[%get3A_840, %get3A_841] {strides = array<i32>} : memref<128x128xf32, #tpu.memory_space<vmem>>, vector<1x16xf32>,
      %get3A_843 = vector.shape_cast %get3A_842 : vector<1x16xf32> to vector<16xf32>
      %add3A_844 = arith.addf %get3A_839, %get3A_843 : vector<16xf32>
      %get3A_845 = arith.index_cast %scan3A_797 : i32 to index
      %get3A_846 = arith.constant 32 : index
      %get3A_847 = tpu.vector_load %arg12[%get3A_845, %get3A_846] {strides = array<i32>} : memref<128x128xf32, #tpu.memory_space<vmem>>, vector<1x16xf32>,
      %get3A_848 = vector.shape_cast %get3A_847 : vector<1x16xf32> to vector<16xf32>
      %add3A_849 = arith.addf %add3A_844, %get3A_848 : vector<16xf32>
      %swap3A_850 = arith.index_cast %scan3A_797 : i32 to index
      %swap3A_851 = arith.constant 32 : index
      %swap3A_852 = tpu.vector_load %arg10[%swap3A_850, %swap3A_851] {strides = array<i32>} : memref<128x128xf32, #tpu.memory_space<vmem>>, vector<1x16xf32>,
      %swap3A_853 = vector.shape_cast %swap3A_852 : vector<1x16xf32> to vector<16xf32>
      %swap3A_854 = vector.shape_cast %add3A_849 : vector<16xf32> to vector<1x16xf32>
      tpu.vector_store %arg10[%swap3A_850, %swap3A_851], %swap3A_854 {strides = array<i32>} : memref<128x128xf32, #tpu.memory_space<vmem>>, vector<1x16xf32>,
      %get3A_855 = arith.index_cast %scan3A_797 : i32 to index
      %get3A_856 = arith.constant 48 : index
      %get3A_857 = tpu.vector_load %arg10[%get3A_855, %get3A_856] {strides = array<i32>} : memref<128x128xf32, #tpu.memory_space<vmem>>, vector<1x16xf32>,
      %get3A_858 = vector.shape_cast %get3A_857 : vector<1x16xf32> to vector<16xf32>
      %get3A_859 = arith.index_cast %scan3A_797 : i32 to index
      %get3A_860 = arith.constant 48 : index
      %get3A_861 = tpu.vector_load %arg11[%get3A_859, %get3A_860] {strides = array<i32>} : memref<128x128xf32, #tpu.memory_space<vmem>>, vector<1x16xf32>,
      %get3A_862 = vector.shape_cast %get3A_861 : vector<1x16xf32> to vector<16xf32>
      %add3A_863 = arith.addf %get3A_858, %get3A_862 : vector<16xf32>
      %get3A_864 = arith.index_cast %scan3A_797 : i32 to index
      %get3A_865 = arith.constant 48 : index
      %get3A_866 = tpu.vector_load %arg12[%get3A_864, %get3A_865] {strides = array<i32>} : memref<128x128xf32, #tpu.memory_space<vmem>>, vector<1x16xf32>,
      %get3A_867 = vector.shape_cast %get3A_866 : vector<1x16xf32> to vector<16xf32>
      %add3A_868 = arith.addf %add3A_863, %get3A_867 : vector<16xf32>
      %swap3A_869 = arith.index_cast %scan3A_797 : i32 to index
      %swap3A_870 = arith.constant 48 : index
      %swap3A_871 = tpu.vector_load %arg10[%swap3A_869, %swap3A_870] {strides = array<i32>} : memref<128x128xf32, #tpu.memory_space<vmem>>, vector<1x16xf32>,
      %swap3A_872 = vector.shape_cast %swap3A_871 : vector<1x16xf32> to vector<16xf32>
      %swap3A_873 = vector.shape_cast %add3A_868 : vector<16xf32> to vector<1x16xf32>
      tpu.vector_store %arg10[%swap3A_869, %swap3A_870], %swap3A_873 {strides = array<i32>} : memref<128x128xf32, #tpu.memory_space<vmem>>, vector<1x16xf32>,
      %get3A_874 = arith.index_cast %scan3A_797 : i32 to index
      %get3A_875 = arith.constant 64 : index
      %get3A_876 = tpu.vector_load %arg10[%get3A_874, %get3A_875] {strides = array<i32>} : memref<128x128xf32, #tpu.memory_space<vmem>>, vector<1x16xf32>,
      %get3A_877 = vector.shape_cast %get3A_876 : vector<1x16xf32> to vector<16xf32>
      %get3A_878 = arith.index_cast %scan3A_797 : i32 to index
      %get3A_879 = arith.constant 64 : index
      %get3A_880 = tpu.vector_load %arg11[%get3A_878, %get3A_879] {strides = array<i32>} : memref<128x128xf32, #tpu.memory_space<vmem>>, vector<1x16xf32>,
      %get3A_881 = vector.shape_cast %get3A_880 : vector<1x16xf32> to vector<16xf32>
      %add3A_882 = arith.addf %get3A_877, %get3A_881 : vector<16xf32>
      %get3A_883 = arith.index_cast %scan3A_797 : i32 to index
      %get3A_884 = arith.constant 64 : index
      %get3A_885 = tpu.vector_load %arg12[%get3A_883, %get3A_884] {strides = array<i32>} : memref<128x128xf32, #tpu.memory_space<vmem>>, vector<1x16xf32>,
      %get3A_886 = vector.shape_cast %get3A_885 : vector<1x16xf32> to vector<16xf32>
      %add3A_887 = arith.addf %add3A_882, %get3A_886 : vector<16xf32>
      %swap3A_888 = arith.index_cast %scan3A_797 : i32 to index
      %swap3A_889 = arith.constant 64 : index
      %swap3A_890 = tpu.vector_load %arg10[%swap3A_888, %swap3A_889] {strides = array<i32>} : memref<128x128xf32, #tpu.memory_space<vmem>>, vector<1x16xf32>,
      %swap3A_891 = vector.shape_cast %swap3A_890 : vector<1x16xf32> to vector<16xf32>
      %swap3A_892 = vector.shape_cast %add3A_887 : vector<16xf32> to vector<1x16xf32>
      tpu.vector_store %arg10[%swap3A_888, %swap3A_889], %swap3A_892 {strides = array<i32>} : memref<128x128xf32, #tpu.memory_space<vmem>>, vector<1x16xf32>,
      %get3A_893 = arith.index_cast %scan3A_797 : i32 to index
      %get3A_894 = arith.constant 80 : index
      %get3A_895 = tpu.vector_load %arg10[%get3A_893, %get3A_894] {strides = array<i32>} : memref<128x128xf32, #tpu.memory_space<vmem>>, vector<1x16xf32>,
      %get3A_896 = vector.shape_cast %get3A_895 : vector<1x16xf32> to vector<16xf32>
      %get3A_897 = arith.index_cast %scan3A_797 : i32 to index
      %get3A_898 = arith.constant 80 : index
      %get3A_899 = tpu.vector_load %arg11[%get3A_897, %get3A_898] {strides = array<i32>} : memref<128x128xf32, #tpu.memory_space<vmem>>, vector<1x16xf32>,
      %get3A_900 = vector.shape_cast %get3A_899 : vector<1x16xf32> to vector<16xf32>
      %add3A_901 = arith.addf %get3A_896, %get3A_900 : vector<16xf32>
      %get3A_902 = arith.index_cast %scan3A_797 : i32 to index
      %get3A_903 = arith.constant 80 : index
      %get3A_904 = tpu.vector_load %arg12[%get3A_902, %get3A_903] {strides = array<i32>} : memref<128x128xf32, #tpu.memory_space<vmem>>, vector<1x16xf32>,
      %get3A_905 = vector.shape_cast %get3A_904 : vector<1x16xf32> to vector<16xf32>
      %add3A_906 = arith.addf %add3A_901, %get3A_905 : vector<16xf32>
      %swap3A_907 = arith.index_cast %scan3A_797 : i32 to index
      %swap3A_908 = arith.constant 80 : index
      %swap3A_909 = tpu.vector_load %arg10[%swap3A_907, %swap3A_908] {strides = array<i32>} : memref<128x128xf32, #tpu.memory_space<vmem>>, vector<1x16xf32>,
      %swap3A_910 = vector.shape_cast %swap3A_909 : vector<1x16xf32> to vector<16xf32>
      %swap3A_911 = vector.shape_cast %add3A_906 : vector<16xf32> to vector<1x16xf32>
      tpu.vector_store %arg10[%swap3A_907, %swap3A_908], %swap3A_911 {strides = array<i32>} : memref<128x128xf32, #tpu.memory_space<vmem>>, vector<1x16xf32>,
      %get3A_912 = arith.index_cast %scan3A_797 : i32 to index
      %get3A_913 = arith.constant 96 : index
      %get3A_914 = tpu.vector_load %arg10[%get3A_912, %get3A_913] {strides = array<i32>} : memref<128x128xf32, #tpu.memory_space<vmem>>, vector<1x16xf32>,
      %get3A_915 = vector.shape_cast %get3A_914 : vector<1x16xf32> to vector<16xf32>
      %get3A_916 = arith.index_cast %scan3A_797 : i32 to index
      %get3A_917 = arith.constant 96 : index
      %get3A_918 = tpu.vector_load %arg11[%get3A_916, %get3A_917] {strides = array<i32>} : memref<128x128xf32, #tpu.memory_space<vmem>>, vector<1x16xf32>,
      %get3A_919 = vector.shape_cast %get3A_918 : vector<1x16xf32> to vector<16xf32>
      %add3A_920 = arith.addf %get3A_915, %get3A_919 : vector<16xf32>
      %get3A_921 = arith.index_cast %scan3A_797 : i32 to index
      %get3A_922 = arith.constant 96 : index
      %get3A_923 = tpu.vector_load %arg12[%get3A_921, %get3A_922] {strides = array<i32>} : memref<128x128xf32, #tpu.memory_space<vmem>>, vector<1x16xf32>,
      %get3A_924 = vector.shape_cast %get3A_923 : vector<1x16xf32> to vector<16xf32>
      %add3A_925 = arith.addf %add3A_920, %get3A_924 : vector<16xf32>
      %swap3A_926 = arith.index_cast %scan3A_797 : i32 to index
      %swap3A_927 = arith.constant 96 : index
      %swap3A_928 = tpu.vector_load %arg10[%swap3A_926, %swap3A_927] {strides = array<i32>} : memref<128x128xf32, #tpu.memory_space<vmem>>, vector<1x16xf32>,
      %swap3A_929 = vector.shape_cast %swap3A_928 : vector<1x16xf32> to vector<16xf32>
      %swap3A_930 = vector.shape_cast %add3A_925 : vector<16xf32> to vector<1x16xf32>
      tpu.vector_store %arg10[%swap3A_926, %swap3A_927], %swap3A_930 {strides = array<i32>} : memref<128x128xf32, #tpu.memory_space<vmem>>, vector<1x16xf32>,
      %get3A_931 = arith.index_cast %scan3A_797 : i32 to index
      %get3A_932 = arith.constant 112 : index
      %get3A_933 = tpu.vector_load %arg10[%get3A_931, %get3A_932] {strides = array<i32>} : memref<128x128xf32, #tpu.memory_space<vmem>>, vector<1x16xf32>,
      %get3A_934 = vector.shape_cast %get3A_933 : vector<1x16xf32> to vector<16xf32>
      %get3A_935 = arith.index_cast %scan3A_797 : i32 to index
      %get3A_936 = arith.constant 112 : index
      %get3A_937 = tpu.vector_load %arg11[%get3A_935, %get3A_936] {strides = array<i32>} : memref<128x128xf32, #tpu.memory_space<vmem>>, vector<1x16xf32>,
      %get3A_938 = vector.shape_cast %get3A_937 : vector<1x16xf32> to vector<16xf32>
      %add3A_939 = arith.addf %get3A_934, %get3A_938 : vector<16xf32>
      %get3A_940 = arith.index_cast %scan3A_797 : i32 to index
      %get3A_941 = arith.constant 112 : index
      %get3A_942 = tpu.vector_load %arg12[%get3A_940, %get3A_941] {strides = array<i32>} : memref<128x128xf32, #tpu.memory_space<vmem>>, vector<1x16xf32>,
      %get3A_943 = vector.shape_cast %get3A_942 : vector<1x16xf32> to vector<16xf32>
      %add3A_944 = arith.addf %add3A_939, %get3A_943 : vector<16xf32>
      %swap3A_945 = arith.index_cast %scan3A_797 : i32 to index
      %swap3A_946 = arith.constant 112 : index
      %swap3A_947 = tpu.vector_load %arg10[%swap3A_945, %swap3A_946] {strides = array<i32>} : memref<128x128xf32, #tpu.memory_space<vmem>>, vector<1x16xf32>,
      %swap3A_948 = vector.shape_cast %swap3A_947 : vector<1x16xf32> to vector<16xf32>
      %swap3A_949 = vector.shape_cast %add3A_944 : vector<16xf32> to vector<1x16xf32>
      tpu.vector_store %arg10[%swap3A_945, %swap3A_946], %swap3A_949 {strides = array<i32>} : memref<128x128xf32, #tpu.memory_space<vmem>>, vector<1x16xf32>,
    }
    %scan3A_675 = arith.constant 128 : i32
    %dma_wait3A_676 = arith.constant 0 : i32
    %dma_wait3A_677 = tpu.memref_slice %arg16[%mul3A_13, %dma_wait3A_676] : memref<1024x128xf32, #tpu.memory_space<vmem_shared>> -> memref<64x128xf32, #tpu.memory_space<vmem_shared>>
    tpu.wait_dma2 semaphore(%arg17 : memref<!tpu.dma_semaphore, #tpu.memory_space<semaphore_mem>>) src(%arg5 : memref<64x128xf32, #tpu.memory_space<hbm>>) dst(%dma_wait3A_677 : memref<64x128xf32, #tpu.memory_space<vmem_shared>>)
    %barrier3A = arith.constant 0 : index
    tpu.barrier barrier_id(%barrier3A)
    %dma_start3A_678 = arith.constant 0 : i32
    %dma_start3A_679 = arith.constant 0 : i32
    %dma_start3A_680 = tpu.memref_slice %arg8[%dma_start3A_678, %dma_start3A_679] : memref<8x128xi32, #tpu.memory_space<vmem>> -> memref<1x128xi32, #tpu.memory_space<vmem>>
    %dma_start3A_681 = tpu.memref_squeeze %dma_start3A_680 : memref<1x128xi32, #tpu.memory_space<vmem>> -> memref<128xi32, #tpu.memory_space<vmem>>
    %dma_start3A_682 = arith.constant 0 : i32
    %dma_start3A_683 = arith.constant 0 : i32
    %dma_start3A_684 = tpu.memref_slice %arg16[%dma_start3A_682, %dma_start3A_683] : memref<1024x128xf32, #tpu.memory_space<vmem_shared>> -> memref<1024x128xf32, #tpu.memory_space<vmem_shared>>
    tpu.enqueue_indirect_dma source(%arg10 : memref<128x128xf32, #tpu.memory_space<vmem>>) target(%dma_start3A_684 : memref<1024x128xf32, #tpu.memory_space<vmem_shared>>) offsets(%dma_start3A_681 : memref<128xi32, #tpu.memory_space<vmem>>) semaphore(%arg17 : memref<!tpu.dma_semaphore, #tpu.memory_space<semaphore_mem>>) {add = true}
    %dma_start3A_685 = arith.constant 0 : i32
    %dma_start3A_686 = arith.constant 0 : i32
    %dma_start3A_687 = tpu.memref_slice %arg9[%dma_start3A_685, %dma_start3A_686] : memref<4x128xi32, #tpu.memory_space<vmem>> -> memref<1x128xi32, #tpu.memory_space<vmem>>
    %dma_start3A_688 = tpu.memref_squeeze %dma_start3A_687 : memref<1x128xi32, #tpu.memory_space<vmem>> -> memref<128xi32, #tpu.memory_space<vmem>>
    %dma_start3A_689 = arith.constant 0 : i32
    %dma_start3A_690 = arith.constant 0 : i32
    %dma_start3A_691 = tpu.memref_slice %arg16[%dma_start3A_689, %dma_start3A_690] : memref<1024x128xf32, #tpu.memory_space<vmem_shared>> -> memref<1024x128xf32, #tpu.memory_space<vmem_shared>>
    tpu.enqueue_indirect_dma source(%arg10 : memref<128x128xf32, #tpu.memory_space<vmem>>) target(%dma_start3A_691 : memref<1024x128xf32, #tpu.memory_space<vmem_shared>>) offsets(%dma_start3A_688 : memref<128xi32, #tpu.memory_space<vmem>>) semaphore(%arg17 : memref<!tpu.dma_semaphore, #tpu.memory_space<semaphore_mem>>) {add = true}
    %dma_start3A_692 = arith.constant 2 : i32
    %dma_start3A_693 = arith.constant 0 : i32
    %dma_start3A_694 = tpu.memref_slice %arg9[%dma_start3A_692, %dma_start3A_693] : memref<4x128xi32, #tpu.memory_space<vmem>> -> memref<1x128xi32, #tpu.memory_space<vmem>>
    %dma_start3A_695 = tpu.memref_squeeze %dma_start3A_694 : memref<1x128xi32, #tpu.memory_space<vmem>> -> memref<128xi32, #tpu.memory_space<vmem>>
    %dma_start3A_696 = arith.constant 0 : i32
    %dma_start3A_697 = arith.constant 0 : i32
    %dma_start3A_698 = tpu.memref_slice %arg16[%dma_start3A_696, %dma_start3A_697] : memref<1024x128xf32, #tpu.memory_space<vmem_shared>> -> memref<1024x128xf32, #tpu.memory_space<vmem_shared>>
    tpu.enqueue_indirect_dma source(%arg10 : memref<128x128xf32, #tpu.memory_space<vmem>>) target(%dma_start3A_698 : memref<1024x128xf32, #tpu.memory_space<vmem_shared>>) offsets(%dma_start3A_695 : memref<128xi32, #tpu.memory_space<vmem>>) semaphore(%arg17 : memref<!tpu.dma_semaphore, #tpu.memory_space<semaphore_mem>>) {add = true}
    %dma_wait3A_699 = arith.constant 1 : i32
    %dma_wait3A_700 = arith.constant 0 : i32
    %dma_wait3A_701 = tpu.memref_slice %arg7[%dma_wait3A_699, %dma_wait3A_700] : memref<8x128xi32, #tpu.memory_space<vmem>> -> memref<1x128xi32, #tpu.memory_space<vmem>>
    %dma_wait3A_702 = tpu.memref_squeeze %dma_wait3A_701 : memref<1x128xi32, #tpu.memory_space<vmem>> -> memref<128xi32, #tpu.memory_space<vmem>>
    %dma_wait3A_703 = arith.constant 0 : i32
    %dma_wait3A_704 = arith.constant 0 : i32
    %dma_wait3A_705 = tpu.memref_slice %arg2[%dma_wait3A_703, %dma_wait3A_704] : memref<4096x128xf32, #tpu.memory_space<hbm>> -> memref<4096x128xf32, #tpu.memory_space<hbm>>
    tpu.wait_indirect_dma semaphore(%arg19 : memref<!tpu.dma_semaphore, #tpu.memory_space<semaphore_mem>>) src(%dma_wait3A_705 : memref<4096x128xf32, #tpu.memory_space<hbm>>) dst(%arg13 : memref<128x128xf32, #tpu.memory_space<vmem>>)
    %dma_wait3A_706 = arith.constant 3 : i32
    %dma_wait3A_707 = arith.constant 0 : i32
    %dma_wait3A_708 = tpu.memref_slice %arg7[%dma_wait3A_706, %dma_wait3A_707] : memref<8x128xi32, #tpu.memory_space<vmem>> -> memref<1x128xi32, #tpu.memory_space<vmem>>
    %dma_wait3A_709 = tpu.memref_squeeze %dma_wait3A_708 : memref<1x128xi32, #tpu.memory_space<vmem>> -> memref<128xi32, #tpu.memory_space<vmem>>
    %dma_wait3A_710 = arith.constant 0 : i32
    %dma_wait3A_711 = arith.constant 0 : i32
    %dma_wait3A_712 = tpu.memref_slice %arg2[%dma_wait3A_710, %dma_wait3A_711] : memref<4096x128xf32, #tpu.memory_space<hbm>> -> memref<4096x128xf32, #tpu.memory_space<hbm>>
    tpu.wait_indirect_dma semaphore(%arg19 : memref<!tpu.dma_semaphore, #tpu.memory_space<semaphore_mem>>) src(%dma_wait3A_712 : memref<4096x128xf32, #tpu.memory_space<hbm>>) dst(%arg14 : memref<128x128xf32, #tpu.memory_space<vmem>>)
    %dma_wait3A_713 = arith.constant 5 : i32
    %dma_wait3A_714 = arith.constant 0 : i32
    %dma_wait3A_715 = tpu.memref_slice %arg7[%dma_wait3A_713, %dma_wait3A_714] : memref<8x128xi32, #tpu.memory_space<vmem>> -> memref<1x128xi32, #tpu.memory_space<vmem>>
    %dma_wait3A_716 = tpu.memref_squeeze %dma_wait3A_715 : memref<1x128xi32, #tpu.memory_space<vmem>> -> memref<128xi32, #tpu.memory_space<vmem>>
    %dma_wait3A_717 = arith.constant 0 : i32
    %dma_wait3A_718 = arith.constant 0 : i32
    %dma_wait3A_719 = tpu.memref_slice %arg2[%dma_wait3A_717, %dma_wait3A_718] : memref<4096x128xf32, #tpu.memory_space<hbm>> -> memref<4096x128xf32, #tpu.memory_space<hbm>>
    tpu.wait_indirect_dma semaphore(%arg19 : memref<!tpu.dma_semaphore, #tpu.memory_space<semaphore_mem>>) src(%dma_wait3A_719 : memref<4096x128xf32, #tpu.memory_space<hbm>>) dst(%arg15 : memref<128x128xf32, #tpu.memory_space<vmem>>)
    %scan3A_720 = arith.constant 0 : i32
    %scan3A_721 = arith.constant 0 : i32
    %scan3A_722 = arith.constant 128 : i32
    %scan3A_723 = arith.addi %scan3A_721, %scan3A_722 : i32
    %scan3A_724 = arith.constant 1 : i32
    scf.for %scan3A_797 = %scan3A_721 to %scan3A_723 step %scan3A_724  : i32 {
      %get3A_798 = arith.index_cast %scan3A_797 : i32 to index
      %get3A_799 = arith.constant 0 : index
      %get3A_800 = tpu.vector_load %arg13[%get3A_798, %get3A_799] {strides = array<i32>} : memref<128x128xf32, #tpu.memory_space<vmem>>, vector<1x16xf32>,
      %get3A_801 = vector.shape_cast %get3A_800 : vector<1x16xf32> to vector<16xf32>
      %get3A_802 = arith.index_cast %scan3A_797 : i32 to index
      %get3A_803 = arith.constant 0 : index
      %get3A_804 = tpu.vector_load %arg14[%get3A_802, %get3A_803] {strides = array<i32>} : memref<128x128xf32, #tpu.memory_space<vmem>>, vector<1x16xf32>,
      %get3A_805 = vector.shape_cast %get3A_804 : vector<1x16xf32> to vector<16xf32>
      %add3A_806 = arith.addf %get3A_801, %get3A_805 : vector<16xf32>
      %get3A_807 = arith.index_cast %scan3A_797 : i32 to index
      %get3A_808 = arith.constant 0 : index
      %get3A_809 = tpu.vector_load %arg15[%get3A_807, %get3A_808] {strides = array<i32>} : memref<128x128xf32, #tpu.memory_space<vmem>>, vector<1x16xf32>,
      %get3A_810 = vector.shape_cast %get3A_809 : vector<1x16xf32> to vector<16xf32>
      %add3A_811 = arith.addf %add3A_806, %get3A_810 : vector<16xf32>
      %swap3A_812 = arith.index_cast %scan3A_797 : i32 to index
      %swap3A_813 = arith.constant 0 : index
      %swap3A_814 = tpu.vector_load %arg13[%swap3A_812, %swap3A_813] {strides = array<i32>} : memref<128x128xf32, #tpu.memory_space<vmem>>, vector<1x16xf32>,
      %swap3A_815 = vector.shape_cast %swap3A_814 : vector<1x16xf32> to vector<16xf32>
      %swap3A_816 = vector.shape_cast %add3A_811 : vector<16xf32> to vector<1x16xf32>
      tpu.vector_store %arg13[%swap3A_812, %swap3A_813], %swap3A_816 {strides = array<i32>} : memref<128x128xf32, #tpu.memory_space<vmem>>, vector<1x16xf32>,
      %get3A_817 = arith.index_cast %scan3A_797 : i32 to index
      %get3A_818 = arith.constant 16 : index
      %get3A_819 = tpu.vector_load %arg13[%get3A_817, %get3A_818] {strides = array<i32>} : memref<128x128xf32, #tpu.memory_space<vmem>>, vector<1x16xf32>,
      %get3A_820 = vector.shape_cast %get3A_819 : vector<1x16xf32> to vector<16xf32>
      %get3A_821 = arith.index_cast %scan3A_797 : i32 to index
      %get3A_822 = arith.constant 16 : index
      %get3A_823 = tpu.vector_load %arg14[%get3A_821, %get3A_822] {strides = array<i32>} : memref<128x128xf32, #tpu.memory_space<vmem>>, vector<1x16xf32>,
      %get3A_824 = vector.shape_cast %get3A_823 : vector<1x16xf32> to vector<16xf32>
      %add3A_825 = arith.addf %get3A_820, %get3A_824 : vector<16xf32>
      %get3A_826 = arith.index_cast %scan3A_797 : i32 to index
      %get3A_827 = arith.constant 16 : index
      %get3A_828 = tpu.vector_load %arg15[%get3A_826, %get3A_827] {strides = array<i32>} : memref<128x128xf32, #tpu.memory_space<vmem>>, vector<1x16xf32>,
      %get3A_829 = vector.shape_cast %get3A_828 : vector<1x16xf32> to vector<16xf32>
      %add3A_830 = arith.addf %add3A_825, %get3A_829 : vector<16xf32>
      %swap3A_831 = arith.index_cast %scan3A_797 : i32 to index
      %swap3A_832 = arith.constant 16 : index
      %swap3A_833 = tpu.vector_load %arg13[%swap3A_831, %swap3A_832] {strides = array<i32>} : memref<128x128xf32, #tpu.memory_space<vmem>>, vector<1x16xf32>,
      %swap3A_834 = vector.shape_cast %swap3A_833 : vector<1x16xf32> to vector<16xf32>
      %swap3A_835 = vector.shape_cast %add3A_830 : vector<16xf32> to vector<1x16xf32>
      tpu.vector_store %arg13[%swap3A_831, %swap3A_832], %swap3A_835 {strides = array<i32>} : memref<128x128xf32, #tpu.memory_space<vmem>>, vector<1x16xf32>,
      %get3A_836 = arith.index_cast %scan3A_797 : i32 to index
      %get3A_837 = arith.constant 32 : index
      %get3A_838 = tpu.vector_load %arg13[%get3A_836, %get3A_837] {strides = array<i32>} : memref<128x128xf32, #tpu.memory_space<vmem>>, vector<1x16xf32>,
      %get3A_839 = vector.shape_cast %get3A_838 : vector<1x16xf32> to vector<16xf32>
      %get3A_840 = arith.index_cast %scan3A_797 : i32 to index
      %get3A_841 = arith.constant 32 : index
      %get3A_842 = tpu.vector_load %arg14[%get3A_840, %get3A_841] {strides = array<i32>} : memref<128x128xf32, #tpu.memory_space<vmem>>, vector<1x16xf32>,
      %get3A_843 = vector.shape_cast %get3A_842 : vector<1x16xf32> to vector<16xf32>
      %add3A_844 = arith.addf %get3A_839, %get3A_843 : vector<16xf32>
      %get3A_845 = arith.index_cast %scan3A_797 : i32 to index
      %get3A_846 = arith.constant 32 : index
      %get3A_847 = tpu.vector_load %arg15[%get3A_845, %get3A_846] {strides = array<i32>} : memref<128x128xf32, #tpu.memory_space<vmem>>, vector<1x16xf32>,
      %get3A_848 = vector.shape_cast %get3A_847 : vector<1x16xf32> to vector<16xf32>
      %add3A_849 = arith.addf %add3A_844, %get3A_848 : vector<16xf32>
      %swap3A_850 = arith.index_cast %scan3A_797 : i32 to index
      %swap3A_851 = arith.constant 32 : index
      %swap3A_852 = tpu.vector_load %arg13[%swap3A_850, %swap3A_851] {strides = array<i32>} : memref<128x128xf32, #tpu.memory_space<vmem>>, vector<1x16xf32>,
      %swap3A_853 = vector.shape_cast %swap3A_852 : vector<1x16xf32> to vector<16xf32>
      %swap3A_854 = vector.shape_cast %add3A_849 : vector<16xf32> to vector<1x16xf32>
      tpu.vector_store %arg13[%swap3A_850, %swap3A_851], %swap3A_854 {strides = array<i32>} : memref<128x128xf32, #tpu.memory_space<vmem>>, vector<1x16xf32>,
      %get3A_855 = arith.index_cast %scan3A_797 : i32 to index
      %get3A_856 = arith.constant 48 : index
      %get3A_857 = tpu.vector_load %arg13[%get3A_855, %get3A_856] {strides = array<i32>} : memref<128x128xf32, #tpu.memory_space<vmem>>, vector<1x16xf32>,
      %get3A_858 = vector.shape_cast %get3A_857 : vector<1x16xf32> to vector<16xf32>
      %get3A_859 = arith.index_cast %scan3A_797 : i32 to index
      %get3A_860 = arith.constant 48 : index
      %get3A_861 = tpu.vector_load %arg14[%get3A_859, %get3A_860] {strides = array<i32>} : memref<128x128xf32, #tpu.memory_space<vmem>>, vector<1x16xf32>,
      %get3A_862 = vector.shape_cast %get3A_861 : vector<1x16xf32> to vector<16xf32>
      %add3A_863 = arith.addf %get3A_858, %get3A_862 : vector<16xf32>
      %get3A_864 = arith.index_cast %scan3A_797 : i32 to index
      %get3A_865 = arith.constant 48 : index
      %get3A_866 = tpu.vector_load %arg15[%get3A_864, %get3A_865] {strides = array<i32>} : memref<128x128xf32, #tpu.memory_space<vmem>>, vector<1x16xf32>,
      %get3A_867 = vector.shape_cast %get3A_866 : vector<1x16xf32> to vector<16xf32>
      %add3A_868 = arith.addf %add3A_863, %get3A_867 : vector<16xf32>
      %swap3A_869 = arith.index_cast %scan3A_797 : i32 to index
      %swap3A_870 = arith.constant 48 : index
      %swap3A_871 = tpu.vector_load %arg13[%swap3A_869, %swap3A_870] {strides = array<i32>} : memref<128x128xf32, #tpu.memory_space<vmem>>, vector<1x16xf32>,
      %swap3A_872 = vector.shape_cast %swap3A_871 : vector<1x16xf32> to vector<16xf32>
      %swap3A_873 = vector.shape_cast %add3A_868 : vector<16xf32> to vector<1x16xf32>
      tpu.vector_store %arg13[%swap3A_869, %swap3A_870], %swap3A_873 {strides = array<i32>} : memref<128x128xf32, #tpu.memory_space<vmem>>, vector<1x16xf32>,
      %get3A_874 = arith.index_cast %scan3A_797 : i32 to index
      %get3A_875 = arith.constant 64 : index
      %get3A_876 = tpu.vector_load %arg13[%get3A_874, %get3A_875] {strides = array<i32>} : memref<128x128xf32, #tpu.memory_space<vmem>>, vector<1x16xf32>,
      %get3A_877 = vector.shape_cast %get3A_876 : vector<1x16xf32> to vector<16xf32>
      %get3A_878 = arith.index_cast %scan3A_797 : i32 to index
      %get3A_879 = arith.constant 64 : index
      %get3A_880 = tpu.vector_load %arg14[%get3A_878, %get3A_879] {strides = array<i32>} : memref<128x128xf32, #tpu.memory_space<vmem>>, vector<1x16xf32>,
      %get3A_881 = vector.shape_cast %get3A_880 : vector<1x16xf32> to vector<16xf32>
      %add3A_882 = arith.addf %get3A_877, %get3A_881 : vector<16xf32>
      %get3A_883 = arith.index_cast %scan3A_797 : i32 to index
      %get3A_884 = arith.constant 64 : index
      %get3A_885 = tpu.vector_load %arg15[%get3A_883, %get3A_884] {strides = array<i32>} : memref<128x128xf32, #tpu.memory_space<vmem>>, vector<1x16xf32>,
      %get3A_886 = vector.shape_cast %get3A_885 : vector<1x16xf32> to vector<16xf32>
      %add3A_887 = arith.addf %add3A_882, %get3A_886 : vector<16xf32>
      %swap3A_888 = arith.index_cast %scan3A_797 : i32 to index
      %swap3A_889 = arith.constant 64 : index
      %swap3A_890 = tpu.vector_load %arg13[%swap3A_888, %swap3A_889] {strides = array<i32>} : memref<128x128xf32, #tpu.memory_space<vmem>>, vector<1x16xf32>,
      %swap3A_891 = vector.shape_cast %swap3A_890 : vector<1x16xf32> to vector<16xf32>
      %swap3A_892 = vector.shape_cast %add3A_887 : vector<16xf32> to vector<1x16xf32>
      tpu.vector_store %arg13[%swap3A_888, %swap3A_889], %swap3A_892 {strides = array<i32>} : memref<128x128xf32, #tpu.memory_space<vmem>>, vector<1x16xf32>,
      %get3A_893 = arith.index_cast %scan3A_797 : i32 to index
      %get3A_894 = arith.constant 80 : index
      %get3A_895 = tpu.vector_load %arg13[%get3A_893, %get3A_894] {strides = array<i32>} : memref<128x128xf32, #tpu.memory_space<vmem>>, vector<1x16xf32>,
      %get3A_896 = vector.shape_cast %get3A_895 : vector<1x16xf32> to vector<16xf32>
      %get3A_897 = arith.index_cast %scan3A_797 : i32 to index
      %get3A_898 = arith.constant 80 : index
      %get3A_899 = tpu.vector_load %arg14[%get3A_897, %get3A_898] {strides = array<i32>} : memref<128x128xf32, #tpu.memory_space<vmem>>, vector<1x16xf32>,
      %get3A_900 = vector.shape_cast %get3A_899 : vector<1x16xf32> to vector<16xf32>
      %add3A_901 = arith.addf %get3A_896, %get3A_900 : vector<16xf32>
      %get3A_902 = arith.index_cast %scan3A_797 : i32 to index
      %get3A_903 = arith.constant 80 : index
      %get3A_904 = tpu.vector_load %arg15[%get3A_902, %get3A_903] {strides = array<i32>} : memref<128x128xf32, #tpu.memory_space<vmem>>, vector<1x16xf32>,
      %get3A_905 = vector.shape_cast %get3A_904 : vector<1x16xf32> to vector<16xf32>
      %add3A_906 = arith.addf %add3A_901, %get3A_905 : vector<16xf32>
      %swap3A_907 = arith.index_cast %scan3A_797 : i32 to index
      %swap3A_908 = arith.constant 80 : index
      %swap3A_909 = tpu.vector_load %arg13[%swap3A_907, %swap3A_908] {strides = array<i32>} : memref<128x128xf32, #tpu.memory_space<vmem>>, vector<1x16xf32>,
      %swap3A_910 = vector.shape_cast %swap3A_909 : vector<1x16xf32> to vector<16xf32>
      %swap3A_911 = vector.shape_cast %add3A_906 : vector<16xf32> to vector<1x16xf32>
      tpu.vector_store %arg13[%swap3A_907, %swap3A_908], %swap3A_911 {strides = array<i32>} : memref<128x128xf32, #tpu.memory_space<vmem>>, vector<1x16xf32>,
      %get3A_912 = arith.index_cast %scan3A_797 : i32 to index
      %get3A_913 = arith.constant 96 : index
      %get3A_914 = tpu.vector_load %arg13[%get3A_912, %get3A_913] {strides = array<i32>} : memref<128x128xf32, #tpu.memory_space<vmem>>, vector<1x16xf32>,
      %get3A_915 = vector.shape_cast %get3A_914 : vector<1x16xf32> to vector<16xf32>
      %get3A_916 = arith.index_cast %scan3A_797 : i32 to index
      %get3A_917 = arith.constant 96 : index
      %get3A_918 = tpu.vector_load %arg14[%get3A_916, %get3A_917] {strides = array<i32>} : memref<128x128xf32, #tpu.memory_space<vmem>>, vector<1x16xf32>,
      %get3A_919 = vector.shape_cast %get3A_918 : vector<1x16xf32> to vector<16xf32>
      %add3A_920 = arith.addf %get3A_915, %get3A_919 : vector<16xf32>
      %get3A_921 = arith.index_cast %scan3A_797 : i32 to index
      %get3A_922 = arith.constant 96 : index
      %get3A_923 = tpu.vector_load %arg15[%get3A_921, %get3A_922] {strides = array<i32>} : memref<128x128xf32, #tpu.memory_space<vmem>>, vector<1x16xf32>,
      %get3A_924 = vector.shape_cast %get3A_923 : vector<1x16xf32> to vector<16xf32>
      %add3A_925 = arith.addf %add3A_920, %get3A_924 : vector<16xf32>
      %swap3A_926 = arith.index_cast %scan3A_797 : i32 to index
      %swap3A_927 = arith.constant 96 : index
      %swap3A_928 = tpu.vector_load %arg13[%swap3A_926, %swap3A_927] {strides = array<i32>} : memref<128x128xf32, #tpu.memory_space<vmem>>, vector<1x16xf32>,
      %swap3A_929 = vector.shape_cast %swap3A_928 : vector<1x16xf32> to vector<16xf32>
      %swap3A_930 = vector.shape_cast %add3A_925 : vector<16xf32> to vector<1x16xf32>
      tpu.vector_store %arg13[%swap3A_926, %swap3A_927], %swap3A_930 {strides = array<i32>} : memref<128x128xf32, #tpu.memory_space<vmem>>, vector<1x16xf32>,
      %get3A_931 = arith.index_cast %scan3A_797 : i32 to index
      %get3A_932 = arith.constant 112 : index
      %get3A_933 = tpu.vector_load %arg13[%get3A_931, %get3A_932] {strides = array<i32>} : memref<128x128xf32, #tpu.memory_space<vmem>>, vector<1x16xf32>,
      %get3A_934 = vector.shape_cast %get3A_933 : vector<1x16xf32> to vector<16xf32>
      %get3A_935 = arith.index_cast %scan3A_797 : i32 to index
      %get3A_936 = arith.constant 112 : index
      %get3A_937 = tpu.vector_load %arg14[%get3A_935, %get3A_936] {strides = array<i32>} : memref<128x128xf32, #tpu.memory_space<vmem>>, vector<1x16xf32>,
      %get3A_938 = vector.shape_cast %get3A_937 : vector<1x16xf32> to vector<16xf32>
      %add3A_939 = arith.addf %get3A_934, %get3A_938 : vector<16xf32>
      %get3A_940 = arith.index_cast %scan3A_797 : i32 to index
      %get3A_941 = arith.constant 112 : index
      %get3A_942 = tpu.vector_load %arg15[%get3A_940, %get3A_941] {strides = array<i32>} : memref<128x128xf32, #tpu.memory_space<vmem>>, vector<1x16xf32>,
      %get3A_943 = vector.shape_cast %get3A_942 : vector<1x16xf32> to vector<16xf32>
      %add3A_944 = arith.addf %add3A_939, %get3A_943 : vector<16xf32>
      %swap3A_945 = arith.index_cast %scan3A_797 : i32 to index
      %swap3A_946 = arith.constant 112 : index
      %swap3A_947 = tpu.vector_load %arg13[%swap3A_945, %swap3A_946] {strides = array<i32>} : memref<128x128xf32, #tpu.memory_space<vmem>>, vector<1x16xf32>,
      %swap3A_948 = vector.shape_cast %swap3A_947 : vector<1x16xf32> to vector<16xf32>
      %swap3A_949 = vector.shape_cast %add3A_944 : vector<16xf32> to vector<1x16xf32>
      tpu.vector_store %arg13[%swap3A_945, %swap3A_946], %swap3A_949 {strides = array<i32>} : memref<128x128xf32, #tpu.memory_space<vmem>>, vector<1x16xf32>,
    }
    %scan3A_725 = arith.constant 128 : i32
    %dma_start3A_726 = arith.constant 1 : i32
    %dma_start3A_727 = arith.constant 0 : i32
    %dma_start3A_728 = tpu.memref_slice %arg8[%dma_start3A_726, %dma_start3A_727] : memref<8x128xi32, #tpu.memory_space<vmem>> -> memref<1x128xi32, #tpu.memory_space<vmem>>
    %dma_start3A_729 = tpu.memref_squeeze %dma_start3A_728 : memref<1x128xi32, #tpu.memory_space<vmem>> -> memref<128xi32, #tpu.memory_space<vmem>>
    %dma_start3A_730 = arith.constant 0 : i32
    %dma_start3A_731 = arith.constant 0 : i32
    %dma_start3A_732 = tpu.memref_slice %arg16[%dma_start3A_730, %dma_start3A_731] : memref<1024x128xf32, #tpu.memory_space<vmem_shared>> -> memref<1024x128xf32, #tpu.memory_space<vmem_shared>>
    tpu.enqueue_indirect_dma source(%arg13 : memref<128x128xf32, #tpu.memory_space<vmem>>) target(%dma_start3A_732 : memref<1024x128xf32, #tpu.memory_space<vmem_shared>>) offsets(%dma_start3A_729 : memref<128xi32, #tpu.memory_space<vmem>>) semaphore(%arg17 : memref<!tpu.dma_semaphore, #tpu.memory_space<semaphore_mem>>) {add = true}
    %dma_start3A_733 = arith.constant 1 : i32
    %dma_start3A_734 = arith.constant 0 : i32
    %dma_start3A_735 = tpu.memref_slice %arg9[%dma_start3A_733, %dma_start3A_734] : memref<4x128xi32, #tpu.memory_space<vmem>> -> memref<1x128xi32, #tpu.memory_space<vmem>>
    %dma_start3A_736 = tpu.memref_squeeze %dma_start3A_735 : memref<1x128xi32, #tpu.memory_space<vmem>> -> memref<128xi32, #tpu.memory_space<vmem>>
    %dma_start3A_737 = arith.constant 0 : i32
    %dma_start3A_738 = arith.constant 0 : i32
    %dma_start3A_739 = tpu.memref_slice %arg16[%dma_start3A_737, %dma_start3A_738] : memref<1024x128xf32, #tpu.memory_space<vmem_shared>> -> memref<1024x128xf32, #tpu.memory_space<vmem_shared>>
    tpu.enqueue_indirect_dma source(%arg13 : memref<128x128xf32, #tpu.memory_space<vmem>>) target(%dma_start3A_739 : memref<1024x128xf32, #tpu.memory_space<vmem_shared>>) offsets(%dma_start3A_736 : memref<128xi32, #tpu.memory_space<vmem>>) semaphore(%arg17 : memref<!tpu.dma_semaphore, #tpu.memory_space<semaphore_mem>>) {add = true}
    %dma_start3A_740 = arith.constant 3 : i32
    %dma_start3A_741 = arith.constant 0 : i32
    %dma_start3A_742 = tpu.memref_slice %arg9[%dma_start3A_740, %dma_start3A_741] : memref<4x128xi32, #tpu.memory_space<vmem>> -> memref<1x128xi32, #tpu.memory_space<vmem>>
    %dma_start3A_743 = tpu.memref_squeeze %dma_start3A_742 : memref<1x128xi32, #tpu.memory_space<vmem>> -> memref<128xi32, #tpu.memory_space<vmem>>
    %dma_start3A_744 = arith.constant 0 : i32
    %dma_start3A_745 = arith.constant 0 : i32
    %dma_start3A_746 = tpu.memref_slice %arg16[%dma_start3A_744, %dma_start3A_745] : memref<1024x128xf32, #tpu.memory_space<vmem_shared>> -> memref<1024x128xf32, #tpu.memory_space<vmem_shared>>
    tpu.enqueue_indirect_dma source(%arg13 : memref<128x128xf32, #tpu.memory_space<vmem>>) target(%dma_start3A_746 : memref<1024x128xf32, #tpu.memory_space<vmem_shared>>) offsets(%dma_start3A_743 : memref<128xi32, #tpu.memory_space<vmem>>) semaphore(%arg17 : memref<!tpu.dma_semaphore, #tpu.memory_space<semaphore_mem>>) {add = true}
    %dma_wait3A_747 = arith.constant 0 : i32
    %dma_wait3A_748 = arith.constant 0 : i32
    %dma_wait3A_749 = tpu.memref_slice %arg8[%dma_wait3A_747, %dma_wait3A_748] : memref<8x128xi32, #tpu.memory_space<vmem>> -> memref<1x128xi32, #tpu.memory_space<vmem>>
    %dma_wait3A_750 = tpu.memref_squeeze %dma_wait3A_749 : memref<1x128xi32, #tpu.memory_space<vmem>> -> memref<128xi32, #tpu.memory_space<vmem>>
    %dma_wait3A_751 = arith.constant 0 : i32
    %dma_wait3A_752 = arith.constant 0 : i32
    %dma_wait3A_753 = tpu.memref_slice %arg16[%dma_wait3A_751, %dma_wait3A_752] : memref<1024x128xf32, #tpu.memory_space<vmem_shared>> -> memref<1024x128xf32, #tpu.memory_space<vmem_shared>>
    tpu.wait_indirect_dma semaphore(%arg17 : memref<!tpu.dma_semaphore, #tpu.memory_space<semaphore_mem>>) src(%arg10 : memref<128x128xf32, #tpu.memory_space<vmem>>) dst(%dma_wait3A_753 : memref<1024x128xf32, #tpu.memory_space<vmem_shared>>)
    %dma_wait3A_754 = arith.constant 0 : i32
    %dma_wait3A_755 = arith.constant 0 : i32
    %dma_wait3A_756 = tpu.memref_slice %arg9[%dma_wait3A_754, %dma_wait3A_755] : memref<4x128xi32, #tpu.memory_space<vmem>> -> memref<1x128xi32, #tpu.memory_space<vmem>>
    %dma_wait3A_757 = tpu.memref_squeeze %dma_wait3A_756 : memref<1x128xi32, #tpu.memory_space<vmem>> -> memref<128xi32, #tpu.memory_space<vmem>>
    %dma_wait3A_758 = arith.constant 0 : i32
    %dma_wait3A_759 = arith.constant 0 : i32
    %dma_wait3A_760 = tpu.memref_slice %arg16[%dma_wait3A_758, %dma_wait3A_759] : memref<1024x128xf32, #tpu.memory_space<vmem_shared>> -> memref<1024x128xf32, #tpu.memory_space<vmem_shared>>
    tpu.wait_indirect_dma semaphore(%arg17 : memref<!tpu.dma_semaphore, #tpu.memory_space<semaphore_mem>>) src(%arg10 : memref<128x128xf32, #tpu.memory_space<vmem>>) dst(%dma_wait3A_760 : memref<1024x128xf32, #tpu.memory_space<vmem_shared>>)
    %dma_wait3A_761 = arith.constant 2 : i32
    %dma_wait3A_762 = arith.constant 0 : i32
    %dma_wait3A_763 = tpu.memref_slice %arg9[%dma_wait3A_761, %dma_wait3A_762] : memref<4x128xi32, #tpu.memory_space<vmem>> -> memref<1x128xi32, #tpu.memory_space<vmem>>
    %dma_wait3A_764 = tpu.memref_squeeze %dma_wait3A_763 : memref<1x128xi32, #tpu.memory_space<vmem>> -> memref<128xi32, #tpu.memory_space<vmem>>
    %dma_wait3A_765 = arith.constant 0 : i32
    %dma_wait3A_766 = arith.constant 0 : i32
    %dma_wait3A_767 = tpu.memref_slice %arg16[%dma_wait3A_765, %dma_wait3A_766] : memref<1024x128xf32, #tpu.memory_space<vmem_shared>> -> memref<1024x128xf32, #tpu.memory_space<vmem_shared>>
    tpu.wait_indirect_dma semaphore(%arg17 : memref<!tpu.dma_semaphore, #tpu.memory_space<semaphore_mem>>) src(%arg10 : memref<128x128xf32, #tpu.memory_space<vmem>>) dst(%dma_wait3A_767 : memref<1024x128xf32, #tpu.memory_space<vmem_shared>>)
    %dma_wait3A_768 = arith.constant 1 : i32
    %dma_wait3A_769 = arith.constant 0 : i32
    %dma_wait3A_770 = tpu.memref_slice %arg8[%dma_wait3A_768, %dma_wait3A_769] : memref<8x128xi32, #tpu.memory_space<vmem>> -> memref<1x128xi32, #tpu.memory_space<vmem>>
    %dma_wait3A_771 = tpu.memref_squeeze %dma_wait3A_770 : memref<1x128xi32, #tpu.memory_space<vmem>> -> memref<128xi32, #tpu.memory_space<vmem>>
    %dma_wait3A_772 = arith.constant 0 : i32
    %dma_wait3A_773 = arith.constant 0 : i32
    %dma_wait3A_774 = tpu.memref_slice %arg16[%dma_wait3A_772, %dma_wait3A_773] : memref<1024x128xf32, #tpu.memory_space<vmem_shared>> -> memref<1024x128xf32, #tpu.memory_space<vmem_shared>>
    tpu.wait_indirect_dma semaphore(%arg17 : memref<!tpu.dma_semaphore, #tpu.memory_space<semaphore_mem>>) src(%arg13 : memref<128x128xf32, #tpu.memory_space<vmem>>) dst(%dma_wait3A_774 : memref<1024x128xf32, #tpu.memory_space<vmem_shared>>)
    %dma_wait3A_775 = arith.constant 1 : i32
    %dma_wait3A_776 = arith.constant 0 : i32
    %dma_wait3A_777 = tpu.memref_slice %arg9[%dma_wait3A_775, %dma_wait3A_776] : memref<4x128xi32, #tpu.memory_space<vmem>> -> memref<1x128xi32, #tpu.memory_space<vmem>>
    %dma_wait3A_778 = tpu.memref_squeeze %dma_wait3A_777 : memref<1x128xi32, #tpu.memory_space<vmem>> -> memref<128xi32, #tpu.memory_space<vmem>>
    %dma_wait3A_779 = arith.constant 0 : i32
    %dma_wait3A_780 = arith.constant 0 : i32
    %dma_wait3A_781 = tpu.memref_slice %arg16[%dma_wait3A_779, %dma_wait3A_780] : memref<1024x128xf32, #tpu.memory_space<vmem_shared>> -> memref<1024x128xf32, #tpu.memory_space<vmem_shared>>
    tpu.wait_indirect_dma semaphore(%arg17 : memref<!tpu.dma_semaphore, #tpu.memory_space<semaphore_mem>>) src(%arg13 : memref<128x128xf32, #tpu.memory_space<vmem>>) dst(%dma_wait3A_781 : memref<1024x128xf32, #tpu.memory_space<vmem_shared>>)
    %dma_wait3A_782 = arith.constant 3 : i32
    %dma_wait3A_783 = arith.constant 0 : i32
    %dma_wait3A_784 = tpu.memref_slice %arg9[%dma_wait3A_782, %dma_wait3A_783] : memref<4x128xi32, #tpu.memory_space<vmem>> -> memref<1x128xi32, #tpu.memory_space<vmem>>
    %dma_wait3A_785 = tpu.memref_squeeze %dma_wait3A_784 : memref<1x128xi32, #tpu.memory_space<vmem>> -> memref<128xi32, #tpu.memory_space<vmem>>
    %dma_wait3A_786 = arith.constant 0 : i32
    %dma_wait3A_787 = arith.constant 0 : i32
    %dma_wait3A_788 = tpu.memref_slice %arg16[%dma_wait3A_786, %dma_wait3A_787] : memref<1024x128xf32, #tpu.memory_space<vmem_shared>> -> memref<1024x128xf32, #tpu.memory_space<vmem_shared>>
    tpu.wait_indirect_dma semaphore(%arg17 : memref<!tpu.dma_semaphore, #tpu.memory_space<semaphore_mem>>) src(%arg13 : memref<128x128xf32, #tpu.memory_space<vmem>>) dst(%dma_wait3A_788 : memref<1024x128xf32, #tpu.memory_space<vmem_shared>>)
    %barrier3A_789 = arith.constant 0 : index
    tpu.barrier barrier_id(%barrier3A_789)
    %mul3A_790 = arith.constant 64 : i32
    %mul3A_791 = arith.muli %arg1, %mul3A_790 : i32
    %mul3A_792 = arith.constant 1024 : i32
    %mul3A_793 = arith.muli %arg0, %mul3A_792 : i32
    %mul3A_794 = arith.constant 64 : i32
    %mul3A_795 = arith.muli %arg1, %mul3A_794 : i32
    %add3A_796 = arith.addi %mul3A_793, %mul3A_795 : i32
    "tpu.region"() ({
      %run_scoped3A = tpu.sem_alloc : memref<!tpu.dma_semaphore, #tpu.memory_space<semaphore_mem>>
      %dma_start3A_797 = arith.constant 0 : i32
      %dma_start3A_798 = tpu.memref_slice %arg6[%add3A_796, %dma_start3A_797] : memref<2048x128xf32, #tpu.memory_space<hbm>> -> memref<64x128xf32, #tpu.memory_space<hbm>>
      %dma_start3A_799 = arith.constant 0 : i32
      %dma_start3A_800 = tpu.memref_slice %arg16[%mul3A_791, %dma_start3A_799] : memref<1024x128xf32, #tpu.memory_space<vmem_shared>> -> memref<64x128xf32, #tpu.memory_space<vmem_shared>>
      tpu.enqueue_dma source(%dma_start3A_800 : memref<64x128xf32, #tpu.memory_space<vmem_shared>>) target(%dma_start3A_798 : memref<64x128xf32, #tpu.memory_space<hbm>>) target_semaphore(%run_scoped3A : memref<!tpu.dma_semaphore, #tpu.memory_space<semaphore_mem>>)
      %dma_wait3A_801 = arith.constant 0 : i32
      %dma_wait3A_802 = tpu.memref_slice %arg6[%add3A_796, %dma_wait3A_801] : memref<2048x128xf32, #tpu.memory_space<hbm>> -> memref<64x128xf32, #tpu.memory_space<hbm>>
      %dma_wait3A_803 = arith.constant 0 : i32
      %dma_wait3A_804 = tpu.memref_slice %arg16[%mul3A_791, %dma_wait3A_803] : memref<1024x128xf32, #tpu.memory_space<vmem_shared>> -> memref<64x128xf32, #tpu.memory_space<vmem_shared>>
      tpu.wait_dma2 semaphore(%run_scoped3A : memref<!tpu.dma_semaphore, #tpu.memory_space<semaphore_mem>>) src(%dma_wait3A_804 : memref<64x128xf32, #tpu.memory_space<vmem_shared>>) dst(%dma_wait3A_802 : memref<64x128xf32, #tpu.memory_space<hbm>>)
      tpu.yield
    }) : () -> ()
    return
  }
}

module attributes {stable_mosaic.version = 14 : i64} {
  func.func @_msgu_body(%arg0: memref<4x1024x128xf32, #tpu.memory_space<vmem>>, %arg1: memref<2x1024x128xf32, #tpu.memory_space<vmem>>, %arg2: memref<2x1024x128xf32, #tpu.memory_space<vmem>>, %arg3: memref<128x128xf32, #tpu.memory_space<vmem>>, %arg4: memref<128x128xf32, #tpu.memory_space<vmem>>, %arg5: memref<128x128xf32, #tpu.memory_space<vmem>>, %arg6: memref<1x128xf32, #tpu.memory_space<vmem>>, %arg7: memref<1x128xf32, #tpu.memory_space<vmem>>, %arg8: memref<1x128xf32, #tpu.memory_space<vmem>>, %arg9: memref<4x1024x128xf32, #tpu.memory_space<vmem>>) attributes {dimension_semantics = [], scalar_prefetch = 0 : i64, scratch_operands = 0 : i64, tpu.core_type = #tpu.core_type<tc>} {
    %get3A = arith.constant 0 : index
    %get3A_0 = arith.constant 0 : index
    %get3A_1 = arith.constant 0 : index
    %get3A_2 = vector.load %arg2[%get3A, %get3A_0, %get3A_1] : memref<2x1024x128xf32, #tpu.memory_space<vmem>>, vector<1x1024x128xf32>
    %get3A_3 = vector.shape_cast %get3A_2 : vector<1x1024x128xf32> to vector<1024x128xf32>
    %slice3A = vector.extract_strided_slice %get3A_3 {offsets = [0, 0], sizes = [1024, 1], strides = [1, 1]} : vector<1024x128xf32> to vector<1024x1xf32>
    %get3A_4 = arith.constant 1 : index
    %get3A_5 = arith.constant 0 : index
    %get3A_6 = arith.constant 0 : index
    %get3A_7 = vector.load %arg2[%get3A_4, %get3A_5, %get3A_6] : memref<2x1024x128xf32, #tpu.memory_space<vmem>>, vector<1x1024x128xf32>
    %get3A_8 = vector.shape_cast %get3A_7 : vector<1x1024x128xf32> to vector<1024x128xf32>
    %slice3A_9 = vector.extract_strided_slice %get3A_8 {offsets = [0, 0], sizes = [1024, 1], strides = [1, 1]} : vector<1024x128xf32> to vector<1024x1xf32>
    %add3A = arith.addf %slice3A, %slice3A_9 : vector<1024x1xf32>
    %gt3A = arith.constant 0.000000e+00 : f32
    %gt3A_10 = vector.broadcast %gt3A : f32 to vector<1024x1xf32>
    %gt3A_11 = arith.cmpf ogt, %add3A, %gt3A_10 : vector<1024x1xf32>
    %convert_element_type3A = arith.extui %gt3A_11 : vector<1024x1xi1> to vector<1024x1xi32>
    %convert_element_type3A_12 = arith.sitofp %convert_element_type3A : vector<1024x1xi32> to vector<1024x1xf32>
    %max3A = arith.constant 1.000000e+00 : f32
    %max3A_13 = vector.broadcast %max3A : f32 to vector<1024x1xf32>
    %max3A_14 = arith.maximumf %add3A, %max3A_13 : vector<1024x1xf32>
    %div3A = arith.divf %convert_element_type3A_12, %max3A_14 : vector<1024x1xf32>
    %get3A_15 = arith.constant 0 : index
    %get3A_16 = arith.constant 0 : index
    %get3A_17 = vector.load %arg6[%get3A_15, %get3A_16] : memref<1x128xf32, #tpu.memory_space<vmem>>, vector<1x128xf32>
    %get3A_18 = arith.constant 0 : index
    %get3A_19 = arith.constant 0 : index
    %get3A_20 = vector.load %arg4[%get3A_18, %get3A_19] : memref<128x128xf32, #tpu.memory_space<vmem>>, vector<128x128xf32>
    %dot_general3A = arith.constant dense<0.000000e+00> : vector<1x128xf32>
    %dot_general3A_21 = tpu.matmul %get3A_17, %get3A_20, %dot_general3A {dimension_numbers = #tpu.dot_dimension_numbers<[1], [1], [0], [0], [0, 0, 1, 0], [], []>, transpose_lhs_hint = false} : vector<1x128xf32>, vector<128x128xf32>, vector<1x128xf32> -> vector<1x128xf32>
    %get3A_22 = arith.constant 0 : index
    %get3A_23 = arith.constant 0 : index
    %get3A_24 = vector.load %arg7[%get3A_22, %get3A_23] : memref<1x128xf32, #tpu.memory_space<vmem>>, vector<1x128xf32>
    %add3A_25 = arith.addf %dot_general3A_21, %get3A_24 : vector<1x128xf32>
    %get3A_26 = arith.constant 0 : index
    %get3A_27 = arith.constant 0 : index
    %get3A_28 = vector.load %arg5[%get3A_26, %get3A_27] : memref<128x128xf32, #tpu.memory_space<vmem>>, vector<128x128xf32>
    %dot_general3A_29 = arith.constant dense<0.000000e+00> : vector<1x128xf32>
    %dot_general3A_30 = tpu.matmul %add3A_25, %get3A_28, %dot_general3A_29 {dimension_numbers = #tpu.dot_dimension_numbers<[1], [1], [0], [0], [0, 0, 1, 0], [], []>, transpose_lhs_hint = false} : vector<1x128xf32>, vector<128x128xf32>, vector<1x128xf32> -> vector<1x128xf32>
    %get3A_31 = arith.constant 0 : index
    %get3A_32 = arith.constant 0 : index
    %get3A_33 = vector.load %arg8[%get3A_31, %get3A_32] : memref<1x128xf32, #tpu.memory_space<vmem>>, vector<1x128xf32>
    %add3A_34 = arith.addf %dot_general3A_30, %get3A_33 : vector<1x128xf32>
    %get3A_35 = arith.constant 0 : index
    %get3A_36 = arith.constant 0 : index
    %get3A_37 = arith.constant 0 : index
    %get3A_38 = vector.load %arg1[%get3A_35, %get3A_36, %get3A_37] : memref<2x1024x128xf32, #tpu.memory_space<vmem>>, vector<1x1024x128xf32>
    %get3A_39 = vector.shape_cast %get3A_38 : vector<1x1024x128xf32> to vector<1024x128xf32>
    %get3A_40 = arith.constant 1 : index
    %get3A_41 = arith.constant 0 : index
    %get3A_42 = arith.constant 0 : index
    %get3A_43 = vector.load %arg1[%get3A_40, %get3A_41, %get3A_42] : memref<2x1024x128xf32, #tpu.memory_space<vmem>>, vector<1x1024x128xf32>
    %get3A_44 = vector.shape_cast %get3A_43 : vector<1x1024x128xf32> to vector<1024x128xf32>
    %add3A_45 = arith.addf %get3A_39, %get3A_44 : vector<1024x128xf32>
    %mul3A = vector.broadcast %div3A : vector<1024x1xf32> to vector<1024x128xf32>
    %mul3A_46 = arith.mulf %add3A_45, %mul3A : vector<1024x128xf32>
    %mul3A_47 = vector.broadcast %convert_element_type3A_12 : vector<1024x1xf32> to vector<1024x128xf32>
    %mul3A_48 = vector.broadcast %add3A_34 : vector<1x128xf32> to vector<1024x128xf32>
    %mul3A_49 = arith.mulf %mul3A_47, %mul3A_48 : vector<1024x128xf32>
    %add3A_50 = arith.addf %mul3A_46, %mul3A_49 : vector<1024x128xf32>
    %get3A_51 = arith.constant 0 : index
    %get3A_52 = arith.constant 0 : index
    %get3A_53 = vector.load %arg5[%get3A_51, %get3A_52] : memref<128x128xf32, #tpu.memory_space<vmem>>, vector<128x128xf32>
    %get3A_54 = arith.constant 0 : index
    %get3A_55 = arith.constant 0 : index
    %get3A_56 = vector.load %arg4[%get3A_54, %get3A_55] : memref<128x128xf32, #tpu.memory_space<vmem>>, vector<128x128xf32>
    %dot_general3A_57 = arith.constant dense<0.000000e+00> : vector<128x128xf32>
    %dot_general3A_58 = tpu.matmul %get3A_53, %get3A_56, %dot_general3A_57 {dimension_numbers = #tpu.dot_dimension_numbers<[1], [0], [0], [1], [0, 0, 1, 1], [], []>, transpose_lhs_hint = false} : vector<128x128xf32>, vector<128x128xf32>, vector<128x128xf32> -> vector<128x128xf32>
    %get3A_59 = arith.constant 0 : index
    %get3A_60 = arith.constant 0 : index
    %get3A_61 = vector.load %arg3[%get3A_59, %get3A_60] : memref<128x128xf32, #tpu.memory_space<vmem>>, vector<128x128xf32>
    %dot_general3A_62 = arith.constant dense<0.000000e+00> : vector<128x128xf32>
    %dot_general3A_63 = tpu.matmul %dot_general3A_58, %get3A_61, %dot_general3A_62 {dimension_numbers = #tpu.dot_dimension_numbers<[1], [0], [0], [1], [0, 0, 1, 1], [], []>, transpose_lhs_hint = false} : vector<128x128xf32>, vector<128x128xf32>, vector<128x128xf32> -> vector<128x128xf32>
    %dot_general3A_64 = arith.constant dense<0.000000e+00> : vector<1024x128xf32>
    %dot_general3A_65 = tpu.matmul %add3A_50, %dot_general3A_63, %dot_general3A_64 {dimension_numbers = #tpu.dot_dimension_numbers<[1], [1], [0], [0], [0, 0, 1, 0], [], []>, transpose_lhs_hint = false} : vector<1024x128xf32>, vector<128x128xf32>, vector<1024x128xf32> -> vector<1024x128xf32>
    %mul3A_66 = arith.constant 0.333333343 : f32
    %mul3A_67 = vector.broadcast %mul3A_66 : f32 to vector<1024x128xf32>
    %mul3A_68 = arith.mulf %dot_general3A_65, %mul3A_67 : vector<1024x128xf32>
    %get3A_69 = arith.constant 0 : index
    %get3A_70 = arith.constant 0 : index
    %get3A_71 = arith.constant 0 : index
    %get3A_72 = vector.load %arg0[%get3A_69, %get3A_70, %get3A_71] : memref<4x1024x128xf32, #tpu.memory_space<vmem>>, vector<4x1024x128xf32>
    %broadcast_in_dim3A = vector.shape_cast %mul3A_68 : vector<1024x128xf32> to vector<1x1024x128xf32>
    %add3A_73 = vector.broadcast %broadcast_in_dim3A : vector<1x1024x128xf32> to vector<4x1024x128xf32>
    %add3A_74 = arith.addf %get3A_72, %add3A_73 : vector<4x1024x128xf32>
    %swap3A = arith.constant 0 : index
    %swap3A_75 = arith.constant 0 : index
    %swap3A_76 = arith.constant 0 : index
    %swap3A_77 = vector.load %arg9[%swap3A, %swap3A_75, %swap3A_76] : memref<4x1024x128xf32, #tpu.memory_space<vmem>>, vector<4x1024x128xf32>
    tpu.vector_store %arg9[%swap3A, %swap3A_75, %swap3A_76], %add3A_74 {strides = array<i32>} : memref<4x1024x128xf32, #tpu.memory_space<vmem>>, vector<4x1024x128xf32>,
    return
  }
}

module attributes {stable_mosaic.version = 14 : i64} {
  func.func @_u0_body(%arg0: i32, %arg1: memref<1x1000x128xf32, #tpu.memory_space<vmem>>, %arg2: memref<128x128xf32, #tpu.memory_space<vmem>>, %arg3: memref<128x128xf32, #tpu.memory_space<vmem>>, %arg4: memref<128x128xf32, #tpu.memory_space<vmem>>, %arg5: memref<1x1024x128xf32, #tpu.memory_space<vmem>>, %arg6: memref<64x128xf32, #tpu.memory_space<vmem>>, %arg7: memref<128x128xf32, #tpu.memory_space<vmem>>) attributes {dimension_semantics = [#tpu.dimension_semantics<arbitrary>], iteration_bounds = array<i64: 4>, scalar_prefetch = 0 : i64, scratch_operands = 0 : i64, tpu.core_type = #tpu.core_type<tc>, window_params = [{transform_indices = @transform_0, window_bounds = array<i64: 1, 1000, 128>}, {pipeline_mode = #tpu.pipeline_mode<synchronous>, transform_indices = @transform_1, window_bounds = array<i64: 128, 128>}, {pipeline_mode = #tpu.pipeline_mode<synchronous>, transform_indices = @transform_2, window_bounds = array<i64: 128, 128>}, {pipeline_mode = #tpu.pipeline_mode<synchronous>, transform_indices = @transform_3, window_bounds = array<i64: 128, 128>}, {transform_indices = @transform_4, window_bounds = array<i64: 1, 1024, 128>}, {pipeline_mode = #tpu.pipeline_mode<synchronous>, transform_indices = @transform_5, window_bounds = array<i64: 64, 128>}, {pipeline_mode = #tpu.pipeline_mode<synchronous>, transform_indices = @transform_6, window_bounds = array<i64: 128, 128>}]} {
    %get3A = arith.constant 0 : index
    %get3A_0 = arith.constant 0 : index
    %get3A_1 = vector.load %arg4[%get3A, %get3A_0] : memref<128x128xf32, #tpu.memory_space<vmem>>, vector<128x128xf32>
    %get3A_2 = arith.constant 0 : index
    %get3A_3 = arith.constant 0 : index
    %get3A_4 = vector.load %arg3[%get3A_2, %get3A_3] : memref<128x128xf32, #tpu.memory_space<vmem>>, vector<128x128xf32>
    %dot_general3A = arith.constant dense<0.000000e+00> : vector<128x128xf32>
    %dot_general3A_5 = tpu.matmul %get3A_1, %get3A_4, %dot_general3A {dimension_numbers = #tpu.dot_dimension_numbers<[1], [0], [0], [1], [0, 0, 1, 1], [], []>, transpose_lhs_hint = false} : vector<128x128xf32>, vector<128x128xf32>, vector<128x128xf32> -> vector<128x128xf32>
    %get3A_6 = arith.constant 0 : index
    %get3A_7 = arith.constant 0 : index
    %get3A_8 = vector.load %arg2[%get3A_6, %get3A_7] : memref<128x128xf32, #tpu.memory_space<vmem>>, vector<128x128xf32>
    %dot_general3A_9 = arith.constant dense<0.000000e+00> : vector<128x128xf32>
    %dot_general3A_10 = tpu.matmul %dot_general3A_5, %get3A_8, %dot_general3A_9 {dimension_numbers = #tpu.dot_dimension_numbers<[1], [0], [0], [1], [0, 0, 1, 1], [], []>, transpose_lhs_hint = false} : vector<128x128xf32>, vector<128x128xf32>, vector<128x128xf32> -> vector<128x128xf32>
    %get3A_11 = arith.constant 0 : index
    %get3A_12 = arith.constant 0 : index
    %get3A_13 = arith.constant 0 : index
    %get3A_14 = vector.load %arg1[%get3A_11, %get3A_12, %get3A_13] : memref<1x1000x128xf32, #tpu.memory_space<vmem>>, vector<1x1000x128xf32>
    %get3A_15 = vector.shape_cast %get3A_14 : vector<1x1000x128xf32> to vector<1000x128xf32>
    %dot_general3A_16 = arith.constant dense<0.000000e+00> : vector<1000x128xf32>
    %dot_general3A_17 = tpu.matmul %get3A_15, %dot_general3A_10, %dot_general3A_16 {dimension_numbers = #tpu.dot_dimension_numbers<[1], [1], [0], [0], [0, 0, 1, 0], [], []>, transpose_lhs_hint = false} : vector<1000x128xf32>, vector<128x128xf32>, vector<1000x128xf32> -> vector<1000x128xf32>
    %mul3A = arith.constant 0.333333343 : f32
    %mul3A_18 = vector.broadcast %mul3A : f32 to vector<1000x128xf32>
    %mul3A_19 = arith.mulf %dot_general3A_17, %mul3A_18 : vector<1000x128xf32>
    %swap3A = arith.constant 0 : index
    %swap3A_20 = arith.constant 0 : index
    %swap3A_21 = arith.constant 0 : index
    %swap3A_22 = vector.load %arg5[%swap3A, %swap3A_20, %swap3A_21] : memref<1x1024x128xf32, #tpu.memory_space<vmem>>, vector<1x1000x128xf32>
    %swap3A_23 = vector.shape_cast %swap3A_22 : vector<1x1000x128xf32> to vector<1000x128xf32>
    %swap3A_24 = vector.shape_cast %mul3A_19 : vector<1000x128xf32> to vector<1x1000x128xf32>
    tpu.vector_store %arg5[%swap3A, %swap3A_20, %swap3A_21], %swap3A_24 {strides = array<i32>} : memref<1x1024x128xf32, #tpu.memory_space<vmem>>, vector<1x1000x128xf32>,
    %broadcast_in_dim3A = arith.constant 0.000000e+00 : f32
    %broadcast_in_dim3A_25 = vector.broadcast %broadcast_in_dim3A : f32 to vector<24x128xf32>
    %swap3A_26 = arith.constant 0 : index
    %swap3A_27 = arith.constant 1000 : index
    %swap3A_28 = arith.constant 0 : index
    %swap3A_29 = vector.load %arg5[%swap3A_26, %swap3A_27, %swap3A_28] : memref<1x1024x128xf32, #tpu.memory_space<vmem>>, vector<1x24x128xf32>
    %swap3A_30 = vector.shape_cast %swap3A_29 : vector<1x24x128xf32> to vector<24x128xf32>
    %swap3A_31 = vector.shape_cast %broadcast_in_dim3A_25 : vector<24x128xf32> to vector<1x24x128xf32>
    tpu.vector_store %arg5[%swap3A_26, %swap3A_27, %swap3A_28], %swap3A_31 {strides = array<i32>} : memref<1x1024x128xf32, #tpu.memory_space<vmem>>, vector<1x24x128xf32>,
    %eq3A = arith.constant 0 : i32
    %eq3A_32 = arith.cmpi eq, %arg0, %eq3A : i32
    %convert_element_type3A = arith.extui %eq3A_32 : i1 to i32
    %cond3A = arith.constant 0 : i32
    %cond3A_33 = arith.cmpi ne, %convert_element_type3A, %cond3A : i32
    scf.if %cond3A_33 {
      %broadcast_in_dim3A_34 = arith.constant 0.000000e+00 : f32
      %broadcast_in_dim3A_35 = vector.broadcast %broadcast_in_dim3A_34 : f32 to vector<64x128xf32>
      %swap3A_36 = arith.constant 0 : index
      %swap3A_37 = arith.constant 0 : index
      %swap3A_38 = vector.load %arg6[%swap3A_36, %swap3A_37] : memref<64x128xf32, #tpu.memory_space<vmem>>, vector<64x128xf32>
      tpu.vector_store %arg6[%swap3A_36, %swap3A_37], %broadcast_in_dim3A_35 {strides = array<i32>} : memref<64x128xf32, #tpu.memory_space<vmem>>, vector<64x128xf32>,
      %iota3A = tpu.iota {dimensions = array<i32: 1>} : vector<128x128xi32>
      %eq3A_39 = arith.constant 0 : i32
      %eq3A_40 = vector.broadcast %eq3A_39 : i32 to vector<128x128xi32>
      %eq3A_41 = arith.cmpi eq, %iota3A, %eq3A_40 : vector<128x128xi32>
      %convert_element_type3A_42 = arith.extui %eq3A_41 : vector<128x128xi1> to vector<128x128xi32>
      %convert_element_type3A_43 = arith.sitofp %convert_element_type3A_42 : vector<128x128xi32> to vector<128x128xf32>
      %swap3A_44 = arith.constant 0 : index
      %swap3A_45 = arith.constant 0 : index
      %swap3A_46 = vector.load %arg7[%swap3A_44, %swap3A_45] : memref<128x128xf32, #tpu.memory_space<vmem>>, vector<128x128xf32>
      tpu.vector_store %arg7[%swap3A_44, %swap3A_45], %convert_element_type3A_43 {strides = array<i32>} : memref<128x128xf32, #tpu.memory_space<vmem>>, vector<128x128xf32>,
    } else {
    }
    return
  }
  func.func @transform_0(%arg0: i32) -> (i32, i32, i32) {
    %c0_i32 = arith.constant 0 : i32
    %c0_i32_0 = arith.constant 0 : i32
    %c0_i32_1 = arith.constant 0 : i32
    return %arg0, %c0_i32, %c0_i32_0 : i32, i32, i32
  }
  func.func @transform_1(%arg0: i32) -> (i32, i32) {
    %c0_i32 = arith.constant 0 : i32
    %c0_i32_0 = arith.constant 0 : i32
    %c0_i32_1 = arith.constant 0 : i32
    return %c0_i32, %c0_i32_0 : i32, i32
  }
  func.func @transform_2(%arg0: i32) -> (i32, i32) {
    %c0_i32 = arith.constant 0 : i32
    %c0_i32_0 = arith.constant 0 : i32
    %c0_i32_1 = arith.constant 0 : i32
    return %c0_i32, %c0_i32_0 : i32, i32
  }
  func.func @transform_3(%arg0: i32) -> (i32, i32) {
    %c0_i32 = arith.constant 0 : i32
    %c0_i32_0 = arith.constant 0 : i32
    %c0_i32_1 = arith.constant 0 : i32
    return %c0_i32, %c0_i32_0 : i32, i32
  }
  func.func @transform_4(%arg0: i32) -> (i32, i32, i32) {
    %c0_i32 = arith.constant 0 : i32
    %c0_i32_0 = arith.constant 0 : i32
    %c0_i32_1 = arith.constant 0 : i32
    return %arg0, %c0_i32, %c0_i32_0 : i32, i32, i32
  }
  func.func @transform_5(%arg0: i32) -> (i32, i32) {
    %c0_i32 = arith.constant 0 : i32
    %c0_i32_0 = arith.constant 0 : i32
    %c0_i32_1 = arith.constant 0 : i32
    return %c0_i32, %c0_i32_0 : i32, i32
  }
  func.func @transform_6(%arg0: i32) -> (i32, i32) {
    %c0_i32 = arith.constant 0 : i32
    %c0_i32_0 = arith.constant 0 : i32
    %c0_i32_1 = arith.constant 0 : i32
    return %c0_i32, %c0_i32_0 : i32, i32
  }
}

module attributes {stable_mosaic.version = 14 : i64} {
  func.func @_head_body(%arg0: memref<4x1000x128xf32, #tpu.memory_space<vmem>>, %arg1: memref<2x1024x128xf32, #tpu.memory_space<vmem>>, %arg2: memref<2x1024x128xf32, #tpu.memory_space<vmem>>, %arg3: memref<2x1024x128xf32, #tpu.memory_space<vmem>>, %arg4: memref<128x128xf32, #tpu.memory_space<vmem>>, %arg5: memref<128x128xf32, #tpu.memory_space<vmem>>, %arg6: memref<1x128xf32, #tpu.memory_space<vmem>>, %arg7: memref<1x128xf32, #tpu.memory_space<vmem>>, %arg8: memref<1x128xf32, #tpu.memory_space<vmem>>, %arg9: memref<128x128xf32, #tpu.memory_space<vmem>>, %arg10: memref<1x128xf32, #tpu.memory_space<vmem>>, %arg11: memref<1x128xf32, #tpu.memory_space<vmem>>, %arg12: memref<1x1xf32, #tpu.memory_space<vmem>>, %arg13: memref<4x1000xf32, #tpu.memory_space<vmem>>) attributes {dimension_semantics = [], scalar_prefetch = 0 : i64, scratch_operands = 0 : i64, tpu.core_type = #tpu.core_type<tc>} {
    %get3A = arith.constant 0 : index
    %get3A_0 = arith.constant 0 : index
    %get3A_1 = arith.constant 0 : index
    %get3A_2 = vector.load %arg3[%get3A, %get3A_0, %get3A_1] : memref<2x1024x128xf32, #tpu.memory_space<vmem>>, vector<1x1000x1xf32>
    %get3A_3 = vector.shape_cast %get3A_2 : vector<1x1000x1xf32> to vector<1000x1xf32>
    %get3A_4 = arith.constant 1 : index
    %get3A_5 = arith.constant 0 : index
    %get3A_6 = arith.constant 0 : index
    %get3A_7 = vector.load %arg3[%get3A_4, %get3A_5, %get3A_6] : memref<2x1024x128xf32, #tpu.memory_space<vmem>>, vector<1x1000x1xf32>
    %get3A_8 = vector.shape_cast %get3A_7 : vector<1x1000x1xf32> to vector<1000x1xf32>
    %add3A = arith.addf %get3A_3, %get3A_8 : vector<1000x1xf32>
    %gt3A = arith.constant 0.000000e+00 : f32
    %gt3A_9 = vector.broadcast %gt3A : f32 to vector<1000x1xf32>
    %gt3A_10 = arith.cmpf ogt, %add3A, %gt3A_9 : vector<1000x1xf32>
    %convert_element_type3A = arith.extui %gt3A_10 : vector<1000x1xi1> to vector<1000x1xi32>
    %convert_element_type3A_11 = arith.sitofp %convert_element_type3A : vector<1000x1xi32> to vector<1000x1xf32>
    %max3A = arith.constant 1.000000e+00 : f32
    %max3A_12 = vector.broadcast %max3A : f32 to vector<1000x1xf32>
    %max3A_13 = arith.maximumf %add3A, %max3A_12 : vector<1000x1xf32>
    %div3A = arith.divf %convert_element_type3A_11, %max3A_13 : vector<1000x1xf32>
    %get3A_14 = arith.constant 0 : index
    %get3A_15 = arith.constant 0 : index
    %get3A_16 = vector.load %arg6[%get3A_14, %get3A_15] : memref<1x128xf32, #tpu.memory_space<vmem>>, vector<1x128xf32>
    %get3A_17 = arith.constant 0 : index
    %get3A_18 = arith.constant 0 : index
    %get3A_19 = vector.load %arg4[%get3A_17, %get3A_18] : memref<128x128xf32, #tpu.memory_space<vmem>>, vector<128x128xf32>
    %dot_general3A = arith.constant dense<0.000000e+00> : vector<1x128xf32>
    %dot_general3A_20 = tpu.matmul %get3A_16, %get3A_19, %dot_general3A {dimension_numbers = #tpu.dot_dimension_numbers<[1], [1], [0], [0], [0, 0, 1, 0], [], []>, transpose_lhs_hint = false} : vector<1x128xf32>, vector<128x128xf32>, vector<1x128xf32> -> vector<1x128xf32>
    %get3A_21 = arith.constant 0 : index
    %get3A_22 = arith.constant 0 : index
    %get3A_23 = vector.load %arg7[%get3A_21, %get3A_22] : memref<1x128xf32, #tpu.memory_space<vmem>>, vector<1x128xf32>
    %add3A_24 = arith.addf %dot_general3A_20, %get3A_23 : vector<1x128xf32>
    %get3A_25 = arith.constant 0 : index
    %get3A_26 = arith.constant 0 : index
    %get3A_27 = vector.load %arg5[%get3A_25, %get3A_26] : memref<128x128xf32, #tpu.memory_space<vmem>>, vector<128x128xf32>
    %dot_general3A_28 = arith.constant dense<0.000000e+00> : vector<1x128xf32>
    %dot_general3A_29 = tpu.matmul %add3A_24, %get3A_27, %dot_general3A_28 {dimension_numbers = #tpu.dot_dimension_numbers<[1], [1], [0], [0], [0, 0, 1, 0], [], []>, transpose_lhs_hint = false} : vector<1x128xf32>, vector<128x128xf32>, vector<1x128xf32> -> vector<1x128xf32>
    %get3A_30 = arith.constant 0 : index
    %get3A_31 = arith.constant 0 : index
    %get3A_32 = vector.load %arg8[%get3A_30, %get3A_31] : memref<1x128xf32, #tpu.memory_space<vmem>>, vector<1x128xf32>
    %add3A_33 = arith.addf %dot_general3A_29, %get3A_32 : vector<1x128xf32>
    %get3A_34 = arith.constant 0 : index
    %get3A_35 = arith.constant 0 : index
    %get3A_36 = arith.constant 0 : index
    %get3A_37 = vector.load %arg1[%get3A_34, %get3A_35, %get3A_36] : memref<2x1024x128xf32, #tpu.memory_space<vmem>>, vector<1x1000x128xf32>
    %get3A_38 = vector.shape_cast %get3A_37 : vector<1x1000x128xf32> to vector<1000x128xf32>
    %get3A_39 = arith.constant 1 : index
    %get3A_40 = arith.constant 0 : index
    %get3A_41 = arith.constant 0 : index
    %get3A_42 = vector.load %arg1[%get3A_39, %get3A_40, %get3A_41] : memref<2x1024x128xf32, #tpu.memory_space<vmem>>, vector<1x1000x128xf32>
    %get3A_43 = vector.shape_cast %get3A_42 : vector<1x1000x128xf32> to vector<1000x128xf32>
    %add3A_44 = arith.addf %get3A_38, %get3A_43 : vector<1000x128xf32>
    %get3A_45 = arith.constant 0 : index
    %get3A_46 = arith.constant 0 : index
    %get3A_47 = arith.constant 0 : index
    %get3A_48 = vector.load %arg2[%get3A_45, %get3A_46, %get3A_47] : memref<2x1024x128xf32, #tpu.memory_space<vmem>>, vector<1x1000x128xf32>
    %get3A_49 = vector.shape_cast %get3A_48 : vector<1x1000x128xf32> to vector<1000x128xf32>
    %add3A_50 = arith.addf %add3A_44, %get3A_49 : vector<1000x128xf32>
    %get3A_51 = arith.constant 1 : index
    %get3A_52 = arith.constant 0 : index
    %get3A_53 = arith.constant 0 : index
    %get3A_54 = vector.load %arg2[%get3A_51, %get3A_52, %get3A_53] : memref<2x1024x128xf32, #tpu.memory_space<vmem>>, vector<1x1000x128xf32>
    %get3A_55 = vector.shape_cast %get3A_54 : vector<1x1000x128xf32> to vector<1000x128xf32>
    %add3A_56 = arith.addf %add3A_50, %get3A_55 : vector<1000x128xf32>
    %mul3A = vector.broadcast %div3A : vector<1000x1xf32> to vector<1000x128xf32>
    %mul3A_57 = arith.mulf %add3A_56, %mul3A : vector<1000x128xf32>
    %mul3A_58 = arith.constant 2.000000e+00 : f32
    %mul3A_59 = vector.broadcast %mul3A_58 : f32 to vector<1x128xf32>
    %mul3A_60 = arith.mulf %mul3A_59, %add3A_33 : vector<1x128xf32>
    %mul3A_61 = vector.broadcast %convert_element_type3A_11 : vector<1000x1xf32> to vector<1000x128xf32>
    %mul3A_62 = vector.broadcast %mul3A_60 : vector<1x128xf32> to vector<1000x128xf32>
    %mul3A_63 = arith.mulf %mul3A_61, %mul3A_62 : vector<1000x128xf32>
    %add3A_64 = arith.addf %mul3A_57, %mul3A_63 : vector<1000x128xf32>
    %get3A_65 = arith.constant 0 : index
    %get3A_66 = arith.constant 0 : index
    %get3A_67 = arith.constant 0 : index
    %get3A_68 = vector.load %arg0[%get3A_65, %get3A_66, %get3A_67] : memref<4x1000x128xf32, #tpu.memory_space<vmem>>, vector<4x1000x128xf32>
    %broadcast_in_dim3A = vector.shape_cast %add3A_64 : vector<1000x128xf32> to vector<1x1000x128xf32>
    %add3A_69 = vector.broadcast %broadcast_in_dim3A : vector<1x1000x128xf32> to vector<4x1000x128xf32>
    %add3A_70 = arith.addf %get3A_68, %add3A_69 : vector<4x1000x128xf32>
    %get3A_71 = arith.constant 0 : index
    %get3A_72 = arith.constant 0 : index
    %get3A_73 = vector.load %arg9[%get3A_71, %get3A_72] : memref<128x128xf32, #tpu.memory_space<vmem>>, vector<128x128xf32>
    %dot_general3A_74 = arith.constant dense<0.000000e+00> : vector<4x1000x128xf32>
    %dot_general3A_75 = tpu.matmul %add3A_70, %get3A_73, %dot_general3A_74 {dimension_numbers = #tpu.dot_dimension_numbers<[2], [1], [0, 1], [0], [0, 0, 0, 1, 1, 0], [], []>, transpose_lhs_hint = false} : vector<4x1000x128xf32>, vector<128x128xf32>, vector<4x1000x128xf32> -> vector<4x1000x128xf32>
    %get3A_76 = arith.constant 0 : index
    %get3A_77 = arith.constant 0 : index
    %get3A_78 = vector.load %arg10[%get3A_76, %get3A_77] : memref<1x128xf32, #tpu.memory_space<vmem>>, vector<1x128xf32>
    %broadcast_in_dim3A_79 = vector.shape_cast %get3A_78 : vector<1x128xf32> to vector<1x1x128xf32>
    %add3A_80 = vector.broadcast %broadcast_in_dim3A_79 : vector<1x1x128xf32> to vector<4x1000x128xf32>
    %add3A_81 = arith.addf %dot_general3A_75, %add3A_80 : vector<4x1000x128xf32>
    %max3A_82 = arith.constant 0.000000e+00 : f32
    %max3A_83 = vector.broadcast %max3A_82 : f32 to vector<4x1000x128xf32>
    %max3A_84 = arith.maximumf %add3A_81, %max3A_83 : vector<4x1000x128xf32>
    %get3A_85 = arith.constant 0 : index
    %get3A_86 = arith.constant 0 : index
    %get3A_87 = vector.load %arg11[%get3A_85, %get3A_86] : memref<1x128xf32, #tpu.memory_space<vmem>>, vector<1x128xf32>
    %slice3A = vector.extract_strided_slice %max3A_84 {offsets = [0, 0, 0], sizes = [1, 1000, 128], strides = [1, 1, 1]} : vector<4x1000x128xf32> to vector<1x1000x128xf32>
    %squeeze3A = vector.shape_cast %slice3A : vector<1x1000x128xf32> to vector<1000x128xf32>
    %dot_general3A_88 = arith.constant dense<0.000000e+00> : vector<1x1000xf32>
    %dot_general3A_89 = tpu.matmul %get3A_87, %squeeze3A, %dot_general3A_88 {dimension_numbers = #tpu.dot_dimension_numbers<[1], [1], [0], [0], [0, 0, 1, 0], [], []>, transpose_lhs_hint = false} : vector<1x128xf32>, vector<1000x128xf32>, vector<1x1000xf32> -> vector<1x1000xf32>
    %get3A_90 = arith.constant 0 : index
    %get3A_91 = arith.constant 0 : index
    %get3A_92 = vector.load %arg11[%get3A_90, %get3A_91] : memref<1x128xf32, #tpu.memory_space<vmem>>, vector<1x128xf32>
    %slice3A_93 = vector.extract_strided_slice %max3A_84 {offsets = [1, 0, 0], sizes = [1, 1000, 128], strides = [1, 1, 1]} : vector<4x1000x128xf32> to vector<1x1000x128xf32>
    %squeeze3A_94 = vector.shape_cast %slice3A_93 : vector<1x1000x128xf32> to vector<1000x128xf32>
    %dot_general3A_95 = arith.constant dense<0.000000e+00> : vector<1x1000xf32>
    %dot_general3A_96 = tpu.matmul %get3A_92, %squeeze3A_94, %dot_general3A_95 {dimension_numbers = #tpu.dot_dimension_numbers<[1], [1], [0], [0], [0, 0, 1, 0], [], []>, transpose_lhs_hint = false} : vector<1x128xf32>, vector<1000x128xf32>, vector<1x1000xf32> -> vector<1x1000xf32>
    %get3A_97 = arith.constant 0 : index
    %get3A_98 = arith.constant 0 : index
    %get3A_99 = vector.load %arg11[%get3A_97, %get3A_98] : memref<1x128xf32, #tpu.memory_space<vmem>>, vector<1x128xf32>
    %slice3A_100 = vector.extract_strided_slice %max3A_84 {offsets = [2, 0, 0], sizes = [1, 1000, 128], strides = [1, 1, 1]} : vector<4x1000x128xf32> to vector<1x1000x128xf32>
    %squeeze3A_101 = vector.shape_cast %slice3A_100 : vector<1x1000x128xf32> to vector<1000x128xf32>
    %dot_general3A_102 = arith.constant dense<0.000000e+00> : vector<1x1000xf32>
    %dot_general3A_103 = tpu.matmul %get3A_99, %squeeze3A_101, %dot_general3A_102 {dimension_numbers = #tpu.dot_dimension_numbers<[1], [1], [0], [0], [0, 0, 1, 0], [], []>, transpose_lhs_hint = false} : vector<1x128xf32>, vector<1000x128xf32>, vector<1x1000xf32> -> vector<1x1000xf32>
    %get3A_104 = arith.constant 0 : index
    %get3A_105 = arith.constant 0 : index
    %get3A_106 = vector.load %arg11[%get3A_104, %get3A_105] : memref<1x128xf32, #tpu.memory_space<vmem>>, vector<1x128xf32>
    %slice3A_107 = vector.extract_strided_slice %max3A_84 {offsets = [3, 0, 0], sizes = [1, 1000, 128], strides = [1, 1, 1]} : vector<4x1000x128xf32> to vector<1x1000x128xf32>
    %squeeze3A_108 = vector.shape_cast %slice3A_107 : vector<1x1000x128xf32> to vector<1000x128xf32>
    %dot_general3A_109 = arith.constant dense<0.000000e+00> : vector<1x1000xf32>
    %dot_general3A_110 = tpu.matmul %get3A_106, %squeeze3A_108, %dot_general3A_109 {dimension_numbers = #tpu.dot_dimension_numbers<[1], [1], [0], [0], [0, 0, 1, 0], [], []>, transpose_lhs_hint = false} : vector<1x128xf32>, vector<1000x128xf32>, vector<1x1000xf32> -> vector<1x1000xf32>
    %concatenate3A = tpu.concatenate %dot_general3A_89, %dot_general3A_96, %dot_general3A_103, %dot_general3A_110 in 0 : vector<1x1000xf32>, vector<1x1000xf32>, vector<1x1000xf32>, vector<1x1000xf32> -> vector<4x1000xf32>
    %get3A_111 = arith.constant 0 : index
    %get3A_112 = arith.constant 0 : index
    %get3A_113 = vector.load %arg12[%get3A_111, %get3A_112] : memref<1x1xf32, #tpu.memory_space<vmem>>, vector<1x1xf32>
    %add3A_114 = vector.broadcast %get3A_113 : vector<1x1xf32> to vector<4x1000xf32>
    %add3A_115 = arith.addf %concatenate3A, %add3A_114 : vector<4x1000xf32>
    %logistic3A = arith.negf %add3A_115 : vector<4x1000xf32>
    %logistic3A_116 = math.exp %logistic3A : vector<4x1000xf32>
    %logistic3A_117 = arith.constant 1.000000e+00 : f32
    %logistic3A_118 = vector.broadcast %logistic3A_117 : f32 to vector<4x1000xf32>
    %logistic3A_119 = arith.addf %logistic3A_118, %logistic3A_116 : vector<4x1000xf32>
    %logistic3A_120 = arith.divf %logistic3A_118, %logistic3A_119 : vector<4x1000xf32>
    %swap3A = arith.constant 0 : index
    %swap3A_121 = arith.constant 0 : index
    %swap3A_122 = vector.load %arg13[%swap3A, %swap3A_121] : memref<4x1000xf32, #tpu.memory_space<vmem>>, vector<4x1000xf32>
    tpu.vector_store %arg13[%swap3A, %swap3A_121], %logistic3A_120 {strides = array<i32>} : memref<4x1000xf32, #tpu.memory_space<vmem>>, vector<4x1000xf32>,
    return
  }
}

</mosaic_0001>

<sc_bundles>
// kernel: kernel.10.cloned.1.call-start
scs
__scs_entry_jumppad:
0x0: {  	(pc) =	sbr.rel $0x88, $3  }
0x1: {  	(tag) =	ssettag $0x0;
	lr =	simm.s32 $0x1  }
0x2: {  	[smem:$0x3F95] =	sst lr;
	_ =	strace $0xD0000000  }
0x3: {  	_ = 	snop  }
0x4: {  	_ = 	snop  }
0x5: {  	_ = 	snop  }
0x6: {  	_ = 	snop  }
0x7: {  	_ = 	snop  }
__scs_overlays_trampoline_lowered:
0x8: {  	[smem:$0x3FA4] =	sst s0  }
0x9: {  	[smem:$0x3FA5] =	sst s1  }
0xa: {  	[smem:$0x3FA6] =	sst s2  }
0xb: {  	[smem:$0x3FA7] =	sst s3  }
0xc: {  	[smem:$0x3FA8] =	sst s4  }
0xd: {  	[smem:$0x3FA9] =	sst s5  }
0xe: {  	[smem:$0x3FAA] =	sst s6  }
0xf: {  	[smem:$0x3FAB] =	sst s7  }
0x10: {  	[smem:$0x3FAC] =	sst s8  }
0x11: {  	[smem:$0x3FAD] =	sst s9;
	s0 =	simm.s32 @!p0 $0x0  }
0x12: {  	s1 =	sld [smem:$0x3F93];
	s0 =	simm.s32 @p0 $0x1  }
0x13: {  	[smem:$0x3FAE] =	sst s0;
	s0 =	simm.s32 @!p1 $0x0  }
0x14: {  	s2 =	sld [smem:$0x3F92];
	s0 =	simm.s32 @p1 $0x1  }
0x15: {  	[smem:$0x3FAF] =	sst s0;
	s0 =	simm.s32 @!p2 $0x0  }
0x16: {  	s3 =	sld [smem:$0x3FDB];
	s0 =	simm.s32 @p2 $0x1  }
0x17: {  	s4 =	simm.s32 $0x1BF5;
	[smem:$0x3FB1] =	sst s0  }
0x18: {  	s0 =	sld [smem:$0x3F94];
	_ =	swait.ge [sflag:s4], $0x0  }
0x19: {  	s7 =	sld [smem:$0x3F95]  }
0x1a: {  	s8 =	sadd.s32 $0xFFFFE003, lr  }
0x1b: {  	s9 =	sadd.s32 $0xFFFFFEF7, lr;
	s5 =	simm.s32 $0xFFFFFFFF;
	p2 =	slt.u32 s8, $0xFFFFF086  }
0x1c: {  	p1 =	slt.u32 s9, $0xF7A;
	s5 =	simm.s32 @!p2 $0x0  }
0x1d: {  	s5 =	simm.s32 @p1 $0x1;
	p0 =	seq.s32 s7, s2  }
0x1e: {  	s7 =	smul.u32 @!p0 $0xF7A, s2;
	p2 =	seq.s32 @!p0 s5, $0x0  }
0x1f: {  	s9 =	smul.u32 $0xF7A, s1;
	s8 =	simm.s32 @!p0 $0x1BF5;
	p2 =	por !p2, p0  }
0x20: {  	[sflag:s8] =	ssyncset.s32 @!p0 $0xFFFFF086;
	s6 =	sadd.s32 @!p0 s3, s7;
	s7 =	simm.s32 @!p0 $0x108  }
0x21: {  	s3 =	sadd.s32 s3, s9;
	s6 =	sadd.s32 @!p0 $0x88, s6;
	s7 =	simm.s32 @p2 $0x1082  }
0x22: {  	[simem:s7], [sflag:s8] =	dma.local @!p0 [hbm:s6], $0xF7A  }
0x23: {  	s9 =	sor.u32 $0xD0000000, s2;
	s6 =	simm.s32 $0x108;
	_ =	swait.ge @!p0 [sflag:s8], $0x0  }
0x24: {  	s3 =	sadd.s32 $0x88, s3;
	s6 =	simm.s32 @!p1 $0x1082;
	[sflag:s4] =	ssyncset.s32 $0xFFFFF086  }
0x25: {  	[simem:s6], [sflag:s4] =	dma.local [hbm:s3], $0xF7A  }
0x26: {  	[smem:$0x3F95] =	sst s1;
	(tag) =	ssettag s2;
	_ =	strace s9  }
0x27: {  	s1 =	sld [smem:$0x3FA5]  }
0x28: {  	s2 =	sld [smem:$0x3FA6]  }
0x29: {  	s4 =	sld [smem:$0x3FA8]  }
0x2a: {  	p0 =	seq.s32 s5, $0x0;
	s5 =	sld [smem:$0x3FA9]  }
0x2b: {  	s6 =	sld [smem:$0x3FAA]  }
0x2c: {  	s7 =	sld [smem:$0x3FAB]  }
0x2d: {  	s3 =	simm.s32 $0x108;
	s8 =	sld [smem:$0x3FAC]  }
0x2e: {  	s3 =	simm.s32 @!p0 $0x1082;
	s9 =	sld [smem:$0x3FAD]  }
0x2f: {  	lr =	sadd.s32 s0, s3;
	s0 =	sld [smem:$0x3FA4]  }
0x30: {  	s3 =	sld [smem:$0x3FA7]  }
0x31: {  	[smem:$0x3FB0] =	sst s10  }
0x32: {  	s10 =	sld [smem:$0x3FAE];
	_ =	sdelay $0x3  }
0x33: {  	p0 =	seq.s32 s10, $0x1;
	s10 =	sld [smem:$0x3FB0];
	_ =	sdelay $0x3  }
0x34: {  	[smem:$0x3FB0] =	sst s10  }
0x35: {  	s10 =	sld [smem:$0x3FAF];
	_ =	sdelay $0x3  }
0x36: {  	p1 =	seq.s32 s10, $0x1;
	s10 =	sld [smem:$0x3FB0];
	_ =	sdelay $0x3  }
0x37: {  	[smem:$0x3FB0] =	sst s10  }
0x38: {  	s10 =	sld [smem:$0x3FB1]  }
0x39: {  	_ = 	snop;
	(pc) =	sbr.ind lr, $3  }
0x3a: {  	_ = 	snop  }
0x3b: {  	_ = 	snop  }
0x3c: {  	p2 =	seq.s32 s10, $0x1;
	s10 =	sld [smem:$0x3FB0]  }
0x3d: {  	_ =	shalt  }
0x3e: {  	_ =	shalt  }
0x3f: {  	_ =	shalt  }
0x40: {  	_ =	shalt  }
0x41: {  	_ =	shalt  }
0x42: {  	_ =	shalt  }
0x43: {  	_ =	shalt  }
0x44: {  	_ =	shalt  }
0x45: {  	_ =	shalt  }
0x46: {  	_ =	shalt  }
0x47: {  	_ =	shalt  }
0x48: {  	_ =	shalt  }
0x49: {  	_ =	shalt  }
0x4a: {  	_ =	shalt  }
0x4b: {  	_ =	shalt  }
0x4c: {  	_ =	shalt  }
0x4d: {  	_ =	shalt  }
0x4e: {  	_ =	shalt  }
0x4f: {  	_ =	shalt  }
0x50: {  	_ =	shalt  }
0x51: {  	_ =	shalt  }
0x52: {  	_ =	shalt  }
0x53: {  	_ =	shalt  }
0x54: {  	_ =	shalt  }
0x55: {  	_ =	shalt  }
0x56: {  	_ =	shalt  }
0x57: {  	_ =	shalt  }
0x58: {  	_ =	shalt  }
0x59: {  	_ =	shalt  }
0x5a: {  	_ =	shalt  }
0x5b: {  	_ =	shalt  }
0x5c: {  	_ =	shalt  }
0x5d: {  	_ =	shalt  }
0x5e: {  	_ =	shalt  }
0x5f: {  	_ =	shalt  }
0x60: {  	_ =	shalt  }
0x61: {  	_ =	shalt  }
0x62: {  	_ =	shalt  }
0x63: {  	_ =	shalt  }
0x64: {  	_ =	shalt  }
0x65: {  	_ =	shalt  }
0x66: {  	_ =	shalt  }
0x67: {  	_ =	shalt  }
0x68: {  	_ =	shalt  }
0x69: {  	_ =	shalt  }
0x6a: {  	_ =	shalt  }
0x6b: {  	_ =	shalt  }
0x6c: {  	_ =	shalt  }
0x6d: {  	_ =	shalt  }
0x6e: {  	_ =	shalt  }
0x6f: {  	_ =	shalt  }
0x70: {  	_ =	shalt  }
0x71: {  	_ =	shalt  }
0x72: {  	_ =	shalt  }
0x73: {  	_ =	shalt  }
0x74: {  	_ =	shalt  }
0x75: {  	_ =	shalt  }
0x76: {  	_ =	shalt  }
0x77: {  	_ =	shalt  }
0x78: {  	_ =	shalt  }
0x79: {  	_ =	shalt  }
0x7a: {  	_ =	shalt  }
0x7b: {  	_ =	shalt  }
0x7c: {  	_ =	shalt  }
0x7d: {  	_ =	shalt  }
0x7e: {  	_ =	shalt  }
0x7f: {  	_ =	shalt  }
0x80: {  	_ =	shalt  }
0x81: {  	_ =	shalt  }
0x82: {  	_ =	shalt  }
0x83: {  	_ =	shalt  }
0x84: {  	_ =	shalt  }
0x85: {  	_ =	shalt  }
0x86: {  	_ =	shalt  }
0x87: {  	_ =	shalt  }
.Lfunc_end0:
.L_simem_size_0:
called_computation.1_lowered:
.L_overlay_start_0:
0x88: {  	s2 =	sld [smem:$0x3FD9]  }
0x89: {  	s3 =	sld [smem:$0x3FFE];
	_ =	sdelay $0x1  }
0x8a: {  	s1 =	srdreg.scid  }
0x8b: {  	s0 =	sand.u32 $0x1, s1  }
0x8c: {  	s16 =	sshll.u32 s0, $0xA;
	s2 =	sadd.s32 s3, s2  }
0x8d: {  	s2 =	sadd.s32 s2, s16  }
0x8e: {  	[smem:$0x3FBC] =	sst s2  }
0x8f: {  	_ = 	snop  }
0x90: {  	(tm) =	ssettm $0x1  }
0x91: {  	s17 =	sld [smem:$0x3FFB];
	_ =	sdelay $0x3  }
0x92: {  	_ =	strace s17  }
0x93: {  	s2 =	sld [smem:$0x3FFC];
	_ =	sdelay $0x3  }
0x94: {  	_ =	strace s2  }
0x95: {  	s2 =	sld [smem:$0x3FFD];
	_ =	sdelay $0x3  }
0x96: {  	_ =	strace s2  }
0x97: {  	_ =	strace $0x8FFFFFFF  }
0x98: {  	s18 =	sld [smem:$0x3FDB];
	_ =	sdelay $0x1  }
0x99: {  	s19 =	simm.s32 $_scs_section_size  }
0x9a: {  	s4 =	simm.s32 $_size__tile_overlayer_lowered;
	s5 =	simm.s32 $_tile_overlayer_lowered  }
0x9b: {  	s22 =	simm.s32 $0x1BFF;
	s21 =	sshll.u32 s5, $0x1;
	s2 =	sadd.s32 s19, s18  }
0x9c: {  	s6 =	simm.s32 $0x0;
	s20 =	sshll.u32 s4, $0x1;
	s4 =	sadd.s32 s21, s2  }
0x9d: {  	[timem:s6], [sflag:s22] =	dma.local [hbm:s4], s20  }
0x9e: {  	_ =	swait.ge [sflag:s22], s20  }
0x9f: {  	s3 =	ssub.s32 $0x0, s20;
	[sflag:s22] =	ssyncset.done $0x0  }
0xa0: {  	[sflag:s22] =	ssyncadd.s32 s3;
	_ =	sdelay $0x1  }
0xa1: {  	s23 =	simm.s32 $0x1B8B  }
0xa2: {  	_ =	swait.ge [sflag:s23], $0x1  }
0xa3: {  	[sflag:s23] =	ssyncset.done $0x0  }
0xa4: {  	s25 =	simm.s32 $0x1B8E;
	s24 =	sld [smem:$0x3FFE];
	[sflag:s23] =	ssyncadd.s32 $0xFFFFFFFF  }
0xa5: {  	s26 =	simm.s32 $execute0_lowered;
	[smem:$0x3FD2] =	sst s25  }
0xa6: {  	s4 =	sshll.u32 s26, $0x1;
	_ =	strace $0x80000049;
	[dreg:$0x1] =	wrdreg $0xFFFFFFFF  }
0xa7: {  	s28 =	simm.s32 $_size_execute0_lowered;
	s2 =	sadd.s32 s2, s4;
	[dreg:$0x0] =	wrdreg $0x0  }
0xa8: {  	s4 =	sshll.u32 s28, $0x1;
	[dreg:$0x2] =	wrdreg s2  }
0xa9: {  	[dreg:$0x3] =	wrdreg s4  }
0xaa: {  	[dreg:$0x4] =	wrdreg $0xC0  }
0xab: {  	_ =	task [dreg:s6], $0x5FFFF  }
0xac: {  	[dreg:$0x1] =	wrdreg $0xFFFFFFFF  }
0xad: {  	[dreg:$0x0] =	wrdreg $0x60  }
0xae: {  	[dreg:$0x2] =	wrdreg s24  }
0xaf: {  	[dreg:$0x3] =	wrdreg $0x18A000  }
0xb0: {  	[dreg:$0x4] =	wrdreg $0x9  }
0xb1: {  	_ =	task.clear_ibuf [dreg:s6], $0x5FFFF;
	_ =	strace $0x90000049  }
0xb2: {  	s29 =	simm.s32 $0x9;
	_ =	strace $0x8000004B  }
0xb3: {  	_ =	swait.ge [sflag:s29], $0x1  }
0xb4: {  	[sflag:s29] =	ssyncadd.s32 $0xFFFFFFFF  }
0xb5: {  	_ =	strace $0x9000004B  }
0xb6: {  	_ =	sfence  }
0xb7: {  	s30 =	sld [smem:$0x0];
	_ =	sdelay $0x2  }
0xb8: {  	s31 =	sshll.u32 s1, $0xD;
	s1 =	sshrl.u32 s1, $0x2  }
0xb9: {  	s3 =	sand.u32 $0x4000, s31;
	s1 =	sadd.s32 s1, s30  }
0xba: {  	s0 =	sor.u32 s3, s0;
	s1 =	sshll.u32 s1, $0x11  }
0xbb: {  	s0 =	sor.u32 s1, s0  }
0xbc: {  	s0 =	sadd.s32 $0x8F2B, s0  }
0xbd: {  	[sflag:s0] =	ssyncadd.remote.s32 $0x1  }
0xbe: {  	_ =	sfence.sel $0xFFFF  }
0xbf: {  	[dreg:$0x0] =	wrdreg $0xFFFFFFFF;
	(pc) =	sbr.abs _section_cstart, $3  }
0xc0: {  	[dreg:$0x1] =	wrdreg $0xFFFFFFFF  }
0xc1: {  	_ =	task.clear_ibuf [dreg:s6], $0x2FFFF;
	_ =	strace $0x9FFFFFFF  }
0xc2: {  	(tm) =	ssettm $0x7FFFFFFF  }
0xc3: {  	_ =	shalt  }
tec
execute0_lowered:
.L_overlay_start_1:
0x0: {  	(tag) =	ssettag $0x1  }
0x1: {  	s0 =	rddreg [dreg:$0x0]  }
0x2: {  	s1 =	rddreg [dreg:$0x1]  }
0x3: {  	s3 =	simm.s32 $0x0;
	s2 =	srdreg.scid;
	s10 =	stileid.u32  }
0x4: {  	s12 =	simm.s32 $0x400;
	s14 =	simm.s32 $0x2;
	s15 =	simm.s32 $0x80  }
0x5: {  	s16 =	simm.s32 $0xA00;
	s21 =	simm.s32 $0x3;
	s22 =	simm.s32 $0xCA00  }
0x6: {  	s28 =	simm.s32 $0x1;
	s29 =	simm.s32 $0x800;
	s30 =	simm.s32 $0x900  }
0x7: {  	s31 =	simm.s32 $0x480;
	s17 =	simm.s32 $0x4;
	s18 =	simm.s32 $0x0  }
0x8: {  	[smem:$0x7FF] =	sst s3;
	s2 =	sand.u32 $0x1, s2;
	s6 =	sshll.u32 s10, $0x7  }
0x9: {  	s4 =	sadd.s32 $0x6000, s0;
	s8 =	sshll.u32 s10, $0xA;
	s25 =	sshll.u32 s10, $0xD  }
0xa: {  	_ =	strace $0x8000004A;
	s5 =	sshll.u32 s2, $0xB;
	s24 =	ssub.s32 $0x2, s2  }
0xb: {  	s2 =	sshll.u32 s2, $0xE;
	s26 =	sadd.s32 s25, s1;
	s25 =	simm.s32 $0x280  }
0xc: {  	s5 =	sor.u32 s6, s5;
	s9 =	sshrl.u32 s24, $0x1;
	s13 =	sshrl.u32 s26, $0x3  }
0xd: {  	s26 =	simm.s32 $0x14A00;
	s7 =	sadd.s32 s5, s0;
	s5 =	sadd.s32 $0x16000, s0  }
0xe: {  	s0 =	sadd.s32 s8, s0;
	s11 =	ssub.s32 s24, s9;
	s8 =	sshll.u32 s10, $0x6  }
0xf: {  	s24 =	simm.s32 $0x10A00;
	s6 =	sadd.s32 $0x5000, s7;
	s7 =	sadd.s32 $0x4000, s7  }
0x10: {  	s0 =	sadd.s32 s2, s0;
	s9 =	sor.u32 $0x1C01, s8;
	s11 =	smax.u32 s11, $0x1  }
0x11: {  	s2 =	simm.s32 $0x980;
	s10 =	sadd.s32 $0x26C00, s0;
	s0 =	simm.s32 $0x880  }
.LBB2_1:
0x12: {  	[tilespmem:s3], [sflag:$0x2] =	stream.linear.gather [hbm4b:s6+s3], $0x400, $0x38;
	[tilespmem:$0x1AA00] =	vst v63  }
0x13: {  	_ = 	snop  }
0x14: {  	[tilespmem:s12], [sflag:$0x3] =	stream.linear.gather [hbm4b:s7+s3], $0x400, $0x38;
	[tilespmem:$0x1AA00] =	vst v63  }
0x15: {  	[spmem:s13], [sflag:s9] =	dma.local [hbm:s5], $0x400  }
0x16: {  	_ =	swait.ge [sflag:s14], $0x400  }
0x17: {  	[sflag:s14] =	ssyncset.done $0x0  }
0x18: {  	[sflag:s14] =	ssyncadd.s32 $0xFFFFFC00  }
0x19: {  	[tilespmem:s16], [sflag:$0x2] =	stream.indirect.gather [hbm4b:s4+s15], $0x80, s3, s15, $0xb8;
	[tilespmem:$0x1AA00] =	vst v63  }
0x1a: {  	s19 =	simm.s32 $0x100;
	s20 =	simm.s32 $0x4A00  }
0x1b: {  	[tilespmem:s20], [sflag:$0x2] =	stream.indirect.gather [hbm4b:s4+s15], $0x80, s19, s15, $0xb8;
	[tilespmem:$0x1AA00] =	vst v63  }
0x1c: {  	s23 =	simm.s32 $0x8A00;
	s20 =	simm.s32 $0x200  }
0x1d: {  	[tilespmem:s23], [sflag:$0x2] =	stream.indirect.gather [hbm4b:s4+s15], $0x80, s20, s15, $0xb8;
	[tilespmem:$0x1AA00] =	vst v63  }
0x1e: {  	_ =	swait.ge [sflag:s21], $0x400  }
0x1f: {  	[sflag:s21] =	ssyncset.done $0x0  }
0x20: {  	[sflag:s21] =	ssyncadd.s32 $0xFFFFFC00  }
0x21: {  	[tilespmem:s22], [sflag:$0x3] =	stream.indirect.gather [hbm4b:s4+s15], $0x80, s15, s15, $0xb8;
	[tilespmem:$0x1AA00] =	vst v63  }
0x22: {  	s23 =	simm.s32 $0x180  }
0x23: {  	[tilespmem:s24], [sflag:$0x3] =	stream.indirect.gather [hbm4b:s4+s15], $0x80, s23, s15, $0xb8;
	[tilespmem:$0x1AA00] =	vst v63  }
0x24: {  	_ = 	snop  }
0x25: {  	[tilespmem:s26], [sflag:$0x3] =	stream.indirect.gather [hbm4b:s4+s15], $0x80, s25, s15, $0xb8;
	[tilespmem:$0x1AA00] =	vst v63  }
0x26: {  	v0 =	vld [tilespmem:$0x400]  }
0x27: {  	v1 =	vld [tilespmem:$0x500]  }
0x28: {  	v2 =	vld [tilespmem:$0x600]  }
0x29: {  	v3 =	vld [tilespmem:$0x410]  }
0x2a: {  	v4 =	vld [tilespmem:$0x510]  }
0x2b: {  	v5 =	vld [tilespmem:$0x610]  }
0x2c: {  	v6 =	vld [tilespmem:$0x420]  }
0x2d: {  	v7 =	vld [tilespmem:$0x520]  }
0x2e: {  	v8 =	vld [tilespmem:$0x620]  }
0x2f: {  	v9 =	vld [tilespmem:$0x430]  }
0x30: {  	v10 =	vld [tilespmem:$0x530]  }
0x31: {  	v11 =	vld [tilespmem:$0x630]  }
0x32: {  	v12 =	vld [tilespmem:$0x440]  }
0x33: {  	v13 =	vld [tilespmem:$0x540]  }
0x34: {  	v14 =	vld [tilespmem:$0x640]  }
0x35: {  	v15 =	vld [tilespmem:$0x450]  }
0x36: {  	v16 =	vld [tilespmem:$0x550]  }
0x37: {  	v17 =	vld [tilespmem:$0x650]  }
0x38: {  	v18 =	vld [tilespmem:$0x460]  }
0x39: {  	v19 =	vld [tilespmem:$0x560]  }
0x3a: {  	v20 =	vld [tilespmem:$0x660];
	vm0 =	veq.s32 v2, v0  }
0x3b: {  	v21 =	vld [tilespmem:$0x470];
	vm1 =	veq.s32 v2, v1;
	vm2 =	veq.s32 v1, v0;
	vm6 =	veq.s32 v4, v3  }
0x3c: {  	v22 =	vld [tilespmem:$0x670];
	vm7 =	veq.s32 v5, v3;
	vm8 =	veq.s32 v5, v4;
	vm9 =	veq.s32 v8, v6  }
0x3d: {  	v0 =	vld [tilespmem:$0x570];
	vm10 =	veq.s32 v8, v7;
	vm0 =	vmor vm0, vm1;
	v1 =	vsel vm2, $0x3E8, v1  }
0x3e: {  	v3 =	vld [tilespmem:$0x480];
	vm11 =	veq.s32 v7, v6;
	vm12 =	veq.s32 v10, v9;
	v2 =	vsel vm0, $0x3E8, v2;
	[tilespmem:$0x800] =	vst v1  }
0x3f: {  	v6 =	vld [tilespmem:$0x490];
	vm15 =	veq.s32 v14, v12;
	v1 =	vsel vm6, $0x3E8, v4;
	vm0 =	vmor vm7, vm8;
	[tilespmem:$0x900] =	vst v2  }
0x40: {  	vm5 =	veq.s32 v13, v12;
	v12 =	vld [tilespmem:$0x5B0];
	vm1 =	vmor vm9, vm10;
	[tilespmem:$0x810] =	vst v1;
	v1 =	vsel vm0, $0x3E8, v5  }
0x41: {  	vm13 =	veq.s32 v11, v9;
	vm4 =	veq.s32 v14, v13;
	v4 =	vld [tilespmem:$0x680];
	v5 =	vsel vm1, $0x3E8, v8;
	[tilespmem:$0x910] =	vst v1  }
0x42: {  	vm14 =	veq.s32 v11, v10;
	v2 =	vld [tilespmem:$0x580];
	vm1 =	vmor vm15, vm4;
	v1 =	vsel vm11, $0x3E8, v7;
	[tilespmem:$0x920] =	vst v5  }
0x43: {  	vm9 =	veq.s32 v20, v18;
	vm10 =	veq.s32 v20, v19;
	v8 =	vld [tilespmem:$0x4A0];
	v9 =	vsel vm1, $0x3E8, v14;
	[tilespmem:$0x820] =	vst v1  }
0x44: {  	vm6 =	veq.s32 v16, v15;
	vm0 =	vmor vm13, vm14;
	v7 =	vld [tilespmem:$0x590];
	v1 =	vsel vm12, $0x3E8, v10;
	[tilespmem:$0x940] =	vst v9  }
0x45: {  	vm7 =	veq.s32 v17, v15;
	vm8 =	veq.s32 v17, v16;
	v5 =	vld [tilespmem:$0x690];
	[tilespmem:$0x830] =	vst v1;
	v1 =	vsel vm0, $0x3E8, v11  }
0x46: {  	vm13 =	veq.s32 v22, v21;
	vm1 =	vmor vm9, vm10;
	v14 =	vld [tilespmem:$0x6B0];
	[tilespmem:$0x930] =	vst v1;
	v1 =	vsel vm5, $0x3E8, v13  }
0x47: {  	vm11 =	veq.s32 v19, v18;
	v10 =	vld [tilespmem:$0x5A0];
	vm12 =	veq.s32 v0, v21;
	v13 =	vsel vm1, $0x3E8, v20;
	[tilespmem:$0x840] =	vst v1  }
0x48: {  	v9 =	vld [tilespmem:$0x4B0];
	vm14 =	veq.s32 v22, v0;
	vm0 =	vmor vm7, vm8;
	v1 =	vsel vm6, $0x3E8, v16;
	[tilespmem:$0x960] =	vst v13  }
0x49: {  	v11 =	vld [tilespmem:$0x6A0];
	vm15 =	veq.s32 v4, v3;
	vm4 =	veq.s32 v4, v2;
	[tilespmem:$0x850] =	vst v1;
	v1 =	vsel vm0, $0x3E8, v17  }
0x4a: {  	v13 =	vld [tilespmem:$0x5C0];
	vm5 =	veq.s32 v2, v3;
	vm0 =	vmor vm13, vm14;
	[tilespmem:$0x950] =	vst v1;
	v1 =	vsel vm11, $0x3E8, v19  }
0x4b: {  	v3 =	vld [tilespmem:$0x6C0];
	vm1 =	vmor vm15, vm4;
	vm6 =	veq.s32 v7, v6;
	[tilespmem:$0x860] =	vst v1;
	v1 =	vsel vm12, $0x3E8, v0  }
0x4c: {  	vm7 =	veq.s32 v5, v6;
	vm8 =	veq.s32 v5, v7;
	v6 =	vld [tilespmem:$0x5D0];
	[tilespmem:$0x870] =	vst v1;
	v1 =	vsel vm0, $0x3E8, v22  }
0x4d: {  	vm11 =	veq.s32 v10, v8;
	vm13 =	veq.s32 v14, v9;
	v0 =	vld [tilespmem:$0x4C0];
	[tilespmem:$0x970] =	vst v1;
	v1 =	vsel vm5, $0x3E8, v2  }
0x4e: {  	vm9 =	veq.s32 v11, v8;
	vm10 =	veq.s32 v11, v10;
	v8 =	vld [tilespmem:$0x5E0];
	v2 =	vsel vm1, $0x3E8, v4;
	[tilespmem:$0x880] =	vst v1  }
0x4f: {  	vm12 =	veq.s32 v12, v9;
	v9 =	vld [tilespmem:$0x6E0];
	vm1 =	vmor vm9, vm10;
	v1 =	vsel vm6, $0x3E8, v7;
	[tilespmem:$0x980] =	vst v2  }
0x50: {  	vm0 =	vmor vm7, vm8;
	v4 =	vld [tilespmem:$0x4D0];
	v7 =	vsel vm1, $0x3E8, v11;
	[tilespmem:$0x890] =	vst v1  }
0x51: {  	v2 =	vld [tilespmem:$0x6D0];
	v1 =	vsel vm0, $0x3E8, v5;
	[tilespmem:$0x9A0] =	vst v7  }
0x52: {  	vm14 =	veq.s32 v14, v12;
	vm4 =	veq.s32 v3, v13;
	v5 =	vld [tilespmem:$0x4E0];
	[tilespmem:$0x990] =	vst v1;
	v1 =	vsel vm11, $0x3E8, v10  }
0x53: {  	vm0 =	vmor vm13, vm14;
	v7 =	vld [tilespmem:$0x4F0];
	vm15 =	veq.s32 v3, v0;
	[tilespmem:$0x8A0] =	vst v1;
	v1 =	vsel vm12, $0x3E8, v12  }
0x54: {  	vm5 =	veq.s32 v13, v0;
	v0 =	vld [tilespmem:$0x5F0];
	vm1 =	vmor vm15, vm4;
	[tilespmem:$0x8B0] =	vst v1;
	v1 =	vsel vm0, $0x3E8, v14  }
0x55: {  	v10 =	vld [tilespmem:$0x6F0];
	v3 =	vsel vm1, $0x3E8, v3;
	vm6 =	veq.s32 v6, v4;
	[tilespmem:$0x9B0] =	vst v1  }
0x56: {  	v1 =	vsel vm5, $0x3E8, v13;
	vm7 =	veq.s32 v2, v4;
	vm8 =	veq.s32 v2, v6;
	[tilespmem:$0x9C0] =	vst v3  }
0x57: {  	vm10 =	veq.s32 v9, v8;
	[tilespmem:$0x8C0] =	vst v1;
	v1 =	vsel vm6, $0x3E8, v6;
	vm0 =	vmor vm7, vm8  }
0x58: {  	vm9 =	veq.s32 v9, v5;
	vm11 =	veq.s32 v8, v5;
	[tilespmem:$0x8D0] =	vst v1;
	v1 =	vsel vm0, $0x3E8, v2  }
0x59: {  	vm1 =	vmor vm9, vm10;
	vm12 =	veq.s32 v0, v7;
	[tilespmem:$0x9D0] =	vst v1;
	v1 =	vsel vm11, $0x3E8, v8  }
0x5a: {  	vm13 =	veq.s32 v10, v7;
	vm14 =	veq.s32 v10, v0;
	v2 =	vsel vm1, $0x3E8, v9;
	[tilespmem:$0x8E0] =	vst v1  }
0x5b: {  	v0 =	vsel vm12, $0x3E8, v0;
	vm15 =	vmor vm13, vm14;
	[tilespmem:$0x9E0] =	vst v2  }
0x5c: {  	[tilespmem:$0x8F0] =	vst v0;
	v0 =	vsel vm15, $0x3E8, v10  }
0x5d: {  	[tilespmem:$0x9F0] =	vst v0  }
0x5e: {  	_ =	swait.ge [sflag:s14], $0x4000  }
0x5f: {  	[sflag:s14] =	ssyncset.done $0x0  }
0x60: {  	[sflag:s14] =	ssyncadd.s32 $0xFFFFC000  }
0x61: {  	_ =	swait.ge [sflag:s14], $0x4000  }
0x62: {  	[sflag:s14] =	ssyncset.done $0x0  }
0x63: {  	[sflag:s14] =	ssyncadd.s32 $0xFFFFC000  }
0x64: {  	_ =	swait.ge [sflag:s14], $0x4000  }
0x65: {  	[sflag:s14] =	ssyncset.done $0x0  }
0x66: {  	s19 =	simm.s32 $0x0;
	[sflag:s14] =	ssyncadd.s32 $0xFFFFC000  }
0x67: {  	v5 =	vld [tilespmem:s19+$0x8A00]  }
0x68: {  	v4 =	vld [tilespmem:s19+$0x8A10]  }
0x69: {  	v3 =	vld [tilespmem:s19+$0x8A20]  }
0x6a: {  	v2 =	vld [tilespmem:s19+$0x8A30]  }
0x6b: {  	v1 =	vld [tilespmem:s19+$0x8A40]  }
0x6c: {  	v0 =	vld [tilespmem:s19+$0x8A50]  }
0x6d: {  	v12 =	vld [tilespmem:s19+$0x4A00]  }
0x6e: {  	v17 =	vld [tilespmem:s19+$0x4A10]  }
0x6f: {  	v11 =	vld [tilespmem:s19+$0x4A20]  }
0x70: {  	v10 =	vld [tilespmem:s19+$0x4A30]  }
0x71: {  	v9 =	vld [tilespmem:s19+$0x4A40]  }
0x72: {  	v8 =	vld [tilespmem:s19+$0x4A50]  }
0x73: {  	v7 =	vld [tilespmem:s19+$0x4A60]  }
0x74: {  	v6 =	vld [tilespmem:s19+$0x4A70]  }
0x75: {  	v18 =	vld [tilespmem:s19+$0xA00]  }
0x76: {  	v19 =	vld [tilespmem:s19+$0xA10]  }
0x77: {  	v16 =	vld [tilespmem:s19+$0xA20]  }
0x78: {  	v15 =	vld [tilespmem:s19+$0xA30]  }
0x79: {  	v14 =	vld [tilespmem:s19+$0xA40]  }
0x7a: {  	v13 =	vld [tilespmem:s19+$0xA50];
	v18 =	vadd.f32 v12, v18  }
0x7b: {  	s20 =	simm.s32 $0x200;
	v17 =	vadd.f32 v17, v19;
	v12 =	vld [tilespmem:s19+$0xA60]  }
.LBB2_2:
0x7c: {  	p0 =	sne.s32 s20, $0xFE00;
	v5 =	vadd.f32 v5, v18;
	v11 =	vadd.f32 v11, v16;
	v16 =	vld [tilespmem:s19+$0xA70]  }
0x7d: {  	v4 =	vadd.f32 v4, v17;
	v10 =	vadd.f32 v10, v15;
	v15 =	vld [tilespmem:s19+$0x8A60]  }
0x7e: {  	s23 =	sshra.s32 s20, $0x2;
	[tilespmem:s19+$0xA00] =	vst v5;
	v3 =	vadd.f32 v3, v11;
	v9 =	vadd.f32 v9, v14;
	v11 =	vld [tilespmem:s19+$0x8A70]  }
0x7f: {  	v5 =	vld [tilespmem:s23+$0x8A00];
	[tilespmem:s19+$0xA10] =	vst v4;
	v2 =	vadd.f32 v2, v10;
	v8 =	vadd.f32 v8, v13  }
0x80: {  	v4 =	vld [tilespmem:s23+$0x8A10];
	[tilespmem:s19+$0xA20] =	vst v3;
	v1 =	vadd.f32 v1, v9;
	v7 =	vadd.f32 v7, v12  }
0x81: {  	v3 =	vld [tilespmem:s23+$0x8A20];
	[tilespmem:s19+$0xA30] =	vst v2;
	v0 =	vadd.f32 v0, v8;
	v6 =	vadd.f32 v6, v16  }
0x82: {  	v2 =	vld [tilespmem:s23+$0x8A30];
	[tilespmem:s19+$0xA40] =	vst v1;
	v7 =	vadd.f32 v15, v7  }
0x83: {  	v1 =	vld [tilespmem:s23+$0x8A40];
	[tilespmem:s19+$0xA50] =	vst v0;
	v6 =	vadd.f32 v11, v6  }
0x84: {  	v0 =	vld [tilespmem:s23+$0x8A50];
	[tilespmem:s19+$0xA60] =	vst v7  }
0x85: {  	v12 =	vld [tilespmem:s23+$0x4A00];
	[tilespmem:s19+$0xA70] =	vst v6;
	s19 =	smov.u32 s23  }
0x86: {  	v17 =	vld [tilespmem:s19+$0x4A10]  }
0x87: {  	v11 =	vld [tilespmem:s19+$0x4A20]  }
0x88: {  	v10 =	vld [tilespmem:s19+$0x4A30]  }
0x89: {  	v9 =	vld [tilespmem:s19+$0x4A40]  }
0x8a: {  	v8 =	vld [tilespmem:s19+$0x4A50]  }
0x8b: {  	v7 =	vld [tilespmem:s19+$0x4A60]  }
0x8c: {  	v6 =	vld [tilespmem:s19+$0x4A70]  }
0x8d: {  	v13 =	vld [tilespmem:s19+$0xA00]  }
0x8e: {  	v19 =	vld [tilespmem:s19+$0xA10]  }
.Ltmp0:
0x8f: {  	v16 =	vld [tilespmem:s19+$0xA20];
	(pc) =	sbr.rel @p0 .LBB2_2-.Ltmp0, $4  }
0x90: {  	v15 =	vld [tilespmem:s19+$0xA30]  }
0x91: {  	v14 =	vld [tilespmem:s19+$0xA40]  }
0x92: {  	v18 =	vadd.f32 v12, v13;
	v13 =	vld [tilespmem:s19+$0xA50]  }
0x93: {  	s20 =	sadd.s32 $0x200, s20;
	v17 =	vadd.f32 v17, v19;
	v12 =	vld [tilespmem:s19+$0xA60]  }
0x94: {  	v5 =	vadd.f32 v5, v18;
	v18 =	vld [tilespmem:s19+$0xA70];
	v11 =	vadd.f32 v11, v16  }
0x95: {  	v16 =	vld [tilespmem:s19+$0x8A60];
	v4 =	vadd.f32 v4, v17;
	v10 =	vadd.f32 v10, v15  }
0x96: {  	[tilespmem:s19+$0xA00] =	vst v5;
	v3 =	vadd.f32 v3, v11;
	v5 =	vadd.f32 v9, v14;
	v9 =	vld [tilespmem:s19+$0x8A70]  }
0x97: {  	[tilespmem:s19+$0xA10] =	vst v4;
	v2 =	vadd.f32 v2, v10;
	v4 =	vadd.f32 v8, v13  }
0x98: {  	[tilespmem:s19+$0xA20] =	vst v3;
	v1 =	vadd.f32 v1, v5;
	v3 =	vadd.f32 v7, v12  }
0x99: {  	[tilespmem:s19+$0xA30] =	vst v2;
	v0 =	vadd.f32 v0, v4;
	v2 =	vadd.f32 v6, v18  }
0x9a: {  	[tilespmem:s19+$0xA40] =	vst v1;
	v1 =	vadd.f32 v16, v3  }
0x9b: {  	[tilespmem:s19+$0xA50] =	vst v0;
	v0 =	vadd.f32 v9, v2  }
0x9c: {  	[tilespmem:s19+$0xA60] =	vst v1  }
0x9d: {  	[tilespmem:s19+$0xA70] =	vst v0  }
0x9e: {  	_ =	swait.ge [sflag:s28], $0x400  }
0x9f: {  	[sflag:s28] =	ssyncset.done $0x0  }
0xa0: {  	[sflag:s28] =	ssyncadd.s32 $0xFFFFFC00  }
0xa1: {  	[bflag:$0x0] =	sbarrier.arrive $0xFFFF  }
0xa2: {  	[spmem:s1] =	stream.indirect.scatter.add.f32 [tilespmem:s16], [sflag:$0x1], $0x80, s12, s15, $0xb8;
	[tilespmem:$0x1AA00] =	vst v63  }
0xa3: {  	_ = 	snop  }
0xa4: {  	[spmem:s1] =	stream.indirect.scatter.add.f32 [tilespmem:s16], [sflag:$0x1], $0x80, s29, s15, $0xb8;
	[tilespmem:$0x1AA00] =	vst v63  }
0xa5: {  	_ = 	snop  }
0xa6: {  	[spmem:s1] =	stream.indirect.scatter.add.f32 [tilespmem:s16], [sflag:$0x1], $0x80, s30, s15, $0xb8;
	[tilespmem:$0x1AA00] =	vst v63  }
0xa7: {  	_ =	swait.ge [sflag:s21], $0x4000  }
0xa8: {  	[sflag:s21] =	ssyncset.done $0x0  }
0xa9: {  	[sflag:s21] =	ssyncadd.s32 $0xFFFFC000  }
0xaa: {  	_ =	swait.ge [sflag:s21], $0x4000  }
0xab: {  	[sflag:s21] =	ssyncset.done $0x0  }
0xac: {  	[sflag:s21] =	ssyncadd.s32 $0xFFFFC000  }
0xad: {  	_ =	swait.ge [sflag:s21], $0x4000  }
0xae: {  	[sflag:s21] =	ssyncset.done $0x0  }
0xaf: {  	s19 =	simm.s32 $0x0;
	[sflag:s21] =	ssyncadd.s32 $0xFFFFC000  }
0xb0: {  	v5 =	vld [tilespmem:s19+$0x14A00]  }
0xb1: {  	v4 =	vld [tilespmem:s19+$0x14A10]  }
0xb2: {  	v3 =	vld [tilespmem:s19+$0x14A20]  }
0xb3: {  	v2 =	vld [tilespmem:s19+$0x14A30]  }
0xb4: {  	v1 =	vld [tilespmem:s19+$0x14A40]  }
0xb5: {  	v0 =	vld [tilespmem:s19+$0x14A50]  }
0xb6: {  	v12 =	vld [tilespmem:s19+$0x10A00]  }
0xb7: {  	v17 =	vld [tilespmem:s19+$0x10A10]  }
0xb8: {  	v11 =	vld [tilespmem:s19+$0x10A20]  }
0xb9: {  	v10 =	vld [tilespmem:s19+$0x10A30]  }
0xba: {  	v9 =	vld [tilespmem:s19+$0x10A40]  }
0xbb: {  	v8 =	vld [tilespmem:s19+$0x10A50]  }
0xbc: {  	v7 =	vld [tilespmem:s19+$0x10A60]  }
0xbd: {  	v6 =	vld [tilespmem:s19+$0x10A70]  }
0xbe: {  	v18 =	vld [tilespmem:s19+$0xCA00]  }
0xbf: {  	v19 =	vld [tilespmem:s19+$0xCA10]  }
0xc0: {  	v16 =	vld [tilespmem:s19+$0xCA20]  }
0xc1: {  	v15 =	vld [tilespmem:s19+$0xCA30]  }
0xc2: {  	v14 =	vld [tilespmem:s19+$0xCA40]  }
0xc3: {  	v13 =	vld [tilespmem:s19+$0xCA50];
	v18 =	vadd.f32 v12, v18  }
0xc4: {  	s20 =	simm.s32 $0x200;
	v17 =	vadd.f32 v17, v19;
	v12 =	vld [tilespmem:s19+$0xCA60]  }
.LBB2_4:
0xc5: {  	p0 =	sne.s32 s20, $0xFE00;
	v5 =	vadd.f32 v5, v18;
	v11 =	vadd.f32 v11, v16;
	v16 =	vld [tilespmem:s19+$0xCA70]  }
0xc6: {  	v4 =	vadd.f32 v4, v17;
	v10 =	vadd.f32 v10, v15;
	v15 =	vld [tilespmem:s19+$0x14A60]  }
0xc7: {  	s23 =	sshra.s32 s20, $0x2;
	[tilespmem:s19+$0xCA00] =	vst v5;
	v3 =	vadd.f32 v3, v11;
	v9 =	vadd.f32 v9, v14;
	v11 =	vld [tilespmem:s19+$0x14A70]  }
0xc8: {  	v5 =	vld [tilespmem:s23+$0x14A00];
	[tilespmem:s19+$0xCA10] =	vst v4;
	v2 =	vadd.f32 v2, v10;
	v8 =	vadd.f32 v8, v13  }
0xc9: {  	v4 =	vld [tilespmem:s23+$0x14A10];
	[tilespmem:s19+$0xCA20] =	vst v3;
	v1 =	vadd.f32 v1, v9;
	v7 =	vadd.f32 v7, v12  }
0xca: {  	v3 =	vld [tilespmem:s23+$0x14A20];
	[tilespmem:s19+$0xCA30] =	vst v2;
	v0 =	vadd.f32 v0, v8;
	v6 =	vadd.f32 v6, v16  }
0xcb: {  	v2 =	vld [tilespmem:s23+$0x14A30];
	[tilespmem:s19+$0xCA40] =	vst v1;
	v7 =	vadd.f32 v15, v7  }
0xcc: {  	v1 =	vld [tilespmem:s23+$0x14A40];
	[tilespmem:s19+$0xCA50] =	vst v0;
	v6 =	vadd.f32 v11, v6  }
0xcd: {  	v0 =	vld [tilespmem:s23+$0x14A50];
	[tilespmem:s19+$0xCA60] =	vst v7  }
0xce: {  	v12 =	vld [tilespmem:s23+$0x10A00];
	[tilespmem:s19+$0xCA70] =	vst v6;
	s19 =	smov.u32 s23  }
0xcf: {  	v17 =	vld [tilespmem:s19+$0x10A10]  }
0xd0: {  	v11 =	vld [tilespmem:s19+$0x10A20]  }
0xd1: {  	v10 =	vld [tilespmem:s19+$0x10A30]  }
0xd2: {  	v9 =	vld [tilespmem:s19+$0x10A40]  }
0xd3: {  	v8 =	vld [tilespmem:s19+$0x10A50]  }
0xd4: {  	v7 =	vld [tilespmem:s19+$0x10A60]  }
0xd5: {  	v6 =	vld [tilespmem:s19+$0x10A70]  }
0xd6: {  	v13 =	vld [tilespmem:s19+$0xCA00]  }
0xd7: {  	v19 =	vld [tilespmem:s19+$0xCA10]  }
.Ltmp1:
0xd8: {  	v16 =	vld [tilespmem:s19+$0xCA20];
	(pc) =	sbr.rel @p0 .LBB2_4-.Ltmp1, $4  }
0xd9: {  	v15 =	vld [tilespmem:s19+$0xCA30]  }
0xda: {  	v14 =	vld [tilespmem:s19+$0xCA40]  }
0xdb: {  	v18 =	vadd.f32 v12, v13;
	v13 =	vld [tilespmem:s19+$0xCA50]  }
0xdc: {  	s20 =	sadd.s32 $0x200, s20;
	v17 =	vadd.f32 v17, v19;
	v12 =	vld [tilespmem:s19+$0xCA60]  }
0xdd: {  	v5 =	vadd.f32 v5, v18;
	v55 =	vld [tilespmem:s19+$0xCA70];
	v11 =	vadd.f32 v11, v16  }
0xde: {  	v56 =	vld [tilespmem:s19+$0x14A60];
	v4 =	vadd.f32 v4, v17;
	v10 =	vadd.f32 v10, v15  }
0xdf: {  	v58 =	vld [tilespmem:s19+$0x14A70];
	[tilespmem:s19+$0xCA00] =	vst v5;
	v3 =	vadd.f32 v3, v11;
	v57 =	vadd.f32 v9, v14  }
0xe0: {  	[tilespmem:s19+$0xCA10] =	vst v4;
	v2 =	vadd.f32 v2, v10;
	v59 =	vadd.f32 v8, v13  }
0xe1: {  	[tilespmem:s19+$0xCA20] =	vst v3;
	v1 =	vadd.f32 v1, v57;
	v60 =	vadd.f32 v7, v12  }
0xe2: {  	[tilespmem:s19+$0xCA30] =	vst v2;
	v0 =	vadd.f32 v0, v59;
	v61 =	vadd.f32 v6, v55  }
0xe3: {  	[tilespmem:s19+$0xCA40] =	vst v1;
	v62 =	vadd.f32 v56, v60  }
0xe4: {  	[tilespmem:s19+$0xCA50] =	vst v0;
	v63 =	vadd.f32 v58, v61  }
0xe5: {  	[tilespmem:s19+$0xCA60] =	vst v62  }
0xe6: {  	[tilespmem:s19+$0xCA70] =	vst v63  }
0xe7: {  	[spmem:s1] =	stream.indirect.scatter.add.f32 [tilespmem:s22], [sflag:$0x1], $0x80, s31, s15, $0xb8;
	[tilespmem:$0x1AA00] =	vst v63  }
0xe8: {  	_ = 	snop  }
0xe9: {  	[spmem:s1] =	stream.indirect.scatter.add.f32 [tilespmem:s22], [sflag:$0x1], $0x80, s0, s15, $0xb8;
	[tilespmem:$0x1AA00] =	vst v63  }
0xea: {  	_ = 	snop  }
0xeb: {  	[spmem:s1] =	stream.indirect.scatter.add.f32 [tilespmem:s22], [sflag:$0x1], $0x80, s2, s15, $0xb8;
	[tilespmem:$0x1AA00] =	vst v63  }
0xec: {  	_ =	swait.ge [sflag:s28], $0x4000  }
0xed: {  	[sflag:s28] =	ssyncset.done $0x0  }
0xee: {  	[sflag:s28] =	ssyncadd.s32 $0xFFFFC000  }
0xef: {  	_ =	swait.ge [sflag:s28], $0x4000  }
0xf0: {  	[sflag:s28] =	ssyncset.done $0x0  }
0xf1: {  	[sflag:s28] =	ssyncadd.s32 $0xFFFFC000  }
0xf2: {  	_ =	swait.ge [sflag:s28], $0x4000  }
0xf3: {  	[sflag:s28] =	ssyncset.done $0x0  }
0xf4: {  	[sflag:s28] =	ssyncadd.s32 $0xFFFFC000  }
0xf5: {  	_ =	swait.ge [sflag:s28], $0x4000  }
0xf6: {  	[sflag:s28] =	ssyncset.done $0x0  }
0xf7: {  	[sflag:s28] =	ssyncadd.s32 $0xFFFFC000  }
0xf8: {  	_ =	swait.ge [sflag:s28], $0x4000  }
0xf9: {  	[sflag:s28] =	ssyncset.done $0x0  }
0xfa: {  	[sflag:s28] =	ssyncadd.s32 $0xFFFFC000  }
0xfb: {  	_ =	swait.ge [sflag:s28], $0x4000  }
0xfc: {  	s18 =	sadd.s32 $0x1, s18;
	[sflag:s28] =	ssyncset.done $0x0  }
0xfd: {  	p0 =	sne.s32 s18, s11;
	[sflag:s28] =	ssyncadd.s32 $0xFFFFC000  }
.Ltmp2:
0xfe: {  	s23 =	sor.u32 $0x1C04, s8;
	[bflag:$0x0] =	sbarrier.arrive $0xFFFF;
	(pc) =	sbr.rel @p0 .LBB2_1-.Ltmp2, $4  }
0xff: {  	[hbm:s10], [sflag:s23] =	dma.local [spmem:s13], $0x400  }
0x100: {  	_ =	swait.ge [sflag:s17], $0x400  }
0x101: {  	[sflag:s17] =	ssyncset.done $0x0  }
0x102: {  	[sflag:s17] =	ssyncadd.s32 $0xFFFFFC00  }
0x103: {  	_ =	sfence.sel $0x180000  }
0x104: {  	[bflag:$0x0] =	sbarrier.arrive $0xFFFF  }
0x105: {  	_ =	strace $0x9000004A  }
0x106: {  	s0 =	stileid.u32;
	[bflag:$0x2] =	sbarrier.arrive $0xFFFF  }
0x107: {  	p0 =	sne.s32 s0, $0x0;
	s0 =	rddreg [dreg:$0x2]  }
0x108: {  	s0 =	sadd.s32 @!p0 $0x100000, s0  }
0x109: {  	[sflag:s0] =	ssyncadd.tile.s32 @!p0 $0x1;
	_ =	shalt  }
.Lfunc_end2:
_tile_overlayer_lowered:
.L_overlay_start_2:
0x10a: {  	(tag) =	ssettag $0x2  }
0x10b: {  	s0 =	rddreg [dreg:$0x0];
	s2 =	stileid.u32  }
0x10c: {  	s1 =	rddreg [dreg:$0x1];
	p0 =	sne.s32 s2, $0x0  }
0x10d: {  	s3 =	rddreg [dreg:$0x2];
	[bflag:$0x3] =	sbarrier.arrive $0xFFFF;
	s2 =	simm.s32 @!p0 $0x1C04  }
0x10e: {  	[timem:s3], [sflag:s2] =	dma.local @!p0 [hbm:s0], s1  }
0x10f: {  	s0 =	simm.s32 @!p0 $0x4  }
0x110: {  	_ =	swait.ge @!p0 [sflag:s0], s1  }
0x111: {  	s1 =	ssub.s32 @!p0 $0x0, s1;
	[sflag:s0] =	ssyncset.done @!p0 $0x0  }
0x112: {  	[sflag:s0] =	ssyncadd.s32 @!p0 s1  }
0x113: {  	[bflag:$0x3] =	sbarrier.arrive $0xFFFF  }
0x114: {  	_ =	shalt  }

// kernel: kernel.7.cloned.1.call-start
scs
__scs_entry_jumppad:
0x0: {  	(pc) =	sbr.rel $0x88, $3  }
0x1: {  	(tag) =	ssettag $0x0;
	lr =	simm.s32 $0x1  }
0x2: {  	[smem:$0x3F95] =	sst lr;
	_ =	strace $0xD0000000  }
0x3: {  	_ = 	snop  }
0x4: {  	_ = 	snop  }
0x5: {  	_ = 	snop  }
0x6: {  	_ = 	snop  }
0x7: {  	_ = 	snop  }
__scs_overlays_trampoline_lowered:
0x8: {  	[smem:$0x3FA4] =	sst s0  }
0x9: {  	[smem:$0x3FA5] =	sst s1  }
0xa: {  	[smem:$0x3FA6] =	sst s2  }
0xb: {  	[smem:$0x3FA7] =	sst s3  }
0xc: {  	[smem:$0x3FA8] =	sst s4  }
0xd: {  	[smem:$0x3FA9] =	sst s5  }
0xe: {  	[smem:$0x3FAA] =	sst s6  }
0xf: {  	[smem:$0x3FAB] =	sst s7  }
0x10: {  	[smem:$0x3FAC] =	sst s8  }
0x11: {  	[smem:$0x3FAD] =	sst s9;
	s0 =	simm.s32 @!p0 $0x0  }
0x12: {  	s1 =	sld [smem:$0x3F93];
	s0 =	simm.s32 @p0 $0x1  }
0x13: {  	[smem:$0x3FAE] =	sst s0;
	s0 =	simm.s32 @!p1 $0x0  }
0x14: {  	s2 =	sld [smem:$0x3F92];
	s0 =	simm.s32 @p1 $0x1  }
0x15: {  	[smem:$0x3FAF] =	sst s0;
	s0 =	simm.s32 @!p2 $0x0  }
0x16: {  	s3 =	sld [smem:$0x3FDB];
	s0 =	simm.s32 @p2 $0x1  }
0x17: {  	s4 =	simm.s32 $0x1BF5;
	[smem:$0x3FB1] =	sst s0  }
0x18: {  	s0 =	sld [smem:$0x3F94];
	_ =	swait.ge [sflag:s4], $0x0  }
0x19: {  	s7 =	sld [smem:$0x3F95]  }
0x1a: {  	s8 =	sadd.s32 $0xFFFFE003, lr  }
0x1b: {  	s9 =	sadd.s32 $0xFFFFFEF7, lr;
	s5 =	simm.s32 $0xFFFFFFFF;
	p2 =	slt.u32 s8, $0xFFFFF086  }
0x1c: {  	p1 =	slt.u32 s9, $0xF7A;
	s5 =	simm.s32 @!p2 $0x0  }
0x1d: {  	s5 =	simm.s32 @p1 $0x1;
	p0 =	seq.s32 s7, s2  }
0x1e: {  	s7 =	smul.u32 @!p0 $0xF7A, s2;
	p2 =	seq.s32 @!p0 s5, $0x0  }
0x1f: {  	s9 =	smul.u32 $0xF7A, s1;
	s8 =	simm.s32 @!p0 $0x1BF5;
	p2 =	por !p2, p0  }
0x20: {  	[sflag:s8] =	ssyncset.s32 @!p0 $0xFFFFF086;
	s6 =	sadd.s32 @!p0 s3, s7;
	s7 =	simm.s32 @!p0 $0x108  }
0x21: {  	s3 =	sadd.s32 s3, s9;
	s6 =	sadd.s32 @!p0 $0x88, s6;
	s7 =	simm.s32 @p2 $0x1082  }
0x22: {  	[simem:s7], [sflag:s8] =	dma.local @!p0 [hbm:s6], $0xF7A  }
0x23: {  	s9 =	sor.u32 $0xD0000000, s2;
	s6 =	simm.s32 $0x108;
	_ =	swait.ge @!p0 [sflag:s8], $0x0  }
0x24: {  	s3 =	sadd.s32 $0x88, s3;
	s6 =	simm.s32 @!p1 $0x1082;
	[sflag:s4] =	ssyncset.s32 $0xFFFFF086  }
0x25: {  	[simem:s6], [sflag:s4] =	dma.local [hbm:s3], $0xF7A  }
0x26: {  	[smem:$0x3F95] =	sst s1;
	(tag) =	ssettag s2;
	_ =	strace s9  }
0x27: {  	s1 =	sld [smem:$0x3FA5]  }
0x28: {  	s2 =	sld [smem:$0x3FA6]  }
0x29: {  	s4 =	sld [smem:$0x3FA8]  }
0x2a: {  	p0 =	seq.s32 s5, $0x0;
	s5 =	sld [smem:$0x3FA9]  }
0x2b: {  	s6 =	sld [smem:$0x3FAA]  }
0x2c: {  	s7 =	sld [smem:$0x3FAB]  }
0x2d: {  	s3 =	simm.s32 $0x108;
	s8 =	sld [smem:$0x3FAC]  }
0x2e: {  	s3 =	simm.s32 @!p0 $0x1082;
	s9 =	sld [smem:$0x3FAD]  }
0x2f: {  	lr =	sadd.s32 s0, s3;
	s0 =	sld [smem:$0x3FA4]  }
0x30: {  	s3 =	sld [smem:$0x3FA7]  }
0x31: {  	[smem:$0x3FB0] =	sst s10  }
0x32: {  	s10 =	sld [smem:$0x3FAE];
	_ =	sdelay $0x3  }
0x33: {  	p0 =	seq.s32 s10, $0x1;
	s10 =	sld [smem:$0x3FB0];
	_ =	sdelay $0x3  }
0x34: {  	[smem:$0x3FB0] =	sst s10  }
0x35: {  	s10 =	sld [smem:$0x3FAF];
	_ =	sdelay $0x3  }
0x36: {  	p1 =	seq.s32 s10, $0x1;
	s10 =	sld [smem:$0x3FB0];
	_ =	sdelay $0x3  }
0x37: {  	[smem:$0x3FB0] =	sst s10  }
0x38: {  	s10 =	sld [smem:$0x3FB1]  }
0x39: {  	_ = 	snop;
	(pc) =	sbr.ind lr, $3  }
0x3a: {  	_ = 	snop  }
0x3b: {  	_ = 	snop  }
0x3c: {  	p2 =	seq.s32 s10, $0x1;
	s10 =	sld [smem:$0x3FB0]  }
0x3d: {  	_ =	shalt  }
0x3e: {  	_ =	shalt  }
0x3f: {  	_ =	shalt  }
0x40: {  	_ =	shalt  }
0x41: {  	_ =	shalt  }
0x42: {  	_ =	shalt  }
0x43: {  	_ =	shalt  }
0x44: {  	_ =	shalt  }
0x45: {  	_ =	shalt  }
0x46: {  	_ =	shalt  }
0x47: {  	_ =	shalt  }
0x48: {  	_ =	shalt  }
0x49: {  	_ =	shalt  }
0x4a: {  	_ =	shalt  }
0x4b: {  	_ =	shalt  }
0x4c: {  	_ =	shalt  }
0x4d: {  	_ =	shalt  }
0x4e: {  	_ =	shalt  }
0x4f: {  	_ =	shalt  }
0x50: {  	_ =	shalt  }
0x51: {  	_ =	shalt  }
0x52: {  	_ =	shalt  }
0x53: {  	_ =	shalt  }
0x54: {  	_ =	shalt  }
0x55: {  	_ =	shalt  }
0x56: {  	_ =	shalt  }
0x57: {  	_ =	shalt  }
0x58: {  	_ =	shalt  }
0x59: {  	_ =	shalt  }
0x5a: {  	_ =	shalt  }
0x5b: {  	_ =	shalt  }
0x5c: {  	_ =	shalt  }
0x5d: {  	_ =	shalt  }
0x5e: {  	_ =	shalt  }
0x5f: {  	_ =	shalt  }
0x60: {  	_ =	shalt  }
0x61: {  	_ =	shalt  }
0x62: {  	_ =	shalt  }
0x63: {  	_ =	shalt  }
0x64: {  	_ =	shalt  }
0x65: {  	_ =	shalt  }
0x66: {  	_ =	shalt  }
0x67: {  	_ =	shalt  }
0x68: {  	_ =	shalt  }
0x69: {  	_ =	shalt  }
0x6a: {  	_ =	shalt  }
0x6b: {  	_ =	shalt  }
0x6c: {  	_ =	shalt  }
0x6d: {  	_ =	shalt  }
0x6e: {  	_ =	shalt  }
0x6f: {  	_ =	shalt  }
0x70: {  	_ =	shalt  }
0x71: {  	_ =	shalt  }
0x72: {  	_ =	shalt  }
0x73: {  	_ =	shalt  }
0x74: {  	_ =	shalt  }
0x75: {  	_ =	shalt  }
0x76: {  	_ =	shalt  }
0x77: {  	_ =	shalt  }
0x78: {  	_ =	shalt  }
0x79: {  	_ =	shalt  }
0x7a: {  	_ =	shalt  }
0x7b: {  	_ =	shalt  }
0x7c: {  	_ =	shalt  }
0x7d: {  	_ =	shalt  }
0x7e: {  	_ =	shalt  }
0x7f: {  	_ =	shalt  }
0x80: {  	_ =	shalt  }
0x81: {  	_ =	shalt  }
0x82: {  	_ =	shalt  }
0x83: {  	_ =	shalt  }
0x84: {  	_ =	shalt  }
0x85: {  	_ =	shalt  }
0x86: {  	_ =	shalt  }
0x87: {  	_ =	shalt  }
.Lfunc_end0:
.L_simem_size_0:
called_computation_lowered:
.L_overlay_start_0:
0x88: {  	s2 =	sld [smem:$0x3FD9]  }
0x89: {  	s3 =	sld [smem:$0x3FFE];
	_ =	sdelay $0x1  }
0x8a: {  	s1 =	srdreg.scid  }
0x8b: {  	s0 =	sand.u32 $0x1, s1  }
0x8c: {  	s16 =	sshll.u32 s0, $0xA;
	s2 =	sadd.s32 s3, s2  }
0x8d: {  	s2 =	sadd.s32 s2, s16  }
0x8e: {  	[smem:$0x3FBC] =	sst s2  }
0x8f: {  	_ = 	snop  }
0x90: {  	(tm) =	ssettm $0x1  }
0x91: {  	s17 =	sld [smem:$0x3FFB];
	_ =	sdelay $0x3  }
0x92: {  	_ =	strace s17  }
0x93: {  	s2 =	sld [smem:$0x3FFC];
	_ =	sdelay $0x3  }
0x94: {  	_ =	strace s2  }
0x95: {  	s2 =	sld [smem:$0x3FFD];
	_ =	sdelay $0x3  }
0x96: {  	_ =	strace s2  }
0x97: {  	_ =	strace $0x8FFFFFFF  }
0x98: {  	s18 =	sld [smem:$0x3FDB];
	_ =	sdelay $0x1  }
0x99: {  	s19 =	simm.s32 $_scs_section_size  }
0x9a: {  	s4 =	simm.s32 $_size__tile_overlayer_lowered;
	s5 =	simm.s32 $_tile_overlayer_lowered  }
0x9b: {  	s22 =	simm.s32 $0x1BFF;
	s21 =	sshll.u32 s5, $0x1;
	s2 =	sadd.s32 s19, s18  }
0x9c: {  	s6 =	simm.s32 $0x0;
	s20 =	sshll.u32 s4, $0x1;
	s4 =	sadd.s32 s21, s2  }
0x9d: {  	[timem:s6], [sflag:s22] =	dma.local [hbm:s4], s20  }
0x9e: {  	_ =	swait.ge [sflag:s22], s20  }
0x9f: {  	s3 =	ssub.s32 $0x0, s20;
	[sflag:s22] =	ssyncset.done $0x0  }
0xa0: {  	[sflag:s22] =	ssyncadd.s32 s3;
	_ =	sdelay $0x1  }
0xa1: {  	s23 =	simm.s32 $0x1B8B  }
0xa2: {  	_ =	swait.ge [sflag:s23], $0x1  }
0xa3: {  	[sflag:s23] =	ssyncset.done $0x0  }
0xa4: {  	s25 =	simm.s32 $0x1B8E;
	s24 =	sld [smem:$0x3FFE];
	[sflag:s23] =	ssyncadd.s32 $0xFFFFFFFF  }
0xa5: {  	s26 =	simm.s32 $execute0_lowered;
	[smem:$0x3FD2] =	sst s25  }
0xa6: {  	s4 =	sshll.u32 s26, $0x1;
	_ =	strace $0x80000046;
	[dreg:$0x1] =	wrdreg $0xFFFFFFFF  }
0xa7: {  	s28 =	simm.s32 $_size_execute0_lowered;
	s2 =	sadd.s32 s2, s4;
	[dreg:$0x0] =	wrdreg $0x0  }
0xa8: {  	s4 =	sshll.u32 s28, $0x1;
	[dreg:$0x2] =	wrdreg s2  }
0xa9: {  	[dreg:$0x3] =	wrdreg s4  }
0xaa: {  	[dreg:$0x4] =	wrdreg $0xC0  }
0xab: {  	_ =	task [dreg:s6], $0x5FFFF  }
0xac: {  	[dreg:$0x1] =	wrdreg $0xFFFFFFFF  }
0xad: {  	[dreg:$0x0] =	wrdreg $0x60  }
0xae: {  	[dreg:$0x2] =	wrdreg s24  }
0xaf: {  	[dreg:$0x3] =	wrdreg $0x14A000  }
0xb0: {  	[dreg:$0x4] =	wrdreg $0x16A000  }
0xb1: {  	[dreg:$0x5] =	wrdreg $0x9  }
0xb2: {  	_ =	task.clear_ibuf [dreg:s6], $0x6FFFF;
	_ =	strace $0x90000046  }
0xb3: {  	s29 =	simm.s32 $0x9;
	_ =	strace $0x80000048  }
0xb4: {  	_ =	swait.ge [sflag:s29], $0x1  }
0xb5: {  	[sflag:s29] =	ssyncadd.s32 $0xFFFFFFFF  }
0xb6: {  	_ =	strace $0x90000048  }
0xb7: {  	_ =	sfence  }
0xb8: {  	s30 =	sld [smem:$0x0];
	_ =	sdelay $0x2  }
0xb9: {  	s31 =	sshll.u32 s1, $0xD;
	s1 =	sshrl.u32 s1, $0x2  }
0xba: {  	s3 =	sand.u32 $0x4000, s31;
	s1 =	sadd.s32 s1, s30  }
0xbb: {  	s0 =	sor.u32 s3, s0;
	s1 =	sshll.u32 s1, $0x11  }
0xbc: {  	s0 =	sor.u32 s1, s0  }
0xbd: {  	s0 =	sadd.s32 $0x8F2B, s0  }
0xbe: {  	[sflag:s0] =	ssyncadd.remote.s32 $0x1  }
0xbf: {  	_ =	sfence.sel $0xFFFF  }
0xc0: {  	[dreg:$0x0] =	wrdreg $0xFFFFFFFF;
	(pc) =	sbr.abs _section_cstart, $3  }
0xc1: {  	[dreg:$0x1] =	wrdreg $0xFFFFFFFF  }
0xc2: {  	_ =	task.clear_ibuf [dreg:s6], $0x2FFFF;
	_ =	strace $0x9FFFFFFF  }
0xc3: {  	(tm) =	ssettm $0x7FFFFFFF  }
tec
execute0_lowered:
.L_overlay_start_1:
0x0: {  	(tag) =	ssettag $0x1  }
0x1: {  	s0 =	rddreg [dreg:$0x0]  }
0x2: {  	s1 =	rddreg [dreg:$0x1]  }
0x3: {  	s3 =	rddreg [dreg:$0x2]  }
0x4: {  	s2 =	srdreg.scid;
	s4 =	simm.s32 $0x0;
	s11 =	stileid.u32  }
0x5: {  	s15 =	simm.s32 $0x400;
	s18 =	simm.s32 $0x10A00;
	s19 =	simm.s32 $0x2  }
0x6: {  	s20 =	simm.s32 $0x80;
	s21 =	simm.s32 $0xA00;
	s23 =	simm.s32 $0x4A00  }
0x7: {  	s28 =	simm.s32 $0xCA00;
	s31 =	simm.s32 $0x1;
	s22 =	simm.s32 $0x480  }
0x8: {  	s29 =	simm.s32 $0x980;
	s30 =	simm.s32 $0x0;
	s2 =	sand.u32 $0x1, s2  }
0x9: {  	[smem:$0x7FF] =	sst s4;
	s7 =	sshll.u32 s11, $0x7;
	s5 =	sadd.s32 $0x6000, s0  }
0xa: {  	s8 =	sshll.u32 s11, $0xD;
	s10 =	sadd.s32 $0x16400, s0;
	s6 =	sshll.u32 s2, $0xB  }
0xb: {  	_ =	strace $0x80000047;
	s9 =	sshll.u32 s2, $0x11;
	s2 =	ssub.s32 $0x2, s2  }
0xc: {  	[dreg:$0x4] =	wrdreg s10;
	s26 =	sadd.s32 s8, s1;
	s10 =	sshll.u32 s11, $0x6  }
0xd: {  	s6 =	sor.u32 s7, s6;
	s9 =	sor.u32 s8, s9;
	s24 =	sshrl.u32 s2, $0x1  }
0xe: {  	s11 =	sor.u32 $0x1C01, s10;
	s8 =	sadd.s32 s8, s3;
	s16 =	sshrl.u32 s26, $0x3  }
0xf: {  	s26 =	simm.s32 $0x3;
	s7 =	sadd.s32 s6, s0;
	s6 =	sadd.s32 $0x16000, s0  }
0x10: {  	s9 =	sshrl.u32 s9, $0x3;
	s2 =	ssub.s32 s2, s24;
	s17 =	sshrl.u32 s8, $0x3  }
0x11: {  	s24 =	simm.s32 $0x880;
	s0 =	sadd.s32 s9, s0;
	s25 =	sadd.s32 $0x5000, s7  }
0x12: {  	s7 =	sadd.s32 $0x4000, s7;
	s14 =	smax.u32 s2, $0x1;
	[dreg:$0x5] =	wrdreg s25  }
0x13: {  	s2 =	simm.s32 $0x900;
	[dreg:$0x6] =	wrdreg s7;
	s12 =	sadd.s32 $0x16C00, s0  }
0x14: {  	s13 =	sadd.s32 $0x1EC00, s0;
	s25 =	simm.s32 $0x8A00;
	s0 =	simm.s32 $0x800  }
.LBB2_1:
0x15: {  	s7 =	rddreg [dreg:$0x5]  }
0x16: {  	[tilespmem:s4], [sflag:$0x2] =	stream.linear.gather [hbm4b:s7+s4], $0x400, $0x38;
	[tilespmem:$0x18A00] =	vst v63  }
0x17: {  	s8 =	rddreg [dreg:$0x6]  }
0x18: {  	[tilespmem:s15], [sflag:$0x3] =	stream.linear.gather [hbm4b:s8+s4], $0x400, $0x38;
	[tilespmem:$0x18A00] =	vst v63  }
0x19: {  	[spmem:s16], [sflag:s11] =	dma.local [hbm:s6], $0x400  }
0x1a: {  	[spmem:s17], [sflag:s11] =	dma.local [hbm:s6], $0x400  }
0x1b: {  	s9 =	rddreg [dreg:$0x4]  }
0x1c: {  	[tilespmem:s18], [sflag:$0x1] =	stream.linear.gather [hbm4b:s9+s4], $0x4000, $0x38;
	[tilespmem:$0x18A00] =	vst v63  }
0x1d: {  	_ =	swait.ge [sflag:s19], $0x400  }
0x1e: {  	[sflag:s19] =	ssyncset.done $0x0  }
0x1f: {  	[sflag:s19] =	ssyncadd.s32 $0xFFFFFC00  }
0x20: {  	[tilespmem:s21], [sflag:$0x2] =	stream.indirect.gather [hbm4b:s5+s20], $0x80, s4, s20, $0xb8;
	[tilespmem:$0x18A00] =	vst v63  }
0x21: {  	s8 =	simm.s32 $0x100  }
0x22: {  	[tilespmem:s23], [sflag:$0x2] =	stream.indirect.gather [hbm4b:s5+s20], $0x80, s8, s20, $0xb8;
	[tilespmem:$0x18A00] =	vst v63  }
0x23: {  	s9 =	simm.s32 $0x200  }
0x24: {  	[tilespmem:s25], [sflag:$0x2] =	stream.indirect.gather [hbm4b:s5+s20], $0x80, s9, s20, $0xb8;
	[tilespmem:$0x18A00] =	vst v63  }
0x25: {  	_ =	swait.ge [sflag:s26], $0x400  }
0x26: {  	[sflag:s26] =	ssyncset.done $0x0  }
0x27: {  	[sflag:s26] =	ssyncadd.s32 $0xFFFFFC00  }
0x28: {  	v0 =	vld [tilespmem:$0x400]  }
0x29: {  	v1 =	vld [tilespmem:$0x500]  }
0x2a: {  	v2 =	vld [tilespmem:$0x600]  }
0x2b: {  	v3 =	vld [tilespmem:$0x410]  }
0x2c: {  	v4 =	vld [tilespmem:$0x510]  }
0x2d: {  	v5 =	vld [tilespmem:$0x610]  }
0x2e: {  	v6 =	vld [tilespmem:$0x420]  }
0x2f: {  	v7 =	vld [tilespmem:$0x520]  }
0x30: {  	v8 =	vld [tilespmem:$0x620]  }
0x31: {  	v9 =	vld [tilespmem:$0x430]  }
0x32: {  	v10 =	vld [tilespmem:$0x530]  }
0x33: {  	v11 =	vld [tilespmem:$0x630]  }
0x34: {  	v12 =	vld [tilespmem:$0x440]  }
0x35: {  	v13 =	vld [tilespmem:$0x540]  }
0x36: {  	v14 =	vld [tilespmem:$0x640]  }
0x37: {  	v15 =	vld [tilespmem:$0x450]  }
0x38: {  	v16 =	vld [tilespmem:$0x550]  }
0x39: {  	v17 =	vld [tilespmem:$0x650]  }
0x3a: {  	v18 =	vld [tilespmem:$0x460]  }
0x3b: {  	v19 =	vld [tilespmem:$0x560]  }
0x3c: {  	v20 =	vld [tilespmem:$0x660];
	vm0 =	veq.s32 v2, v0  }
0x3d: {  	v21 =	vld [tilespmem:$0x470];
	vm1 =	veq.s32 v2, v1;
	vm2 =	veq.s32 v1, v0;
	vm6 =	veq.s32 v4, v3  }
0x3e: {  	v22 =	vld [tilespmem:$0x670];
	vm7 =	veq.s32 v5, v3;
	vm8 =	veq.s32 v5, v4;
	vm9 =	veq.s32 v8, v6  }
0x3f: {  	v0 =	vld [tilespmem:$0x570];
	vm10 =	veq.s32 v8, v7;
	vm0 =	vmor vm0, vm1;
	v1 =	vsel vm2, $0x3E8, v1  }
0x40: {  	v3 =	vld [tilespmem:$0x480];
	vm11 =	veq.s32 v7, v6;
	vm12 =	veq.s32 v10, v9;
	v2 =	vsel vm0, $0x3E8, v2;
	[tilespmem:$0x800] =	vst v1  }
0x41: {  	v6 =	vld [tilespmem:$0x490];
	vm15 =	veq.s32 v14, v12;
	v1 =	vsel vm6, $0x3E8, v4;
	vm0 =	vmor vm7, vm8;
	[tilespmem:$0x900] =	vst v2  }
0x42: {  	vm5 =	veq.s32 v13, v12;
	v12 =	vld [tilespmem:$0x5B0];
	vm1 =	vmor vm9, vm10;
	[tilespmem:$0x810] =	vst v1;
	v1 =	vsel vm0, $0x3E8, v5  }
0x43: {  	vm13 =	veq.s32 v11, v9;
	vm4 =	veq.s32 v14, v13;
	v4 =	vld [tilespmem:$0x680];
	v5 =	vsel vm1, $0x3E8, v8;
	[tilespmem:$0x910] =	vst v1  }
0x44: {  	vm14 =	veq.s32 v11, v10;
	v2 =	vld [tilespmem:$0x580];
	vm1 =	vmor vm15, vm4;
	v1 =	vsel vm11, $0x3E8, v7;
	[tilespmem:$0x920] =	vst v5  }
0x45: {  	vm9 =	veq.s32 v20, v18;
	vm10 =	veq.s32 v20, v19;
	v8 =	vld [tilespmem:$0x4A0];
	v9 =	vsel vm1, $0x3E8, v14;
	[tilespmem:$0x820] =	vst v1  }
0x46: {  	vm6 =	veq.s32 v16, v15;
	vm0 =	vmor vm13, vm14;
	v7 =	vld [tilespmem:$0x590];
	v1 =	vsel vm12, $0x3E8, v10;
	[tilespmem:$0x940] =	vst v9  }
0x47: {  	vm7 =	veq.s32 v17, v15;
	vm8 =	veq.s32 v17, v16;
	v5 =	vld [tilespmem:$0x690];
	[tilespmem:$0x830] =	vst v1;
	v1 =	vsel vm0, $0x3E8, v11  }
0x48: {  	vm13 =	veq.s32 v22, v21;
	vm1 =	vmor vm9, vm10;
	v14 =	vld [tilespmem:$0x6B0];
	[tilespmem:$0x930] =	vst v1;
	v1 =	vsel vm5, $0x3E8, v13  }
0x49: {  	vm11 =	veq.s32 v19, v18;
	v10 =	vld [tilespmem:$0x5A0];
	vm12 =	veq.s32 v0, v21;
	v13 =	vsel vm1, $0x3E8, v20;
	[tilespmem:$0x840] =	vst v1  }
0x4a: {  	v9 =	vld [tilespmem:$0x4B0];
	vm14 =	veq.s32 v22, v0;
	vm0 =	vmor vm7, vm8;
	v1 =	vsel vm6, $0x3E8, v16;
	[tilespmem:$0x960] =	vst v13  }
0x4b: {  	v11 =	vld [tilespmem:$0x6A0];
	vm15 =	veq.s32 v4, v3;
	vm4 =	veq.s32 v4, v2;
	[tilespmem:$0x850] =	vst v1;
	v1 =	vsel vm0, $0x3E8, v17  }
0x4c: {  	v13 =	vld [tilespmem:$0x5C0];
	vm5 =	veq.s32 v2, v3;
	vm0 =	vmor vm13, vm14;
	[tilespmem:$0x950] =	vst v1;
	v1 =	vsel vm11, $0x3E8, v19  }
0x4d: {  	v3 =	vld [tilespmem:$0x6C0];
	vm1 =	vmor vm15, vm4;
	vm6 =	veq.s32 v7, v6;
	[tilespmem:$0x860] =	vst v1;
	v1 =	vsel vm12, $0x3E8, v0  }
0x4e: {  	vm7 =	veq.s32 v5, v6;
	vm8 =	veq.s32 v5, v7;
	v6 =	vld [tilespmem:$0x5D0];
	[tilespmem:$0x870] =	vst v1;
	v1 =	vsel vm0, $0x3E8, v22  }
0x4f: {  	vm11 =	veq.s32 v10, v8;
	vm13 =	veq.s32 v14, v9;
	v0 =	vld [tilespmem:$0x4C0];
	[tilespmem:$0x970] =	vst v1;
	v1 =	vsel vm5, $0x3E8, v2  }
0x50: {  	vm9 =	veq.s32 v11, v8;
	vm10 =	veq.s32 v11, v10;
	v8 =	vld [tilespmem:$0x5E0];
	v2 =	vsel vm1, $0x3E8, v4;
	[tilespmem:$0x880] =	vst v1  }
0x51: {  	vm12 =	veq.s32 v12, v9;
	v9 =	vld [tilespmem:$0x6E0];
	vm1 =	vmor vm9, vm10;
	v1 =	vsel vm6, $0x3E8, v7;
	[tilespmem:$0x980] =	vst v2  }
0x52: {  	vm0 =	vmor vm7, vm8;
	v4 =	vld [tilespmem:$0x4D0];
	v7 =	vsel vm1, $0x3E8, v11;
	[tilespmem:$0x890] =	vst v1  }
0x53: {  	v2 =	vld [tilespmem:$0x6D0];
	v1 =	vsel vm0, $0x3E8, v5;
	[tilespmem:$0x9A0] =	vst v7  }
0x54: {  	vm14 =	veq.s32 v14, v12;
	vm4 =	veq.s32 v3, v13;
	v5 =	vld [tilespmem:$0x4E0];
	[tilespmem:$0x990] =	vst v1;
	v1 =	vsel vm11, $0x3E8, v10  }
0x55: {  	vm0 =	vmor vm13, vm14;
	v7 =	vld [tilespmem:$0x4F0];
	vm15 =	veq.s32 v3, v0;
	[tilespmem:$0x8A0] =	vst v1;
	v1 =	vsel vm12, $0x3E8, v12  }
0x56: {  	vm5 =	veq.s32 v13, v0;
	v0 =	vld [tilespmem:$0x5F0];
	vm1 =	vmor vm15, vm4;
	[tilespmem:$0x8B0] =	vst v1;
	v1 =	vsel vm0, $0x3E8, v14  }
0x57: {  	v10 =	vld [tilespmem:$0x6F0];
	v3 =	vsel vm1, $0x3E8, v3;
	vm6 =	veq.s32 v6, v4;
	[tilespmem:$0x9B0] =	vst v1  }
0x58: {  	v1 =	vsel vm5, $0x3E8, v13;
	vm7 =	veq.s32 v2, v4;
	vm8 =	veq.s32 v2, v6;
	[tilespmem:$0x9C0] =	vst v3  }
0x59: {  	vm10 =	veq.s32 v9, v8;
	[tilespmem:$0x8C0] =	vst v1;
	v1 =	vsel vm6, $0x3E8, v6;
	vm0 =	vmor vm7, vm8  }
0x5a: {  	vm9 =	veq.s32 v9, v5;
	vm11 =	veq.s32 v8, v5;
	[tilespmem:$0x8D0] =	vst v1;
	v1 =	vsel vm0, $0x3E8, v2  }
0x5b: {  	vm1 =	vmor vm9, vm10;
	vm12 =	veq.s32 v0, v7;
	[tilespmem:$0x9D0] =	vst v1;
	v1 =	vsel vm11, $0x3E8, v8  }
0x5c: {  	vm13 =	veq.s32 v10, v7;
	vm14 =	veq.s32 v10, v0;
	v2 =	vsel vm1, $0x3E8, v9;
	[tilespmem:$0x8E0] =	vst v1  }
0x5d: {  	v0 =	vsel vm12, $0x3E8, v0;
	vm15 =	vmor vm13, vm14;
	[tilespmem:$0x9E0] =	vst v2  }
0x5e: {  	[tilespmem:$0x8F0] =	vst v0;
	v0 =	vsel vm15, $0x3E8, v10  }
0x5f: {  	[tilespmem:$0x9F0] =	vst v0  }
0x60: {  	_ =	swait.ge [sflag:s19], $0x4000  }
0x61: {  	[sflag:s19] =	ssyncset.done $0x0  }
0x62: {  	[sflag:s19] =	ssyncadd.s32 $0xFFFFC000  }
0x63: {  	_ =	swait.ge [sflag:s19], $0x4000  }
0x64: {  	[sflag:s19] =	ssyncset.done $0x0  }
0x65: {  	[sflag:s19] =	ssyncadd.s32 $0xFFFFC000  }
0x66: {  	_ =	swait.ge [sflag:s19], $0x4000  }
0x67: {  	[sflag:s19] =	ssyncset.done $0x0  }
0x68: {  	s7 =	simm.s32 $0x0;
	[sflag:s19] =	ssyncadd.s32 $0xFFFFC000  }
0x69: {  	v5 =	vld [tilespmem:s7+$0x8A00]  }
0x6a: {  	v4 =	vld [tilespmem:s7+$0x8A10]  }
0x6b: {  	v3 =	vld [tilespmem:s7+$0x8A20]  }
0x6c: {  	v2 =	vld [tilespmem:s7+$0x8A30]  }
0x6d: {  	v1 =	vld [tilespmem:s7+$0x8A40]  }
0x6e: {  	v0 =	vld [tilespmem:s7+$0x8A50]  }
0x6f: {  	v12 =	vld [tilespmem:s7+$0x4A00]  }
0x70: {  	v17 =	vld [tilespmem:s7+$0x4A10]  }
0x71: {  	v11 =	vld [tilespmem:s7+$0x4A20]  }
0x72: {  	v10 =	vld [tilespmem:s7+$0x4A30]  }
0x73: {  	v9 =	vld [tilespmem:s7+$0x4A40]  }
0x74: {  	v8 =	vld [tilespmem:s7+$0x4A50]  }
0x75: {  	v7 =	vld [tilespmem:s7+$0x4A60]  }
0x76: {  	v6 =	vld [tilespmem:s7+$0x4A70]  }
0x77: {  	v18 =	vld [tilespmem:s7+$0xA00]  }
0x78: {  	v19 =	vld [tilespmem:s7+$0xA10]  }
0x79: {  	v16 =	vld [tilespmem:s7+$0xA20]  }
0x7a: {  	v15 =	vld [tilespmem:s7+$0xA30]  }
0x7b: {  	v14 =	vld [tilespmem:s7+$0xA40]  }
0x7c: {  	v13 =	vld [tilespmem:s7+$0xA50];
	v18 =	vadd.f32 v12, v18  }
0x7d: {  	s8 =	simm.s32 $0x200;
	v17 =	vadd.f32 v17, v19;
	v12 =	vld [tilespmem:s7+$0xA60]  }
.LBB2_2:
0x7e: {  	p0 =	sne.s32 s8, $0xFE00;
	v5 =	vadd.f32 v5, v18;
	v11 =	vadd.f32 v11, v16;
	v16 =	vld [tilespmem:s7+$0xA70]  }
0x7f: {  	v4 =	vadd.f32 v4, v17;
	v10 =	vadd.f32 v10, v15;
	v15 =	vld [tilespmem:s7+$0x8A60]  }
0x80: {  	s9 =	sshra.s32 s8, $0x2;
	[tilespmem:s7+$0xA00] =	vst v5;
	v3 =	vadd.f32 v3, v11;
	v9 =	vadd.f32 v9, v14;
	v11 =	vld [tilespmem:s7+$0x8A70]  }
0x81: {  	v5 =	vld [tilespmem:s9+$0x8A00];
	[tilespmem:s7+$0xA10] =	vst v4;
	v2 =	vadd.f32 v2, v10;
	v8 =	vadd.f32 v8, v13  }
0x82: {  	v4 =	vld [tilespmem:s9+$0x8A10];
	[tilespmem:s7+$0xA20] =	vst v3;
	v1 =	vadd.f32 v1, v9;
	v7 =	vadd.f32 v7, v12  }
0x83: {  	v3 =	vld [tilespmem:s9+$0x8A20];
	[tilespmem:s7+$0xA30] =	vst v2;
	v0 =	vadd.f32 v0, v8;
	v6 =	vadd.f32 v6, v16  }
0x84: {  	v2 =	vld [tilespmem:s9+$0x8A30];
	[tilespmem:s7+$0xA40] =	vst v1;
	v7 =	vadd.f32 v15, v7  }
0x85: {  	v1 =	vld [tilespmem:s9+$0x8A40];
	[tilespmem:s7+$0xA50] =	vst v0;
	v6 =	vadd.f32 v11, v6  }
0x86: {  	v0 =	vld [tilespmem:s9+$0x8A50];
	[tilespmem:s7+$0xA60] =	vst v7  }
0x87: {  	v12 =	vld [tilespmem:s9+$0x4A00];
	[tilespmem:s7+$0xA70] =	vst v6;
	s7 =	smov.u32 s9  }
0x88: {  	v17 =	vld [tilespmem:s7+$0x4A10]  }
0x89: {  	v11 =	vld [tilespmem:s7+$0x4A20]  }
0x8a: {  	v10 =	vld [tilespmem:s7+$0x4A30]  }
0x8b: {  	v9 =	vld [tilespmem:s7+$0x4A40]  }
0x8c: {  	v8 =	vld [tilespmem:s7+$0x4A50]  }
0x8d: {  	v7 =	vld [tilespmem:s7+$0x4A60]  }
0x8e: {  	v6 =	vld [tilespmem:s7+$0x4A70]  }
0x8f: {  	v13 =	vld [tilespmem:s7+$0xA00]  }
0x90: {  	v19 =	vld [tilespmem:s7+$0xA10]  }
.Ltmp0:
0x91: {  	v16 =	vld [tilespmem:s7+$0xA20];
	(pc) =	sbr.rel @p0 .LBB2_2-.Ltmp0, $4  }
0x92: {  	v15 =	vld [tilespmem:s7+$0xA30]  }
0x93: {  	v14 =	vld [tilespmem:s7+$0xA40]  }
0x94: {  	v18 =	vadd.f32 v12, v13;
	v13 =	vld [tilespmem:s7+$0xA50]  }
0x95: {  	s8 =	sadd.s32 $0x200, s8;
	v17 =	vadd.f32 v17, v19;
	v12 =	vld [tilespmem:s7+$0xA60]  }
0x96: {  	v5 =	vadd.f32 v5, v18;
	v18 =	vld [tilespmem:s7+$0xA70];
	v11 =	vadd.f32 v11, v16  }
0x97: {  	v16 =	vld [tilespmem:s7+$0x8A60];
	v4 =	vadd.f32 v4, v17;
	v10 =	vadd.f32 v10, v15  }
0x98: {  	[tilespmem:s7+$0xA00] =	vst v5;
	v3 =	vadd.f32 v3, v11;
	v5 =	vadd.f32 v9, v14;
	v9 =	vld [tilespmem:s7+$0x8A70]  }
0x99: {  	[tilespmem:s7+$0xA10] =	vst v4;
	v2 =	vadd.f32 v2, v10;
	v4 =	vadd.f32 v8, v13  }
0x9a: {  	[tilespmem:s7+$0xA20] =	vst v3;
	v1 =	vadd.f32 v1, v5;
	v3 =	vadd.f32 v7, v12  }
0x9b: {  	[tilespmem:s7+$0xA30] =	vst v2;
	v0 =	vadd.f32 v0, v4;
	v2 =	vadd.f32 v6, v18  }
0x9c: {  	[tilespmem:s7+$0xA40] =	vst v1;
	v1 =	vadd.f32 v16, v3  }
0x9d: {  	[tilespmem:s7+$0xA50] =	vst v0;
	v0 =	vadd.f32 v9, v2  }
0x9e: {  	[tilespmem:s7+$0xA60] =	vst v1  }
0x9f: {  	[tilespmem:s7+$0xA70] =	vst v0  }
0xa0: {  	[tilespmem:s28], [sflag:$0x3] =	stream.indirect.gather [hbm4b:s5+s20], $0x80, s20, s20, $0xb8;
	[tilespmem:$0x18A00] =	vst v63  }
0xa1: {  	s8 =	simm.s32 $0x180  }
0xa2: {  	[tilespmem:s23], [sflag:$0x3] =	stream.indirect.gather [hbm4b:s5+s20], $0x80, s8, s20, $0xb8;
	[tilespmem:$0x18A00] =	vst v63  }
0xa3: {  	s9 =	simm.s32 $0x280  }
0xa4: {  	[tilespmem:s25], [sflag:$0x3] =	stream.indirect.gather [hbm4b:s5+s20], $0x80, s9, s20, $0xb8;
	[tilespmem:$0x18A00] =	vst v63  }
0xa5: {  	_ =	swait.ge [sflag:s31], $0x400  }
0xa6: {  	[sflag:s31] =	ssyncset.done $0x0  }
0xa7: {  	[sflag:s31] =	ssyncadd.s32 $0xFFFFFC00  }
0xa8: {  	_ =	swait.ge [sflag:s31], $0x400  }
0xa9: {  	[sflag:s31] =	ssyncset.done $0x0  }
0xaa: {  	[sflag:s31] =	ssyncadd.s32 $0xFFFFFC00  }
0xab: {  	_ =	swait.ge [sflag:s31], $0x4000  }
0xac: {  	[sflag:s31] =	ssyncset.done $0x0  }
0xad: {  	[sflag:s31] =	ssyncadd.s32 $0xFFFFC000  }
0xae: {  	[bflag:$0x0] =	sbarrier.arrive $0xFFFF  }
0xaf: {  	[spmem:s1] =	stream.indirect.scatter.add.f32 [tilespmem:s21], [sflag:$0x1], $0x80, s15, s20, $0xb8;
	[tilespmem:$0x18A00] =	vst v63  }
0xb0: {  	_ = 	snop  }
0xb1: {  	[spmem:s1] =	stream.indirect.scatter.add.f32 [tilespmem:s21], [sflag:$0x1], $0x80, s0, s20, $0xb8;
	[tilespmem:$0x18A00] =	vst v63  }
0xb2: {  	_ = 	snop  }
0xb3: {  	[spmem:s1] =	stream.indirect.scatter.add.f32 [tilespmem:s21], [sflag:$0x1], $0x80, s2, s20, $0xb8;
	[tilespmem:$0x18A00] =	vst v63  }
0xb4: {  	_ = 	snop  }
0xb5: {  	[spmem:s3] =	stream.indirect.scatter.add.f32 [tilespmem:s18], [sflag:$0x1], $0x80, s15, s20, $0xb8;
	[tilespmem:$0x18A00] =	vst v63  }
0xb6: {  	_ = 	snop  }
0xb7: {  	[spmem:s3] =	stream.indirect.scatter.add.f32 [tilespmem:s18], [sflag:$0x1], $0x80, s0, s20, $0xb8;
	[tilespmem:$0x18A00] =	vst v63  }
0xb8: {  	_ = 	snop  }
0xb9: {  	[spmem:s3] =	stream.indirect.scatter.add.f32 [tilespmem:s18], [sflag:$0x1], $0x80, s2, s20, $0xb8;
	[tilespmem:$0x18A00] =	vst v63  }
0xba: {  	_ = 	snop  }
0xbb: {  	[spmem:s3] =	stream.indirect.scatter.add.f32 [tilespmem:s18], [sflag:$0x1], $0x80, s22, s20, $0xb8;
	[tilespmem:$0x18A00] =	vst v63  }
0xbc: {  	_ = 	snop  }
0xbd: {  	[spmem:s3] =	stream.indirect.scatter.add.f32 [tilespmem:s18], [sflag:$0x1], $0x80, s24, s20, $0xb8;
	[tilespmem:$0x18A00] =	vst v63  }
0xbe: {  	_ = 	snop  }
0xbf: {  	[spmem:s3] =	stream.indirect.scatter.add.f32 [tilespmem:s18], [sflag:$0x1], $0x80, s29, s20, $0xb8;
	[tilespmem:$0x18A00] =	vst v63  }
0xc0: {  	_ =	swait.ge [sflag:s26], $0x4000  }
0xc1: {  	[sflag:s26] =	ssyncset.done $0x0  }
0xc2: {  	[sflag:s26] =	ssyncadd.s32 $0xFFFFC000  }
0xc3: {  	_ =	swait.ge [sflag:s26], $0x4000  }
0xc4: {  	[sflag:s26] =	ssyncset.done $0x0  }
0xc5: {  	[sflag:s26] =	ssyncadd.s32 $0xFFFFC000  }
0xc6: {  	_ =	swait.ge [sflag:s26], $0x4000  }
0xc7: {  	[sflag:s26] =	ssyncset.done $0x0  }
0xc8: {  	s7 =	simm.s32 $0x0;
	[sflag:s26] =	ssyncadd.s32 $0xFFFFC000  }
0xc9: {  	v5 =	vld [tilespmem:s7+$0x8A00]  }
0xca: {  	v4 =	vld [tilespmem:s7+$0x8A10]  }
0xcb: {  	v3 =	vld [tilespmem:s7+$0x8A20]  }
0xcc: {  	v2 =	vld [tilespmem:s7+$0x8A30]  }
0xcd: {  	v1 =	vld [tilespmem:s7+$0x8A40]  }
0xce: {  	v0 =	vld [tilespmem:s7+$0x8A50]  }
0xcf: {  	v12 =	vld [tilespmem:s7+$0x4A00]  }
0xd0: {  	v17 =	vld [tilespmem:s7+$0x4A10]  }
0xd1: {  	v11 =	vld [tilespmem:s7+$0x4A20]  }
0xd2: {  	v10 =	vld [tilespmem:s7+$0x4A30]  }
0xd3: {  	v9 =	vld [tilespmem:s7+$0x4A40]  }
0xd4: {  	v8 =	vld [tilespmem:s7+$0x4A50]  }
0xd5: {  	v7 =	vld [tilespmem:s7+$0x4A60]  }
0xd6: {  	v6 =	vld [tilespmem:s7+$0x4A70]  }
0xd7: {  	v18 =	vld [tilespmem:s7+$0xCA00]  }
0xd8: {  	v19 =	vld [tilespmem:s7+$0xCA10]  }
0xd9: {  	v16 =	vld [tilespmem:s7+$0xCA20]  }
0xda: {  	v15 =	vld [tilespmem:s7+$0xCA30]  }
0xdb: {  	v14 =	vld [tilespmem:s7+$0xCA40]  }
0xdc: {  	v13 =	vld [tilespmem:s7+$0xCA50];
	v18 =	vadd.f32 v12, v18  }
0xdd: {  	s8 =	simm.s32 $0x200;
	v17 =	vadd.f32 v17, v19;
	v12 =	vld [tilespmem:s7+$0xCA60]  }
.LBB2_4:
0xde: {  	p0 =	sne.s32 s8, $0xFE00;
	v5 =	vadd.f32 v5, v18;
	v11 =	vadd.f32 v11, v16;
	v16 =	vld [tilespmem:s7+$0xCA70]  }
0xdf: {  	v4 =	vadd.f32 v4, v17;
	v10 =	vadd.f32 v10, v15;
	v15 =	vld [tilespmem:s7+$0x8A60]  }
0xe0: {  	s9 =	sshra.s32 s8, $0x2;
	[tilespmem:s7+$0xCA00] =	vst v5;
	v3 =	vadd.f32 v3, v11;
	v9 =	vadd.f32 v9, v14;
	v11 =	vld [tilespmem:s7+$0x8A70]  }
0xe1: {  	v5 =	vld [tilespmem:s9+$0x8A00];
	[tilespmem:s7+$0xCA10] =	vst v4;
	v2 =	vadd.f32 v2, v10;
	v8 =	vadd.f32 v8, v13  }
0xe2: {  	v4 =	vld [tilespmem:s9+$0x8A10];
	[tilespmem:s7+$0xCA20] =	vst v3;
	v1 =	vadd.f32 v1, v9;
	v7 =	vadd.f32 v7, v12  }
0xe3: {  	v3 =	vld [tilespmem:s9+$0x8A20];
	[tilespmem:s7+$0xCA30] =	vst v2;
	v0 =	vadd.f32 v0, v8;
	v6 =	vadd.f32 v6, v16  }
0xe4: {  	v2 =	vld [tilespmem:s9+$0x8A30];
	[tilespmem:s7+$0xCA40] =	vst v1;
	v7 =	vadd.f32 v15, v7  }
0xe5: {  	v1 =	vld [tilespmem:s9+$0x8A40];
	[tilespmem:s7+$0xCA50] =	vst v0;
	v6 =	vadd.f32 v11, v6  }
0xe6: {  	v0 =	vld [tilespmem:s9+$0x8A50];
	[tilespmem:s7+$0xCA60] =	vst v7  }
0xe7: {  	v12 =	vld [tilespmem:s9+$0x4A00];
	[tilespmem:s7+$0xCA70] =	vst v6;
	s7 =	smov.u32 s9  }
0xe8: {  	v17 =	vld [tilespmem:s7+$0x4A10]  }
0xe9: {  	v11 =	vld [tilespmem:s7+$0x4A20]  }
0xea: {  	v10 =	vld [tilespmem:s7+$0x4A30]  }
0xeb: {  	v9 =	vld [tilespmem:s7+$0x4A40]  }
0xec: {  	v8 =	vld [tilespmem:s7+$0x4A50]  }
0xed: {  	v7 =	vld [tilespmem:s7+$0x4A60]  }
0xee: {  	v6 =	vld [tilespmem:s7+$0x4A70]  }
0xef: {  	v13 =	vld [tilespmem:s7+$0xCA00]  }
0xf0: {  	v19 =	vld [tilespmem:s7+$0xCA10]  }
.Ltmp1:
0xf1: {  	v16 =	vld [tilespmem:s7+$0xCA20];
	(pc) =	sbr.rel @p0 .LBB2_4-.Ltmp1, $4  }
0xf2: {  	v15 =	vld [tilespmem:s7+$0xCA30]  }
0xf3: {  	v14 =	vld [tilespmem:s7+$0xCA40]  }
0xf4: {  	v18 =	vadd.f32 v12, v13;
	v13 =	vld [tilespmem:s7+$0xCA50]  }
0xf5: {  	s8 =	sadd.s32 $0x200, s8;
	v17 =	vadd.f32 v17, v19;
	v12 =	vld [tilespmem:s7+$0xCA60]  }
0xf6: {  	v5 =	vadd.f32 v5, v18;
	v55 =	vld [tilespmem:s7+$0xCA70];
	v11 =	vadd.f32 v11, v16  }
0xf7: {  	v56 =	vld [tilespmem:s7+$0x8A60];
	v4 =	vadd.f32 v4, v17;
	v10 =	vadd.f32 v10, v15  }
0xf8: {  	v58 =	vld [tilespmem:s7+$0x8A70];
	[tilespmem:s7+$0xCA00] =	vst v5;
	v3 =	vadd.f32 v3, v11;
	v57 =	vadd.f32 v9, v14  }
0xf9: {  	[tilespmem:s7+$0xCA10] =	vst v4;
	v2 =	vadd.f32 v2, v10;
	v59 =	vadd.f32 v8, v13  }
0xfa: {  	[tilespmem:s7+$0xCA20] =	vst v3;
	v1 =	vadd.f32 v1, v57;
	v60 =	vadd.f32 v7, v12  }
0xfb: {  	[tilespmem:s7+$0xCA30] =	vst v2;
	v0 =	vadd.f32 v0, v59;
	v61 =	vadd.f32 v6, v55  }
0xfc: {  	[tilespmem:s7+$0xCA40] =	vst v1;
	v62 =	vadd.f32 v56, v60  }
0xfd: {  	[tilespmem:s7+$0xCA50] =	vst v0;
	v63 =	vadd.f32 v58, v61  }
0xfe: {  	[tilespmem:s7+$0xCA60] =	vst v62  }
0xff: {  	[tilespmem:s7+$0xCA70] =	vst v63  }
0x100: {  	[spmem:s1] =	stream.indirect.scatter.add.f32 [tilespmem:s28], [sflag:$0x1], $0x80, s22, s20, $0xb8;
	[tilespmem:$0x18A00] =	vst v63  }
0x101: {  	_ = 	snop  }
0x102: {  	[spmem:s1] =	stream.indirect.scatter.add.f32 [tilespmem:s28], [sflag:$0x1], $0x80, s24, s20, $0xb8;
	[tilespmem:$0x18A00] =	vst v63  }
0x103: {  	_ = 	snop  }
0x104: {  	[spmem:s1] =	stream.indirect.scatter.add.f32 [tilespmem:s28], [sflag:$0x1], $0x80, s29, s20, $0xb8;
	[tilespmem:$0x18A00] =	vst v63  }
0x105: {  	_ =	swait.ge [sflag:s31], $0x4000  }
0x106: {  	[sflag:s31] =	ssyncset.done $0x0  }
0x107: {  	[sflag:s31] =	ssyncadd.s32 $0xFFFFC000  }
0x108: {  	_ =	swait.ge [sflag:s31], $0x4000  }
0x109: {  	[sflag:s31] =	ssyncset.done $0x0  }
0x10a: {  	[sflag:s31] =	ssyncadd.s32 $0xFFFFC000  }
0x10b: {  	_ =	swait.ge [sflag:s31], $0x4000  }
0x10c: {  	[sflag:s31] =	ssyncset.done $0x0  }
0x10d: {  	[sflag:s31] =	ssyncadd.s32 $0xFFFFC000  }
0x10e: {  	_ =	swait.ge [sflag:s31], $0x4000  }
0x10f: {  	[sflag:s31] =	ssyncset.done $0x0  }
0x110: {  	[sflag:s31] =	ssyncadd.s32 $0xFFFFC000  }
0x111: {  	_ =	swait.ge [sflag:s31], $0x4000  }
0x112: {  	[sflag:s31] =	ssyncset.done $0x0  }
0x113: {  	[sflag:s31] =	ssyncadd.s32 $0xFFFFC000  }
0x114: {  	_ =	swait.ge [sflag:s31], $0x4000  }
0x115: {  	[sflag:s31] =	ssyncset.done $0x0  }
0x116: {  	[sflag:s31] =	ssyncadd.s32 $0xFFFFC000  }
0x117: {  	_ =	swait.ge [sflag:s31], $0x4000  }
0x118: {  	[sflag:s31] =	ssyncset.done $0x0  }
0x119: {  	[sflag:s31] =	ssyncadd.s32 $0xFFFFC000  }
0x11a: {  	_ =	swait.ge [sflag:s31], $0x4000  }
0x11b: {  	[sflag:s31] =	ssyncset.done $0x0  }
0x11c: {  	[sflag:s31] =	ssyncadd.s32 $0xFFFFC000  }
0x11d: {  	_ =	swait.ge [sflag:s31], $0x4000  }
0x11e: {  	[sflag:s31] =	ssyncset.done $0x0  }
0x11f: {  	[sflag:s31] =	ssyncadd.s32 $0xFFFFC000  }
0x120: {  	_ =	swait.ge [sflag:s31], $0x4000  }
0x121: {  	[sflag:s31] =	ssyncset.done $0x0  }
0x122: {  	[sflag:s31] =	ssyncadd.s32 $0xFFFFC000  }
0x123: {  	_ =	swait.ge [sflag:s31], $0x4000  }
0x124: {  	[sflag:s31] =	ssyncset.done $0x0  }
0x125: {  	[sflag:s31] =	ssyncadd.s32 $0xFFFFC000  }
0x126: {  	_ =	swait.ge [sflag:s31], $0x4000  }
0x127: {  	[sflag:s31] =	ssyncset.done $0x0  }
0x128: {  	s8 =	sor.u32 $0x1C02, s10;
	[sflag:s31] =	ssyncadd.s32 $0xFFFFC000  }
0x129: {  	s9 =	sor.u32 $0x1C03, s10;
	s30 =	sadd.s32 $0x1, s30;
	[bflag:$0x0] =	sbarrier.arrive $0xFFFF  }
0x12a: {  	[hbm:s12], [sflag:s8] =	dma.local [spmem:s16], $0x400  }
0x12b: {  	[hbm:s13], [sflag:s9] =	dma.local [spmem:s17], $0x400  }
0x12c: {  	p0 =	sne.s32 s30, s14;
	_ =	swait.ge [sflag:s19], $0x400  }
.Ltmp2:
0x12d: {  	[sflag:s19] =	ssyncset.done $0x0;
	(pc) =	sbr.rel @p0 .LBB2_1-.Ltmp2, $4  }
0x12e: {  	[sflag:s19] =	ssyncadd.s32 $0xFFFFFC00  }
0x12f: {  	_ =	swait.ge [sflag:s26], $0x400  }
0x130: {  	[sflag:s26] =	ssyncset.done $0x0  }
0x131: {  	[sflag:s26] =	ssyncadd.s32 $0xFFFFFC00  }
0x132: {  	_ =	sfence.sel $0x180000  }
0x133: {  	[bflag:$0x0] =	sbarrier.arrive $0xFFFF  }
0x134: {  	_ =	strace $0x90000047  }
0x135: {  	s0 =	stileid.u32;
	[bflag:$0x2] =	sbarrier.arrive $0xFFFF  }
0x136: {  	p0 =	sne.s32 s0, $0x0;
	s0 =	rddreg [dreg:$0x3]  }
0x137: {  	s0 =	sadd.s32 @!p0 $0x100000, s0  }
0x138: {  	[sflag:s0] =	ssyncadd.tile.s32 @!p0 $0x1;
	_ =	shalt  }
.Lfunc_end2:
_tile_overlayer_lowered:
.L_overlay_start_2:
0x139: {  	(tag) =	ssettag $0x2  }
0x13a: {  	s0 =	rddreg [dreg:$0x0];
	s2 =	stileid.u32  }
0x13b: {  	s1 =	rddreg [dreg:$0x1];
	p0 =	sne.s32 s2, $0x0  }
0x13c: {  	s3 =	rddreg [dreg:$0x2];
	[bflag:$0x3] =	sbarrier.arrive $0xFFFF;
	s2 =	simm.s32 @!p0 $0x1C04  }
0x13d: {  	[timem:s3], [sflag:s2] =	dma.local @!p0 [hbm:s0], s1  }
0x13e: {  	s0 =	simm.s32 @!p0 $0x4  }
0x13f: {  	_ =	swait.ge @!p0 [sflag:s0], s1  }
0x140: {  	s1 =	ssub.s32 @!p0 $0x0, s1;
	[sflag:s0] =	ssyncset.done @!p0 $0x0  }
0x141: {  	[sflag:s0] =	ssyncadd.s32 @!p0 s1  }
0x142: {  	[bflag:$0x3] =	sbarrier.arrive $0xFFFF  }
0x143: {  	_ =	shalt  }

</sc_bundles>
